<compile_context>
chip_gen: v7x
topology: tpu7x:2x2x1
jax: 0.10.2.dev20260603
libtpu: 0.0.44.dev20260713+nightly
codegen_flags: <defaults>
</compile_context>

<pallas_src>
import functools

import jax
import jax.numpy as jnp
from jax import lax
from jax.experimental import pallas as pl
from jax.experimental.pallas import tpu as pltpu
from jax.experimental.pallas import tpu_sc as plsc

EMB = 128
N_EDGES = 320000
ROWS01 = 21
ROWS2 = 3
T_PAD = 128

NW = 32
B_W = N_EDGES // NW
CHUNK = 400
TRIPS = B_W // CHUNK
LANES = 16


def _prep_body(ea_ref, w0_ref, w1_ref, w2_ref, c_ref, t_ref):
    c_ref[...] = ea_ref[0] * ROWS01 + ea_ref[1] * ROWS2 + ea_ref[2]
    r = lax.broadcasted_iota(jnp.int32, (T_PAD, 1), 0)
    i0 = r // ROWS01
    i1 = (r % ROWS01) // ROWS2
    i2 = r % ROWS2
    oh0 = (i0 == lax.broadcasted_iota(jnp.int32, (T_PAD, 6), 1)).astype(jnp.float32)
    oh1 = (i1 == lax.broadcasted_iota(jnp.int32, (T_PAD, 7), 1)).astype(jnp.float32)
    oh2 = (i2 == lax.broadcasted_iota(jnp.int32, (T_PAD, 3), 1)).astype(jnp.float32)
    t = jnp.dot(oh0, w0_ref[...], preferred_element_type=jnp.float32)
    t += jnp.dot(oh1, w1_ref[...], preferred_element_type=jnp.float32)
    t += jnp.dot(oh2, w2_ref[...], preferred_element_type=jnp.float32)
    t_ref[...] = t


def _sc_body(t_hbm, c_hbm, out_hbm, t_v, idx_v, ra, rb, ssem):
    bank = [ra, rb]
    wid = lax.axis_index("s") * 2 + lax.axis_index("c")
    pltpu.sync_copy(t_hbm, t_v)
    pltpu.sync_copy(c_hbm.at[wid], idx_v)

    def fill(t, rows):
        def loads(base):
            return [t_v[pl.ds(base + j, LANES)] for j in range(0, EMB, LANES)]

        def stores(rows, ebase, vals):
            for j in range(0, EMB, LANES):
                rows[pl.ds(ebase + j, LANES)] = vals[j // LANES]

        def grp(g, carry):
            bvec = idx_v[pl.ds(t * CHUNK + g * LANES, LANES)] * EMB
            bases = [bvec[i] for i in range(LANES)]
            ebase0 = g * LANES * EMB
            prev = loads(bases[0])
            for i in range(1, LANES):
                cur = loads(bases[i])
                stores(rows, ebase0 + (i - 1) * EMB, prev)
                prev = cur
            stores(rows, ebase0 + (LANES - 1) * EMB, prev)
            return carry

        lax.fori_loop(0, CHUNK // LANES, grp, 0)

    def out_slc(t):
        return out_hbm.at[pl.ds((wid * B_W + t * CHUNK) * EMB, CHUNK * EMB)]

    fill(0, bank[0])

    def trip(t, bk):
        rows, nrows = bank[bk], bank[1 - bk]

        @pl.when(t >= 1)
        def _():
            pltpu.make_async_copy(nrows, out_slc(t - 1), ssem).wait()

        pltpu.async_copy(rows, out_slc(t), ssem)

        @pl.when(t < TRIPS - 1)
        def _():
            fill(t + 1, nrows)

    def dbl(p, carry):
        trip(2 * p, 0)
        trip(2 * p + 1, 1)
        return carry

    lax.fori_loop(0, TRIPS // 2, dbl, 0)
    if TRIPS % 2:
        trip(TRIPS - 1, 0)
    pltpu.make_async_copy(bank[(TRIPS - 1) % 2], out_slc(TRIPS - 1), ssem).wait()


@jax.jit
def _run(ea_t, W0, W1, W2):
    c2d, table = pl.pallas_call(
        _prep_body,
        out_shape=(
            jax.ShapeDtypeStruct((N_EDGES // EMB, EMB), jnp.int32),
            jax.ShapeDtypeStruct((T_PAD, EMB), jnp.float32),
        ),
    )(ea_t, W0, W1, W2)

    mesh = plsc.VectorSubcoreMesh(core_axis_name="c", subcore_axis_name="s")
    sc = functools.partial(
        pl.kernel,
        out_type=jax.ShapeDtypeStruct((N_EDGES * EMB,), jnp.float32),
        mesh=mesh,
        compiler_params=pltpu.CompilerParams(needs_layout_passes=False),
        scratch_types=[
            pltpu.VMEM((T_PAD * EMB,), jnp.float32),
            pltpu.VMEM((B_W,), jnp.int32),
            pltpu.VMEM((CHUNK * EMB,), jnp.float32),
            pltpu.VMEM((CHUNK * EMB,), jnp.float32),
            pltpu.SemaphoreType.DMA,
        ],
    )(_sc_body)
    out = sc(table.reshape(T_PAD * EMB), c2d.reshape(NW, B_W))
    return out.reshape(N_EDGES, EMB)


def kernel(edge_attr, W0, W1, W2):
    ea_t = edge_attr.astype(jnp.int32).T.reshape(3, N_EDGES // EMB, EMB)
    return _run(ea_t, W0, W1, W2)

# --- scband reference (transcript-rebuilt; emitter-appended) ---
"""Pipeline reference for scband-bond-encoder-47425028882835 (READ-ONLY COPY).

The authoritative reference and input builder live on the scoring server;
editing this copy changes nothing except your own understanding.
"""

import jax, jax.numpy as jnp
import numpy as np

BOND_FEATURE_DIMS = [6, 7, 3]
EMB_DIM = 128
N_EDGES = 320000


def _xavier_uniform(key, shape):
    fan_in, fan_out = shape[0], shape[1]
    limit = float(np.sqrt(6.0 / (fan_in + fan_out)))
    return jax.random.uniform(key, shape, minval=-limit, maxval=limit, dtype=jnp.float32)


def setup_inputs(seed: int = 0) -> dict:
    key = jax.random.key(seed)
    k_idx, k0, k1, k2 = jax.random.split(key, 4)
    edge_attr = jax.random.randint(k_idx, (N_EDGES, 3), 0, 3, dtype=jnp.int64 if jax.config.jax_enable_x64 else jnp.int32)
    W0 = _xavier_uniform(k0, (BOND_FEATURE_DIMS[0], EMB_DIM))
    W1 = _xavier_uniform(k1, (BOND_FEATURE_DIMS[1], EMB_DIM))
    W2 = _xavier_uniform(k2, (BOND_FEATURE_DIMS[2], EMB_DIM))
    return {"edge_attr": edge_attr, "W0": W0, "W1": W1, "W2": W2}


def reference(edge_attr, W0, W1, W2):
    # BondEncoder.forward: sum of per-feature embedding lookups
    bond_embedding = jnp.take(W0, edge_attr[:, 0], axis=0)
    bond_embedding = bond_embedding + jnp.take(W1, edge_attr[:, 1], axis=0)
    bond_embedding = bond_embedding + jnp.take(W2, edge_attr[:, 2], axis=0)
    return bond_embedding

if __name__ == "__main__":
    import jax
    _d = setup_inputs()
    print(jax.jit(kernel)(*tuple(_d.values())))

</pallas_src>

<mosaic_0001>
#map = affine_map<(d0, d1) -> (0)>
#map1 = affine_map<(d0, d1) -> (0, 0)>
module attributes {stable_mosaic.version = 14 : i64} {
  func.func @_sc_body(%arg0: i32, %arg1: i32, %arg2: memref<16384xf32, #tpu.memory_space<hbm>>, %arg3: memref<32x10000xi32, #tpu.memory_space<hbm>>, %arg4: memref<40960000xf32, #tpu.memory_space<hbm>>, %arg5: memref<16384xf32, #tpu.memory_space<vmem>>, %arg6: memref<10000xi32, #tpu.memory_space<vmem>>, %arg7: memref<51200xf32, #tpu.memory_space<vmem>>, %arg8: memref<51200xf32, #tpu.memory_space<vmem>>, %arg9: memref<!tpu.dma_semaphore, #tpu.memory_space<semaphore_mem>>) attributes {dimension_semantics = [#tpu.dimension_semantics<core_parallel>, #tpu.dimension_semantics<subcore_parallel>], iteration_bounds = array<i64: 2, 16>, scalar_prefetch = 0 : i64, scratch_operands = 5 : i64, tpu.core_type = #tpu.core_type<sc_vector_subcore>, window_params = [{transform_indices = #map}, {transform_indices = #map1}, {transform_indices = #map}]} {
    %mul3A = arith.constant 2 : i32
    %mul3A_0 = arith.muli %arg1, %mul3A : i32
    %add3A = arith.addi %mul3A_0, %arg0 : i32
    "tpu.region"() ({
      %run_scoped3A = tpu.sem_alloc : memref<!tpu.dma_semaphore, #tpu.memory_space<semaphore_mem>>
      tpu.enqueue_dma source(%arg2 : memref<16384xf32, #tpu.memory_space<hbm>>) target(%arg5 : memref<16384xf32, #tpu.memory_space<vmem>>) target_semaphore(%run_scoped3A : memref<!tpu.dma_semaphore, #tpu.memory_space<semaphore_mem>>)
      tpu.wait_dma2 semaphore(%run_scoped3A : memref<!tpu.dma_semaphore, #tpu.memory_space<semaphore_mem>>) src(%arg2 : memref<16384xf32, #tpu.memory_space<hbm>>) dst(%arg5 : memref<16384xf32, #tpu.memory_space<vmem>>)
      tpu.yield
    }) : () -> ()
    "tpu.region"() ({
      %run_scoped3A = tpu.sem_alloc : memref<!tpu.dma_semaphore, #tpu.memory_space<semaphore_mem>>
      %dma_start3A_34 = arith.constant 0 : i32
      %dma_start3A_35 = tpu.memref_slice %arg3[%add3A, %dma_start3A_34] : memref<32x10000xi32, #tpu.memory_space<hbm>> -> memref<1x10000xi32, #tpu.memory_space<hbm>>
      %dma_start3A_36 = tpu.memref_squeeze %dma_start3A_35 : memref<1x10000xi32, #tpu.memory_space<hbm>> -> memref<10000xi32, #tpu.memory_space<hbm>>
      %dma_start3A_37 = arith.constant 0 : i32
      %dma_start3A_38 = tpu.memref_slice %arg3[%add3A, %dma_start3A_37] : memref<32x10000xi32, #tpu.memory_space<hbm>> -> memref<1x10000xi32, #tpu.memory_space<hbm>>
      %dma_start3A_39 = tpu.memref_squeeze %dma_start3A_38 : memref<1x10000xi32, #tpu.memory_space<hbm>> -> memref<10000xi32, #tpu.memory_space<hbm>>
      tpu.enqueue_dma source(%dma_start3A_39 : memref<10000xi32, #tpu.memory_space<hbm>>) target(%arg6 : memref<10000xi32, #tpu.memory_space<vmem>>) target_semaphore(%run_scoped3A : memref<!tpu.dma_semaphore, #tpu.memory_space<semaphore_mem>>)
      %dma_wait3A_40 = arith.constant 0 : i32
      %dma_wait3A_41 = tpu.memref_slice %arg3[%add3A, %dma_wait3A_40] : memref<32x10000xi32, #tpu.memory_space<hbm>> -> memref<1x10000xi32, #tpu.memory_space<hbm>>
      %dma_wait3A_42 = tpu.memref_squeeze %dma_wait3A_41 : memref<1x10000xi32, #tpu.memory_space<hbm>> -> memref<10000xi32, #tpu.memory_space<hbm>>
      %dma_wait3A_43 = arith.constant 0 : i32
      %dma_wait3A_44 = tpu.memref_slice %arg3[%add3A, %dma_wait3A_43] : memref<32x10000xi32, #tpu.memory_space<hbm>> -> memref<1x10000xi32, #tpu.memory_space<hbm>>
      %dma_wait3A_45 = tpu.memref_squeeze %dma_wait3A_44 : memref<1x10000xi32, #tpu.memory_space<hbm>> -> memref<10000xi32, #tpu.memory_space<hbm>>
      tpu.wait_dma2 semaphore(%run_scoped3A : memref<!tpu.dma_semaphore, #tpu.memory_space<semaphore_mem>>) src(%dma_wait3A_45 : memref<10000xi32, #tpu.memory_space<hbm>>) dst(%arg6 : memref<10000xi32, #tpu.memory_space<vmem>>)
      tpu.yield
    }) : () -> ()
    %scan3A = arith.constant 0 : i32
    %scan3A_1 = arith.constant 0 : i32
    %scan3A_2 = arith.constant 25 : i32
    %scan3A_3 = arith.addi %scan3A_1, %scan3A_2 : i32
    %scan3A_4 = arith.constant 1 : i32
    scf.for %scan3A_34 = %scan3A_1 to %scan3A_3 step %scan3A_4  : i32 {
      %mul3A_35 = arith.constant 16 : i32
      %mul3A_36 = arith.muli %scan3A_34, %mul3A_35 : i32
      %add3A_37 = arith.constant 0 : i32
      %add3A_38 = arith.addi %add3A_37, %mul3A_36 : i32
      %get3A = arith.index_cast %add3A_38 : i32 to index
      %get3A_39 = tpu.vector_load %arg6[%get3A] {strides = array<i32>} : memref<10000xi32, #tpu.memory_space<vmem>>, vector<16xi32>,
      %mul3A_40 = arith.constant 128 : i32
      %mul3A_41 = vector.broadcast %mul3A_40 : i32 to vector<16xi32>
      %mul3A_42 = arith.muli %get3A_39, %mul3A_41 : vector<16xi32>
      %slice3A = vector.extract_strided_slice %mul3A_42 {offsets = [0], sizes = [1], strides = [1]} : vector<16xi32> to vector<1xi32>
      %squeeze3A = vector.extract %slice3A[0] : i32 from vector<1xi32>
      %slice3A_43 = vector.extract_strided_slice %mul3A_42 {offsets = [1], sizes = [1], strides = [1]} : vector<16xi32> to vector<1xi32>
      %squeeze3A_44 = vector.extract %slice3A_43[0] : i32 from vector<1xi32>
      %slice3A_45 = vector.extract_strided_slice %mul3A_42 {offsets = [2], sizes = [1], strides = [1]} : vector<16xi32> to vector<1xi32>
      %squeeze3A_46 = vector.extract %slice3A_45[0] : i32 from vector<1xi32>
      %slice3A_47 = vector.extract_strided_slice %mul3A_42 {offsets = [3], sizes = [1], strides = [1]} : vector<16xi32> to vector<1xi32>
      %squeeze3A_48 = vector.extract %slice3A_47[0] : i32 from vector<1xi32>
      %slice3A_49 = vector.extract_strided_slice %mul3A_42 {offsets = [4], sizes = [1], strides = [1]} : vector<16xi32> to vector<1xi32>
      %squeeze3A_50 = vector.extract %slice3A_49[0] : i32 from vector<1xi32>
      %slice3A_51 = vector.extract_strided_slice %mul3A_42 {offsets = [5], sizes = [1], strides = [1]} : vector<16xi32> to vector<1xi32>
      %squeeze3A_52 = vector.extract %slice3A_51[0] : i32 from vector<1xi32>
      %slice3A_53 = vector.extract_strided_slice %mul3A_42 {offsets = [6], sizes = [1], strides = [1]} : vector<16xi32> to vector<1xi32>
      %squeeze3A_54 = vector.extract %slice3A_53[0] : i32 from vector<1xi32>
      %slice3A_55 = vector.extract_strided_slice %mul3A_42 {offsets = [7], sizes = [1], strides = [1]} : vector<16xi32> to vector<1xi32>
      %squeeze3A_56 = vector.extract %slice3A_55[0] : i32 from vector<1xi32>
      %slice3A_57 = vector.extract_strided_slice %mul3A_42 {offsets = [8], sizes = [1], strides = [1]} : vector<16xi32> to vector<1xi32>
      %squeeze3A_58 = vector.extract %slice3A_57[0] : i32 from vector<1xi32>
      %slice3A_59 = vector.extract_strided_slice %mul3A_42 {offsets = [9], sizes = [1], strides = [1]} : vector<16xi32> to vector<1xi32>
      %squeeze3A_60 = vector.extract %slice3A_59[0] : i32 from vector<1xi32>
      %slice3A_61 = vector.extract_strided_slice %mul3A_42 {offsets = [10], sizes = [1], strides = [1]} : vector<16xi32> to vector<1xi32>
      %squeeze3A_62 = vector.extract %slice3A_61[0] : i32 from vector<1xi32>
      %slice3A_63 = vector.extract_strided_slice %mul3A_42 {offsets = [11], sizes = [1], strides = [1]} : vector<16xi32> to vector<1xi32>
      %squeeze3A_64 = vector.extract %slice3A_63[0] : i32 from vector<1xi32>
      %slice3A_65 = vector.extract_strided_slice %mul3A_42 {offsets = [12], sizes = [1], strides = [1]} : vector<16xi32> to vector<1xi32>
      %squeeze3A_66 = vector.extract %slice3A_65[0] : i32 from vector<1xi32>
      %slice3A_67 = vector.extract_strided_slice %mul3A_42 {offsets = [13], sizes = [1], strides = [1]} : vector<16xi32> to vector<1xi32>
      %squeeze3A_68 = vector.extract %slice3A_67[0] : i32 from vector<1xi32>
      %slice3A_69 = vector.extract_strided_slice %mul3A_42 {offsets = [14], sizes = [1], strides = [1]} : vector<16xi32> to vector<1xi32>
      %squeeze3A_70 = vector.extract %slice3A_69[0] : i32 from vector<1xi32>
      %slice3A_71 = vector.extract_strided_slice %mul3A_42 {offsets = [15], sizes = [1], strides = [1]} : vector<16xi32> to vector<1xi32>
      %squeeze3A_72 = vector.extract %slice3A_71[0] : i32 from vector<1xi32>
      %mul3A_73 = arith.constant 16 : i32
      %mul3A_74 = arith.muli %scan3A_34, %mul3A_73 : i32
      %mul3A_75 = arith.constant 128 : i32
      %mul3A_76 = arith.muli %mul3A_74, %mul3A_75 : i32
      %add3A_77 = arith.constant 0 : i32
      %add3A_78 = arith.addi %squeeze3A, %add3A_77 : i32
      %get3A_79 = arith.index_cast %add3A_78 : i32 to index
      %get3A_80 = tpu.vector_load %arg5[%get3A_79] {strides = array<i32>} : memref<16384xf32, #tpu.memory_space<vmem>>, vector<16xf32>,
      %add3A_81 = arith.constant 16 : i32
      %add3A_82 = arith.addi %squeeze3A, %add3A_81 : i32
      %get3A_83 = arith.index_cast %add3A_82 : i32 to index
      %get3A_84 = tpu.vector_load %arg5[%get3A_83] {strides = array<i32>} : memref<16384xf32, #tpu.memory_space<vmem>>, vector<16xf32>,
      %add3A_85 = arith.constant 32 : i32
      %add3A_86 = arith.addi %squeeze3A, %add3A_85 : i32
      %get3A_87 = arith.index_cast %add3A_86 : i32 to index
      %get3A_88 = tpu.vector_load %arg5[%get3A_87] {strides = array<i32>} : memref<16384xf32, #tpu.memory_space<vmem>>, vector<16xf32>,
      %add3A_89 = arith.constant 48 : i32
      %add3A_90 = arith.addi %squeeze3A, %add3A_89 : i32
      %get3A_91 = arith.index_cast %add3A_90 : i32 to index
      %get3A_92 = tpu.vector_load %arg5[%get3A_91] {strides = array<i32>} : memref<16384xf32, #tpu.memory_space<vmem>>, vector<16xf32>,
      %add3A_93 = arith.constant 64 : i32
      %add3A_94 = arith.addi %squeeze3A, %add3A_93 : i32
      %get3A_95 = arith.index_cast %add3A_94 : i32 to index
      %get3A_96 = tpu.vector_load %arg5[%get3A_95] {strides = array<i32>} : memref<16384xf32, #tpu.memory_space<vmem>>, vector<16xf32>,
      %add3A_97 = arith.constant 80 : i32
      %add3A_98 = arith.addi %squeeze3A, %add3A_97 : i32
      %get3A_99 = arith.index_cast %add3A_98 : i32 to index
      %get3A_100 = tpu.vector_load %arg5[%get3A_99] {strides = array<i32>} : memref<16384xf32, #tpu.memory_space<vmem>>, vector<16xf32>,
      %add3A_101 = arith.constant 96 : i32
      %add3A_102 = arith.addi %squeeze3A, %add3A_101 : i32
      %get3A_103 = arith.index_cast %add3A_102 : i32 to index
      %get3A_104 = tpu.vector_load %arg5[%get3A_103] {strides = array<i32>} : memref<16384xf32, #tpu.memory_space<vmem>>, vector<16xf32>,
      %add3A_105 = arith.constant 112 : i32
      %add3A_106 = arith.addi %squeeze3A, %add3A_105 : i32
      %get3A_107 = arith.index_cast %add3A_106 : i32 to index
      %get3A_108 = tpu.vector_load %arg5[%get3A_107] {strides = array<i32>} : memref<16384xf32, #tpu.memory_space<vmem>>, vector<16xf32>,
      %add3A_109 = arith.constant 0 : i32
      %add3A_110 = arith.addi %squeeze3A_44, %add3A_109 : i32
      %get3A_111 = arith.index_cast %add3A_110 : i32 to index
      %get3A_112 = tpu.vector_load %arg5[%get3A_111] {strides = array<i32>} : memref<16384xf32, #tpu.memory_space<vmem>>, vector<16xf32>,
      %add3A_113 = arith.constant 16 : i32
      %add3A_114 = arith.addi %squeeze3A_44, %add3A_113 : i32
      %get3A_115 = arith.index_cast %add3A_114 : i32 to index
      %get3A_116 = tpu.vector_load %arg5[%get3A_115] {strides = array<i32>} : memref<16384xf32, #tpu.memory_space<vmem>>, vector<16xf32>,
      %add3A_117 = arith.constant 32 : i32
      %add3A_118 = arith.addi %squeeze3A_44, %add3A_117 : i32
      %get3A_119 = arith.index_cast %add3A_118 : i32 to index
      %get3A_120 = tpu.vector_load %arg5[%get3A_119] {strides = array<i32>} : memref<16384xf32, #tpu.memory_space<vmem>>, vector<16xf32>,
      %add3A_121 = arith.constant 48 : i32
      %add3A_122 = arith.addi %squeeze3A_44, %add3A_121 : i32
      %get3A_123 = arith.index_cast %add3A_122 : i32 to index
      %get3A_124 = tpu.vector_load %arg5[%get3A_123] {strides = array<i32>} : memref<16384xf32, #tpu.memory_space<vmem>>, vector<16xf32>,
      %add3A_125 = arith.constant 64 : i32
      %add3A_126 = arith.addi %squeeze3A_44, %add3A_125 : i32
      %get3A_127 = arith.index_cast %add3A_126 : i32 to index
      %get3A_128 = tpu.vector_load %arg5[%get3A_127] {strides = array<i32>} : memref<16384xf32, #tpu.memory_space<vmem>>, vector<16xf32>,
      %add3A_129 = arith.constant 80 : i32
      %add3A_130 = arith.addi %squeeze3A_44, %add3A_129 : i32
      %get3A_131 = arith.index_cast %add3A_130 : i32 to index
      %get3A_132 = tpu.vector_load %arg5[%get3A_131] {strides = array<i32>} : memref<16384xf32, #tpu.memory_space<vmem>>, vector<16xf32>,
      %add3A_133 = arith.constant 96 : i32
      %add3A_134 = arith.addi %squeeze3A_44, %add3A_133 : i32
      %get3A_135 = arith.index_cast %add3A_134 : i32 to index
      %get3A_136 = tpu.vector_load %arg5[%get3A_135] {strides = array<i32>} : memref<16384xf32, #tpu.memory_space<vmem>>, vector<16xf32>,
      %add3A_137 = arith.constant 112 : i32
      %add3A_138 = arith.addi %squeeze3A_44, %add3A_137 : i32
      %get3A_139 = arith.index_cast %add3A_138 : i32 to index
      %get3A_140 = tpu.vector_load %arg5[%get3A_139] {strides = array<i32>} : memref<16384xf32, #tpu.memory_space<vmem>>, vector<16xf32>,
      %add3A_141 = arith.constant 0 : i32
      %add3A_142 = arith.addi %mul3A_76, %add3A_141 : i32
      %add3A_143 = arith.constant 0 : i32
      %add3A_144 = arith.addi %add3A_142, %add3A_143 : i32
      %swap3A = arith.index_cast %add3A_144 : i32 to index
      %swap3A_145 = tpu.vector_load %arg7[%swap3A] {strides = array<i32>} : memref<51200xf32, #tpu.memory_space<vmem>>, vector<16xf32>,
      tpu.vector_store %arg7[%swap3A], %get3A_80 {strides = array<i32>} : memref<51200xf32, #tpu.memory_space<vmem>>, vector<16xf32>,
      %add3A_146 = arith.constant 16 : i32
      %add3A_147 = arith.addi %add3A_142, %add3A_146 : i32
      %swap3A_148 = arith.index_cast %add3A_147 : i32 to index
      %swap3A_149 = tpu.vector_load %arg7[%swap3A_148] {strides = array<i32>} : memref<51200xf32, #tpu.memory_space<vmem>>, vector<16xf32>,
      tpu.vector_store %arg7[%swap3A_148], %get3A_84 {strides = array<i32>} : memref<51200xf32, #tpu.memory_space<vmem>>, vector<16xf32>,
      %add3A_150 = arith.constant 32 : i32
      %add3A_151 = arith.addi %add3A_142, %add3A_150 : i32
      %swap3A_152 = arith.index_cast %add3A_151 : i32 to index
      %swap3A_153 = tpu.vector_load %arg7[%swap3A_152] {strides = array<i32>} : memref<51200xf32, #tpu.memory_space<vmem>>, vector<16xf32>,
      tpu.vector_store %arg7[%swap3A_152], %get3A_88 {strides = array<i32>} : memref<51200xf32, #tpu.memory_space<vmem>>, vector<16xf32>,
      %add3A_154 = arith.constant 48 : i32
      %add3A_155 = arith.addi %add3A_142, %add3A_154 : i32
      %swap3A_156 = arith.index_cast %add3A_155 : i32 to index
      %swap3A_157 = tpu.vector_load %arg7[%swap3A_156] {strides = array<i32>} : memref<51200xf32, #tpu.memory_space<vmem>>, vector<16xf32>,
      tpu.vector_store %arg7[%swap3A_156], %get3A_92 {strides = array<i32>} : memref<51200xf32, #tpu.memory_space<vmem>>, vector<16xf32>,
      %add3A_158 = arith.constant 64 : i32
      %add3A_159 = arith.addi %add3A_142, %add3A_158 : i32
      %swap3A_160 = arith.index_cast %add3A_159 : i32 to index
      %swap3A_161 = tpu.vector_load %arg7[%swap3A_160] {strides = array<i32>} : memref<51200xf32, #tpu.memory_space<vmem>>, vector<16xf32>,
      tpu.vector_store %arg7[%swap3A_160], %get3A_96 {strides = array<i32>} : memref<51200xf32, #tpu.memory_space<vmem>>, vector<16xf32>,
      %add3A_162 = arith.constant 80 : i32
      %add3A_163 = arith.addi %add3A_142, %add3A_162 : i32
      %swap3A_164 = arith.index_cast %add3A_163 : i32 to index
      %swap3A_165 = tpu.vector_load %arg7[%swap3A_164] {strides = array<i32>} : memref<51200xf32, #tpu.memory_space<vmem>>, vector<16xf32>,
      tpu.vector_store %arg7[%swap3A_164], %get3A_100 {strides = array<i32>} : memref<51200xf32, #tpu.memory_space<vmem>>, vector<16xf32>,
      %add3A_166 = arith.constant 96 : i32
      %add3A_167 = arith.addi %add3A_142, %add3A_166 : i32
      %swap3A_168 = arith.index_cast %add3A_167 : i32 to index
      %swap3A_169 = tpu.vector_load %arg7[%swap3A_168] {strides = array<i32>} : memref<51200xf32, #tpu.memory_space<vmem>>, vector<16xf32>,
      tpu.vector_store %arg7[%swap3A_168], %get3A_104 {strides = array<i32>} : memref<51200xf32, #tpu.memory_space<vmem>>, vector<16xf32>,
      %add3A_170 = arith.constant 112 : i32
      %add3A_171 = arith.addi %add3A_142, %add3A_170 : i32
      %swap3A_172 = arith.index_cast %add3A_171 : i32 to index
      %swap3A_173 = tpu.vector_load %arg7[%swap3A_172] {strides = array<i32>} : memref<51200xf32, #tpu.memory_space<vmem>>, vector<16xf32>,
      tpu.vector_store %arg7[%swap3A_172], %get3A_108 {strides = array<i32>} : memref<51200xf32, #tpu.memory_space<vmem>>, vector<16xf32>,
      %add3A_174 = arith.constant 0 : i32
      %add3A_175 = arith.addi %squeeze3A_46, %add3A_174 : i32
      %get3A_176 = arith.index_cast %add3A_175 : i32 to index
      %get3A_177 = tpu.vector_load %arg5[%get3A_176] {strides = array<i32>} : memref<16384xf32, #tpu.memory_space<vmem>>, vector<16xf32>,
      %add3A_178 = arith.constant 16 : i32
      %add3A_179 = arith.addi %squeeze3A_46, %add3A_178 : i32
      %get3A_180 = arith.index_cast %add3A_179 : i32 to index
      %get3A_181 = tpu.vector_load %arg5[%get3A_180] {strides = array<i32>} : memref<16384xf32, #tpu.memory_space<vmem>>, vector<16xf32>,
      %add3A_182 = arith.constant 32 : i32
      %add3A_183 = arith.addi %squeeze3A_46, %add3A_182 : i32
      %get3A_184 = arith.index_cast %add3A_183 : i32 to index
      %get3A_185 = tpu.vector_load %arg5[%get3A_184] {strides = array<i32>} : memref<16384xf32, #tpu.memory_space<vmem>>, vector<16xf32>,
      %add3A_186 = arith.constant 48 : i32
      %add3A_187 = arith.addi %squeeze3A_46, %add3A_186 : i32
      %get3A_188 = arith.index_cast %add3A_187 : i32 to index
      %get3A_189 = tpu.vector_load %arg5[%get3A_188] {strides = array<i32>} : memref<16384xf32, #tpu.memory_space<vmem>>, vector<16xf32>,
      %add3A_190 = arith.constant 64 : i32
      %add3A_191 = arith.addi %squeeze3A_46, %add3A_190 : i32
      %get3A_192 = arith.index_cast %add3A_191 : i32 to index
      %get3A_193 = tpu.vector_load %arg5[%get3A_192] {strides = array<i32>} : memref<16384xf32, #tpu.memory_space<vmem>>, vector<16xf32>,
      %add3A_194 = arith.constant 80 : i32
      %add3A_195 = arith.addi %squeeze3A_46, %add3A_194 : i32
      %get3A_196 = arith.index_cast %add3A_195 : i32 to index
      %get3A_197 = tpu.vector_load %arg5[%get3A_196] {strides = array<i32>} : memref<16384xf32, #tpu.memory_space<vmem>>, vector<16xf32>,
      %add3A_198 = arith.constant 96 : i32
      %add3A_199 = arith.addi %squeeze3A_46, %add3A_198 : i32
      %get3A_200 = arith.index_cast %add3A_199 : i32 to index
      %get3A_201 = tpu.vector_load %arg5[%get3A_200] {strides = array<i32>} : memref<16384xf32, #tpu.memory_space<vmem>>, vector<16xf32>,
      %add3A_202 = arith.constant 112 : i32
      %add3A_203 = arith.addi %squeeze3A_46, %add3A_202 : i32
      %get3A_204 = arith.index_cast %add3A_203 : i32 to index
      %get3A_205 = tpu.vector_load %arg5[%get3A_204] {strides = array<i32>} : memref<16384xf32, #tpu.memory_space<vmem>>, vector<16xf32>,
      %add3A_206 = arith.constant 128 : i32
      %add3A_207 = arith.addi %mul3A_76, %add3A_206 : i32
      %add3A_208 = arith.constant 0 : i32
      %add3A_209 = arith.addi %add3A_207, %add3A_208 : i32
      %swap3A_210 = arith.index_cast %add3A_209 : i32 to index
      %swap3A_211 = tpu.vector_load %arg7[%swap3A_210] {strides = array<i32>} : memref<51200xf32, #tpu.memory_space<vmem>>, vector<16xf32>,
      tpu.vector_store %arg7[%swap3A_210], %get3A_112 {strides = array<i32>} : memref<51200xf32, #tpu.memory_space<vmem>>, vector<16xf32>,
      %add3A_212 = arith.constant 16 : i32
      %add3A_213 = arith.addi %add3A_207, %add3A_212 : i32
      %swap3A_214 = arith.index_cast %add3A_213 : i32 to index
      %swap3A_215 = tpu.vector_load %arg7[%swap3A_214] {strides = array<i32>} : memref<51200xf32, #tpu.memory_space<vmem>>, vector<16xf32>,
      tpu.vector_store %arg7[%swap3A_214], %get3A_116 {strides = array<i32>} : memref<51200xf32, #tpu.memory_space<vmem>>, vector<16xf32>,
      %add3A_216 = arith.constant 32 : i32
      %add3A_217 = arith.addi %add3A_207, %add3A_216 : i32
      %swap3A_218 = arith.index_cast %add3A_217 : i32 to index
      %swap3A_219 = tpu.vector_load %arg7[%swap3A_218] {strides = array<i32>} : memref<51200xf32, #tpu.memory_space<vmem>>, vector<16xf32>,
      tpu.vector_store %arg7[%swap3A_218], %get3A_120 {strides = array<i32>} : memref<51200xf32, #tpu.memory_space<vmem>>, vector<16xf32>,
      %add3A_220 = arith.constant 48 : i32
      %add3A_221 = arith.addi %add3A_207, %add3A_220 : i32
      %swap3A_222 = arith.index_cast %add3A_221 : i32 to index
      %swap3A_223 = tpu.vector_load %arg7[%swap3A_222] {strides = array<i32>} : memref<51200xf32, #tpu.memory_space<vmem>>, vector<16xf32>,
      tpu.vector_store %arg7[%swap3A_222], %get3A_124 {strides = array<i32>} : memref<51200xf32, #tpu.memory_space<vmem>>, vector<16xf32>,
      %add3A_224 = arith.constant 64 : i32
      %add3A_225 = arith.addi %add3A_207, %add3A_224 : i32
      %swap3A_226 = arith.index_cast %add3A_225 : i32 to index
      %swap3A_227 = tpu.vector_load %arg7[%swap3A_226] {strides = array<i32>} : memref<51200xf32, #tpu.memory_space<vmem>>, vector<16xf32>,
      tpu.vector_store %arg7[%swap3A_226], %get3A_128 {strides = array<i32>} : memref<51200xf32, #tpu.memory_space<vmem>>, vector<16xf32>,
      %add3A_228 = arith.constant 80 : i32
      %add3A_229 = arith.addi %add3A_207, %add3A_228 : i32
      %swap3A_230 = arith.index_cast %add3A_229 : i32 to index
      %swap3A_231 = tpu.vector_load %arg7[%swap3A_230] {strides = array<i32>} : memref<51200xf32, #tpu.memory_space<vmem>>, vector<16xf32>,
      tpu.vector_store %arg7[%swap3A_230], %get3A_132 {strides = array<i32>} : memref<51200xf32, #tpu.memory_space<vmem>>, vector<16xf32>,
      %add3A_232 = arith.constant 96 : i32
      %add3A_233 = arith.addi %add3A_207, %add3A_232 : i32
      %swap3A_234 = arith.index_cast %add3A_233 : i32 to index
      %swap3A_235 = tpu.vector_load %arg7[%swap3A_234] {strides = array<i32>} : memref<51200xf32, #tpu.memory_space<vmem>>, vector<16xf32>,
      tpu.vector_store %arg7[%swap3A_234], %get3A_136 {strides = array<i32>} : memref<51200xf32, #tpu.memory_space<vmem>>, vector<16xf32>,
      %add3A_236 = arith.constant 112 : i32
      %add3A_237 = arith.addi %add3A_207, %add3A_236 : i32
      %swap3A_238 = arith.index_cast %add3A_237 : i32 to index
      %swap3A_239 = tpu.vector_load %arg7[%swap3A_238] {strides = array<i32>} : memref<51200xf32, #tpu.memory_space<vmem>>, vector<16xf32>,
      tpu.vector_store %arg7[%swap3A_238], %get3A_140 {strides = array<i32>} : memref<51200xf32, #tpu.memory_space<vmem>>, vector<16xf32>,
      %add3A_240 = arith.constant 0 : i32
      %add3A_241 = arith.addi %squeeze3A_48, %add3A_240 : i32
      %get3A_242 = arith.index_cast %add3A_241 : i32 to index
      %get3A_243 = tpu.vector_load %arg5[%get3A_242] {strides = array<i32>} : memref<16384xf32, #tpu.memory_space<vmem>>, vector<16xf32>,
      %add3A_244 = arith.constant 16 : i32
      %add3A_245 = arith.addi %squeeze3A_48, %add3A_244 : i32
      %get3A_246 = arith.index_cast %add3A_245 : i32 to index
      %get3A_247 = tpu.vector_load %arg5[%get3A_246] {strides = array<i32>} : memref<16384xf32, #tpu.memory_space<vmem>>, vector<16xf32>,
      %add3A_248 = arith.constant 32 : i32
      %add3A_249 = arith.addi %squeeze3A_48, %add3A_248 : i32
      %get3A_250 = arith.index_cast %add3A_249 : i32 to index
      %get3A_251 = tpu.vector_load %arg5[%get3A_250] {strides = array<i32>} : memref<16384xf32, #tpu.memory_space<vmem>>, vector<16xf32>,
      %add3A_252 = arith.constant 48 : i32
      %add3A_253 = arith.addi %squeeze3A_48, %add3A_252 : i32
      %get3A_254 = arith.index_cast %add3A_253 : i32 to index
      %get3A_255 = tpu.vector_load %arg5[%get3A_254] {strides = array<i32>} : memref<16384xf32, #tpu.memory_space<vmem>>, vector<16xf32>,
      %add3A_256 = arith.constant 64 : i32
      %add3A_257 = arith.addi %squeeze3A_48, %add3A_256 : i32
      %get3A_258 = arith.index_cast %add3A_257 : i32 to index
      %get3A_259 = tpu.vector_load %arg5[%get3A_258] {strides = array<i32>} : memref<16384xf32, #tpu.memory_space<vmem>>, vector<16xf32>,
      %add3A_260 = arith.constant 80 : i32
      %add3A_261 = arith.addi %squeeze3A_48, %add3A_260 : i32
      %get3A_262 = arith.index_cast %add3A_261 : i32 to index
      %get3A_263 = tpu.vector_load %arg5[%get3A_262] {strides = array<i32>} : memref<16384xf32, #tpu.memory_space<vmem>>, vector<16xf32>,
      %add3A_264 = arith.constant 96 : i32
      %add3A_265 = arith.addi %squeeze3A_48, %add3A_264 : i32
      %get3A_266 = arith.index_cast %add3A_265 : i32 to index
      %get3A_267 = tpu.vector_load %arg5[%get3A_266] {strides = array<i32>} : memref<16384xf32, #tpu.memory_space<vmem>>, vector<16xf32>,
      %add3A_268 = arith.constant 112 : i32
      %add3A_269 = arith.addi %squeeze3A_48, %add3A_268 : i32
      %get3A_270 = arith.index_cast %add3A_269 : i32 to index
      %get3A_271 = tpu.vector_load %arg5[%get3A_270] {strides = array<i32>} : memref<16384xf32, #tpu.memory_space<vmem>>, vector<16xf32>,
      %add3A_272 = arith.constant 256 : i32
      %add3A_273 = arith.addi %mul3A_76, %add3A_272 : i32
      %add3A_274 = arith.constant 0 : i32
      %add3A_275 = arith.addi %add3A_273, %add3A_274 : i32
      %swap3A_276 = arith.index_cast %add3A_275 : i32 to index
      %swap3A_277 = tpu.vector_load %arg7[%swap3A_276] {strides = array<i32>} : memref<51200xf32, #tpu.memory_space<vmem>>, vector<16xf32>,
      tpu.vector_store %arg7[%swap3A_276], %get3A_177 {strides = array<i32>} : memref<51200xf32, #tpu.memory_space<vmem>>, vector<16xf32>,
      %add3A_278 = arith.constant 16 : i32
      %add3A_279 = arith.addi %add3A_273, %add3A_278 : i32
      %swap3A_280 = arith.index_cast %add3A_279 : i32 to index
      %swap3A_281 = tpu.vector_load %arg7[%swap3A_280] {strides = array<i32>} : memref<51200xf32, #tpu.memory_space<vmem>>, vector<16xf32>,
      tpu.vector_store %arg7[%swap3A_280], %get3A_181 {strides = array<i32>} : memref<51200xf32, #tpu.memory_space<vmem>>, vector<16xf32>,
      %add3A_282 = arith.constant 32 : i32
      %add3A_283 = arith.addi %add3A_273, %add3A_282 : i32
      %swap3A_284 = arith.index_cast %add3A_283 : i32 to index
      %swap3A_285 = tpu.vector_load %arg7[%swap3A_284] {strides = array<i32>} : memref<51200xf32, #tpu.memory_space<vmem>>, vector<16xf32>,
      tpu.vector_store %arg7[%swap3A_284], %get3A_185 {strides = array<i32>} : memref<51200xf32, #tpu.memory_space<vmem>>, vector<16xf32>,
      %add3A_286 = arith.constant 48 : i32
      %add3A_287 = arith.addi %add3A_273, %add3A_286 : i32
      %swap3A_288 = arith.index_cast %add3A_287 : i32 to index
      %swap3A_289 = tpu.vector_load %arg7[%swap3A_288] {strides = array<i32>} : memref<51200xf32, #tpu.memory_space<vmem>>, vector<16xf32>,
      tpu.vector_store %arg7[%swap3A_288], %get3A_189 {strides = array<i32>} : memref<51200xf32, #tpu.memory_space<vmem>>, vector<16xf32>,
      %add3A_290 = arith.constant 64 : i32
      %add3A_291 = arith.addi %add3A_273, %add3A_290 : i32
      %swap3A_292 = arith.index_cast %add3A_291 : i32 to index
      %swap3A_293 = tpu.vector_load %arg7[%swap3A_292] {strides = array<i32>} : memref<51200xf32, #tpu.memory_space<vmem>>, vector<16xf32>,
      tpu.vector_store %arg7[%swap3A_292], %get3A_193 {strides = array<i32>} : memref<51200xf32, #tpu.memory_space<vmem>>, vector<16xf32>,
      %add3A_294 = arith.constant 80 : i32
      %add3A_295 = arith.addi %add3A_273, %add3A_294 : i32
      %swap3A_296 = arith.index_cast %add3A_295 : i32 to index
      %swap3A_297 = tpu.vector_load %arg7[%swap3A_296] {strides = array<i32>} : memref<51200xf32, #tpu.memory_space<vmem>>, vector<16xf32>,
      tpu.vector_store %arg7[%swap3A_296], %get3A_197 {strides = array<i32>} : memref<51200xf32, #tpu.memory_space<vmem>>, vector<16xf32>,
      %add3A_298 = arith.constant 96 : i32
      %add3A_299 = arith.addi %add3A_273, %add3A_298 : i32
      %swap3A_300 = arith.index_cast %add3A_299 : i32 to index
      %swap3A_301 = tpu.vector_load %arg7[%swap3A_300] {strides = array<i32>} : memref<51200xf32, #tpu.memory_space<vmem>>, vector<16xf32>,
      tpu.vector_store %arg7[%swap3A_300], %get3A_201 {strides = array<i32>} : memref<51200xf32, #tpu.memory_space<vmem>>, vector<16xf32>,
      %add3A_302 = arith.constant 112 : i32
      %add3A_303 = arith.addi %add3A_273, %add3A_302 : i32
      %swap3A_304 = arith.index_cast %add3A_303 : i32 to index
      %swap3A_305 = tpu.vector_load %arg7[%swap3A_304] {strides = array<i32>} : memref<51200xf32, #tpu.memory_space<vmem>>, vector<16xf32>,
      tpu.vector_store %arg7[%swap3A_304], %get3A_205 {strides = array<i32>} : memref<51200xf32, #tpu.memory_space<vmem>>, vector<16xf32>,
      %add3A_306 = arith.constant 0 : i32
      %add3A_307 = arith.addi %squeeze3A_50, %add3A_306 : i32
      %get3A_308 = arith.index_cast %add3A_307 : i32 to index
      %get3A_309 = tpu.vector_load %arg5[%get3A_308] {strides = array<i32>} : memref<16384xf32, #tpu.memory_space<vmem>>, vector<16xf32>,
      %add3A_310 = arith.constant 16 : i32
      %add3A_311 = arith.addi %squeeze3A_50, %add3A_310 : i32
      %get3A_312 = arith.index_cast %add3A_311 : i32 to index
      %get3A_313 = tpu.vector_load %arg5[%get3A_312] {strides = array<i32>} : memref<16384xf32, #tpu.memory_space<vmem>>, vector<16xf32>,
      %add3A_314 = arith.constant 32 : i32
      %add3A_315 = arith.addi %squeeze3A_50, %add3A_314 : i32
      %get3A_316 = arith.index_cast %add3A_315 : i32 to index
      %get3A_317 = tpu.vector_load %arg5[%get3A_316] {strides = array<i32>} : memref<16384xf32, #tpu.memory_space<vmem>>, vector<16xf32>,
      %add3A_318 = arith.constant 48 : i32
      %add3A_319 = arith.addi %squeeze3A_50, %add3A_318 : i32
      %get3A_320 = arith.index_cast %add3A_319 : i32 to index
      %get3A_321 = tpu.vector_load %arg5[%get3A_320] {strides = array<i32>} : memref<16384xf32, #tpu.memory_space<vmem>>, vector<16xf32>,
      %add3A_322 = arith.constant 64 : i32
      %add3A_323 = arith.addi %squeeze3A_50, %add3A_322 : i32
      %get3A_324 = arith.index_cast %add3A_323 : i32 to index
      %get3A_325 = tpu.vector_load %arg5[%get3A_324] {strides = array<i32>} : memref<16384xf32, #tpu.memory_space<vmem>>, vector<16xf32>,
      %add3A_326 = arith.constant 80 : i32
      %add3A_327 = arith.addi %squeeze3A_50, %add3A_326 : i32
      %get3A_328 = arith.index_cast %add3A_327 : i32 to index
      %get3A_329 = tpu.vector_load %arg5[%get3A_328] {strides = array<i32>} : memref<16384xf32, #tpu.memory_space<vmem>>, vector<16xf32>,
      %add3A_330 = arith.constant 96 : i32
      %add3A_331 = arith.addi %squeeze3A_50, %add3A_330 : i32
      %get3A_332 = arith.index_cast %add3A_331 : i32 to index
      %get3A_333 = tpu.vector_load %arg5[%get3A_332] {strides = array<i32>} : memref<16384xf32, #tpu.memory_space<vmem>>, vector<16xf32>,
      %add3A_334 = arith.constant 112 : i32
      %add3A_335 = arith.addi %squeeze3A_50, %add3A_334 : i32
      %get3A_336 = arith.index_cast %add3A_335 : i32 to index
      %get3A_337 = tpu.vector_load %arg5[%get3A_336] {strides = array<i32>} : memref<16384xf32, #tpu.memory_space<vmem>>, vector<16xf32>,
      %add3A_338 = arith.constant 384 : i32
      %add3A_339 = arith.addi %mul3A_76, %add3A_338 : i32
      %add3A_340 = arith.constant 0 : i32
      %add3A_341 = arith.addi %add3A_339, %add3A_340 : i32
      %swap3A_342 = arith.index_cast %add3A_341 : i32 to index
      %swap3A_343 = tpu.vector_load %arg7[%swap3A_342] {strides = array<i32>} : memref<51200xf32, #tpu.memory_space<vmem>>, vector<16xf32>,
      tpu.vector_store %arg7[%swap3A_342], %get3A_243 {strides = array<i32>} : memref<51200xf32, #tpu.memory_space<vmem>>, vector<16xf32>,
      %add3A_344 = arith.constant 16 : i32
      %add3A_345 = arith.addi %add3A_339, %add3A_344 : i32
      %swap3A_346 = arith.index_cast %add3A_345 : i32 to index
      %swap3A_347 = tpu.vector_load %arg7[%swap3A_346] {strides = array<i32>} : memref<51200xf32, #tpu.memory_space<vmem>>, vector<16xf32>,
      tpu.vector_store %arg7[%swap3A_346], %get3A_247 {strides = array<i32>} : memref<51200xf32, #tpu.memory_space<vmem>>, vector<16xf32>,
      %add3A_348 = arith.constant 32 : i32
      %add3A_349 = arith.addi %add3A_339, %add3A_348 : i32
      %swap3A_350 = arith.index_cast %add3A_349 : i32 to index
      %swap3A_351 = tpu.vector_load %arg7[%swap3A_350] {strides = array<i32>} : memref<51200xf32, #tpu.memory_space<vmem>>, vector<16xf32>,
      tpu.vector_store %arg7[%swap3A_350], %get3A_251 {strides = array<i32>} : memref<51200xf32, #tpu.memory_space<vmem>>, vector<16xf32>,
      %add3A_352 = arith.constant 48 : i32
      %add3A_353 = arith.addi %add3A_339, %add3A_352 : i32
      %swap3A_354 = arith.index_cast %add3A_353 : i32 to index
      %swap3A_355 = tpu.vector_load %arg7[%swap3A_354] {strides = array<i32>} : memref<51200xf32, #tpu.memory_space<vmem>>, vector<16xf32>,
      tpu.vector_store %arg7[%swap3A_354], %get3A_255 {strides = array<i32>} : memref<51200xf32, #tpu.memory_space<vmem>>, vector<16xf32>,
      %add3A_356 = arith.constant 64 : i32
      %add3A_357 = arith.addi %add3A_339, %add3A_356 : i32
      %swap3A_358 = arith.index_cast %add3A_357 : i32 to index
      %swap3A_359 = tpu.vector_load %arg7[%swap3A_358] {strides = array<i32>} : memref<51200xf32, #tpu.memory_space<vmem>>, vector<16xf32>,
      tpu.vector_store %arg7[%swap3A_358], %get3A_259 {strides = array<i32>} : memref<51200xf32, #tpu.memory_space<vmem>>, vector<16xf32>,
      %add3A_360 = arith.constant 80 : i32
      %add3A_361 = arith.addi %add3A_339, %add3A_360 : i32
      %swap3A_362 = arith.index_cast %add3A_361 : i32 to index
      %swap3A_363 = tpu.vector_load %arg7[%swap3A_362] {strides = array<i32>} : memref<51200xf32, #tpu.memory_space<vmem>>, vector<16xf32>,
      tpu.vector_store %arg7[%swap3A_362], %get3A_263 {strides = array<i32>} : memref<51200xf32, #tpu.memory_space<vmem>>, vector<16xf32>,
      %add3A_364 = arith.constant 96 : i32
      %add3A_365 = arith.addi %add3A_339, %add3A_364 : i32
      %swap3A_366 = arith.index_cast %add3A_365 : i32 to index
      %swap3A_367 = tpu.vector_load %arg7[%swap3A_366] {strides = array<i32>} : memref<51200xf32, #tpu.memory_space<vmem>>, vector<16xf32>,
      tpu.vector_store %arg7[%swap3A_366], %get3A_267 {strides = array<i32>} : memref<51200xf32, #tpu.memory_space<vmem>>, vector<16xf32>,
      %add3A_368 = arith.constant 112 : i32
      %add3A_369 = arith.addi %add3A_339, %add3A_368 : i32
      %swap3A_370 = arith.index_cast %add3A_369 : i32 to index
      %swap3A_371 = tpu.vector_load %arg7[%swap3A_370] {strides = array<i32>} : memref<51200xf32, #tpu.memory_space<vmem>>, vector<16xf32>,
      tpu.vector_store %arg7[%swap3A_370], %get3A_271 {strides = array<i32>} : memref<51200xf32, #tpu.memory_space<vmem>>, vector<16xf32>,
      %add3A_372 = arith.constant 0 : i32
      %add3A_373 = arith.addi %squeeze3A_52, %add3A_372 : i32
      %get3A_374 = arith.index_cast %add3A_373 : i32 to index
      %get3A_375 = tpu.vector_load %arg5[%get3A_374] {strides = array<i32>} : memref<16384xf32, #tpu.memory_space<vmem>>, vector<16xf32>,
      %add3A_376 = arith.constant 16 : i32
      %add3A_377 = arith.addi %squeeze3A_52, %add3A_376 : i32
      %get3A_378 = arith.index_cast %add3A_377 : i32 to index
      %get3A_379 = tpu.vector_load %arg5[%get3A_378] {strides = array<i32>} : memref<16384xf32, #tpu.memory_space<vmem>>, vector<16xf32>,
      %add3A_380 = arith.constant 32 : i32
      %add3A_381 = arith.addi %squeeze3A_52, %add3A_380 : i32
      %get3A_382 = arith.index_cast %add3A_381 : i32 to index
      %get3A_383 = tpu.vector_load %arg5[%get3A_382] {strides = array<i32>} : memref<16384xf32, #tpu.memory_space<vmem>>, vector<16xf32>,
      %add3A_384 = arith.constant 48 : i32
      %add3A_385 = arith.addi %squeeze3A_52, %add3A_384 : i32
      %get3A_386 = arith.index_cast %add3A_385 : i32 to index
      %get3A_387 = tpu.vector_load %arg5[%get3A_386] {strides = array<i32>} : memref<16384xf32, #tpu.memory_space<vmem>>, vector<16xf32>,
      %add3A_388 = arith.constant 64 : i32
      %add3A_389 = arith.addi %squeeze3A_52, %add3A_388 : i32
      %get3A_390 = arith.index_cast %add3A_389 : i32 to index
      %get3A_391 = tpu.vector_load %arg5[%get3A_390] {strides = array<i32>} : memref<16384xf32, #tpu.memory_space<vmem>>, vector<16xf32>,
      %add3A_392 = arith.constant 80 : i32
      %add3A_393 = arith.addi %squeeze3A_52, %add3A_392 : i32
      %get3A_394 = arith.index_cast %add3A_393 : i32 to index
      %get3A_395 = tpu.vector_load %arg5[%get3A_394] {strides = array<i32>} : memref<16384xf32, #tpu.memory_space<vmem>>, vector<16xf32>,
      %add3A_396 = arith.constant 96 : i32
      %add3A_397 = arith.addi %squeeze3A_52, %add3A_396 : i32
      %get3A_398 = arith.index_cast %add3A_397 : i32 to index
      %get3A_399 = tpu.vector_load %arg5[%get3A_398] {strides = array<i32>} : memref<16384xf32, #tpu.memory_space<vmem>>, vector<16xf32>,
      %add3A_400 = arith.constant 112 : i32
      %add3A_401 = arith.addi %squeeze3A_52, %add3A_400 : i32
      %get3A_402 = arith.index_cast %add3A_401 : i32 to index
      %get3A_403 = tpu.vector_load %arg5[%get3A_402] {strides = array<i32>} : memref<16384xf32, #tpu.memory_space<vmem>>, vector<16xf32>,
      %add3A_404 = arith.constant 512 : i32
      %add3A_405 = arith.addi %mul3A_76, %add3A_404 : i32
      %add3A_406 = arith.constant 0 : i32
      %add3A_407 = arith.addi %add3A_405, %add3A_406 : i32
      %swap3A_408 = arith.index_cast %add3A_407 : i32 to index
      %swap3A_409 = tpu.vector_load %arg7[%swap3A_408] {strides = array<i32>} : memref<51200xf32, #tpu.memory_space<vmem>>, vector<16xf32>,
      tpu.vector_store %arg7[%swap3A_408], %get3A_309 {strides = array<i32>} : memref<51200xf32, #tpu.memory_space<vmem>>, vector<16xf32>,
      %add3A_410 = arith.constant 16 : i32
      %add3A_411 = arith.addi %add3A_405, %add3A_410 : i32
      %swap3A_412 = arith.index_cast %add3A_411 : i32 to index
      %swap3A_413 = tpu.vector_load %arg7[%swap3A_412] {strides = array<i32>} : memref<51200xf32, #tpu.memory_space<vmem>>, vector<16xf32>,
      tpu.vector_store %arg7[%swap3A_412], %get3A_313 {strides = array<i32>} : memref<51200xf32, #tpu.memory_space<vmem>>, vector<16xf32>,
      %add3A_414 = arith.constant 32 : i32
      %add3A_415 = arith.addi %add3A_405, %add3A_414 : i32
      %swap3A_416 = arith.index_cast %add3A_415 : i32 to index
      %swap3A_417 = tpu.vector_load %arg7[%swap3A_416] {strides = array<i32>} : memref<51200xf32, #tpu.memory_space<vmem>>, vector<16xf32>,
      tpu.vector_store %arg7[%swap3A_416], %get3A_317 {strides = array<i32>} : memref<51200xf32, #tpu.memory_space<vmem>>, vector<16xf32>,
      %add3A_418 = arith.constant 48 : i32
      %add3A_419 = arith.addi %add3A_405, %add3A_418 : i32
      %swap3A_420 = arith.index_cast %add3A_419 : i32 to index
      %swap3A_421 = tpu.vector_load %arg7[%swap3A_420] {strides = array<i32>} : memref<51200xf32, #tpu.memory_space<vmem>>, vector<16xf32>,
      tpu.vector_store %arg7[%swap3A_420], %get3A_321 {strides = array<i32>} : memref<51200xf32, #tpu.memory_space<vmem>>, vector<16xf32>,
      %add3A_422 = arith.constant 64 : i32
      %add3A_423 = arith.addi %add3A_405, %add3A_422 : i32
      %swap3A_424 = arith.index_cast %add3A_423 : i32 to index
      %swap3A_425 = tpu.vector_load %arg7[%swap3A_424] {strides = array<i32>} : memref<51200xf32, #tpu.memory_space<vmem>>, vector<16xf32>,
      tpu.vector_store %arg7[%swap3A_424], %get3A_325 {strides = array<i32>} : memref<51200xf32, #tpu.memory_space<vmem>>, vector<16xf32>,
      %add3A_426 = arith.constant 80 : i32
      %add3A_427 = arith.addi %add3A_405, %add3A_426 : i32
      %swap3A_428 = arith.index_cast %add3A_427 : i32 to index
      %swap3A_429 = tpu.vector_load %arg7[%swap3A_428] {strides = array<i32>} : memref<51200xf32, #tpu.memory_space<vmem>>, vector<16xf32>,
      tpu.vector_store %arg7[%swap3A_428], %get3A_329 {strides = array<i32>} : memref<51200xf32, #tpu.memory_space<vmem>>, vector<16xf32>,
      %add3A_430 = arith.constant 96 : i32
      %add3A_431 = arith.addi %add3A_405, %add3A_430 : i32
      %swap3A_432 = arith.index_cast %add3A_431 : i32 to index
      %swap3A_433 = tpu.vector_load %arg7[%swap3A_432] {strides = array<i32>} : memref<51200xf32, #tpu.memory_space<vmem>>, vector<16xf32>,
      tpu.vector_store %arg7[%swap3A_432], %get3A_333 {strides = array<i32>} : memref<51200xf32, #tpu.memory_space<vmem>>, vector<16xf32>,
      %add3A_434 = arith.constant 112 : i32
      %add3A_435 = arith.addi %add3A_405, %add3A_434 : i32
      %swap3A_436 = arith.index_cast %add3A_435 : i32 to index
      %swap3A_437 = tpu.vector_load %arg7[%swap3A_436] {strides = array<i32>} : memref<51200xf32, #tpu.memory_space<vmem>>, vector<16xf32>,
      tpu.vector_store %arg7[%swap3A_436], %get3A_337 {strides = array<i32>} : memref<51200xf32, #tpu.memory_space<vmem>>, vector<16xf32>,
      %add3A_438 = arith.constant 0 : i32
      %add3A_439 = arith.addi %squeeze3A_54, %add3A_438 : i32
      %get3A_440 = arith.index_cast %add3A_439 : i32 to index
      %get3A_441 = tpu.vector_load %arg5[%get3A_440] {strides = array<i32>} : memref<16384xf32, #tpu.memory_space<vmem>>, vector<16xf32>,
      %add3A_442 = arith.constant 16 : i32
      %add3A_443 = arith.addi %squeeze3A_54, %add3A_442 : i32
      %get3A_444 = arith.index_cast %add3A_443 : i32 to index
      %get3A_445 = tpu.vector_load %arg5[%get3A_444] {strides = array<i32>} : memref<16384xf32, #tpu.memory_space<vmem>>, vector<16xf32>,
      %add3A_446 = arith.constant 32 : i32
      %add3A_447 = arith.addi %squeeze3A_54, %add3A_446 : i32
      %get3A_448 = arith.index_cast %add3A_447 : i32 to index
      %get3A_449 = tpu.vector_load %arg5[%get3A_448] {strides = array<i32>} : memref<16384xf32, #tpu.memory_space<vmem>>, vector<16xf32>,
      %add3A_450 = arith.constant 48 : i32
      %add3A_451 = arith.addi %squeeze3A_54, %add3A_450 : i32
      %get3A_452 = arith.index_cast %add3A_451 : i32 to index
      %get3A_453 = tpu.vector_load %arg5[%get3A_452] {strides = array<i32>} : memref<16384xf32, #tpu.memory_space<vmem>>, vector<16xf32>,
      %add3A_454 = arith.constant 64 : i32
      %add3A_455 = arith.addi %squeeze3A_54, %add3A_454 : i32
      %get3A_456 = arith.index_cast %add3A_455 : i32 to index
      %get3A_457 = tpu.vector_load %arg5[%get3A_456] {strides = array<i32>} : memref<16384xf32, #tpu.memory_space<vmem>>, vector<16xf32>,
      %add3A_458 = arith.constant 80 : i32
      %add3A_459 = arith.addi %squeeze3A_54, %add3A_458 : i32
      %get3A_460 = arith.index_cast %add3A_459 : i32 to index
      %get3A_461 = tpu.vector_load %arg5[%get3A_460] {strides = array<i32>} : memref<16384xf32, #tpu.memory_space<vmem>>, vector<16xf32>,
      %add3A_462 = arith.constant 96 : i32
      %add3A_463 = arith.addi %squeeze3A_54, %add3A_462 : i32
      %get3A_464 = arith.index_cast %add3A_463 : i32 to index
      %get3A_465 = tpu.vector_load %arg5[%get3A_464] {strides = array<i32>} : memref<16384xf32, #tpu.memory_space<vmem>>, vector<16xf32>,
      %add3A_466 = arith.constant 112 : i32
      %add3A_467 = arith.addi %squeeze3A_54, %add3A_466 : i32
      %get3A_468 = arith.index_cast %add3A_467 : i32 to index
      %get3A_469 = tpu.vector_load %arg5[%get3A_468] {strides = array<i32>} : memref<16384xf32, #tpu.memory_space<vmem>>, vector<16xf32>,
      %add3A_470 = arith.constant 640 : i32
      %add3A_471 = arith.addi %mul3A_76, %add3A_470 : i32
      %add3A_472 = arith.constant 0 : i32
      %add3A_473 = arith.addi %add3A_471, %add3A_472 : i32
      %swap3A_474 = arith.index_cast %add3A_473 : i32 to index
      %swap3A_475 = tpu.vector_load %arg7[%swap3A_474] {strides = array<i32>} : memref<51200xf32, #tpu.memory_space<vmem>>, vector<16xf32>,
      tpu.vector_store %arg7[%swap3A_474], %get3A_375 {strides = array<i32>} : memref<51200xf32, #tpu.memory_space<vmem>>, vector<16xf32>,
      %add3A_476 = arith.constant 16 : i32
      %add3A_477 = arith.addi %add3A_471, %add3A_476 : i32
      %swap3A_478 = arith.index_cast %add3A_477 : i32 to index
      %swap3A_479 = tpu.vector_load %arg7[%swap3A_478] {strides = array<i32>} : memref<51200xf32, #tpu.memory_space<vmem>>, vector<16xf32>,
      tpu.vector_store %arg7[%swap3A_478], %get3A_379 {strides = array<i32>} : memref<51200xf32, #tpu.memory_space<vmem>>, vector<16xf32>,
      %add3A_480 = arith.constant 32 : i32
      %add3A_481 = arith.addi %add3A_471, %add3A_480 : i32
      %swap3A_482 = arith.index_cast %add3A_481 : i32 to index
      %swap3A_483 = tpu.vector_load %arg7[%swap3A_482] {strides = array<i32>} : memref<51200xf32, #tpu.memory_space<vmem>>, vector<16xf32>,
      tpu.vector_store %arg7[%swap3A_482], %get3A_383 {strides = array<i32>} : memref<51200xf32, #tpu.memory_space<vmem>>, vector<16xf32>,
      %add3A_484 = arith.constant 48 : i32
      %add3A_485 = arith.addi %add3A_471, %add3A_484 : i32
      %swap3A_486 = arith.index_cast %add3A_485 : i32 to index
      %swap3A_487 = tpu.vector_load %arg7[%swap3A_486] {strides = array<i32>} : memref<51200xf32, #tpu.memory_space<vmem>>, vector<16xf32>,
      tpu.vector_store %arg7[%swap3A_486], %get3A_387 {strides = array<i32>} : memref<51200xf32, #tpu.memory_space<vmem>>, vector<16xf32>,
      %add3A_488 = arith.constant 64 : i32
      %add3A_489 = arith.addi %add3A_471, %add3A_488 : i32
      %swap3A_490 = arith.index_cast %add3A_489 : i32 to index
      %swap3A_491 = tpu.vector_load %arg7[%swap3A_490] {strides = array<i32>} : memref<51200xf32, #tpu.memory_space<vmem>>, vector<16xf32>,
      tpu.vector_store %arg7[%swap3A_490], %get3A_391 {strides = array<i32>} : memref<51200xf32, #tpu.memory_space<vmem>>, vector<16xf32>,
      %add3A_492 = arith.constant 80 : i32
      %add3A_493 = arith.addi %add3A_471, %add3A_492 : i32
      %swap3A_494 = arith.index_cast %add3A_493 : i32 to index
      %swap3A_495 = tpu.vector_load %arg7[%swap3A_494] {strides = array<i32>} : memref<51200xf32, #tpu.memory_space<vmem>>, vector<16xf32>,
      tpu.vector_store %arg7[%swap3A_494], %get3A_395 {strides = array<i32>} : memref<51200xf32, #tpu.memory_space<vmem>>, vector<16xf32>,
      %add3A_496 = arith.constant 96 : i32
      %add3A_497 = arith.addi %add3A_471, %add3A_496 : i32
      %swap3A_498 = arith.index_cast %add3A_497 : i32 to index
      %swap3A_499 = tpu.vector_load %arg7[%swap3A_498] {strides = array<i32>} : memref<51200xf32, #tpu.memory_space<vmem>>, vector<16xf32>,
      tpu.vector_store %arg7[%swap3A_498], %get3A_399 {strides = array<i32>} : memref<51200xf32, #tpu.memory_space<vmem>>, vector<16xf32>,
      %add3A_500 = arith.constant 112 : i32
      %add3A_501 = arith.addi %add3A_471, %add3A_500 : i32
      %swap3A_502 = arith.index_cast %add3A_501 : i32 to index
      %swap3A_503 = tpu.vector_load %arg7[%swap3A_502] {strides = array<i32>} : memref<51200xf32, #tpu.memory_space<vmem>>, vector<16xf32>,
      tpu.vector_store %arg7[%swap3A_502], %get3A_403 {strides = array<i32>} : memref<51200xf32, #tpu.memory_space<vmem>>, vector<16xf32>,
      %add3A_504 = arith.constant 0 : i32
      %add3A_505 = arith.addi %squeeze3A_56, %add3A_504 : i32
      %get3A_506 = arith.index_cast %add3A_505 : i32 to index
      %get3A_507 = tpu.vector_load %arg5[%get3A_506] {strides = array<i32>} : memref<16384xf32, #tpu.memory_space<vmem>>, vector<16xf32>,
      %add3A_508 = arith.constant 16 : i32
      %add3A_509 = arith.addi %squeeze3A_56, %add3A_508 : i32
      %get3A_510 = arith.index_cast %add3A_509 : i32 to index
      %get3A_511 = tpu.vector_load %arg5[%get3A_510] {strides = array<i32>} : memref<16384xf32, #tpu.memory_space<vmem>>, vector<16xf32>,
      %add3A_512 = arith.constant 32 : i32
      %add3A_513 = arith.addi %squeeze3A_56, %add3A_512 : i32
      %get3A_514 = arith.index_cast %add3A_513 : i32 to index
      %get3A_515 = tpu.vector_load %arg5[%get3A_514] {strides = array<i32>} : memref<16384xf32, #tpu.memory_space<vmem>>, vector<16xf32>,
      %add3A_516 = arith.constant 48 : i32
      %add3A_517 = arith.addi %squeeze3A_56, %add3A_516 : i32
      %get3A_518 = arith.index_cast %add3A_517 : i32 to index
      %get3A_519 = tpu.vector_load %arg5[%get3A_518] {strides = array<i32>} : memref<16384xf32, #tpu.memory_space<vmem>>, vector<16xf32>,
      %add3A_520 = arith.constant 64 : i32
      %add3A_521 = arith.addi %squeeze3A_56, %add3A_520 : i32
      %get3A_522 = arith.index_cast %add3A_521 : i32 to index
      %get3A_523 = tpu.vector_load %arg5[%get3A_522] {strides = array<i32>} : memref<16384xf32, #tpu.memory_space<vmem>>, vector<16xf32>,
      %add3A_524 = arith.constant 80 : i32
      %add3A_525 = arith.addi %squeeze3A_56, %add3A_524 : i32
      %get3A_526 = arith.index_cast %add3A_525 : i32 to index
      %get3A_527 = tpu.vector_load %arg5[%get3A_526] {strides = array<i32>} : memref<16384xf32, #tpu.memory_space<vmem>>, vector<16xf32>,
      %add3A_528 = arith.constant 96 : i32
      %add3A_529 = arith.addi %squeeze3A_56, %add3A_528 : i32
      %get3A_530 = arith.index_cast %add3A_529 : i32 to index
      %get3A_531 = tpu.vector_load %arg5[%get3A_530] {strides = array<i32>} : memref<16384xf32, #tpu.memory_space<vmem>>, vector<16xf32>,
      %add3A_532 = arith.constant 112 : i32
      %add3A_533 = arith.addi %squeeze3A_56, %add3A_532 : i32
      %get3A_534 = arith.index_cast %add3A_533 : i32 to index
      %get3A_535 = tpu.vector_load %arg5[%get3A_534] {strides = array<i32>} : memref<16384xf32, #tpu.memory_space<vmem>>, vector<16xf32>,
      %add3A_536 = arith.constant 768 : i32
      %add3A_537 = arith.addi %mul3A_76, %add3A_536 : i32
      %add3A_538 = arith.constant 0 : i32
      %add3A_539 = arith.addi %add3A_537, %add3A_538 : i32
      %swap3A_540 = arith.index_cast %add3A_539 : i32 to index
      %swap3A_541 = tpu.vector_load %arg7[%swap3A_540] {strides = array<i32>} : memref<51200xf32, #tpu.memory_space<vmem>>, vector<16xf32>,
      tpu.vector_store %arg7[%swap3A_540], %get3A_441 {strides = array<i32>} : memref<51200xf32, #tpu.memory_space<vmem>>, vector<16xf32>,
      %add3A_542 = arith.constant 16 : i32
      %add3A_543 = arith.addi %add3A_537, %add3A_542 : i32
      %swap3A_544 = arith.index_cast %add3A_543 : i32 to index
      %swap3A_545 = tpu.vector_load %arg7[%swap3A_544] {strides = array<i32>} : memref<51200xf32, #tpu.memory_space<vmem>>, vector<16xf32>,
      tpu.vector_store %arg7[%swap3A_544], %get3A_445 {strides = array<i32>} : memref<51200xf32, #tpu.memory_space<vmem>>, vector<16xf32>,
      %add3A_546 = arith.constant 32 : i32
      %add3A_547 = arith.addi %add3A_537, %add3A_546 : i32
      %swap3A_548 = arith.index_cast %add3A_547 : i32 to index
      %swap3A_549 = tpu.vector_load %arg7[%swap3A_548] {strides = array<i32>} : memref<51200xf32, #tpu.memory_space<vmem>>, vector<16xf32>,
      tpu.vector_store %arg7[%swap3A_548], %get3A_449 {strides = array<i32>} : memref<51200xf32, #tpu.memory_space<vmem>>, vector<16xf32>,
      %add3A_550 = arith.constant 48 : i32
      %add3A_551 = arith.addi %add3A_537, %add3A_550 : i32
      %swap3A_552 = arith.index_cast %add3A_551 : i32 to index
      %swap3A_553 = tpu.vector_load %arg7[%swap3A_552] {strides = array<i32>} : memref<51200xf32, #tpu.memory_space<vmem>>, vector<16xf32>,
      tpu.vector_store %arg7[%swap3A_552], %get3A_453 {strides = array<i32>} : memref<51200xf32, #tpu.memory_space<vmem>>, vector<16xf32>,
      %add3A_554 = arith.constant 64 : i32
      %add3A_555 = arith.addi %add3A_537, %add3A_554 : i32
      %swap3A_556 = arith.index_cast %add3A_555 : i32 to index
      %swap3A_557 = tpu.vector_load %arg7[%swap3A_556] {strides = array<i32>} : memref<51200xf32, #tpu.memory_space<vmem>>, vector<16xf32>,
      tpu.vector_store %arg7[%swap3A_556], %get3A_457 {strides = array<i32>} : memref<51200xf32, #tpu.memory_space<vmem>>, vector<16xf32>,
      %add3A_558 = arith.constant 80 : i32
      %add3A_559 = arith.addi %add3A_537, %add3A_558 : i32
      %swap3A_560 = arith.index_cast %add3A_559 : i32 to index
      %swap3A_561 = tpu.vector_load %arg7[%swap3A_560] {strides = array<i32>} : memref<51200xf32, #tpu.memory_space<vmem>>, vector<16xf32>,
      tpu.vector_store %arg7[%swap3A_560], %get3A_461 {strides = array<i32>} : memref<51200xf32, #tpu.memory_space<vmem>>, vector<16xf32>,
      %add3A_562 = arith.constant 96 : i32
      %add3A_563 = arith.addi %add3A_537, %add3A_562 : i32
      %swap3A_564 = arith.index_cast %add3A_563 : i32 to index
      %swap3A_565 = tpu.vector_load %arg7[%swap3A_564] {strides = array<i32>} : memref<51200xf32, #tpu.memory_space<vmem>>, vector<16xf32>,
      tpu.vector_store %arg7[%swap3A_564], %get3A_465 {strides = array<i32>} : memref<51200xf32, #tpu.memory_space<vmem>>, vector<16xf32>,
      %add3A_566 = arith.constant 112 : i32
      %add3A_567 = arith.addi %add3A_537, %add3A_566 : i32
      %swap3A_568 = arith.index_cast %add3A_567 : i32 to index
      %swap3A_569 = tpu.vector_load %arg7[%swap3A_568] {strides = array<i32>} : memref<51200xf32, #tpu.memory_space<vmem>>, vector<16xf32>,
      tpu.vector_store %arg7[%swap3A_568], %get3A_469 {strides = array<i32>} : memref<51200xf32, #tpu.memory_space<vmem>>, vector<16xf32>,
      %add3A_570 = arith.constant 0 : i32
      %add3A_571 = arith.addi %squeeze3A_58, %add3A_570 : i32
      %get3A_572 = arith.index_cast %add3A_571 : i32 to index
      %get3A_573 = tpu.vector_load %arg5[%get3A_572] {strides = array<i32>} : memref<16384xf32, #tpu.memory_space<vmem>>, vector<16xf32>,
      %add3A_574 = arith.constant 16 : i32
      %add3A_575 = arith.addi %squeeze3A_58, %add3A_574 : i32
      %get3A_576 = arith.index_cast %add3A_575 : i32 to index
      %get3A_577 = tpu.vector_load %arg5[%get3A_576] {strides = array<i32>} : memref<16384xf32, #tpu.memory_space<vmem>>, vector<16xf32>,
      %add3A_578 = arith.constant 32 : i32
      %add3A_579 = arith.addi %squeeze3A_58, %add3A_578 : i32
      %get3A_580 = arith.index_cast %add3A_579 : i32 to index
      %get3A_581 = tpu.vector_load %arg5[%get3A_580] {strides = array<i32>} : memref<16384xf32, #tpu.memory_space<vmem>>, vector<16xf32>,
      %add3A_582 = arith.constant 48 : i32
      %add3A_583 = arith.addi %squeeze3A_58, %add3A_582 : i32
      %get3A_584 = arith.index_cast %add3A_583 : i32 to index
      %get3A_585 = tpu.vector_load %arg5[%get3A_584] {strides = array<i32>} : memref<16384xf32, #tpu.memory_space<vmem>>, vector<16xf32>,
      %add3A_586 = arith.constant 64 : i32
      %add3A_587 = arith.addi %squeeze3A_58, %add3A_586 : i32
      %get3A_588 = arith.index_cast %add3A_587 : i32 to index
      %get3A_589 = tpu.vector_load %arg5[%get3A_588] {strides = array<i32>} : memref<16384xf32, #tpu.memory_space<vmem>>, vector<16xf32>,
      %add3A_590 = arith.constant 80 : i32
      %add3A_591 = arith.addi %squeeze3A_58, %add3A_590 : i32
      %get3A_592 = arith.index_cast %add3A_591 : i32 to index
      %get3A_593 = tpu.vector_load %arg5[%get3A_592] {strides = array<i32>} : memref<16384xf32, #tpu.memory_space<vmem>>, vector<16xf32>,
      %add3A_594 = arith.constant 96 : i32
      %add3A_595 = arith.addi %squeeze3A_58, %add3A_594 : i32
      %get3A_596 = arith.index_cast %add3A_595 : i32 to index
      %get3A_597 = tpu.vector_load %arg5[%get3A_596] {strides = array<i32>} : memref<16384xf32, #tpu.memory_space<vmem>>, vector<16xf32>,
      %add3A_598 = arith.constant 112 : i32
      %add3A_599 = arith.addi %squeeze3A_58, %add3A_598 : i32
      %get3A_600 = arith.index_cast %add3A_599 : i32 to index
      %get3A_601 = tpu.vector_load %arg5[%get3A_600] {strides = array<i32>} : memref<16384xf32, #tpu.memory_space<vmem>>, vector<16xf32>,
      %add3A_602 = arith.constant 896 : i32
      %add3A_603 = arith.addi %mul3A_76, %add3A_602 : i32
      %add3A_604 = arith.constant 0 : i32
      %add3A_605 = arith.addi %add3A_603, %add3A_604 : i32
      %swap3A_606 = arith.index_cast %add3A_605 : i32 to index
      %swap3A_607 = tpu.vector_load %arg7[%swap3A_606] {strides = array<i32>} : memref<51200xf32, #tpu.memory_space<vmem>>, vector<16xf32>,
      tpu.vector_store %arg7[%swap3A_606], %get3A_507 {strides = array<i32>} : memref<51200xf32, #tpu.memory_space<vmem>>, vector<16xf32>,
      %add3A_608 = arith.constant 16 : i32
      %add3A_609 = arith.addi %add3A_603, %add3A_608 : i32
      %swap3A_610 = arith.index_cast %add3A_609 : i32 to index
      %swap3A_611 = tpu.vector_load %arg7[%swap3A_610] {strides = array<i32>} : memref<51200xf32, #tpu.memory_space<vmem>>, vector<16xf32>,
      tpu.vector_store %arg7[%swap3A_610], %get3A_511 {strides = array<i32>} : memref<51200xf32, #tpu.memory_space<vmem>>, vector<16xf32>,
      %add3A_612 = arith.constant 32 : i32
      %add3A_613 = arith.addi %add3A_603, %add3A_612 : i32
      %swap3A_614 = arith.index_cast %add3A_613 : i32 to index
      %swap3A_615 = tpu.vector_load %arg7[%swap3A_614] {strides = array<i32>} : memref<51200xf32, #tpu.memory_space<vmem>>, vector<16xf32>,
      tpu.vector_store %arg7[%swap3A_614], %get3A_515 {strides = array<i32>} : memref<51200xf32, #tpu.memory_space<vmem>>, vector<16xf32>,
      %add3A_616 = arith.constant 48 : i32
      %add3A_617 = arith.addi %add3A_603, %add3A_616 : i32
      %swap3A_618 = arith.index_cast %add3A_617 : i32 to index
      %swap3A_619 = tpu.vector_load %arg7[%swap3A_618] {strides = array<i32>} : memref<51200xf32, #tpu.memory_space<vmem>>, vector<16xf32>,
      tpu.vector_store %arg7[%swap3A_618], %get3A_519 {strides = array<i32>} : memref<51200xf32, #tpu.memory_space<vmem>>, vector<16xf32>,
      %add3A_620 = arith.constant 64 : i32
      %add3A_621 = arith.addi %add3A_603, %add3A_620 : i32
      %swap3A_622 = arith.index_cast %add3A_621 : i32 to index
      %swap3A_623 = tpu.vector_load %arg7[%swap3A_622] {strides = array<i32>} : memref<51200xf32, #tpu.memory_space<vmem>>, vector<16xf32>,
      tpu.vector_store %arg7[%swap3A_622], %get3A_523 {strides = array<i32>} : memref<51200xf32, #tpu.memory_space<vmem>>, vector<16xf32>,
      %add3A_624 = arith.constant 80 : i32
      %add3A_625 = arith.addi %add3A_603, %add3A_624 : i32
      %swap3A_626 = arith.index_cast %add3A_625 : i32 to index
      %swap3A_627 = tpu.vector_load %arg7[%swap3A_626] {strides = array<i32>} : memref<51200xf32, #tpu.memory_space<vmem>>, vector<16xf32>,
      tpu.vector_store %arg7[%swap3A_626], %get3A_527 {strides = array<i32>} : memref<51200xf32, #tpu.memory_space<vmem>>, vector<16xf32>,
      %add3A_628 = arith.constant 96 : i32
      %add3A_629 = arith.addi %add3A_603, %add3A_628 : i32
      %swap3A_630 = arith.index_cast %add3A_629 : i32 to index
      %swap3A_631 = tpu.vector_load %arg7[%swap3A_630] {strides = array<i32>} : memref<51200xf32, #tpu.memory_space<vmem>>, vector<16xf32>,
      tpu.vector_store %arg7[%swap3A_630], %get3A_531 {strides = array<i32>} : memref<51200xf32, #tpu.memory_space<vmem>>, vector<16xf32>,
      %add3A_632 = arith.constant 112 : i32
      %add3A_633 = arith.addi %add3A_603, %add3A_632 : i32
      %swap3A_634 = arith.index_cast %add3A_633 : i32 to index
      %swap3A_635 = tpu.vector_load %arg7[%swap3A_634] {strides = array<i32>} : memref<51200xf32, #tpu.memory_space<vmem>>, vector<16xf32>,
      tpu.vector_store %arg7[%swap3A_634], %get3A_535 {strides = array<i32>} : memref<51200xf32, #tpu.memory_space<vmem>>, vector<16xf32>,
      %add3A_636 = arith.constant 0 : i32
      %add3A_637 = arith.addi %squeeze3A_60, %add3A_636 : i32
      %get3A_638 = arith.index_cast %add3A_637 : i32 to index
      %get3A_639 = tpu.vector_load %arg5[%get3A_638] {strides = array<i32>} : memref<16384xf32, #tpu.memory_space<vmem>>, vector<16xf32>,
      %add3A_640 = arith.constant 16 : i32
      %add3A_641 = arith.addi %squeeze3A_60, %add3A_640 : i32
      %get3A_642 = arith.index_cast %add3A_641 : i32 to index
      %get3A_643 = tpu.vector_load %arg5[%get3A_642] {strides = array<i32>} : memref<16384xf32, #tpu.memory_space<vmem>>, vector<16xf32>,
      %add3A_644 = arith.constant 32 : i32
      %add3A_645 = arith.addi %squeeze3A_60, %add3A_644 : i32
      %get3A_646 = arith.index_cast %add3A_645 : i32 to index
      %get3A_647 = tpu.vector_load %arg5[%get3A_646] {strides = array<i32>} : memref<16384xf32, #tpu.memory_space<vmem>>, vector<16xf32>,
      %add3A_648 = arith.constant 48 : i32
      %add3A_649 = arith.addi %squeeze3A_60, %add3A_648 : i32
      %get3A_650 = arith.index_cast %add3A_649 : i32 to index
      %get3A_651 = tpu.vector_load %arg5[%get3A_650] {strides = array<i32>} : memref<16384xf32, #tpu.memory_space<vmem>>, vector<16xf32>,
      %add3A_652 = arith.constant 64 : i32
      %add3A_653 = arith.addi %squeeze3A_60, %add3A_652 : i32
      %get3A_654 = arith.index_cast %add3A_653 : i32 to index
      %get3A_655 = tpu.vector_load %arg5[%get3A_654] {strides = array<i32>} : memref<16384xf32, #tpu.memory_space<vmem>>, vector<16xf32>,
      %add3A_656 = arith.constant 80 : i32
      %add3A_657 = arith.addi %squeeze3A_60, %add3A_656 : i32
      %get3A_658 = arith.index_cast %add3A_657 : i32 to index
      %get3A_659 = tpu.vector_load %arg5[%get3A_658] {strides = array<i32>} : memref<16384xf32, #tpu.memory_space<vmem>>, vector<16xf32>,
      %add3A_660 = arith.constant 96 : i32
      %add3A_661 = arith.addi %squeeze3A_60, %add3A_660 : i32
      %get3A_662 = arith.index_cast %add3A_661 : i32 to index
      %get3A_663 = tpu.vector_load %arg5[%get3A_662] {strides = array<i32>} : memref<16384xf32, #tpu.memory_space<vmem>>, vector<16xf32>,
      %add3A_664 = arith.constant 112 : i32
      %add3A_665 = arith.addi %squeeze3A_60, %add3A_664 : i32
      %get3A_666 = arith.index_cast %add3A_665 : i32 to index
      %get3A_667 = tpu.vector_load %arg5[%get3A_666] {strides = array<i32>} : memref<16384xf32, #tpu.memory_space<vmem>>, vector<16xf32>,
      %add3A_668 = arith.constant 1024 : i32
      %add3A_669 = arith.addi %mul3A_76, %add3A_668 : i32
      %add3A_670 = arith.constant 0 : i32
      %add3A_671 = arith.addi %add3A_669, %add3A_670 : i32
      %swap3A_672 = arith.index_cast %add3A_671 : i32 to index
      %swap3A_673 = tpu.vector_load %arg7[%swap3A_672] {strides = array<i32>} : memref<51200xf32, #tpu.memory_space<vmem>>, vector<16xf32>,
      tpu.vector_store %arg7[%swap3A_672], %get3A_573 {strides = array<i32>} : memref<51200xf32, #tpu.memory_space<vmem>>, vector<16xf32>,
      %add3A_674 = arith.constant 16 : i32
      %add3A_675 = arith.addi %add3A_669, %add3A_674 : i32
      %swap3A_676 = arith.index_cast %add3A_675 : i32 to index
      %swap3A_677 = tpu.vector_load %arg7[%swap3A_676] {strides = array<i32>} : memref<51200xf32, #tpu.memory_space<vmem>>, vector<16xf32>,
      tpu.vector_store %arg7[%swap3A_676], %get3A_577 {strides = array<i32>} : memref<51200xf32, #tpu.memory_space<vmem>>, vector<16xf32>,
      %add3A_678 = arith.constant 32 : i32
      %add3A_679 = arith.addi %add3A_669, %add3A_678 : i32
      %swap3A_680 = arith.index_cast %add3A_679 : i32 to index
      %swap3A_681 = tpu.vector_load %arg7[%swap3A_680] {strides = array<i32>} : memref<51200xf32, #tpu.memory_space<vmem>>, vector<16xf32>,
      tpu.vector_store %arg7[%swap3A_680], %get3A_581 {strides = array<i32>} : memref<51200xf32, #tpu.memory_space<vmem>>, vector<16xf32>,
      %add3A_682 = arith.constant 48 : i32
      %add3A_683 = arith.addi %add3A_669, %add3A_682 : i32
      %swap3A_684 = arith.index_cast %add3A_683 : i32 to index
      %swap3A_685 = tpu.vector_load %arg7[%swap3A_684] {strides = array<i32>} : memref<51200xf32, #tpu.memory_space<vmem>>, vector<16xf32>,
      tpu.vector_store %arg7[%swap3A_684], %get3A_585 {strides = array<i32>} : memref<51200xf32, #tpu.memory_space<vmem>>, vector<16xf32>,
      %add3A_686 = arith.constant 64 : i32
      %add3A_687 = arith.addi %add3A_669, %add3A_686 : i32
      %swap3A_688 = arith.index_cast %add3A_687 : i32 to index
      %swap3A_689 = tpu.vector_load %arg7[%swap3A_688] {strides = array<i32>} : memref<51200xf32, #tpu.memory_space<vmem>>, vector<16xf32>,
      tpu.vector_store %arg7[%swap3A_688], %get3A_589 {strides = array<i32>} : memref<51200xf32, #tpu.memory_space<vmem>>, vector<16xf32>,
      %add3A_690 = arith.constant 80 : i32
      %add3A_691 = arith.addi %add3A_669, %add3A_690 : i32
      %swap3A_692 = arith.index_cast %add3A_691 : i32 to index
      %swap3A_693 = tpu.vector_load %arg7[%swap3A_692] {strides = array<i32>} : memref<51200xf32, #tpu.memory_space<vmem>>, vector<16xf32>,
      tpu.vector_store %arg7[%swap3A_692], %get3A_593 {strides = array<i32>} : memref<51200xf32, #tpu.memory_space<vmem>>, vector<16xf32>,
      %add3A_694 = arith.constant 96 : i32
      %add3A_695 = arith.addi %add3A_669, %add3A_694 : i32
      %swap3A_696 = arith.index_cast %add3A_695 : i32 to index
      %swap3A_697 = tpu.vector_load %arg7[%swap3A_696] {strides = array<i32>} : memref<51200xf32, #tpu.memory_space<vmem>>, vector<16xf32>,
      tpu.vector_store %arg7[%swap3A_696], %get3A_597 {strides = array<i32>} : memref<51200xf32, #tpu.memory_space<vmem>>, vector<16xf32>,
      %add3A_698 = arith.constant 112 : i32
      %add3A_699 = arith.addi %add3A_669, %add3A_698 : i32
      %swap3A_700 = arith.index_cast %add3A_699 : i32 to index
      %swap3A_701 = tpu.vector_load %arg7[%swap3A_700] {strides = array<i32>} : memref<51200xf32, #tpu.memory_space<vmem>>, vector<16xf32>,
      tpu.vector_store %arg7[%swap3A_700], %get3A_601 {strides = array<i32>} : memref<51200xf32, #tpu.memory_space<vmem>>, vector<16xf32>,
      %add3A_702 = arith.constant 0 : i32
      %add3A_703 = arith.addi %squeeze3A_62, %add3A_702 : i32
      %get3A_704 = arith.index_cast %add3A_703 : i32 to index
      %get3A_705 = tpu.vector_load %arg5[%get3A_704] {strides = array<i32>} : memref<16384xf32, #tpu.memory_space<vmem>>, vector<16xf32>,
      %add3A_706 = arith.constant 16 : i32
      %add3A_707 = arith.addi %squeeze3A_62, %add3A_706 : i32
      %get3A_708 = arith.index_cast %add3A_707 : i32 to index
      %get3A_709 = tpu.vector_load %arg5[%get3A_708] {strides = array<i32>} : memref<16384xf32, #tpu.memory_space<vmem>>, vector<16xf32>,
      %add3A_710 = arith.constant 32 : i32
      %add3A_711 = arith.addi %squeeze3A_62, %add3A_710 : i32
      %get3A_712 = arith.index_cast %add3A_711 : i32 to index
      %get3A_713 = tpu.vector_load %arg5[%get3A_712] {strides = array<i32>} : memref<16384xf32, #tpu.memory_space<vmem>>, vector<16xf32>,
      %add3A_714 = arith.constant 48 : i32
      %add3A_715 = arith.addi %squeeze3A_62, %add3A_714 : i32
      %get3A_716 = arith.index_cast %add3A_715 : i32 to index
      %get3A_717 = tpu.vector_load %arg5[%get3A_716] {strides = array<i32>} : memref<16384xf32, #tpu.memory_space<vmem>>, vector<16xf32>,
      %add3A_718 = arith.constant 64 : i32
      %add3A_719 = arith.addi %squeeze3A_62, %add3A_718 : i32
      %get3A_720 = arith.index_cast %add3A_719 : i32 to index
      %get3A_721 = tpu.vector_load %arg5[%get3A_720] {strides = array<i32>} : memref<16384xf32, #tpu.memory_space<vmem>>, vector<16xf32>,
      %add3A_722 = arith.constant 80 : i32
      %add3A_723 = arith.addi %squeeze3A_62, %add3A_722 : i32
      %get3A_724 = arith.index_cast %add3A_723 : i32 to index
      %get3A_725 = tpu.vector_load %arg5[%get3A_724] {strides = array<i32>} : memref<16384xf32, #tpu.memory_space<vmem>>, vector<16xf32>,
      %add3A_726 = arith.constant 96 : i32
      %add3A_727 = arith.addi %squeeze3A_62, %add3A_726 : i32
      %get3A_728 = arith.index_cast %add3A_727 : i32 to index
      %get3A_729 = tpu.vector_load %arg5[%get3A_728] {strides = array<i32>} : memref<16384xf32, #tpu.memory_space<vmem>>, vector<16xf32>,
      %add3A_730 = arith.constant 112 : i32
      %add3A_731 = arith.addi %squeeze3A_62, %add3A_730 : i32
      %get3A_732 = arith.index_cast %add3A_731 : i32 to index
      %get3A_733 = tpu.vector_load %arg5[%get3A_732] {strides = array<i32>} : memref<16384xf32, #tpu.memory_space<vmem>>, vector<16xf32>,
      %add3A_734 = arith.constant 1152 : i32
      %add3A_735 = arith.addi %mul3A_76, %add3A_734 : i32
      %add3A_736 = arith.constant 0 : i32
      %add3A_737 = arith.addi %add3A_735, %add3A_736 : i32
      %swap3A_738 = arith.index_cast %add3A_737 : i32 to index
      %swap3A_739 = tpu.vector_load %arg7[%swap3A_738] {strides = array<i32>} : memref<51200xf32, #tpu.memory_space<vmem>>, vector<16xf32>,
      tpu.vector_store %arg7[%swap3A_738], %get3A_639 {strides = array<i32>} : memref<51200xf32, #tpu.memory_space<vmem>>, vector<16xf32>,
      %add3A_740 = arith.constant 16 : i32
      %add3A_741 = arith.addi %add3A_735, %add3A_740 : i32
      %swap3A_742 = arith.index_cast %add3A_741 : i32 to index
      %swap3A_743 = tpu.vector_load %arg7[%swap3A_742] {strides = array<i32>} : memref<51200xf32, #tpu.memory_space<vmem>>, vector<16xf32>,
      tpu.vector_store %arg7[%swap3A_742], %get3A_643 {strides = array<i32>} : memref<51200xf32, #tpu.memory_space<vmem>>, vector<16xf32>,
      %add3A_744 = arith.constant 32 : i32
      %add3A_745 = arith.addi %add3A_735, %add3A_744 : i32
      %swap3A_746 = arith.index_cast %add3A_745 : i32 to index
      %swap3A_747 = tpu.vector_load %arg7[%swap3A_746] {strides = array<i32>} : memref<51200xf32, #tpu.memory_space<vmem>>, vector<16xf32>,
      tpu.vector_store %arg7[%swap3A_746], %get3A_647 {strides = array<i32>} : memref<51200xf32, #tpu.memory_space<vmem>>, vector<16xf32>,
      %add3A_748 = arith.constant 48 : i32
      %add3A_749 = arith.addi %add3A_735, %add3A_748 : i32
      %swap3A_750 = arith.index_cast %add3A_749 : i32 to index
      %swap3A_751 = tpu.vector_load %arg7[%swap3A_750] {strides = array<i32>} : memref<51200xf32, #tpu.memory_space<vmem>>, vector<16xf32>,
      tpu.vector_store %arg7[%swap3A_750], %get3A_651 {strides = array<i32>} : memref<51200xf32, #tpu.memory_space<vmem>>, vector<16xf32>,
      %add3A_752 = arith.constant 64 : i32
      %add3A_753 = arith.addi %add3A_735, %add3A_752 : i32
      %swap3A_754 = arith.index_cast %add3A_753 : i32 to index
      %swap3A_755 = tpu.vector_load %arg7[%swap3A_754] {strides = array<i32>} : memref<51200xf32, #tpu.memory_space<vmem>>, vector<16xf32>,
      tpu.vector_store %arg7[%swap3A_754], %get3A_655 {strides = array<i32>} : memref<51200xf32, #tpu.memory_space<vmem>>, vector<16xf32>,
      %add3A_756 = arith.constant 80 : i32
      %add3A_757 = arith.addi %add3A_735, %add3A_756 : i32
      %swap3A_758 = arith.index_cast %add3A_757 : i32 to index
      %swap3A_759 = tpu.vector_load %arg7[%swap3A_758] {strides = array<i32>} : memref<51200xf32, #tpu.memory_space<vmem>>, vector<16xf32>,
      tpu.vector_store %arg7[%swap3A_758], %get3A_659 {strides = array<i32>} : memref<51200xf32, #tpu.memory_space<vmem>>, vector<16xf32>,
      %add3A_760 = arith.constant 96 : i32
      %add3A_761 = arith.addi %add3A_735, %add3A_760 : i32
      %swap3A_762 = arith.index_cast %add3A_761 : i32 to index
      %swap3A_763 = tpu.vector_load %arg7[%swap3A_762] {strides = array<i32>} : memref<51200xf32, #tpu.memory_space<vmem>>, vector<16xf32>,
      tpu.vector_store %arg7[%swap3A_762], %get3A_663 {strides = array<i32>} : memref<51200xf32, #tpu.memory_space<vmem>>, vector<16xf32>,
      %add3A_764 = arith.constant 112 : i32
      %add3A_765 = arith.addi %add3A_735, %add3A_764 : i32
      %swap3A_766 = arith.index_cast %add3A_765 : i32 to index
      %swap3A_767 = tpu.vector_load %arg7[%swap3A_766] {strides = array<i32>} : memref<51200xf32, #tpu.memory_space<vmem>>, vector<16xf32>,
      tpu.vector_store %arg7[%swap3A_766], %get3A_667 {strides = array<i32>} : memref<51200xf32, #tpu.memory_space<vmem>>, vector<16xf32>,
      %add3A_768 = arith.constant 0 : i32
      %add3A_769 = arith.addi %squeeze3A_64, %add3A_768 : i32
      %get3A_770 = arith.index_cast %add3A_769 : i32 to index
      %get3A_771 = tpu.vector_load %arg5[%get3A_770] {strides = array<i32>} : memref<16384xf32, #tpu.memory_space<vmem>>, vector<16xf32>,
      %add3A_772 = arith.constant 16 : i32
      %add3A_773 = arith.addi %squeeze3A_64, %add3A_772 : i32
      %get3A_774 = arith.index_cast %add3A_773 : i32 to index
      %get3A_775 = tpu.vector_load %arg5[%get3A_774] {strides = array<i32>} : memref<16384xf32, #tpu.memory_space<vmem>>, vector<16xf32>,
      %add3A_776 = arith.constant 32 : i32
      %add3A_777 = arith.addi %squeeze3A_64, %add3A_776 : i32
      %get3A_778 = arith.index_cast %add3A_777 : i32 to index
      %get3A_779 = tpu.vector_load %arg5[%get3A_778] {strides = array<i32>} : memref<16384xf32, #tpu.memory_space<vmem>>, vector<16xf32>,
      %add3A_780 = arith.constant 48 : i32
      %add3A_781 = arith.addi %squeeze3A_64, %add3A_780 : i32
      %get3A_782 = arith.index_cast %add3A_781 : i32 to index
      %get3A_783 = tpu.vector_load %arg5[%get3A_782] {strides = array<i32>} : memref<16384xf32, #tpu.memory_space<vmem>>, vector<16xf32>,
      %add3A_784 = arith.constant 64 : i32
      %add3A_785 = arith.addi %squeeze3A_64, %add3A_784 : i32
      %get3A_786 = arith.index_cast %add3A_785 : i32 to index
      %get3A_787 = tpu.vector_load %arg5[%get3A_786] {strides = array<i32>} : memref<16384xf32, #tpu.memory_space<vmem>>, vector<16xf32>,
      %add3A_788 = arith.constant 80 : i32
      %add3A_789 = arith.addi %squeeze3A_64, %add3A_788 : i32
      %get3A_790 = arith.index_cast %add3A_789 : i32 to index
      %get3A_791 = tpu.vector_load %arg5[%get3A_790] {strides = array<i32>} : memref<16384xf32, #tpu.memory_space<vmem>>, vector<16xf32>,
      %add3A_792 = arith.constant 96 : i32
      %add3A_793 = arith.addi %squeeze3A_64, %add3A_792 : i32
      %get3A_794 = arith.index_cast %add3A_793 : i32 to index
      %get3A_795 = tpu.vector_load %arg5[%get3A_794] {strides = array<i32>} : memref<16384xf32, #tpu.memory_space<vmem>>, vector<16xf32>,
      %add3A_796 = arith.constant 112 : i32
      %add3A_797 = arith.addi %squeeze3A_64, %add3A_796 : i32
      %get3A_798 = arith.index_cast %add3A_797 : i32 to index
      %get3A_799 = tpu.vector_load %arg5[%get3A_798] {strides = array<i32>} : memref<16384xf32, #tpu.memory_space<vmem>>, vector<16xf32>,
      %add3A_800 = arith.constant 1280 : i32
      %add3A_801 = arith.addi %mul3A_76, %add3A_800 : i32
      %add3A_802 = arith.constant 0 : i32
      %add3A_803 = arith.addi %add3A_801, %add3A_802 : i32
      %swap3A_804 = arith.index_cast %add3A_803 : i32 to index
      %swap3A_805 = tpu.vector_load %arg7[%swap3A_804] {strides = array<i32>} : memref<51200xf32, #tpu.memory_space<vmem>>, vector<16xf32>,
      tpu.vector_store %arg7[%swap3A_804], %get3A_705 {strides = array<i32>} : memref<51200xf32, #tpu.memory_space<vmem>>, vector<16xf32>,
      %add3A_806 = arith.constant 16 : i32
      %add3A_807 = arith.addi %add3A_801, %add3A_806 : i32
      %swap3A_808 = arith.index_cast %add3A_807 : i32 to index
      %swap3A_809 = tpu.vector_load %arg7[%swap3A_808] {strides = array<i32>} : memref<51200xf32, #tpu.memory_space<vmem>>, vector<16xf32>,
      tpu.vector_store %arg7[%swap3A_808], %get3A_709 {strides = array<i32>} : memref<51200xf32, #tpu.memory_space<vmem>>, vector<16xf32>,
      %add3A_810 = arith.constant 32 : i32
      %add3A_811 = arith.addi %add3A_801, %add3A_810 : i32
      %swap3A_812 = arith.index_cast %add3A_811 : i32 to index
      %swap3A_813 = tpu.vector_load %arg7[%swap3A_812] {strides = array<i32>} : memref<51200xf32, #tpu.memory_space<vmem>>, vector<16xf32>,
      tpu.vector_store %arg7[%swap3A_812], %get3A_713 {strides = array<i32>} : memref<51200xf32, #tpu.memory_space<vmem>>, vector<16xf32>,
      %add3A_814 = arith.constant 48 : i32
      %add3A_815 = arith.addi %add3A_801, %add3A_814 : i32
      %swap3A_816 = arith.index_cast %add3A_815 : i32 to index
      %swap3A_817 = tpu.vector_load %arg7[%swap3A_816] {strides = array<i32>} : memref<51200xf32, #tpu.memory_space<vmem>>, vector<16xf32>,
      tpu.vector_store %arg7[%swap3A_816], %get3A_717 {strides = array<i32>} : memref<51200xf32, #tpu.memory_space<vmem>>, vector<16xf32>,
      %add3A_818 = arith.constant 64 : i32
      %add3A_819 = arith.addi %add3A_801, %add3A_818 : i32
      %swap3A_820 = arith.index_cast %add3A_819 : i32 to index
      %swap3A_821 = tpu.vector_load %arg7[%swap3A_820] {strides = array<i32>} : memref<51200xf32, #tpu.memory_space<vmem>>, vector<16xf32>,
      tpu.vector_store %arg7[%swap3A_820], %get3A_721 {strides = array<i32>} : memref<51200xf32, #tpu.memory_space<vmem>>, vector<16xf32>,
      %add3A_822 = arith.constant 80 : i32
      %add3A_823 = arith.addi %add3A_801, %add3A_822 : i32
      %swap3A_824 = arith.index_cast %add3A_823 : i32 to index
      %swap3A_825 = tpu.vector_load %arg7[%swap3A_824] {strides = array<i32>} : memref<51200xf32, #tpu.memory_space<vmem>>, vector<16xf32>,
      tpu.vector_store %arg7[%swap3A_824], %get3A_725 {strides = array<i32>} : memref<51200xf32, #tpu.memory_space<vmem>>, vector<16xf32>,
      %add3A_826 = arith.constant 96 : i32
      %add3A_827 = arith.addi %add3A_801, %add3A_826 : i32
      %swap3A_828 = arith.index_cast %add3A_827 : i32 to index
      %swap3A_829 = tpu.vector_load %arg7[%swap3A_828] {strides = array<i32>} : memref<51200xf32, #tpu.memory_space<vmem>>, vector<16xf32>,
      tpu.vector_store %arg7[%swap3A_828], %get3A_729 {strides = array<i32>} : memref<51200xf32, #tpu.memory_space<vmem>>, vector<16xf32>,
      %add3A_830 = arith.constant 112 : i32
      %add3A_831 = arith.addi %add3A_801, %add3A_830 : i32
      %swap3A_832 = arith.index_cast %add3A_831 : i32 to index
      %swap3A_833 = tpu.vector_load %arg7[%swap3A_832] {strides = array<i32>} : memref<51200xf32, #tpu.memory_space<vmem>>, vector<16xf32>,
      tpu.vector_store %arg7[%swap3A_832], %get3A_733 {strides = array<i32>} : memref<51200xf32, #tpu.memory_space<vmem>>, vector<16xf32>,
      %add3A_834 = arith.constant 0 : i32
      %add3A_835 = arith.addi %squeeze3A_66, %add3A_834 : i32
      %get3A_836 = arith.index_cast %add3A_835 : i32 to index
      %get3A_837 = tpu.vector_load %arg5[%get3A_836] {strides = array<i32>} : memref<16384xf32, #tpu.memory_space<vmem>>, vector<16xf32>,
      %add3A_838 = arith.constant 16 : i32
      %add3A_839 = arith.addi %squeeze3A_66, %add3A_838 : i32
      %get3A_840 = arith.index_cast %add3A_839 : i32 to index
      %get3A_841 = tpu.vector_load %arg5[%get3A_840] {strides = array<i32>} : memref<16384xf32, #tpu.memory_space<vmem>>, vector<16xf32>,
      %add3A_842 = arith.constant 32 : i32
      %add3A_843 = arith.addi %squeeze3A_66, %add3A_842 : i32
      %get3A_844 = arith.index_cast %add3A_843 : i32 to index
      %get3A_845 = tpu.vector_load %arg5[%get3A_844] {strides = array<i32>} : memref<16384xf32, #tpu.memory_space<vmem>>, vector<16xf32>,
      %add3A_846 = arith.constant 48 : i32
      %add3A_847 = arith.addi %squeeze3A_66, %add3A_846 : i32
      %get3A_848 = arith.index_cast %add3A_847 : i32 to index
      %get3A_849 = tpu.vector_load %arg5[%get3A_848] {strides = array<i32>} : memref<16384xf32, #tpu.memory_space<vmem>>, vector<16xf32>,
      %add3A_850 = arith.constant 64 : i32
      %add3A_851 = arith.addi %squeeze3A_66, %add3A_850 : i32
      %get3A_852 = arith.index_cast %add3A_851 : i32 to index
      %get3A_853 = tpu.vector_load %arg5[%get3A_852] {strides = array<i32>} : memref<16384xf32, #tpu.memory_space<vmem>>, vector<16xf32>,
      %add3A_854 = arith.constant 80 : i32
      %add3A_855 = arith.addi %squeeze3A_66, %add3A_854 : i32
      %get3A_856 = arith.index_cast %add3A_855 : i32 to index
      %get3A_857 = tpu.vector_load %arg5[%get3A_856] {strides = array<i32>} : memref<16384xf32, #tpu.memory_space<vmem>>, vector<16xf32>,
      %add3A_858 = arith.constant 96 : i32
      %add3A_859 = arith.addi %squeeze3A_66, %add3A_858 : i32
      %get3A_860 = arith.index_cast %add3A_859 : i32 to index
      %get3A_861 = tpu.vector_load %arg5[%get3A_860] {strides = array<i32>} : memref<16384xf32, #tpu.memory_space<vmem>>, vector<16xf32>,
      %add3A_862 = arith.constant 112 : i32
      %add3A_863 = arith.addi %squeeze3A_66, %add3A_862 : i32
      %get3A_864 = arith.index_cast %add3A_863 : i32 to index
      %get3A_865 = tpu.vector_load %arg5[%get3A_864] {strides = array<i32>} : memref<16384xf32, #tpu.memory_space<vmem>>, vector<16xf32>,
      %add3A_866 = arith.constant 1408 : i32
      %add3A_867 = arith.addi %mul3A_76, %add3A_866 : i32
      %add3A_868 = arith.constant 0 : i32
      %add3A_869 = arith.addi %add3A_867, %add3A_868 : i32
      %swap3A_870 = arith.index_cast %add3A_869 : i32 to index
      %swap3A_871 = tpu.vector_load %arg7[%swap3A_870] {strides = array<i32>} : memref<51200xf32, #tpu.memory_space<vmem>>, vector<16xf32>,
      tpu.vector_store %arg7[%swap3A_870], %get3A_771 {strides = array<i32>} : memref<51200xf32, #tpu.memory_space<vmem>>, vector<16xf32>,
      %add3A_872 = arith.constant 16 : i32
      %add3A_873 = arith.addi %add3A_867, %add3A_872 : i32
      %swap3A_874 = arith.index_cast %add3A_873 : i32 to index
      %swap3A_875 = tpu.vector_load %arg7[%swap3A_874] {strides = array<i32>} : memref<51200xf32, #tpu.memory_space<vmem>>, vector<16xf32>,
      tpu.vector_store %arg7[%swap3A_874], %get3A_775 {strides = array<i32>} : memref<51200xf32, #tpu.memory_space<vmem>>, vector<16xf32>,
      %add3A_876 = arith.constant 32 : i32
      %add3A_877 = arith.addi %add3A_867, %add3A_876 : i32
      %swap3A_878 = arith.index_cast %add3A_877 : i32 to index
      %swap3A_879 = tpu.vector_load %arg7[%swap3A_878] {strides = array<i32>} : memref<51200xf32, #tpu.memory_space<vmem>>, vector<16xf32>,
      tpu.vector_store %arg7[%swap3A_878], %get3A_779 {strides = array<i32>} : memref<51200xf32, #tpu.memory_space<vmem>>, vector<16xf32>,
      %add3A_880 = arith.constant 48 : i32
      %add3A_881 = arith.addi %add3A_867, %add3A_880 : i32
      %swap3A_882 = arith.index_cast %add3A_881 : i32 to index
      %swap3A_883 = tpu.vector_load %arg7[%swap3A_882] {strides = array<i32>} : memref<51200xf32, #tpu.memory_space<vmem>>, vector<16xf32>,
      tpu.vector_store %arg7[%swap3A_882], %get3A_783 {strides = array<i32>} : memref<51200xf32, #tpu.memory_space<vmem>>, vector<16xf32>,
      %add3A_884 = arith.constant 64 : i32
      %add3A_885 = arith.addi %add3A_867, %add3A_884 : i32
      %swap3A_886 = arith.index_cast %add3A_885 : i32 to index
      %swap3A_887 = tpu.vector_load %arg7[%swap3A_886] {strides = array<i32>} : memref<51200xf32, #tpu.memory_space<vmem>>, vector<16xf32>,
      tpu.vector_store %arg7[%swap3A_886], %get3A_787 {strides = array<i32>} : memref<51200xf32, #tpu.memory_space<vmem>>, vector<16xf32>,
      %add3A_888 = arith.constant 80 : i32
      %add3A_889 = arith.addi %add3A_867, %add3A_888 : i32
      %swap3A_890 = arith.index_cast %add3A_889 : i32 to index
      %swap3A_891 = tpu.vector_load %arg7[%swap3A_890] {strides = array<i32>} : memref<51200xf32, #tpu.memory_space<vmem>>, vector<16xf32>,
      tpu.vector_store %arg7[%swap3A_890], %get3A_791 {strides = array<i32>} : memref<51200xf32, #tpu.memory_space<vmem>>, vector<16xf32>,
      %add3A_892 = arith.constant 96 : i32
      %add3A_893 = arith.addi %add3A_867, %add3A_892 : i32
      %swap3A_894 = arith.index_cast %add3A_893 : i32 to index
      %swap3A_895 = tpu.vector_load %arg7[%swap3A_894] {strides = array<i32>} : memref<51200xf32, #tpu.memory_space<vmem>>, vector<16xf32>,
      tpu.vector_store %arg7[%swap3A_894], %get3A_795 {strides = array<i32>} : memref<51200xf32, #tpu.memory_space<vmem>>, vector<16xf32>,
      %add3A_896 = arith.constant 112 : i32
      %add3A_897 = arith.addi %add3A_867, %add3A_896 : i32
      %swap3A_898 = arith.index_cast %add3A_897 : i32 to index
      %swap3A_899 = tpu.vector_load %arg7[%swap3A_898] {strides = array<i32>} : memref<51200xf32, #tpu.memory_space<vmem>>, vector<16xf32>,
      tpu.vector_store %arg7[%swap3A_898], %get3A_799 {strides = array<i32>} : memref<51200xf32, #tpu.memory_space<vmem>>, vector<16xf32>,
      %add3A_900 = arith.constant 0 : i32
      %add3A_901 = arith.addi %squeeze3A_68, %add3A_900 : i32
      %get3A_902 = arith.index_cast %add3A_901 : i32 to index
      %get3A_903 = tpu.vector_load %arg5[%get3A_902] {strides = array<i32>} : memref<16384xf32, #tpu.memory_space<vmem>>, vector<16xf32>,
      %add3A_904 = arith.constant 16 : i32
      %add3A_905 = arith.addi %squeeze3A_68, %add3A_904 : i32
      %get3A_906 = arith.index_cast %add3A_905 : i32 to index
      %get3A_907 = tpu.vector_load %arg5[%get3A_906] {strides = array<i32>} : memref<16384xf32, #tpu.memory_space<vmem>>, vector<16xf32>,
      %add3A_908 = arith.constant 32 : i32
      %add3A_909 = arith.addi %squeeze3A_68, %add3A_908 : i32
      %get3A_910 = arith.index_cast %add3A_909 : i32 to index
      %get3A_911 = tpu.vector_load %arg5[%get3A_910] {strides = array<i32>} : memref<16384xf32, #tpu.memory_space<vmem>>, vector<16xf32>,
      %add3A_912 = arith.constant 48 : i32
      %add3A_913 = arith.addi %squeeze3A_68, %add3A_912 : i32
      %get3A_914 = arith.index_cast %add3A_913 : i32 to index
      %get3A_915 = tpu.vector_load %arg5[%get3A_914] {strides = array<i32>} : memref<16384xf32, #tpu.memory_space<vmem>>, vector<16xf32>,
      %add3A_916 = arith.constant 64 : i32
      %add3A_917 = arith.addi %squeeze3A_68, %add3A_916 : i32
      %get3A_918 = arith.index_cast %add3A_917 : i32 to index
      %get3A_919 = tpu.vector_load %arg5[%get3A_918] {strides = array<i32>} : memref<16384xf32, #tpu.memory_space<vmem>>, vector<16xf32>,
      %add3A_920 = arith.constant 80 : i32
      %add3A_921 = arith.addi %squeeze3A_68, %add3A_920 : i32
      %get3A_922 = arith.index_cast %add3A_921 : i32 to index
      %get3A_923 = tpu.vector_load %arg5[%get3A_922] {strides = array<i32>} : memref<16384xf32, #tpu.memory_space<vmem>>, vector<16xf32>,
      %add3A_924 = arith.constant 96 : i32
      %add3A_925 = arith.addi %squeeze3A_68, %add3A_924 : i32
      %get3A_926 = arith.index_cast %add3A_925 : i32 to index
      %get3A_927 = tpu.vector_load %arg5[%get3A_926] {strides = array<i32>} : memref<16384xf32, #tpu.memory_space<vmem>>, vector<16xf32>,
      %add3A_928 = arith.constant 112 : i32
      %add3A_929 = arith.addi %squeeze3A_68, %add3A_928 : i32
      %get3A_930 = arith.index_cast %add3A_929 : i32 to index
      %get3A_931 = tpu.vector_load %arg5[%get3A_930] {strides = array<i32>} : memref<16384xf32, #tpu.memory_space<vmem>>, vector<16xf32>,
      %add3A_932 = arith.constant 1536 : i32
      %add3A_933 = arith.addi %mul3A_76, %add3A_932 : i32
      %add3A_934 = arith.constant 0 : i32
      %add3A_935 = arith.addi %add3A_933, %add3A_934 : i32
      %swap3A_936 = arith.index_cast %add3A_935 : i32 to index
      %swap3A_937 = tpu.vector_load %arg7[%swap3A_936] {strides = array<i32>} : memref<51200xf32, #tpu.memory_space<vmem>>, vector<16xf32>,
      tpu.vector_store %arg7[%swap3A_936], %get3A_837 {strides = array<i32>} : memref<51200xf32, #tpu.memory_space<vmem>>, vector<16xf32>,
      %add3A_938 = arith.constant 16 : i32
      %add3A_939 = arith.addi %add3A_933, %add3A_938 : i32
      %swap3A_940 = arith.index_cast %add3A_939 : i32 to index
      %swap3A_941 = tpu.vector_load %arg7[%swap3A_940] {strides = array<i32>} : memref<51200xf32, #tpu.memory_space<vmem>>, vector<16xf32>,
      tpu.vector_store %arg7[%swap3A_940], %get3A_841 {strides = array<i32>} : memref<51200xf32, #tpu.memory_space<vmem>>, vector<16xf32>,
      %add3A_942 = arith.constant 32 : i32
      %add3A_943 = arith.addi %add3A_933, %add3A_942 : i32
      %swap3A_944 = arith.index_cast %add3A_943 : i32 to index
      %swap3A_945 = tpu.vector_load %arg7[%swap3A_944] {strides = array<i32>} : memref<51200xf32, #tpu.memory_space<vmem>>, vector<16xf32>,
      tpu.vector_store %arg7[%swap3A_944], %get3A_845 {strides = array<i32>} : memref<51200xf32, #tpu.memory_space<vmem>>, vector<16xf32>,
      %add3A_946 = arith.constant 48 : i32
      %add3A_947 = arith.addi %add3A_933, %add3A_946 : i32
      %swap3A_948 = arith.index_cast %add3A_947 : i32 to index
      %swap3A_949 = tpu.vector_load %arg7[%swap3A_948] {strides = array<i32>} : memref<51200xf32, #tpu.memory_space<vmem>>, vector<16xf32>,
      tpu.vector_store %arg7[%swap3A_948], %get3A_849 {strides = array<i32>} : memref<51200xf32, #tpu.memory_space<vmem>>, vector<16xf32>,
      %add3A_950 = arith.constant 64 : i32
      %add3A_951 = arith.addi %add3A_933, %add3A_950 : i32
      %swap3A_952 = arith.index_cast %add3A_951 : i32 to index
      %swap3A_953 = tpu.vector_load %arg7[%swap3A_952] {strides = array<i32>} : memref<51200xf32, #tpu.memory_space<vmem>>, vector<16xf32>,
      tpu.vector_store %arg7[%swap3A_952], %get3A_853 {strides = array<i32>} : memref<51200xf32, #tpu.memory_space<vmem>>, vector<16xf32>,
      %add3A_954 = arith.constant 80 : i32
      %add3A_955 = arith.addi %add3A_933, %add3A_954 : i32
      %swap3A_956 = arith.index_cast %add3A_955 : i32 to index
      %swap3A_957 = tpu.vector_load %arg7[%swap3A_956] {strides = array<i32>} : memref<51200xf32, #tpu.memory_space<vmem>>, vector<16xf32>,
      tpu.vector_store %arg7[%swap3A_956], %get3A_857 {strides = array<i32>} : memref<51200xf32, #tpu.memory_space<vmem>>, vector<16xf32>,
      %add3A_958 = arith.constant 96 : i32
      %add3A_959 = arith.addi %add3A_933, %add3A_958 : i32
      %swap3A_960 = arith.index_cast %add3A_959 : i32 to index
      %swap3A_961 = tpu.vector_load %arg7[%swap3A_960] {strides = array<i32>} : memref<51200xf32, #tpu.memory_space<vmem>>, vector<16xf32>,
      tpu.vector_store %arg7[%swap3A_960], %get3A_861 {strides = array<i32>} : memref<51200xf32, #tpu.memory_space<vmem>>, vector<16xf32>,
      %add3A_962 = arith.constant 112 : i32
      %add3A_963 = arith.addi %add3A_933, %add3A_962 : i32
      %swap3A_964 = arith.index_cast %add3A_963 : i32 to index
      %swap3A_965 = tpu.vector_load %arg7[%swap3A_964] {strides = array<i32>} : memref<51200xf32, #tpu.memory_space<vmem>>, vector<16xf32>,
      tpu.vector_store %arg7[%swap3A_964], %get3A_865 {strides = array<i32>} : memref<51200xf32, #tpu.memory_space<vmem>>, vector<16xf32>,
      %add3A_966 = arith.constant 0 : i32
      %add3A_967 = arith.addi %squeeze3A_70, %add3A_966 : i32
      %get3A_968 = arith.index_cast %add3A_967 : i32 to index
      %get3A_969 = tpu.vector_load %arg5[%get3A_968] {strides = array<i32>} : memref<16384xf32, #tpu.memory_space<vmem>>, vector<16xf32>,
      %add3A_970 = arith.constant 16 : i32
      %add3A_971 = arith.addi %squeeze3A_70, %add3A_970 : i32
      %get3A_972 = arith.index_cast %add3A_971 : i32 to index
      %get3A_973 = tpu.vector_load %arg5[%get3A_972] {strides = array<i32>} : memref<16384xf32, #tpu.memory_space<vmem>>, vector<16xf32>,
      %add3A_974 = arith.constant 32 : i32
      %add3A_975 = arith.addi %squeeze3A_70, %add3A_974 : i32
      %get3A_976 = arith.index_cast %add3A_975 : i32 to index
      %get3A_977 = tpu.vector_load %arg5[%get3A_976] {strides = array<i32>} : memref<16384xf32, #tpu.memory_space<vmem>>, vector<16xf32>,
      %add3A_978 = arith.constant 48 : i32
      %add3A_979 = arith.addi %squeeze3A_70, %add3A_978 : i32
      %get3A_980 = arith.index_cast %add3A_979 : i32 to index
      %get3A_981 = tpu.vector_load %arg5[%get3A_980] {strides = array<i32>} : memref<16384xf32, #tpu.memory_space<vmem>>, vector<16xf32>,
      %add3A_982 = arith.constant 64 : i32
      %add3A_983 = arith.addi %squeeze3A_70, %add3A_982 : i32
      %get3A_984 = arith.index_cast %add3A_983 : i32 to index
      %get3A_985 = tpu.vector_load %arg5[%get3A_984] {strides = array<i32>} : memref<16384xf32, #tpu.memory_space<vmem>>, vector<16xf32>,
      %add3A_986 = arith.constant 80 : i32
      %add3A_987 = arith.addi %squeeze3A_70, %add3A_986 : i32
      %get3A_988 = arith.index_cast %add3A_987 : i32 to index
      %get3A_989 = tpu.vector_load %arg5[%get3A_988] {strides = array<i32>} : memref<16384xf32, #tpu.memory_space<vmem>>, vector<16xf32>,
      %add3A_990 = arith.constant 96 : i32
      %add3A_991 = arith.addi %squeeze3A_70, %add3A_990 : i32
      %get3A_992 = arith.index_cast %add3A_991 : i32 to index
      %get3A_993 = tpu.vector_load %arg5[%get3A_992] {strides = array<i32>} : memref<16384xf32, #tpu.memory_space<vmem>>, vector<16xf32>,
      %add3A_994 = arith.constant 112 : i32
      %add3A_995 = arith.addi %squeeze3A_70, %add3A_994 : i32
      %get3A_996 = arith.index_cast %add3A_995 : i32 to index
      %get3A_997 = tpu.vector_load %arg5[%get3A_996] {strides = array<i32>} : memref<16384xf32, #tpu.memory_space<vmem>>, vector<16xf32>,
      %add3A_998 = arith.constant 1664 : i32
      %add3A_999 = arith.addi %mul3A_76, %add3A_998 : i32
      %add3A_1000 = arith.constant 0 : i32
      %add3A_1001 = arith.addi %add3A_999, %add3A_1000 : i32
      %swap3A_1002 = arith.index_cast %add3A_1001 : i32 to index
      %swap3A_1003 = tpu.vector_load %arg7[%swap3A_1002] {strides = array<i32>} : memref<51200xf32, #tpu.memory_space<vmem>>, vector<16xf32>,
      tpu.vector_store %arg7[%swap3A_1002], %get3A_903 {strides = array<i32>} : memref<51200xf32, #tpu.memory_space<vmem>>, vector<16xf32>,
      %add3A_1004 = arith.constant 16 : i32
      %add3A_1005 = arith.addi %add3A_999, %add3A_1004 : i32
      %swap3A_1006 = arith.index_cast %add3A_1005 : i32 to index
      %swap3A_1007 = tpu.vector_load %arg7[%swap3A_1006] {strides = array<i32>} : memref<51200xf32, #tpu.memory_space<vmem>>, vector<16xf32>,
      tpu.vector_store %arg7[%swap3A_1006], %get3A_907 {strides = array<i32>} : memref<51200xf32, #tpu.memory_space<vmem>>, vector<16xf32>,
      %add3A_1008 = arith.constant 32 : i32
      %add3A_1009 = arith.addi %add3A_999, %add3A_1008 : i32
      %swap3A_1010 = arith.index_cast %add3A_1009 : i32 to index
      %swap3A_1011 = tpu.vector_load %arg7[%swap3A_1010] {strides = array<i32>} : memref<51200xf32, #tpu.memory_space<vmem>>, vector<16xf32>,
      tpu.vector_store %arg7[%swap3A_1010], %get3A_911 {strides = array<i32>} : memref<51200xf32, #tpu.memory_space<vmem>>, vector<16xf32>,
      %add3A_1012 = arith.constant 48 : i32
      %add3A_1013 = arith.addi %add3A_999, %add3A_1012 : i32
      %swap3A_1014 = arith.index_cast %add3A_1013 : i32 to index
      %swap3A_1015 = tpu.vector_load %arg7[%swap3A_1014] {strides = array<i32>} : memref<51200xf32, #tpu.memory_space<vmem>>, vector<16xf32>,
      tpu.vector_store %arg7[%swap3A_1014], %get3A_915 {strides = array<i32>} : memref<51200xf32, #tpu.memory_space<vmem>>, vector<16xf32>,
      %add3A_1016 = arith.constant 64 : i32
      %add3A_1017 = arith.addi %add3A_999, %add3A_1016 : i32
      %swap3A_1018 = arith.index_cast %add3A_1017 : i32 to index
      %swap3A_1019 = tpu.vector_load %arg7[%swap3A_1018] {strides = array<i32>} : memref<51200xf32, #tpu.memory_space<vmem>>, vector<16xf32>,
      tpu.vector_store %arg7[%swap3A_1018], %get3A_919 {strides = array<i32>} : memref<51200xf32, #tpu.memory_space<vmem>>, vector<16xf32>,
      %add3A_1020 = arith.constant 80 : i32
      %add3A_1021 = arith.addi %add3A_999, %add3A_1020 : i32
      %swap3A_1022 = arith.index_cast %add3A_1021 : i32 to index
      %swap3A_1023 = tpu.vector_load %arg7[%swap3A_1022] {strides = array<i32>} : memref<51200xf32, #tpu.memory_space<vmem>>, vector<16xf32>,
      tpu.vector_store %arg7[%swap3A_1022], %get3A_923 {strides = array<i32>} : memref<51200xf32, #tpu.memory_space<vmem>>, vector<16xf32>,
      %add3A_1024 = arith.constant 96 : i32
      %add3A_1025 = arith.addi %add3A_999, %add3A_1024 : i32
      %swap3A_1026 = arith.index_cast %add3A_1025 : i32 to index
      %swap3A_1027 = tpu.vector_load %arg7[%swap3A_1026] {strides = array<i32>} : memref<51200xf32, #tpu.memory_space<vmem>>, vector<16xf32>,
      tpu.vector_store %arg7[%swap3A_1026], %get3A_927 {strides = array<i32>} : memref<51200xf32, #tpu.memory_space<vmem>>, vector<16xf32>,
      %add3A_1028 = arith.constant 112 : i32
      %add3A_1029 = arith.addi %add3A_999, %add3A_1028 : i32
      %swap3A_1030 = arith.index_cast %add3A_1029 : i32 to index
      %swap3A_1031 = tpu.vector_load %arg7[%swap3A_1030] {strides = array<i32>} : memref<51200xf32, #tpu.memory_space<vmem>>, vector<16xf32>,
      tpu.vector_store %arg7[%swap3A_1030], %get3A_931 {strides = array<i32>} : memref<51200xf32, #tpu.memory_space<vmem>>, vector<16xf32>,
      %add3A_1032 = arith.constant 0 : i32
      %add3A_1033 = arith.addi %squeeze3A_72, %add3A_1032 : i32
      %get3A_1034 = arith.index_cast %add3A_1033 : i32 to index
      %get3A_1035 = tpu.vector_load %arg5[%get3A_1034] {strides = array<i32>} : memref<16384xf32, #tpu.memory_space<vmem>>, vector<16xf32>,
      %add3A_1036 = arith.constant 16 : i32
      %add3A_1037 = arith.addi %squeeze3A_72, %add3A_1036 : i32
      %get3A_1038 = arith.index_cast %add3A_1037 : i32 to index
      %get3A_1039 = tpu.vector_load %arg5[%get3A_1038] {strides = array<i32>} : memref<16384xf32, #tpu.memory_space<vmem>>, vector<16xf32>,
      %add3A_1040 = arith.constant 32 : i32
      %add3A_1041 = arith.addi %squeeze3A_72, %add3A_1040 : i32
      %get3A_1042 = arith.index_cast %add3A_1041 : i32 to index
      %get3A_1043 = tpu.vector_load %arg5[%get3A_1042] {strides = array<i32>} : memref<16384xf32, #tpu.memory_space<vmem>>, vector<16xf32>,
      %add3A_1044 = arith.constant 48 : i32
      %add3A_1045 = arith.addi %squeeze3A_72, %add3A_1044 : i32
      %get3A_1046 = arith.index_cast %add3A_1045 : i32 to index
      %get3A_1047 = tpu.vector_load %arg5[%get3A_1046] {strides = array<i32>} : memref<16384xf32, #tpu.memory_space<vmem>>, vector<16xf32>,
      %add3A_1048 = arith.constant 64 : i32
      %add3A_1049 = arith.addi %squeeze3A_72, %add3A_1048 : i32
      %get3A_1050 = arith.index_cast %add3A_1049 : i32 to index
      %get3A_1051 = tpu.vector_load %arg5[%get3A_1050] {strides = array<i32>} : memref<16384xf32, #tpu.memory_space<vmem>>, vector<16xf32>,
      %add3A_1052 = arith.constant 80 : i32
      %add3A_1053 = arith.addi %squeeze3A_72, %add3A_1052 : i32
      %get3A_1054 = arith.index_cast %add3A_1053 : i32 to index
      %get3A_1055 = tpu.vector_load %arg5[%get3A_1054] {strides = array<i32>} : memref<16384xf32, #tpu.memory_space<vmem>>, vector<16xf32>,
      %add3A_1056 = arith.constant 96 : i32
      %add3A_1057 = arith.addi %squeeze3A_72, %add3A_1056 : i32
      %get3A_1058 = arith.index_cast %add3A_1057 : i32 to index
      %get3A_1059 = tpu.vector_load %arg5[%get3A_1058] {strides = array<i32>} : memref<16384xf32, #tpu.memory_space<vmem>>, vector<16xf32>,
      %add3A_1060 = arith.constant 112 : i32
      %add3A_1061 = arith.addi %squeeze3A_72, %add3A_1060 : i32
      %get3A_1062 = arith.index_cast %add3A_1061 : i32 to index
      %get3A_1063 = tpu.vector_load %arg5[%get3A_1062] {strides = array<i32>} : memref<16384xf32, #tpu.memory_space<vmem>>, vector<16xf32>,
      %add3A_1064 = arith.constant 1792 : i32
      %add3A_1065 = arith.addi %mul3A_76, %add3A_1064 : i32
      %add3A_1066 = arith.constant 0 : i32
      %add3A_1067 = arith.addi %add3A_1065, %add3A_1066 : i32
      %swap3A_1068 = arith.index_cast %add3A_1067 : i32 to index
      %swap3A_1069 = tpu.vector_load %arg7[%swap3A_1068] {strides = array<i32>} : memref<51200xf32, #tpu.memory_space<vmem>>, vector<16xf32>,
      tpu.vector_store %arg7[%swap3A_1068], %get3A_969 {strides = array<i32>} : memref<51200xf32, #tpu.memory_space<vmem>>, vector<16xf32>,
      %add3A_1070 = arith.constant 16 : i32
      %add3A_1071 = arith.addi %add3A_1065, %add3A_1070 : i32
      %swap3A_1072 = arith.index_cast %add3A_1071 : i32 to index
      %swap3A_1073 = tpu.vector_load %arg7[%swap3A_1072] {strides = array<i32>} : memref<51200xf32, #tpu.memory_space<vmem>>, vector<16xf32>,
      tpu.vector_store %arg7[%swap3A_1072], %get3A_973 {strides = array<i32>} : memref<51200xf32, #tpu.memory_space<vmem>>, vector<16xf32>,
      %add3A_1074 = arith.constant 32 : i32
      %add3A_1075 = arith.addi %add3A_1065, %add3A_1074 : i32
      %swap3A_1076 = arith.index_cast %add3A_1075 : i32 to index
      %swap3A_1077 = tpu.vector_load %arg7[%swap3A_1076] {strides = array<i32>} : memref<51200xf32, #tpu.memory_space<vmem>>, vector<16xf32>,
      tpu.vector_store %arg7[%swap3A_1076], %get3A_977 {strides = array<i32>} : memref<51200xf32, #tpu.memory_space<vmem>>, vector<16xf32>,
      %add3A_1078 = arith.constant 48 : i32
      %add3A_1079 = arith.addi %add3A_1065, %add3A_1078 : i32
      %swap3A_1080 = arith.index_cast %add3A_1079 : i32 to index
      %swap3A_1081 = tpu.vector_load %arg7[%swap3A_1080] {strides = array<i32>} : memref<51200xf32, #tpu.memory_space<vmem>>, vector<16xf32>,
      tpu.vector_store %arg7[%swap3A_1080], %get3A_981 {strides = array<i32>} : memref<51200xf32, #tpu.memory_space<vmem>>, vector<16xf32>,
      %add3A_1082 = arith.constant 64 : i32
      %add3A_1083 = arith.addi %add3A_1065, %add3A_1082 : i32
      %swap3A_1084 = arith.index_cast %add3A_1083 : i32 to index
      %swap3A_1085 = tpu.vector_load %arg7[%swap3A_1084] {strides = array<i32>} : memref<51200xf32, #tpu.memory_space<vmem>>, vector<16xf32>,
      tpu.vector_store %arg7[%swap3A_1084], %get3A_985 {strides = array<i32>} : memref<51200xf32, #tpu.memory_space<vmem>>, vector<16xf32>,
      %add3A_1086 = arith.constant 80 : i32
      %add3A_1087 = arith.addi %add3A_1065, %add3A_1086 : i32
      %swap3A_1088 = arith.index_cast %add3A_1087 : i32 to index
      %swap3A_1089 = tpu.vector_load %arg7[%swap3A_1088] {strides = array<i32>} : memref<51200xf32, #tpu.memory_space<vmem>>, vector<16xf32>,
      tpu.vector_store %arg7[%swap3A_1088], %get3A_989 {strides = array<i32>} : memref<51200xf32, #tpu.memory_space<vmem>>, vector<16xf32>,
      %add3A_1090 = arith.constant 96 : i32
      %add3A_1091 = arith.addi %add3A_1065, %add3A_1090 : i32
      %swap3A_1092 = arith.index_cast %add3A_1091 : i32 to index
      %swap3A_1093 = tpu.vector_load %arg7[%swap3A_1092] {strides = array<i32>} : memref<51200xf32, #tpu.memory_space<vmem>>, vector<16xf32>,
      tpu.vector_store %arg7[%swap3A_1092], %get3A_993 {strides = array<i32>} : memref<51200xf32, #tpu.memory_space<vmem>>, vector<16xf32>,
      %add3A_1094 = arith.constant 112 : i32
      %add3A_1095 = arith.addi %add3A_1065, %add3A_1094 : i32
      %swap3A_1096 = arith.index_cast %add3A_1095 : i32 to index
      %swap3A_1097 = tpu.vector_load %arg7[%swap3A_1096] {strides = array<i32>} : memref<51200xf32, #tpu.memory_space<vmem>>, vector<16xf32>,
      tpu.vector_store %arg7[%swap3A_1096], %get3A_997 {strides = array<i32>} : memref<51200xf32, #tpu.memory_space<vmem>>, vector<16xf32>,
      %add3A_1098 = arith.constant 1920 : i32
      %add3A_1099 = arith.addi %mul3A_76, %add3A_1098 : i32
      %add3A_1100 = arith.constant 0 : i32
      %add3A_1101 = arith.addi %add3A_1099, %add3A_1100 : i32
      %swap3A_1102 = arith.index_cast %add3A_1101 : i32 to index
      %swap3A_1103 = tpu.vector_load %arg7[%swap3A_1102] {strides = array<i32>} : memref<51200xf32, #tpu.memory_space<vmem>>, vector<16xf32>,
      tpu.vector_store %arg7[%swap3A_1102], %get3A_1035 {strides = array<i32>} : memref<51200xf32, #tpu.memory_space<vmem>>, vector<16xf32>,
      %add3A_1104 = arith.constant 16 : i32
      %add3A_1105 = arith.addi %add3A_1099, %add3A_1104 : i32
      %swap3A_1106 = arith.index_cast %add3A_1105 : i32 to index
      %swap3A_1107 = tpu.vector_load %arg7[%swap3A_1106] {strides = array<i32>} : memref<51200xf32, #tpu.memory_space<vmem>>, vector<16xf32>,
      tpu.vector_store %arg7[%swap3A_1106], %get3A_1039 {strides = array<i32>} : memref<51200xf32, #tpu.memory_space<vmem>>, vector<16xf32>,
      %add3A_1108 = arith.constant 32 : i32
      %add3A_1109 = arith.addi %add3A_1099, %add3A_1108 : i32
      %swap3A_1110 = arith.index_cast %add3A_1109 : i32 to index
      %swap3A_1111 = tpu.vector_load %arg7[%swap3A_1110] {strides = array<i32>} : memref<51200xf32, #tpu.memory_space<vmem>>, vector<16xf32>,
      tpu.vector_store %arg7[%swap3A_1110], %get3A_1043 {strides = array<i32>} : memref<51200xf32, #tpu.memory_space<vmem>>, vector<16xf32>,
      %add3A_1112 = arith.constant 48 : i32
      %add3A_1113 = arith.addi %add3A_1099, %add3A_1112 : i32
      %swap3A_1114 = arith.index_cast %add3A_1113 : i32 to index
      %swap3A_1115 = tpu.vector_load %arg7[%swap3A_1114] {strides = array<i32>} : memref<51200xf32, #tpu.memory_space<vmem>>, vector<16xf32>,
      tpu.vector_store %arg7[%swap3A_1114], %get3A_1047 {strides = array<i32>} : memref<51200xf32, #tpu.memory_space<vmem>>, vector<16xf32>,
      %add3A_1116 = arith.constant 64 : i32
      %add3A_1117 = arith.addi %add3A_1099, %add3A_1116 : i32
      %swap3A_1118 = arith.index_cast %add3A_1117 : i32 to index
      %swap3A_1119 = tpu.vector_load %arg7[%swap3A_1118] {strides = array<i32>} : memref<51200xf32, #tpu.memory_space<vmem>>, vector<16xf32>,
      tpu.vector_store %arg7[%swap3A_1118], %get3A_1051 {strides = array<i32>} : memref<51200xf32, #tpu.memory_space<vmem>>, vector<16xf32>,
      %add3A_1120 = arith.constant 80 : i32
      %add3A_1121 = arith.addi %add3A_1099, %add3A_1120 : i32
      %swap3A_1122 = arith.index_cast %add3A_1121 : i32 to index
      %swap3A_1123 = tpu.vector_load %arg7[%swap3A_1122] {strides = array<i32>} : memref<51200xf32, #tpu.memory_space<vmem>>, vector<16xf32>,
      tpu.vector_store %arg7[%swap3A_1122], %get3A_1055 {strides = array<i32>} : memref<51200xf32, #tpu.memory_space<vmem>>, vector<16xf32>,
      %add3A_1124 = arith.constant 96 : i32
      %add3A_1125 = arith.addi %add3A_1099, %add3A_1124 : i32
      %swap3A_1126 = arith.index_cast %add3A_1125 : i32 to index
      %swap3A_1127 = tpu.vector_load %arg7[%swap3A_1126] {strides = array<i32>} : memref<51200xf32, #tpu.memory_space<vmem>>, vector<16xf32>,
      tpu.vector_store %arg7[%swap3A_1126], %get3A_1059 {strides = array<i32>} : memref<51200xf32, #tpu.memory_space<vmem>>, vector<16xf32>,
      %add3A_1128 = arith.constant 112 : i32
      %add3A_1129 = arith.addi %add3A_1099, %add3A_1128 : i32
      %swap3A_1130 = arith.index_cast %add3A_1129 : i32 to index
      %swap3A_1131 = tpu.vector_load %arg7[%swap3A_1130] {strides = array<i32>} : memref<51200xf32, #tpu.memory_space<vmem>>, vector<16xf32>,
      tpu.vector_store %arg7[%swap3A_1130], %get3A_1063 {strides = array<i32>} : memref<51200xf32, #tpu.memory_space<vmem>>, vector<16xf32>,
    }
    %scan3A_5 = arith.constant 25 : i32
    %scan3A_6 = arith.constant 0 : i32
    %scan3A_7 = arith.constant 0 : i32
    %scan3A_8 = arith.constant 12 : i32
    %scan3A_9 = arith.addi %scan3A_7, %scan3A_8 : i32
    %scan3A_10 = arith.constant 1 : i32
    scf.for %scan3A_34 = %scan3A_7 to %scan3A_9 step %scan3A_10  : i32 {
      %mul3A_35 = arith.constant 2 : i32
      %mul3A_36 = arith.muli %mul3A_35, %scan3A_34 : i32
      %ge3A = arith.constant 1 : i32
      %ge3A_37 = arith.cmpi sge, %mul3A_36, %ge3A : i32
      %convert_element_type3A = arith.extui %ge3A_37 : i1 to i32
      %cond3A = arith.constant 0 : i32
      %cond3A_38 = arith.cmpi ne, %convert_element_type3A, %cond3A : i32
      scf.if %cond3A_38 {
        %sub3A = arith.constant 1 : i32
        %sub3A_75 = arith.subi %mul3A_36, %sub3A : i32
        %mul3A_76 = arith.constant 10000 : i32
        %mul3A_77 = arith.muli %add3A, %mul3A_76 : i32
        %mul3A_78 = arith.constant 400 : i32
        %mul3A_79 = arith.muli %sub3A_75, %mul3A_78 : i32
        %add3A_80 = arith.addi %mul3A_77, %mul3A_79 : i32
        %mul3A_81 = arith.constant 128 : i32
        %mul3A_82 = arith.muli %add3A_80, %mul3A_81 : i32
        %dma_wait3A_83 = tpu.memref_slice %arg4[%mul3A_82] : memref<40960000xf32, #tpu.memory_space<hbm>> -> memref<51200xf32, #tpu.memory_space<hbm>>
        %dma_wait3A_84 = tpu.memref_slice %arg4[%mul3A_82] : memref<40960000xf32, #tpu.memory_space<hbm>> -> memref<51200xf32, #tpu.memory_space<hbm>>
        tpu.wait_dma2 semaphore(%arg9 : memref<!tpu.dma_semaphore, #tpu.memory_space<semaphore_mem>>) src(%arg8 : memref<51200xf32, #tpu.memory_space<vmem>>) dst(%dma_wait3A_84 : memref<51200xf32, #tpu.memory_space<hbm>>)
      } else {
      }
      %mul3A_39 = arith.constant 10000 : i32
      %mul3A_40 = arith.muli %add3A, %mul3A_39 : i32
      %mul3A_41 = arith.constant 400 : i32
      %mul3A_42 = arith.muli %mul3A_36, %mul3A_41 : i32
      %add3A_43 = arith.addi %mul3A_40, %mul3A_42 : i32
      %mul3A_44 = arith.constant 128 : i32
      %mul3A_45 = arith.muli %add3A_43, %mul3A_44 : i32
      %dma_start3A_46 = tpu.memref_slice %arg4[%mul3A_45] : memref<40960000xf32, #tpu.memory_space<hbm>> -> memref<51200xf32, #tpu.memory_space<hbm>>
      %dma_start3A_47 = tpu.memref_slice %arg4[%mul3A_45] : memref<40960000xf32, #tpu.memory_space<hbm>> -> memref<51200xf32, #tpu.memory_space<hbm>>
      tpu.enqueue_dma source(%arg7 : memref<51200xf32, #tpu.memory_space<vmem>>) target(%dma_start3A_47 : memref<51200xf32, #tpu.memory_space<hbm>>) target_semaphore(%arg9 : memref<!tpu.dma_semaphore, #tpu.memory_space<semaphore_mem>>)
      %lt3A = arith.constant 24 : i32
      %lt3A_48 = arith.cmpi slt, %mul3A_36, %lt3A : i32
      %convert_element_type3A_49 = arith.extui %lt3A_48 : i1 to i32
      %cond3A_50 = arith.constant 0 : i32
      %cond3A_51 = arith.cmpi ne, %convert_element_type3A_49, %cond3A_50 : i32
      scf.if %cond3A_51 {
        %add3A_75 = arith.constant 1 : i32
        %add3A_76 = arith.addi %mul3A_36, %add3A_75 : i32
        %scan3A_77 = arith.constant 0 : i32
        %scan3A_78 = arith.constant 0 : i32
        %scan3A_79 = arith.constant 25 : i32
        %scan3A_80 = arith.addi %scan3A_78, %scan3A_79 : i32
        %scan3A_81 = arith.constant 1 : i32
        scf.for %scan3A_83 = %scan3A_78 to %scan3A_80 step %scan3A_81  : i32 {
          %mul3A_84 = arith.constant 400 : i32
          %mul3A_85 = arith.muli %add3A_76, %mul3A_84 : i32
          %mul3A_86 = arith.constant 16 : i32
          %mul3A_87 = arith.muli %scan3A_83, %mul3A_86 : i32
          %add3A_88 = arith.addi %mul3A_85, %mul3A_87 : i32
          %get3A = arith.index_cast %add3A_88 : i32 to index
          %get3A_89 = tpu.vector_load %arg6[%get3A] {strides = array<i32>} : memref<10000xi32, #tpu.memory_space<vmem>>, vector<16xi32>,
          %mul3A_90 = arith.constant 128 : i32
          %mul3A_91 = vector.broadcast %mul3A_90 : i32 to vector<16xi32>
          %mul3A_92 = arith.muli %get3A_89, %mul3A_91 : vector<16xi32>
          %slice3A = vector.extract_strided_slice %mul3A_92 {offsets = [0], sizes = [1], strides = [1]} : vector<16xi32> to vector<1xi32>
          %squeeze3A = vector.extract %slice3A[0] : i32 from vector<1xi32>
          %slice3A_93 = vector.extract_strided_slice %mul3A_92 {offsets = [1], sizes = [1], strides = [1]} : vector<16xi32> to vector<1xi32>
          %squeeze3A_94 = vector.extract %slice3A_93[0] : i32 from vector<1xi32>
          %slice3A_95 = vector.extract_strided_slice %mul3A_92 {offsets = [2], sizes = [1], strides = [1]} : vector<16xi32> to vector<1xi32>
          %squeeze3A_96 = vector.extract %slice3A_95[0] : i32 from vector<1xi32>
          %slice3A_97 = vector.extract_strided_slice %mul3A_92 {offsets = [3], sizes = [1], strides = [1]} : vector<16xi32> to vector<1xi32>
          %squeeze3A_98 = vector.extract %slice3A_97[0] : i32 from vector<1xi32>
          %slice3A_99 = vector.extract_strided_slice %mul3A_92 {offsets = [4], sizes = [1], strides = [1]} : vector<16xi32> to vector<1xi32>
          %squeeze3A_100 = vector.extract %slice3A_99[0] : i32 from vector<1xi32>
          %slice3A_101 = vector.extract_strided_slice %mul3A_92 {offsets = [5], sizes = [1], strides = [1]} : vector<16xi32> to vector<1xi32>
          %squeeze3A_102 = vector.extract %slice3A_101[0] : i32 from vector<1xi32>
          %slice3A_103 = vector.extract_strided_slice %mul3A_92 {offsets = [6], sizes = [1], strides = [1]} : vector<16xi32> to vector<1xi32>
          %squeeze3A_104 = vector.extract %slice3A_103[0] : i32 from vector<1xi32>
          %slice3A_105 = vector.extract_strided_slice %mul3A_92 {offsets = [7], sizes = [1], strides = [1]} : vector<16xi32> to vector<1xi32>
          %squeeze3A_106 = vector.extract %slice3A_105[0] : i32 from vector<1xi32>
          %slice3A_107 = vector.extract_strided_slice %mul3A_92 {offsets = [8], sizes = [1], strides = [1]} : vector<16xi32> to vector<1xi32>
          %squeeze3A_108 = vector.extract %slice3A_107[0] : i32 from vector<1xi32>
          %slice3A_109 = vector.extract_strided_slice %mul3A_92 {offsets = [9], sizes = [1], strides = [1]} : vector<16xi32> to vector<1xi32>
          %squeeze3A_110 = vector.extract %slice3A_109[0] : i32 from vector<1xi32>
          %slice3A_111 = vector.extract_strided_slice %mul3A_92 {offsets = [10], sizes = [1], strides = [1]} : vector<16xi32> to vector<1xi32>
          %squeeze3A_112 = vector.extract %slice3A_111[0] : i32 from vector<1xi32>
          %slice3A_113 = vector.extract_strided_slice %mul3A_92 {offsets = [11], sizes = [1], strides = [1]} : vector<16xi32> to vector<1xi32>
          %squeeze3A_114 = vector.extract %slice3A_113[0] : i32 from vector<1xi32>
          %slice3A_115 = vector.extract_strided_slice %mul3A_92 {offsets = [12], sizes = [1], strides = [1]} : vector<16xi32> to vector<1xi32>
          %squeeze3A_116 = vector.extract %slice3A_115[0] : i32 from vector<1xi32>
          %slice3A_117 = vector.extract_strided_slice %mul3A_92 {offsets = [13], sizes = [1], strides = [1]} : vector<16xi32> to vector<1xi32>
          %squeeze3A_118 = vector.extract %slice3A_117[0] : i32 from vector<1xi32>
          %slice3A_119 = vector.extract_strided_slice %mul3A_92 {offsets = [14], sizes = [1], strides = [1]} : vector<16xi32> to vector<1xi32>
          %squeeze3A_120 = vector.extract %slice3A_119[0] : i32 from vector<1xi32>
          %slice3A_121 = vector.extract_strided_slice %mul3A_92 {offsets = [15], sizes = [1], strides = [1]} : vector<16xi32> to vector<1xi32>
          %squeeze3A_122 = vector.extract %slice3A_121[0] : i32 from vector<1xi32>
          %mul3A_123 = arith.constant 16 : i32
          %mul3A_124 = arith.muli %scan3A_83, %mul3A_123 : i32
          %mul3A_125 = arith.constant 128 : i32
          %mul3A_126 = arith.muli %mul3A_124, %mul3A_125 : i32
          %add3A_127 = arith.constant 0 : i32
          %add3A_128 = arith.addi %squeeze3A, %add3A_127 : i32
          %get3A_129 = arith.index_cast %add3A_128 : i32 to index
          %get3A_130 = tpu.vector_load %arg5[%get3A_129] {strides = array<i32>} : memref<16384xf32, #tpu.memory_space<vmem>>, vector<16xf32>,
          %add3A_131 = arith.constant 16 : i32
          %add3A_132 = arith.addi %squeeze3A, %add3A_131 : i32
          %get3A_133 = arith.index_cast %add3A_132 : i32 to index
          %get3A_134 = tpu.vector_load %arg5[%get3A_133] {strides = array<i32>} : memref<16384xf32, #tpu.memory_space<vmem>>, vector<16xf32>,
          %add3A_135 = arith.constant 32 : i32
          %add3A_136 = arith.addi %squeeze3A, %add3A_135 : i32
          %get3A_137 = arith.index_cast %add3A_136 : i32 to index
          %get3A_138 = tpu.vector_load %arg5[%get3A_137] {strides = array<i32>} : memref<16384xf32, #tpu.memory_space<vmem>>, vector<16xf32>,
          %add3A_139 = arith.constant 48 : i32
          %add3A_140 = arith.addi %squeeze3A, %add3A_139 : i32
          %get3A_141 = arith.index_cast %add3A_140 : i32 to index
          %get3A_142 = tpu.vector_load %arg5[%get3A_141] {strides = array<i32>} : memref<16384xf32, #tpu.memory_space<vmem>>, vector<16xf32>,
          %add3A_143 = arith.constant 64 : i32
          %add3A_144 = arith.addi %squeeze3A, %add3A_143 : i32
          %get3A_145 = arith.index_cast %add3A_144 : i32 to index
          %get3A_146 = tpu.vector_load %arg5[%get3A_145] {strides = array<i32>} : memref<16384xf32, #tpu.memory_space<vmem>>, vector<16xf32>,
          %add3A_147 = arith.constant 80 : i32
          %add3A_148 = arith.addi %squeeze3A, %add3A_147 : i32
          %get3A_149 = arith.index_cast %add3A_148 : i32 to index
          %get3A_150 = tpu.vector_load %arg5[%get3A_149] {strides = array<i32>} : memref<16384xf32, #tpu.memory_space<vmem>>, vector<16xf32>,
          %add3A_151 = arith.constant 96 : i32
          %add3A_152 = arith.addi %squeeze3A, %add3A_151 : i32
          %get3A_153 = arith.index_cast %add3A_152 : i32 to index
          %get3A_154 = tpu.vector_load %arg5[%get3A_153] {strides = array<i32>} : memref<16384xf32, #tpu.memory_space<vmem>>, vector<16xf32>,
          %add3A_155 = arith.constant 112 : i32
          %add3A_156 = arith.addi %squeeze3A, %add3A_155 : i32
          %get3A_157 = arith.index_cast %add3A_156 : i32 to index
          %get3A_158 = tpu.vector_load %arg5[%get3A_157] {strides = array<i32>} : memref<16384xf32, #tpu.memory_space<vmem>>, vector<16xf32>,
          %add3A_159 = arith.constant 0 : i32
          %add3A_160 = arith.addi %squeeze3A_94, %add3A_159 : i32
          %get3A_161 = arith.index_cast %add3A_160 : i32 to index
          %get3A_162 = tpu.vector_load %arg5[%get3A_161] {strides = array<i32>} : memref<16384xf32, #tpu.memory_space<vmem>>, vector<16xf32>,
          %add3A_163 = arith.constant 16 : i32
          %add3A_164 = arith.addi %squeeze3A_94, %add3A_163 : i32
          %get3A_165 = arith.index_cast %add3A_164 : i32 to index
          %get3A_166 = tpu.vector_load %arg5[%get3A_165] {strides = array<i32>} : memref<16384xf32, #tpu.memory_space<vmem>>, vector<16xf32>,
          %add3A_167 = arith.constant 32 : i32
          %add3A_168 = arith.addi %squeeze3A_94, %add3A_167 : i32
          %get3A_169 = arith.index_cast %add3A_168 : i32 to index
          %get3A_170 = tpu.vector_load %arg5[%get3A_169] {strides = array<i32>} : memref<16384xf32, #tpu.memory_space<vmem>>, vector<16xf32>,
          %add3A_171 = arith.constant 48 : i32
          %add3A_172 = arith.addi %squeeze3A_94, %add3A_171 : i32
          %get3A_173 = arith.index_cast %add3A_172 : i32 to index
          %get3A_174 = tpu.vector_load %arg5[%get3A_173] {strides = array<i32>} : memref<16384xf32, #tpu.memory_space<vmem>>, vector<16xf32>,
          %add3A_175 = arith.constant 64 : i32
          %add3A_176 = arith.addi %squeeze3A_94, %add3A_175 : i32
          %get3A_177 = arith.index_cast %add3A_176 : i32 to index
          %get3A_178 = tpu.vector_load %arg5[%get3A_177] {strides = array<i32>} : memref<16384xf32, #tpu.memory_space<vmem>>, vector<16xf32>,
          %add3A_179 = arith.constant 80 : i32
          %add3A_180 = arith.addi %squeeze3A_94, %add3A_179 : i32
          %get3A_181 = arith.index_cast %add3A_180 : i32 to index
          %get3A_182 = tpu.vector_load %arg5[%get3A_181] {strides = array<i32>} : memref<16384xf32, #tpu.memory_space<vmem>>, vector<16xf32>,
          %add3A_183 = arith.constant 96 : i32
          %add3A_184 = arith.addi %squeeze3A_94, %add3A_183 : i32
          %get3A_185 = arith.index_cast %add3A_184 : i32 to index
          %get3A_186 = tpu.vector_load %arg5[%get3A_185] {strides = array<i32>} : memref<16384xf32, #tpu.memory_space<vmem>>, vector<16xf32>,
          %add3A_187 = arith.constant 112 : i32
          %add3A_188 = arith.addi %squeeze3A_94, %add3A_187 : i32
          %get3A_189 = arith.index_cast %add3A_188 : i32 to index
          %get3A_190 = tpu.vector_load %arg5[%get3A_189] {strides = array<i32>} : memref<16384xf32, #tpu.memory_space<vmem>>, vector<16xf32>,
          %add3A_191 = arith.constant 0 : i32
          %add3A_192 = arith.addi %mul3A_126, %add3A_191 : i32
          %add3A_193 = arith.constant 0 : i32
          %add3A_194 = arith.addi %add3A_192, %add3A_193 : i32
          %swap3A = arith.index_cast %add3A_194 : i32 to index
          %swap3A_195 = tpu.vector_load %arg8[%swap3A] {strides = array<i32>} : memref<51200xf32, #tpu.memory_space<vmem>>, vector<16xf32>,
          tpu.vector_store %arg8[%swap3A], %get3A_130 {strides = array<i32>} : memref<51200xf32, #tpu.memory_space<vmem>>, vector<16xf32>,
          %add3A_196 = arith.constant 16 : i32
          %add3A_197 = arith.addi %add3A_192, %add3A_196 : i32
          %swap3A_198 = arith.index_cast %add3A_197 : i32 to index
          %swap3A_199 = tpu.vector_load %arg8[%swap3A_198] {strides = array<i32>} : memref<51200xf32, #tpu.memory_space<vmem>>, vector<16xf32>,
          tpu.vector_store %arg8[%swap3A_198], %get3A_134 {strides = array<i32>} : memref<51200xf32, #tpu.memory_space<vmem>>, vector<16xf32>,
          %add3A_200 = arith.constant 32 : i32
          %add3A_201 = arith.addi %add3A_192, %add3A_200 : i32
          %swap3A_202 = arith.index_cast %add3A_201 : i32 to index
          %swap3A_203 = tpu.vector_load %arg8[%swap3A_202] {strides = array<i32>} : memref<51200xf32, #tpu.memory_space<vmem>>, vector<16xf32>,
          tpu.vector_store %arg8[%swap3A_202], %get3A_138 {strides = array<i32>} : memref<51200xf32, #tpu.memory_space<vmem>>, vector<16xf32>,
          %add3A_204 = arith.constant 48 : i32
          %add3A_205 = arith.addi %add3A_192, %add3A_204 : i32
          %swap3A_206 = arith.index_cast %add3A_205 : i32 to index
          %swap3A_207 = tpu.vector_load %arg8[%swap3A_206] {strides = array<i32>} : memref<51200xf32, #tpu.memory_space<vmem>>, vector<16xf32>,
          tpu.vector_store %arg8[%swap3A_206], %get3A_142 {strides = array<i32>} : memref<51200xf32, #tpu.memory_space<vmem>>, vector<16xf32>,
          %add3A_208 = arith.constant 64 : i32
          %add3A_209 = arith.addi %add3A_192, %add3A_208 : i32
          %swap3A_210 = arith.index_cast %add3A_209 : i32 to index
          %swap3A_211 = tpu.vector_load %arg8[%swap3A_210] {strides = array<i32>} : memref<51200xf32, #tpu.memory_space<vmem>>, vector<16xf32>,
          tpu.vector_store %arg8[%swap3A_210], %get3A_146 {strides = array<i32>} : memref<51200xf32, #tpu.memory_space<vmem>>, vector<16xf32>,
          %add3A_212 = arith.constant 80 : i32
          %add3A_213 = arith.addi %add3A_192, %add3A_212 : i32
          %swap3A_214 = arith.index_cast %add3A_213 : i32 to index
          %swap3A_215 = tpu.vector_load %arg8[%swap3A_214] {strides = array<i32>} : memref<51200xf32, #tpu.memory_space<vmem>>, vector<16xf32>,
          tpu.vector_store %arg8[%swap3A_214], %get3A_150 {strides = array<i32>} : memref<51200xf32, #tpu.memory_space<vmem>>, vector<16xf32>,
          %add3A_216 = arith.constant 96 : i32
          %add3A_217 = arith.addi %add3A_192, %add3A_216 : i32
          %swap3A_218 = arith.index_cast %add3A_217 : i32 to index
          %swap3A_219 = tpu.vector_load %arg8[%swap3A_218] {strides = array<i32>} : memref<51200xf32, #tpu.memory_space<vmem>>, vector<16xf32>,
          tpu.vector_store %arg8[%swap3A_218], %get3A_154 {strides = array<i32>} : memref<51200xf32, #tpu.memory_space<vmem>>, vector<16xf32>,
          %add3A_220 = arith.constant 112 : i32
          %add3A_221 = arith.addi %add3A_192, %add3A_220 : i32
          %swap3A_222 = arith.index_cast %add3A_221 : i32 to index
          %swap3A_223 = tpu.vector_load %arg8[%swap3A_222] {strides = array<i32>} : memref<51200xf32, #tpu.memory_space<vmem>>, vector<16xf32>,
          tpu.vector_store %arg8[%swap3A_222], %get3A_158 {strides = array<i32>} : memref<51200xf32, #tpu.memory_space<vmem>>, vector<16xf32>,
          %add3A_224 = arith.constant 0 : i32
          %add3A_225 = arith.addi %squeeze3A_96, %add3A_224 : i32
          %get3A_226 = arith.index_cast %add3A_225 : i32 to index
          %get3A_227 = tpu.vector_load %arg5[%get3A_226] {strides = array<i32>} : memref<16384xf32, #tpu.memory_space<vmem>>, vector<16xf32>,
          %add3A_228 = arith.constant 16 : i32
          %add3A_229 = arith.addi %squeeze3A_96, %add3A_228 : i32
          %get3A_230 = arith.index_cast %add3A_229 : i32 to index
          %get3A_231 = tpu.vector_load %arg5[%get3A_230] {strides = array<i32>} : memref<16384xf32, #tpu.memory_space<vmem>>, vector<16xf32>,
          %add3A_232 = arith.constant 32 : i32
          %add3A_233 = arith.addi %squeeze3A_96, %add3A_232 : i32
          %get3A_234 = arith.index_cast %add3A_233 : i32 to index
          %get3A_235 = tpu.vector_load %arg5[%get3A_234] {strides = array<i32>} : memref<16384xf32, #tpu.memory_space<vmem>>, vector<16xf32>,
          %add3A_236 = arith.constant 48 : i32
          %add3A_237 = arith.addi %squeeze3A_96, %add3A_236 : i32
          %get3A_238 = arith.index_cast %add3A_237 : i32 to index
          %get3A_239 = tpu.vector_load %arg5[%get3A_238] {strides = array<i32>} : memref<16384xf32, #tpu.memory_space<vmem>>, vector<16xf32>,
          %add3A_240 = arith.constant 64 : i32
          %add3A_241 = arith.addi %squeeze3A_96, %add3A_240 : i32
          %get3A_242 = arith.index_cast %add3A_241 : i32 to index
          %get3A_243 = tpu.vector_load %arg5[%get3A_242] {strides = array<i32>} : memref<16384xf32, #tpu.memory_space<vmem>>, vector<16xf32>,
          %add3A_244 = arith.constant 80 : i32
          %add3A_245 = arith.addi %squeeze3A_96, %add3A_244 : i32
          %get3A_246 = arith.index_cast %add3A_245 : i32 to index
          %get3A_247 = tpu.vector_load %arg5[%get3A_246] {strides = array<i32>} : memref<16384xf32, #tpu.memory_space<vmem>>, vector<16xf32>,
          %add3A_248 = arith.constant 96 : i32
          %add3A_249 = arith.addi %squeeze3A_96, %add3A_248 : i32
          %get3A_250 = arith.index_cast %add3A_249 : i32 to index
          %get3A_251 = tpu.vector_load %arg5[%get3A_250] {strides = array<i32>} : memref<16384xf32, #tpu.memory_space<vmem>>, vector<16xf32>,
          %add3A_252 = arith.constant 112 : i32
          %add3A_253 = arith.addi %squeeze3A_96, %add3A_252 : i32
          %get3A_254 = arith.index_cast %add3A_253 : i32 to index
          %get3A_255 = tpu.vector_load %arg5[%get3A_254] {strides = array<i32>} : memref<16384xf32, #tpu.memory_space<vmem>>, vector<16xf32>,
          %add3A_256 = arith.constant 128 : i32
          %add3A_257 = arith.addi %mul3A_126, %add3A_256 : i32
          %add3A_258 = arith.constant 0 : i32
          %add3A_259 = arith.addi %add3A_257, %add3A_258 : i32
          %swap3A_260 = arith.index_cast %add3A_259 : i32 to index
          %swap3A_261 = tpu.vector_load %arg8[%swap3A_260] {strides = array<i32>} : memref<51200xf32, #tpu.memory_space<vmem>>, vector<16xf32>,
          tpu.vector_store %arg8[%swap3A_260], %get3A_162 {strides = array<i32>} : memref<51200xf32, #tpu.memory_space<vmem>>, vector<16xf32>,
          %add3A_262 = arith.constant 16 : i32
          %add3A_263 = arith.addi %add3A_257, %add3A_262 : i32
          %swap3A_264 = arith.index_cast %add3A_263 : i32 to index
          %swap3A_265 = tpu.vector_load %arg8[%swap3A_264] {strides = array<i32>} : memref<51200xf32, #tpu.memory_space<vmem>>, vector<16xf32>,
          tpu.vector_store %arg8[%swap3A_264], %get3A_166 {strides = array<i32>} : memref<51200xf32, #tpu.memory_space<vmem>>, vector<16xf32>,
          %add3A_266 = arith.constant 32 : i32
          %add3A_267 = arith.addi %add3A_257, %add3A_266 : i32
          %swap3A_268 = arith.index_cast %add3A_267 : i32 to index
          %swap3A_269 = tpu.vector_load %arg8[%swap3A_268] {strides = array<i32>} : memref<51200xf32, #tpu.memory_space<vmem>>, vector<16xf32>,
          tpu.vector_store %arg8[%swap3A_268], %get3A_170 {strides = array<i32>} : memref<51200xf32, #tpu.memory_space<vmem>>, vector<16xf32>,
          %add3A_270 = arith.constant 48 : i32
          %add3A_271 = arith.addi %add3A_257, %add3A_270 : i32
          %swap3A_272 = arith.index_cast %add3A_271 : i32 to index
          %swap3A_273 = tpu.vector_load %arg8[%swap3A_272] {strides = array<i32>} : memref<51200xf32, #tpu.memory_space<vmem>>, vector<16xf32>,
          tpu.vector_store %arg8[%swap3A_272], %get3A_174 {strides = array<i32>} : memref<51200xf32, #tpu.memory_space<vmem>>, vector<16xf32>,
          %add3A_274 = arith.constant 64 : i32
          %add3A_275 = arith.addi %add3A_257, %add3A_274 : i32
          %swap3A_276 = arith.index_cast %add3A_275 : i32 to index
          %swap3A_277 = tpu.vector_load %arg8[%swap3A_276] {strides = array<i32>} : memref<51200xf32, #tpu.memory_space<vmem>>, vector<16xf32>,
          tpu.vector_store %arg8[%swap3A_276], %get3A_178 {strides = array<i32>} : memref<51200xf32, #tpu.memory_space<vmem>>, vector<16xf32>,
          %add3A_278 = arith.constant 80 : i32
          %add3A_279 = arith.addi %add3A_257, %add3A_278 : i32
          %swap3A_280 = arith.index_cast %add3A_279 : i32 to index
          %swap3A_281 = tpu.vector_load %arg8[%swap3A_280] {strides = array<i32>} : memref<51200xf32, #tpu.memory_space<vmem>>, vector<16xf32>,
          tpu.vector_store %arg8[%swap3A_280], %get3A_182 {strides = array<i32>} : memref<51200xf32, #tpu.memory_space<vmem>>, vector<16xf32>,
          %add3A_282 = arith.constant 96 : i32
          %add3A_283 = arith.addi %add3A_257, %add3A_282 : i32
          %swap3A_284 = arith.index_cast %add3A_283 : i32 to index
          %swap3A_285 = tpu.vector_load %arg8[%swap3A_284] {strides = array<i32>} : memref<51200xf32, #tpu.memory_space<vmem>>, vector<16xf32>,
          tpu.vector_store %arg8[%swap3A_284], %get3A_186 {strides = array<i32>} : memref<51200xf32, #tpu.memory_space<vmem>>, vector<16xf32>,
          %add3A_286 = arith.constant 112 : i32
          %add3A_287 = arith.addi %add3A_257, %add3A_286 : i32
          %swap3A_288 = arith.index_cast %add3A_287 : i32 to index
          %swap3A_289 = tpu.vector_load %arg8[%swap3A_288] {strides = array<i32>} : memref<51200xf32, #tpu.memory_space<vmem>>, vector<16xf32>,
          tpu.vector_store %arg8[%swap3A_288], %get3A_190 {strides = array<i32>} : memref<51200xf32, #tpu.memory_space<vmem>>, vector<16xf32>,
          %add3A_290 = arith.constant 0 : i32
          %add3A_291 = arith.addi %squeeze3A_98, %add3A_290 : i32
          %get3A_292 = arith.index_cast %add3A_291 : i32 to index
          %get3A_293 = tpu.vector_load %arg5[%get3A_292] {strides = array<i32>} : memref<16384xf32, #tpu.memory_space<vmem>>, vector<16xf32>,
          %add3A_294 = arith.constant 16 : i32
          %add3A_295 = arith.addi %squeeze3A_98, %add3A_294 : i32
          %get3A_296 = arith.index_cast %add3A_295 : i32 to index
          %get3A_297 = tpu.vector_load %arg5[%get3A_296] {strides = array<i32>} : memref<16384xf32, #tpu.memory_space<vmem>>, vector<16xf32>,
          %add3A_298 = arith.constant 32 : i32
          %add3A_299 = arith.addi %squeeze3A_98, %add3A_298 : i32
          %get3A_300 = arith.index_cast %add3A_299 : i32 to index
          %get3A_301 = tpu.vector_load %arg5[%get3A_300] {strides = array<i32>} : memref<16384xf32, #tpu.memory_space<vmem>>, vector<16xf32>,
          %add3A_302 = arith.constant 48 : i32
          %add3A_303 = arith.addi %squeeze3A_98, %add3A_302 : i32
          %get3A_304 = arith.index_cast %add3A_303 : i32 to index
          %get3A_305 = tpu.vector_load %arg5[%get3A_304] {strides = array<i32>} : memref<16384xf32, #tpu.memory_space<vmem>>, vector<16xf32>,
          %add3A_306 = arith.constant 64 : i32
          %add3A_307 = arith.addi %squeeze3A_98, %add3A_306 : i32
          %get3A_308 = arith.index_cast %add3A_307 : i32 to index
          %get3A_309 = tpu.vector_load %arg5[%get3A_308] {strides = array<i32>} : memref<16384xf32, #tpu.memory_space<vmem>>, vector<16xf32>,
          %add3A_310 = arith.constant 80 : i32
          %add3A_311 = arith.addi %squeeze3A_98, %add3A_310 : i32
          %get3A_312 = arith.index_cast %add3A_311 : i32 to index
          %get3A_313 = tpu.vector_load %arg5[%get3A_312] {strides = array<i32>} : memref<16384xf32, #tpu.memory_space<vmem>>, vector<16xf32>,
          %add3A_314 = arith.constant 96 : i32
          %add3A_315 = arith.addi %squeeze3A_98, %add3A_314 : i32
          %get3A_316 = arith.index_cast %add3A_315 : i32 to index
          %get3A_317 = tpu.vector_load %arg5[%get3A_316] {strides = array<i32>} : memref<16384xf32, #tpu.memory_space<vmem>>, vector<16xf32>,
          %add3A_318 = arith.constant 112 : i32
          %add3A_319 = arith.addi %squeeze3A_98, %add3A_318 : i32
          %get3A_320 = arith.index_cast %add3A_319 : i32 to index
          %get3A_321 = tpu.vector_load %arg5[%get3A_320] {strides = array<i32>} : memref<16384xf32, #tpu.memory_space<vmem>>, vector<16xf32>,
          %add3A_322 = arith.constant 256 : i32
          %add3A_323 = arith.addi %mul3A_126, %add3A_322 : i32
          %add3A_324 = arith.constant 0 : i32
          %add3A_325 = arith.addi %add3A_323, %add3A_324 : i32
          %swap3A_326 = arith.index_cast %add3A_325 : i32 to index
          %swap3A_327 = tpu.vector_load %arg8[%swap3A_326] {strides = array<i32>} : memref<51200xf32, #tpu.memory_space<vmem>>, vector<16xf32>,
          tpu.vector_store %arg8[%swap3A_326], %get3A_227 {strides = array<i32>} : memref<51200xf32, #tpu.memory_space<vmem>>, vector<16xf32>,
          %add3A_328 = arith.constant 16 : i32
          %add3A_329 = arith.addi %add3A_323, %add3A_328 : i32
          %swap3A_330 = arith.index_cast %add3A_329 : i32 to index
          %swap3A_331 = tpu.vector_load %arg8[%swap3A_330] {strides = array<i32>} : memref<51200xf32, #tpu.memory_space<vmem>>, vector<16xf32>,
          tpu.vector_store %arg8[%swap3A_330], %get3A_231 {strides = array<i32>} : memref<51200xf32, #tpu.memory_space<vmem>>, vector<16xf32>,
          %add3A_332 = arith.constant 32 : i32
          %add3A_333 = arith.addi %add3A_323, %add3A_332 : i32
          %swap3A_334 = arith.index_cast %add3A_333 : i32 to index
          %swap3A_335 = tpu.vector_load %arg8[%swap3A_334] {strides = array<i32>} : memref<51200xf32, #tpu.memory_space<vmem>>, vector<16xf32>,
          tpu.vector_store %arg8[%swap3A_334], %get3A_235 {strides = array<i32>} : memref<51200xf32, #tpu.memory_space<vmem>>, vector<16xf32>,
          %add3A_336 = arith.constant 48 : i32
          %add3A_337 = arith.addi %add3A_323, %add3A_336 : i32
          %swap3A_338 = arith.index_cast %add3A_337 : i32 to index
          %swap3A_339 = tpu.vector_load %arg8[%swap3A_338] {strides = array<i32>} : memref<51200xf32, #tpu.memory_space<vmem>>, vector<16xf32>,
          tpu.vector_store %arg8[%swap3A_338], %get3A_239 {strides = array<i32>} : memref<51200xf32, #tpu.memory_space<vmem>>, vector<16xf32>,
          %add3A_340 = arith.constant 64 : i32
          %add3A_341 = arith.addi %add3A_323, %add3A_340 : i32
          %swap3A_342 = arith.index_cast %add3A_341 : i32 to index
          %swap3A_343 = tpu.vector_load %arg8[%swap3A_342] {strides = array<i32>} : memref<51200xf32, #tpu.memory_space<vmem>>, vector<16xf32>,
          tpu.vector_store %arg8[%swap3A_342], %get3A_243 {strides = array<i32>} : memref<51200xf32, #tpu.memory_space<vmem>>, vector<16xf32>,
          %add3A_344 = arith.constant 80 : i32
          %add3A_345 = arith.addi %add3A_323, %add3A_344 : i32
          %swap3A_346 = arith.index_cast %add3A_345 : i32 to index
          %swap3A_347 = tpu.vector_load %arg8[%swap3A_346] {strides = array<i32>} : memref<51200xf32, #tpu.memory_space<vmem>>, vector<16xf32>,
          tpu.vector_store %arg8[%swap3A_346], %get3A_247 {strides = array<i32>} : memref<51200xf32, #tpu.memory_space<vmem>>, vector<16xf32>,
          %add3A_348 = arith.constant 96 : i32
          %add3A_349 = arith.addi %add3A_323, %add3A_348 : i32
          %swap3A_350 = arith.index_cast %add3A_349 : i32 to index
          %swap3A_351 = tpu.vector_load %arg8[%swap3A_350] {strides = array<i32>} : memref<51200xf32, #tpu.memory_space<vmem>>, vector<16xf32>,
          tpu.vector_store %arg8[%swap3A_350], %get3A_251 {strides = array<i32>} : memref<51200xf32, #tpu.memory_space<vmem>>, vector<16xf32>,
          %add3A_352 = arith.constant 112 : i32
          %add3A_353 = arith.addi %add3A_323, %add3A_352 : i32
          %swap3A_354 = arith.index_cast %add3A_353 : i32 to index
          %swap3A_355 = tpu.vector_load %arg8[%swap3A_354] {strides = array<i32>} : memref<51200xf32, #tpu.memory_space<vmem>>, vector<16xf32>,
          tpu.vector_store %arg8[%swap3A_354], %get3A_255 {strides = array<i32>} : memref<51200xf32, #tpu.memory_space<vmem>>, vector<16xf32>,
          %add3A_356 = arith.constant 0 : i32
          %add3A_357 = arith.addi %squeeze3A_100, %add3A_356 : i32
          %get3A_358 = arith.index_cast %add3A_357 : i32 to index
          %get3A_359 = tpu.vector_load %arg5[%get3A_358] {strides = array<i32>} : memref<16384xf32, #tpu.memory_space<vmem>>, vector<16xf32>,
          %add3A_360 = arith.constant 16 : i32
          %add3A_361 = arith.addi %squeeze3A_100, %add3A_360 : i32
          %get3A_362 = arith.index_cast %add3A_361 : i32 to index
          %get3A_363 = tpu.vector_load %arg5[%get3A_362] {strides = array<i32>} : memref<16384xf32, #tpu.memory_space<vmem>>, vector<16xf32>,
          %add3A_364 = arith.constant 32 : i32
          %add3A_365 = arith.addi %squeeze3A_100, %add3A_364 : i32
          %get3A_366 = arith.index_cast %add3A_365 : i32 to index
          %get3A_367 = tpu.vector_load %arg5[%get3A_366] {strides = array<i32>} : memref<16384xf32, #tpu.memory_space<vmem>>, vector<16xf32>,
          %add3A_368 = arith.constant 48 : i32
          %add3A_369 = arith.addi %squeeze3A_100, %add3A_368 : i32
          %get3A_370 = arith.index_cast %add3A_369 : i32 to index
          %get3A_371 = tpu.vector_load %arg5[%get3A_370] {strides = array<i32>} : memref<16384xf32, #tpu.memory_space<vmem>>, vector<16xf32>,
          %add3A_372 = arith.constant 64 : i32
          %add3A_373 = arith.addi %squeeze3A_100, %add3A_372 : i32
          %get3A_374 = arith.index_cast %add3A_373 : i32 to index
          %get3A_375 = tpu.vector_load %arg5[%get3A_374] {strides = array<i32>} : memref<16384xf32, #tpu.memory_space<vmem>>, vector<16xf32>,
          %add3A_376 = arith.constant 80 : i32
          %add3A_377 = arith.addi %squeeze3A_100, %add3A_376 : i32
          %get3A_378 = arith.index_cast %add3A_377 : i32 to index
          %get3A_379 = tpu.vector_load %arg5[%get3A_378] {strides = array<i32>} : memref<16384xf32, #tpu.memory_space<vmem>>, vector<16xf32>,
          %add3A_380 = arith.constant 96 : i32
          %add3A_381 = arith.addi %squeeze3A_100, %add3A_380 : i32
          %get3A_382 = arith.index_cast %add3A_381 : i32 to index
          %get3A_383 = tpu.vector_load %arg5[%get3A_382] {strides = array<i32>} : memref<16384xf32, #tpu.memory_space<vmem>>, vector<16xf32>,
          %add3A_384 = arith.constant 112 : i32
          %add3A_385 = arith.addi %squeeze3A_100, %add3A_384 : i32
          %get3A_386 = arith.index_cast %add3A_385 : i32 to index
          %get3A_387 = tpu.vector_load %arg5[%get3A_386] {strides = array<i32>} : memref<16384xf32, #tpu.memory_space<vmem>>, vector<16xf32>,
          %add3A_388 = arith.constant 384 : i32
          %add3A_389 = arith.addi %mul3A_126, %add3A_388 : i32
          %add3A_390 = arith.constant 0 : i32
          %add3A_391 = arith.addi %add3A_389, %add3A_390 : i32
          %swap3A_392 = arith.index_cast %add3A_391 : i32 to index
          %swap3A_393 = tpu.vector_load %arg8[%swap3A_392] {strides = array<i32>} : memref<51200xf32, #tpu.memory_space<vmem>>, vector<16xf32>,
          tpu.vector_store %arg8[%swap3A_392], %get3A_293 {strides = array<i32>} : memref<51200xf32, #tpu.memory_space<vmem>>, vector<16xf32>,
          %add3A_394 = arith.constant 16 : i32
          %add3A_395 = arith.addi %add3A_389, %add3A_394 : i32
          %swap3A_396 = arith.index_cast %add3A_395 : i32 to index
          %swap3A_397 = tpu.vector_load %arg8[%swap3A_396] {strides = array<i32>} : memref<51200xf32, #tpu.memory_space<vmem>>, vector<16xf32>,
          tpu.vector_store %arg8[%swap3A_396], %get3A_297 {strides = array<i32>} : memref<51200xf32, #tpu.memory_space<vmem>>, vector<16xf32>,
          %add3A_398 = arith.constant 32 : i32
          %add3A_399 = arith.addi %add3A_389, %add3A_398 : i32
          %swap3A_400 = arith.index_cast %add3A_399 : i32 to index
          %swap3A_401 = tpu.vector_load %arg8[%swap3A_400] {strides = array<i32>} : memref<51200xf32, #tpu.memory_space<vmem>>, vector<16xf32>,
          tpu.vector_store %arg8[%swap3A_400], %get3A_301 {strides = array<i32>} : memref<51200xf32, #tpu.memory_space<vmem>>, vector<16xf32>,
          %add3A_402 = arith.constant 48 : i32
          %add3A_403 = arith.addi %add3A_389, %add3A_402 : i32
          %swap3A_404 = arith.index_cast %add3A_403 : i32 to index
          %swap3A_405 = tpu.vector_load %arg8[%swap3A_404] {strides = array<i32>} : memref<51200xf32, #tpu.memory_space<vmem>>, vector<16xf32>,
          tpu.vector_store %arg8[%swap3A_404], %get3A_305 {strides = array<i32>} : memref<51200xf32, #tpu.memory_space<vmem>>, vector<16xf32>,
          %add3A_406 = arith.constant 64 : i32
          %add3A_407 = arith.addi %add3A_389, %add3A_406 : i32
          %swap3A_408 = arith.index_cast %add3A_407 : i32 to index
          %swap3A_409 = tpu.vector_load %arg8[%swap3A_408] {strides = array<i32>} : memref<51200xf32, #tpu.memory_space<vmem>>, vector<16xf32>,
          tpu.vector_store %arg8[%swap3A_408], %get3A_309 {strides = array<i32>} : memref<51200xf32, #tpu.memory_space<vmem>>, vector<16xf32>,
          %add3A_410 = arith.constant 80 : i32
          %add3A_411 = arith.addi %add3A_389, %add3A_410 : i32
          %swap3A_412 = arith.index_cast %add3A_411 : i32 to index
          %swap3A_413 = tpu.vector_load %arg8[%swap3A_412] {strides = array<i32>} : memref<51200xf32, #tpu.memory_space<vmem>>, vector<16xf32>,
          tpu.vector_store %arg8[%swap3A_412], %get3A_313 {strides = array<i32>} : memref<51200xf32, #tpu.memory_space<vmem>>, vector<16xf32>,
          %add3A_414 = arith.constant 96 : i32
          %add3A_415 = arith.addi %add3A_389, %add3A_414 : i32
          %swap3A_416 = arith.index_cast %add3A_415 : i32 to index
          %swap3A_417 = tpu.vector_load %arg8[%swap3A_416] {strides = array<i32>} : memref<51200xf32, #tpu.memory_space<vmem>>, vector<16xf32>,
          tpu.vector_store %arg8[%swap3A_416], %get3A_317 {strides = array<i32>} : memref<51200xf32, #tpu.memory_space<vmem>>, vector<16xf32>,
          %add3A_418 = arith.constant 112 : i32
          %add3A_419 = arith.addi %add3A_389, %add3A_418 : i32
          %swap3A_420 = arith.index_cast %add3A_419 : i32 to index
          %swap3A_421 = tpu.vector_load %arg8[%swap3A_420] {strides = array<i32>} : memref<51200xf32, #tpu.memory_space<vmem>>, vector<16xf32>,
          tpu.vector_store %arg8[%swap3A_420], %get3A_321 {strides = array<i32>} : memref<51200xf32, #tpu.memory_space<vmem>>, vector<16xf32>,
          %add3A_422 = arith.constant 0 : i32
          %add3A_423 = arith.addi %squeeze3A_102, %add3A_422 : i32
          %get3A_424 = arith.index_cast %add3A_423 : i32 to index
          %get3A_425 = tpu.vector_load %arg5[%get3A_424] {strides = array<i32>} : memref<16384xf32, #tpu.memory_space<vmem>>, vector<16xf32>,
          %add3A_426 = arith.constant 16 : i32
          %add3A_427 = arith.addi %squeeze3A_102, %add3A_426 : i32
          %get3A_428 = arith.index_cast %add3A_427 : i32 to index
          %get3A_429 = tpu.vector_load %arg5[%get3A_428] {strides = array<i32>} : memref<16384xf32, #tpu.memory_space<vmem>>, vector<16xf32>,
          %add3A_430 = arith.constant 32 : i32
          %add3A_431 = arith.addi %squeeze3A_102, %add3A_430 : i32
          %get3A_432 = arith.index_cast %add3A_431 : i32 to index
          %get3A_433 = tpu.vector_load %arg5[%get3A_432] {strides = array<i32>} : memref<16384xf32, #tpu.memory_space<vmem>>, vector<16xf32>,
          %add3A_434 = arith.constant 48 : i32
          %add3A_435 = arith.addi %squeeze3A_102, %add3A_434 : i32
          %get3A_436 = arith.index_cast %add3A_435 : i32 to index
          %get3A_437 = tpu.vector_load %arg5[%get3A_436] {strides = array<i32>} : memref<16384xf32, #tpu.memory_space<vmem>>, vector<16xf32>,
          %add3A_438 = arith.constant 64 : i32
          %add3A_439 = arith.addi %squeeze3A_102, %add3A_438 : i32
          %get3A_440 = arith.index_cast %add3A_439 : i32 to index
          %get3A_441 = tpu.vector_load %arg5[%get3A_440] {strides = array<i32>} : memref<16384xf32, #tpu.memory_space<vmem>>, vector<16xf32>,
          %add3A_442 = arith.constant 80 : i32
          %add3A_443 = arith.addi %squeeze3A_102, %add3A_442 : i32
          %get3A_444 = arith.index_cast %add3A_443 : i32 to index
          %get3A_445 = tpu.vector_load %arg5[%get3A_444] {strides = array<i32>} : memref<16384xf32, #tpu.memory_space<vmem>>, vector<16xf32>,
          %add3A_446 = arith.constant 96 : i32
          %add3A_447 = arith.addi %squeeze3A_102, %add3A_446 : i32
          %get3A_448 = arith.index_cast %add3A_447 : i32 to index
          %get3A_449 = tpu.vector_load %arg5[%get3A_448] {strides = array<i32>} : memref<16384xf32, #tpu.memory_space<vmem>>, vector<16xf32>,
          %add3A_450 = arith.constant 112 : i32
          %add3A_451 = arith.addi %squeeze3A_102, %add3A_450 : i32
          %get3A_452 = arith.index_cast %add3A_451 : i32 to index
          %get3A_453 = tpu.vector_load %arg5[%get3A_452] {strides = array<i32>} : memref<16384xf32, #tpu.memory_space<vmem>>, vector<16xf32>,
          %add3A_454 = arith.constant 512 : i32
          %add3A_455 = arith.addi %mul3A_126, %add3A_454 : i32
          %add3A_456 = arith.constant 0 : i32
          %add3A_457 = arith.addi %add3A_455, %add3A_456 : i32
          %swap3A_458 = arith.index_cast %add3A_457 : i32 to index
          %swap3A_459 = tpu.vector_load %arg8[%swap3A_458] {strides = array<i32>} : memref<51200xf32, #tpu.memory_space<vmem>>, vector<16xf32>,
          tpu.vector_store %arg8[%swap3A_458], %get3A_359 {strides = array<i32>} : memref<51200xf32, #tpu.memory_space<vmem>>, vector<16xf32>,
          %add3A_460 = arith.constant 16 : i32
          %add3A_461 = arith.addi %add3A_455, %add3A_460 : i32
          %swap3A_462 = arith.index_cast %add3A_461 : i32 to index
          %swap3A_463 = tpu.vector_load %arg8[%swap3A_462] {strides = array<i32>} : memref<51200xf32, #tpu.memory_space<vmem>>, vector<16xf32>,
          tpu.vector_store %arg8[%swap3A_462], %get3A_363 {strides = array<i32>} : memref<51200xf32, #tpu.memory_space<vmem>>, vector<16xf32>,
          %add3A_464 = arith.constant 32 : i32
          %add3A_465 = arith.addi %add3A_455, %add3A_464 : i32
          %swap3A_466 = arith.index_cast %add3A_465 : i32 to index
          %swap3A_467 = tpu.vector_load %arg8[%swap3A_466] {strides = array<i32>} : memref<51200xf32, #tpu.memory_space<vmem>>, vector<16xf32>,
          tpu.vector_store %arg8[%swap3A_466], %get3A_367 {strides = array<i32>} : memref<51200xf32, #tpu.memory_space<vmem>>, vector<16xf32>,
          %add3A_468 = arith.constant 48 : i32
          %add3A_469 = arith.addi %add3A_455, %add3A_468 : i32
          %swap3A_470 = arith.index_cast %add3A_469 : i32 to index
          %swap3A_471 = tpu.vector_load %arg8[%swap3A_470] {strides = array<i32>} : memref<51200xf32, #tpu.memory_space<vmem>>, vector<16xf32>,
          tpu.vector_store %arg8[%swap3A_470], %get3A_371 {strides = array<i32>} : memref<51200xf32, #tpu.memory_space<vmem>>, vector<16xf32>,
          %add3A_472 = arith.constant 64 : i32
          %add3A_473 = arith.addi %add3A_455, %add3A_472 : i32
          %swap3A_474 = arith.index_cast %add3A_473 : i32 to index
          %swap3A_475 = tpu.vector_load %arg8[%swap3A_474] {strides = array<i32>} : memref<51200xf32, #tpu.memory_space<vmem>>, vector<16xf32>,
          tpu.vector_store %arg8[%swap3A_474], %get3A_375 {strides = array<i32>} : memref<51200xf32, #tpu.memory_space<vmem>>, vector<16xf32>,
          %add3A_476 = arith.constant 80 : i32
          %add3A_477 = arith.addi %add3A_455, %add3A_476 : i32
          %swap3A_478 = arith.index_cast %add3A_477 : i32 to index
          %swap3A_479 = tpu.vector_load %arg8[%swap3A_478] {strides = array<i32>} : memref<51200xf32, #tpu.memory_space<vmem>>, vector<16xf32>,
          tpu.vector_store %arg8[%swap3A_478], %get3A_379 {strides = array<i32>} : memref<51200xf32, #tpu.memory_space<vmem>>, vector<16xf32>,
          %add3A_480 = arith.constant 96 : i32
          %add3A_481 = arith.addi %add3A_455, %add3A_480 : i32
          %swap3A_482 = arith.index_cast %add3A_481 : i32 to index
          %swap3A_483 = tpu.vector_load %arg8[%swap3A_482] {strides = array<i32>} : memref<51200xf32, #tpu.memory_space<vmem>>, vector<16xf32>,
          tpu.vector_store %arg8[%swap3A_482], %get3A_383 {strides = array<i32>} : memref<51200xf32, #tpu.memory_space<vmem>>, vector<16xf32>,
          %add3A_484 = arith.constant 112 : i32
          %add3A_485 = arith.addi %add3A_455, %add3A_484 : i32
          %swap3A_486 = arith.index_cast %add3A_485 : i32 to index
          %swap3A_487 = tpu.vector_load %arg8[%swap3A_486] {strides = array<i32>} : memref<51200xf32, #tpu.memory_space<vmem>>, vector<16xf32>,
          tpu.vector_store %arg8[%swap3A_486], %get3A_387 {strides = array<i32>} : memref<51200xf32, #tpu.memory_space<vmem>>, vector<16xf32>,
          %add3A_488 = arith.constant 0 : i32
          %add3A_489 = arith.addi %squeeze3A_104, %add3A_488 : i32
          %get3A_490 = arith.index_cast %add3A_489 : i32 to index
          %get3A_491 = tpu.vector_load %arg5[%get3A_490] {strides = array<i32>} : memref<16384xf32, #tpu.memory_space<vmem>>, vector<16xf32>,
          %add3A_492 = arith.constant 16 : i32
          %add3A_493 = arith.addi %squeeze3A_104, %add3A_492 : i32
          %get3A_494 = arith.index_cast %add3A_493 : i32 to index
          %get3A_495 = tpu.vector_load %arg5[%get3A_494] {strides = array<i32>} : memref<16384xf32, #tpu.memory_space<vmem>>, vector<16xf32>,
          %add3A_496 = arith.constant 32 : i32
          %add3A_497 = arith.addi %squeeze3A_104, %add3A_496 : i32
          %get3A_498 = arith.index_cast %add3A_497 : i32 to index
          %get3A_499 = tpu.vector_load %arg5[%get3A_498] {strides = array<i32>} : memref<16384xf32, #tpu.memory_space<vmem>>, vector<16xf32>,
          %add3A_500 = arith.constant 48 : i32
          %add3A_501 = arith.addi %squeeze3A_104, %add3A_500 : i32
          %get3A_502 = arith.index_cast %add3A_501 : i32 to index
          %get3A_503 = tpu.vector_load %arg5[%get3A_502] {strides = array<i32>} : memref<16384xf32, #tpu.memory_space<vmem>>, vector<16xf32>,
          %add3A_504 = arith.constant 64 : i32
          %add3A_505 = arith.addi %squeeze3A_104, %add3A_504 : i32
          %get3A_506 = arith.index_cast %add3A_505 : i32 to index
          %get3A_507 = tpu.vector_load %arg5[%get3A_506] {strides = array<i32>} : memref<16384xf32, #tpu.memory_space<vmem>>, vector<16xf32>,
          %add3A_508 = arith.constant 80 : i32
          %add3A_509 = arith.addi %squeeze3A_104, %add3A_508 : i32
          %get3A_510 = arith.index_cast %add3A_509 : i32 to index
          %get3A_511 = tpu.vector_load %arg5[%get3A_510] {strides = array<i32>} : memref<16384xf32, #tpu.memory_space<vmem>>, vector<16xf32>,
          %add3A_512 = arith.constant 96 : i32
          %add3A_513 = arith.addi %squeeze3A_104, %add3A_512 : i32
          %get3A_514 = arith.index_cast %add3A_513 : i32 to index
          %get3A_515 = tpu.vector_load %arg5[%get3A_514] {strides = array<i32>} : memref<16384xf32, #tpu.memory_space<vmem>>, vector<16xf32>,
          %add3A_516 = arith.constant 112 : i32
          %add3A_517 = arith.addi %squeeze3A_104, %add3A_516 : i32
          %get3A_518 = arith.index_cast %add3A_517 : i32 to index
          %get3A_519 = tpu.vector_load %arg5[%get3A_518] {strides = array<i32>} : memref<16384xf32, #tpu.memory_space<vmem>>, vector<16xf32>,
          %add3A_520 = arith.constant 640 : i32
          %add3A_521 = arith.addi %mul3A_126, %add3A_520 : i32
          %add3A_522 = arith.constant 0 : i32
          %add3A_523 = arith.addi %add3A_521, %add3A_522 : i32
          %swap3A_524 = arith.index_cast %add3A_523 : i32 to index
          %swap3A_525 = tpu.vector_load %arg8[%swap3A_524] {strides = array<i32>} : memref<51200xf32, #tpu.memory_space<vmem>>, vector<16xf32>,
          tpu.vector_store %arg8[%swap3A_524], %get3A_425 {strides = array<i32>} : memref<51200xf32, #tpu.memory_space<vmem>>, vector<16xf32>,
          %add3A_526 = arith.constant 16 : i32
          %add3A_527 = arith.addi %add3A_521, %add3A_526 : i32
          %swap3A_528 = arith.index_cast %add3A_527 : i32 to index
          %swap3A_529 = tpu.vector_load %arg8[%swap3A_528] {strides = array<i32>} : memref<51200xf32, #tpu.memory_space<vmem>>, vector<16xf32>,
          tpu.vector_store %arg8[%swap3A_528], %get3A_429 {strides = array<i32>} : memref<51200xf32, #tpu.memory_space<vmem>>, vector<16xf32>,
          %add3A_530 = arith.constant 32 : i32
          %add3A_531 = arith.addi %add3A_521, %add3A_530 : i32
          %swap3A_532 = arith.index_cast %add3A_531 : i32 to index
          %swap3A_533 = tpu.vector_load %arg8[%swap3A_532] {strides = array<i32>} : memref<51200xf32, #tpu.memory_space<vmem>>, vector<16xf32>,
          tpu.vector_store %arg8[%swap3A_532], %get3A_433 {strides = array<i32>} : memref<51200xf32, #tpu.memory_space<vmem>>, vector<16xf32>,
          %add3A_534 = arith.constant 48 : i32
          %add3A_535 = arith.addi %add3A_521, %add3A_534 : i32
          %swap3A_536 = arith.index_cast %add3A_535 : i32 to index
          %swap3A_537 = tpu.vector_load %arg8[%swap3A_536] {strides = array<i32>} : memref<51200xf32, #tpu.memory_space<vmem>>, vector<16xf32>,
          tpu.vector_store %arg8[%swap3A_536], %get3A_437 {strides = array<i32>} : memref<51200xf32, #tpu.memory_space<vmem>>, vector<16xf32>,
          %add3A_538 = arith.constant 64 : i32
          %add3A_539 = arith.addi %add3A_521, %add3A_538 : i32
          %swap3A_540 = arith.index_cast %add3A_539 : i32 to index
          %swap3A_541 = tpu.vector_load %arg8[%swap3A_540] {strides = array<i32>} : memref<51200xf32, #tpu.memory_space<vmem>>, vector<16xf32>,
          tpu.vector_store %arg8[%swap3A_540], %get3A_441 {strides = array<i32>} : memref<51200xf32, #tpu.memory_space<vmem>>, vector<16xf32>,
          %add3A_542 = arith.constant 80 : i32
          %add3A_543 = arith.addi %add3A_521, %add3A_542 : i32
          %swap3A_544 = arith.index_cast %add3A_543 : i32 to index
          %swap3A_545 = tpu.vector_load %arg8[%swap3A_544] {strides = array<i32>} : memref<51200xf32, #tpu.memory_space<vmem>>, vector<16xf32>,
          tpu.vector_store %arg8[%swap3A_544], %get3A_445 {strides = array<i32>} : memref<51200xf32, #tpu.memory_space<vmem>>, vector<16xf32>,
          %add3A_546 = arith.constant 96 : i32
          %add3A_547 = arith.addi %add3A_521, %add3A_546 : i32
          %swap3A_548 = arith.index_cast %add3A_547 : i32 to index
          %swap3A_549 = tpu.vector_load %arg8[%swap3A_548] {strides = array<i32>} : memref<51200xf32, #tpu.memory_space<vmem>>, vector<16xf32>,
          tpu.vector_store %arg8[%swap3A_548], %get3A_449 {strides = array<i32>} : memref<51200xf32, #tpu.memory_space<vmem>>, vector<16xf32>,
          %add3A_550 = arith.constant 112 : i32
          %add3A_551 = arith.addi %add3A_521, %add3A_550 : i32
          %swap3A_552 = arith.index_cast %add3A_551 : i32 to index
          %swap3A_553 = tpu.vector_load %arg8[%swap3A_552] {strides = array<i32>} : memref<51200xf32, #tpu.memory_space<vmem>>, vector<16xf32>,
          tpu.vector_store %arg8[%swap3A_552], %get3A_453 {strides = array<i32>} : memref<51200xf32, #tpu.memory_space<vmem>>, vector<16xf32>,
          %add3A_554 = arith.constant 0 : i32
          %add3A_555 = arith.addi %squeeze3A_106, %add3A_554 : i32
          %get3A_556 = arith.index_cast %add3A_555 : i32 to index
          %get3A_557 = tpu.vector_load %arg5[%get3A_556] {strides = array<i32>} : memref<16384xf32, #tpu.memory_space<vmem>>, vector<16xf32>,
          %add3A_558 = arith.constant 16 : i32
          %add3A_559 = arith.addi %squeeze3A_106, %add3A_558 : i32
          %get3A_560 = arith.index_cast %add3A_559 : i32 to index
          %get3A_561 = tpu.vector_load %arg5[%get3A_560] {strides = array<i32>} : memref<16384xf32, #tpu.memory_space<vmem>>, vector<16xf32>,
          %add3A_562 = arith.constant 32 : i32
          %add3A_563 = arith.addi %squeeze3A_106, %add3A_562 : i32
          %get3A_564 = arith.index_cast %add3A_563 : i32 to index
          %get3A_565 = tpu.vector_load %arg5[%get3A_564] {strides = array<i32>} : memref<16384xf32, #tpu.memory_space<vmem>>, vector<16xf32>,
          %add3A_566 = arith.constant 48 : i32
          %add3A_567 = arith.addi %squeeze3A_106, %add3A_566 : i32
          %get3A_568 = arith.index_cast %add3A_567 : i32 to index
          %get3A_569 = tpu.vector_load %arg5[%get3A_568] {strides = array<i32>} : memref<16384xf32, #tpu.memory_space<vmem>>, vector<16xf32>,
          %add3A_570 = arith.constant 64 : i32
          %add3A_571 = arith.addi %squeeze3A_106, %add3A_570 : i32
          %get3A_572 = arith.index_cast %add3A_571 : i32 to index
          %get3A_573 = tpu.vector_load %arg5[%get3A_572] {strides = array<i32>} : memref<16384xf32, #tpu.memory_space<vmem>>, vector<16xf32>,
          %add3A_574 = arith.constant 80 : i32
          %add3A_575 = arith.addi %squeeze3A_106, %add3A_574 : i32
          %get3A_576 = arith.index_cast %add3A_575 : i32 to index
          %get3A_577 = tpu.vector_load %arg5[%get3A_576] {strides = array<i32>} : memref<16384xf32, #tpu.memory_space<vmem>>, vector<16xf32>,
          %add3A_578 = arith.constant 96 : i32
          %add3A_579 = arith.addi %squeeze3A_106, %add3A_578 : i32
          %get3A_580 = arith.index_cast %add3A_579 : i32 to index
          %get3A_581 = tpu.vector_load %arg5[%get3A_580] {strides = array<i32>} : memref<16384xf32, #tpu.memory_space<vmem>>, vector<16xf32>,
          %add3A_582 = arith.constant 112 : i32
          %add3A_583 = arith.addi %squeeze3A_106, %add3A_582 : i32
          %get3A_584 = arith.index_cast %add3A_583 : i32 to index
          %get3A_585 = tpu.vector_load %arg5[%get3A_584] {strides = array<i32>} : memref<16384xf32, #tpu.memory_space<vmem>>, vector<16xf32>,
          %add3A_586 = arith.constant 768 : i32
          %add3A_587 = arith.addi %mul3A_126, %add3A_586 : i32
          %add3A_588 = arith.constant 0 : i32
          %add3A_589 = arith.addi %add3A_587, %add3A_588 : i32
          %swap3A_590 = arith.index_cast %add3A_589 : i32 to index
          %swap3A_591 = tpu.vector_load %arg8[%swap3A_590] {strides = array<i32>} : memref<51200xf32, #tpu.memory_space<vmem>>, vector<16xf32>,
          tpu.vector_store %arg8[%swap3A_590], %get3A_491 {strides = array<i32>} : memref<51200xf32, #tpu.memory_space<vmem>>, vector<16xf32>,
          %add3A_592 = arith.constant 16 : i32
          %add3A_593 = arith.addi %add3A_587, %add3A_592 : i32
          %swap3A_594 = arith.index_cast %add3A_593 : i32 to index
          %swap3A_595 = tpu.vector_load %arg8[%swap3A_594] {strides = array<i32>} : memref<51200xf32, #tpu.memory_space<vmem>>, vector<16xf32>,
          tpu.vector_store %arg8[%swap3A_594], %get3A_495 {strides = array<i32>} : memref<51200xf32, #tpu.memory_space<vmem>>, vector<16xf32>,
          %add3A_596 = arith.constant 32 : i32
          %add3A_597 = arith.addi %add3A_587, %add3A_596 : i32
          %swap3A_598 = arith.index_cast %add3A_597 : i32 to index
          %swap3A_599 = tpu.vector_load %arg8[%swap3A_598] {strides = array<i32>} : memref<51200xf32, #tpu.memory_space<vmem>>, vector<16xf32>,
          tpu.vector_store %arg8[%swap3A_598], %get3A_499 {strides = array<i32>} : memref<51200xf32, #tpu.memory_space<vmem>>, vector<16xf32>,
          %add3A_600 = arith.constant 48 : i32
          %add3A_601 = arith.addi %add3A_587, %add3A_600 : i32
          %swap3A_602 = arith.index_cast %add3A_601 : i32 to index
          %swap3A_603 = tpu.vector_load %arg8[%swap3A_602] {strides = array<i32>} : memref<51200xf32, #tpu.memory_space<vmem>>, vector<16xf32>,
          tpu.vector_store %arg8[%swap3A_602], %get3A_503 {strides = array<i32>} : memref<51200xf32, #tpu.memory_space<vmem>>, vector<16xf32>,
          %add3A_604 = arith.constant 64 : i32
          %add3A_605 = arith.addi %add3A_587, %add3A_604 : i32
          %swap3A_606 = arith.index_cast %add3A_605 : i32 to index
          %swap3A_607 = tpu.vector_load %arg8[%swap3A_606] {strides = array<i32>} : memref<51200xf32, #tpu.memory_space<vmem>>, vector<16xf32>,
          tpu.vector_store %arg8[%swap3A_606], %get3A_507 {strides = array<i32>} : memref<51200xf32, #tpu.memory_space<vmem>>, vector<16xf32>,
          %add3A_608 = arith.constant 80 : i32
          %add3A_609 = arith.addi %add3A_587, %add3A_608 : i32
          %swap3A_610 = arith.index_cast %add3A_609 : i32 to index
          %swap3A_611 = tpu.vector_load %arg8[%swap3A_610] {strides = array<i32>} : memref<51200xf32, #tpu.memory_space<vmem>>, vector<16xf32>,
          tpu.vector_store %arg8[%swap3A_610], %get3A_511 {strides = array<i32>} : memref<51200xf32, #tpu.memory_space<vmem>>, vector<16xf32>,
          %add3A_612 = arith.constant 96 : i32
          %add3A_613 = arith.addi %add3A_587, %add3A_612 : i32
          %swap3A_614 = arith.index_cast %add3A_613 : i32 to index
          %swap3A_615 = tpu.vector_load %arg8[%swap3A_614] {strides = array<i32>} : memref<51200xf32, #tpu.memory_space<vmem>>, vector<16xf32>,
          tpu.vector_store %arg8[%swap3A_614], %get3A_515 {strides = array<i32>} : memref<51200xf32, #tpu.memory_space<vmem>>, vector<16xf32>,
          %add3A_616 = arith.constant 112 : i32
          %add3A_617 = arith.addi %add3A_587, %add3A_616 : i32
          %swap3A_618 = arith.index_cast %add3A_617 : i32 to index
          %swap3A_619 = tpu.vector_load %arg8[%swap3A_618] {strides = array<i32>} : memref<51200xf32, #tpu.memory_space<vmem>>, vector<16xf32>,
          tpu.vector_store %arg8[%swap3A_618], %get3A_519 {strides = array<i32>} : memref<51200xf32, #tpu.memory_space<vmem>>, vector<16xf32>,
          %add3A_620 = arith.constant 0 : i32
          %add3A_621 = arith.addi %squeeze3A_108, %add3A_620 : i32
          %get3A_622 = arith.index_cast %add3A_621 : i32 to index
          %get3A_623 = tpu.vector_load %arg5[%get3A_622] {strides = array<i32>} : memref<16384xf32, #tpu.memory_space<vmem>>, vector<16xf32>,
          %add3A_624 = arith.constant 16 : i32
          %add3A_625 = arith.addi %squeeze3A_108, %add3A_624 : i32
          %get3A_626 = arith.index_cast %add3A_625 : i32 to index
          %get3A_627 = tpu.vector_load %arg5[%get3A_626] {strides = array<i32>} : memref<16384xf32, #tpu.memory_space<vmem>>, vector<16xf32>,
          %add3A_628 = arith.constant 32 : i32
          %add3A_629 = arith.addi %squeeze3A_108, %add3A_628 : i32
          %get3A_630 = arith.index_cast %add3A_629 : i32 to index
          %get3A_631 = tpu.vector_load %arg5[%get3A_630] {strides = array<i32>} : memref<16384xf32, #tpu.memory_space<vmem>>, vector<16xf32>,
          %add3A_632 = arith.constant 48 : i32
          %add3A_633 = arith.addi %squeeze3A_108, %add3A_632 : i32
          %get3A_634 = arith.index_cast %add3A_633 : i32 to index
          %get3A_635 = tpu.vector_load %arg5[%get3A_634] {strides = array<i32>} : memref<16384xf32, #tpu.memory_space<vmem>>, vector<16xf32>,
          %add3A_636 = arith.constant 64 : i32
          %add3A_637 = arith.addi %squeeze3A_108, %add3A_636 : i32
          %get3A_638 = arith.index_cast %add3A_637 : i32 to index
          %get3A_639 = tpu.vector_load %arg5[%get3A_638] {strides = array<i32>} : memref<16384xf32, #tpu.memory_space<vmem>>, vector<16xf32>,
          %add3A_640 = arith.constant 80 : i32
          %add3A_641 = arith.addi %squeeze3A_108, %add3A_640 : i32
          %get3A_642 = arith.index_cast %add3A_641 : i32 to index
          %get3A_643 = tpu.vector_load %arg5[%get3A_642] {strides = array<i32>} : memref<16384xf32, #tpu.memory_space<vmem>>, vector<16xf32>,
          %add3A_644 = arith.constant 96 : i32
          %add3A_645 = arith.addi %squeeze3A_108, %add3A_644 : i32
          %get3A_646 = arith.index_cast %add3A_645 : i32 to index
          %get3A_647 = tpu.vector_load %arg5[%get3A_646] {strides = array<i32>} : memref<16384xf32, #tpu.memory_space<vmem>>, vector<16xf32>,
          %add3A_648 = arith.constant 112 : i32
          %add3A_649 = arith.addi %squeeze3A_108, %add3A_648 : i32
          %get3A_650 = arith.index_cast %add3A_649 : i32 to index
          %get3A_651 = tpu.vector_load %arg5[%get3A_650] {strides = array<i32>} : memref<16384xf32, #tpu.memory_space<vmem>>, vector<16xf32>,
          %add3A_652 = arith.constant 896 : i32
          %add3A_653 = arith.addi %mul3A_126, %add3A_652 : i32
          %add3A_654 = arith.constant 0 : i32
          %add3A_655 = arith.addi %add3A_653, %add3A_654 : i32
          %swap3A_656 = arith.index_cast %add3A_655 : i32 to index
          %swap3A_657 = tpu.vector_load %arg8[%swap3A_656] {strides = array<i32>} : memref<51200xf32, #tpu.memory_space<vmem>>, vector<16xf32>,
          tpu.vector_store %arg8[%swap3A_656], %get3A_557 {strides = array<i32>} : memref<51200xf32, #tpu.memory_space<vmem>>, vector<16xf32>,
          %add3A_658 = arith.constant 16 : i32
          %add3A_659 = arith.addi %add3A_653, %add3A_658 : i32
          %swap3A_660 = arith.index_cast %add3A_659 : i32 to index
          %swap3A_661 = tpu.vector_load %arg8[%swap3A_660] {strides = array<i32>} : memref<51200xf32, #tpu.memory_space<vmem>>, vector<16xf32>,
          tpu.vector_store %arg8[%swap3A_660], %get3A_561 {strides = array<i32>} : memref<51200xf32, #tpu.memory_space<vmem>>, vector<16xf32>,
          %add3A_662 = arith.constant 32 : i32
          %add3A_663 = arith.addi %add3A_653, %add3A_662 : i32
          %swap3A_664 = arith.index_cast %add3A_663 : i32 to index
          %swap3A_665 = tpu.vector_load %arg8[%swap3A_664] {strides = array<i32>} : memref<51200xf32, #tpu.memory_space<vmem>>, vector<16xf32>,
          tpu.vector_store %arg8[%swap3A_664], %get3A_565 {strides = array<i32>} : memref<51200xf32, #tpu.memory_space<vmem>>, vector<16xf32>,
          %add3A_666 = arith.constant 48 : i32
          %add3A_667 = arith.addi %add3A_653, %add3A_666 : i32
          %swap3A_668 = arith.index_cast %add3A_667 : i32 to index
          %swap3A_669 = tpu.vector_load %arg8[%swap3A_668] {strides = array<i32>} : memref<51200xf32, #tpu.memory_space<vmem>>, vector<16xf32>,
          tpu.vector_store %arg8[%swap3A_668], %get3A_569 {strides = array<i32>} : memref<51200xf32, #tpu.memory_space<vmem>>, vector<16xf32>,
          %add3A_670 = arith.constant 64 : i32
          %add3A_671 = arith.addi %add3A_653, %add3A_670 : i32
          %swap3A_672 = arith.index_cast %add3A_671 : i32 to index
          %swap3A_673 = tpu.vector_load %arg8[%swap3A_672] {strides = array<i32>} : memref<51200xf32, #tpu.memory_space<vmem>>, vector<16xf32>,
          tpu.vector_store %arg8[%swap3A_672], %get3A_573 {strides = array<i32>} : memref<51200xf32, #tpu.memory_space<vmem>>, vector<16xf32>,
          %add3A_674 = arith.constant 80 : i32
          %add3A_675 = arith.addi %add3A_653, %add3A_674 : i32
          %swap3A_676 = arith.index_cast %add3A_675 : i32 to index
          %swap3A_677 = tpu.vector_load %arg8[%swap3A_676] {strides = array<i32>} : memref<51200xf32, #tpu.memory_space<vmem>>, vector<16xf32>,
          tpu.vector_store %arg8[%swap3A_676], %get3A_577 {strides = array<i32>} : memref<51200xf32, #tpu.memory_space<vmem>>, vector<16xf32>,
          %add3A_678 = arith.constant 96 : i32
          %add3A_679 = arith.addi %add3A_653, %add3A_678 : i32
          %swap3A_680 = arith.index_cast %add3A_679 : i32 to index
          %swap3A_681 = tpu.vector_load %arg8[%swap3A_680] {strides = array<i32>} : memref<51200xf32, #tpu.memory_space<vmem>>, vector<16xf32>,
          tpu.vector_store %arg8[%swap3A_680], %get3A_581 {strides = array<i32>} : memref<51200xf32, #tpu.memory_space<vmem>>, vector<16xf32>,
          %add3A_682 = arith.constant 112 : i32
          %add3A_683 = arith.addi %add3A_653, %add3A_682 : i32
          %swap3A_684 = arith.index_cast %add3A_683 : i32 to index
          %swap3A_685 = tpu.vector_load %arg8[%swap3A_684] {strides = array<i32>} : memref<51200xf32, #tpu.memory_space<vmem>>, vector<16xf32>,
          tpu.vector_store %arg8[%swap3A_684], %get3A_585 {strides = array<i32>} : memref<51200xf32, #tpu.memory_space<vmem>>, vector<16xf32>,
          %add3A_686 = arith.constant 0 : i32
          %add3A_687 = arith.addi %squeeze3A_110, %add3A_686 : i32
          %get3A_688 = arith.index_cast %add3A_687 : i32 to index
          %get3A_689 = tpu.vector_load %arg5[%get3A_688] {strides = array<i32>} : memref<16384xf32, #tpu.memory_space<vmem>>, vector<16xf32>,
          %add3A_690 = arith.constant 16 : i32
          %add3A_691 = arith.addi %squeeze3A_110, %add3A_690 : i32
          %get3A_692 = arith.index_cast %add3A_691 : i32 to index
          %get3A_693 = tpu.vector_load %arg5[%get3A_692] {strides = array<i32>} : memref<16384xf32, #tpu.memory_space<vmem>>, vector<16xf32>,
          %add3A_694 = arith.constant 32 : i32
          %add3A_695 = arith.addi %squeeze3A_110, %add3A_694 : i32
          %get3A_696 = arith.index_cast %add3A_695 : i32 to index
          %get3A_697 = tpu.vector_load %arg5[%get3A_696] {strides = array<i32>} : memref<16384xf32, #tpu.memory_space<vmem>>, vector<16xf32>,
          %add3A_698 = arith.constant 48 : i32
          %add3A_699 = arith.addi %squeeze3A_110, %add3A_698 : i32
          %get3A_700 = arith.index_cast %add3A_699 : i32 to index
          %get3A_701 = tpu.vector_load %arg5[%get3A_700] {strides = array<i32>} : memref<16384xf32, #tpu.memory_space<vmem>>, vector<16xf32>,
          %add3A_702 = arith.constant 64 : i32
          %add3A_703 = arith.addi %squeeze3A_110, %add3A_702 : i32
          %get3A_704 = arith.index_cast %add3A_703 : i32 to index
          %get3A_705 = tpu.vector_load %arg5[%get3A_704] {strides = array<i32>} : memref<16384xf32, #tpu.memory_space<vmem>>, vector<16xf32>,
          %add3A_706 = arith.constant 80 : i32
          %add3A_707 = arith.addi %squeeze3A_110, %add3A_706 : i32
          %get3A_708 = arith.index_cast %add3A_707 : i32 to index
          %get3A_709 = tpu.vector_load %arg5[%get3A_708] {strides = array<i32>} : memref<16384xf32, #tpu.memory_space<vmem>>, vector<16xf32>,
          %add3A_710 = arith.constant 96 : i32
          %add3A_711 = arith.addi %squeeze3A_110, %add3A_710 : i32
          %get3A_712 = arith.index_cast %add3A_711 : i32 to index
          %get3A_713 = tpu.vector_load %arg5[%get3A_712] {strides = array<i32>} : memref<16384xf32, #tpu.memory_space<vmem>>, vector<16xf32>,
          %add3A_714 = arith.constant 112 : i32
          %add3A_715 = arith.addi %squeeze3A_110, %add3A_714 : i32
          %get3A_716 = arith.index_cast %add3A_715 : i32 to index
          %get3A_717 = tpu.vector_load %arg5[%get3A_716] {strides = array<i32>} : memref<16384xf32, #tpu.memory_space<vmem>>, vector<16xf32>,
          %add3A_718 = arith.constant 1024 : i32
          %add3A_719 = arith.addi %mul3A_126, %add3A_718 : i32
          %add3A_720 = arith.constant 0 : i32
          %add3A_721 = arith.addi %add3A_719, %add3A_720 : i32
          %swap3A_722 = arith.index_cast %add3A_721 : i32 to index
          %swap3A_723 = tpu.vector_load %arg8[%swap3A_722] {strides = array<i32>} : memref<51200xf32, #tpu.memory_space<vmem>>, vector<16xf32>,
          tpu.vector_store %arg8[%swap3A_722], %get3A_623 {strides = array<i32>} : memref<51200xf32, #tpu.memory_space<vmem>>, vector<16xf32>,
          %add3A_724 = arith.constant 16 : i32
          %add3A_725 = arith.addi %add3A_719, %add3A_724 : i32
          %swap3A_726 = arith.index_cast %add3A_725 : i32 to index
          %swap3A_727 = tpu.vector_load %arg8[%swap3A_726] {strides = array<i32>} : memref<51200xf32, #tpu.memory_space<vmem>>, vector<16xf32>,
          tpu.vector_store %arg8[%swap3A_726], %get3A_627 {strides = array<i32>} : memref<51200xf32, #tpu.memory_space<vmem>>, vector<16xf32>,
          %add3A_728 = arith.constant 32 : i32
          %add3A_729 = arith.addi %add3A_719, %add3A_728 : i32
          %swap3A_730 = arith.index_cast %add3A_729 : i32 to index
          %swap3A_731 = tpu.vector_load %arg8[%swap3A_730] {strides = array<i32>} : memref<51200xf32, #tpu.memory_space<vmem>>, vector<16xf32>,
          tpu.vector_store %arg8[%swap3A_730], %get3A_631 {strides = array<i32>} : memref<51200xf32, #tpu.memory_space<vmem>>, vector<16xf32>,
          %add3A_732 = arith.constant 48 : i32
          %add3A_733 = arith.addi %add3A_719, %add3A_732 : i32
          %swap3A_734 = arith.index_cast %add3A_733 : i32 to index
          %swap3A_735 = tpu.vector_load %arg8[%swap3A_734] {strides = array<i32>} : memref<51200xf32, #tpu.memory_space<vmem>>, vector<16xf32>,
          tpu.vector_store %arg8[%swap3A_734], %get3A_635 {strides = array<i32>} : memref<51200xf32, #tpu.memory_space<vmem>>, vector<16xf32>,
          %add3A_736 = arith.constant 64 : i32
          %add3A_737 = arith.addi %add3A_719, %add3A_736 : i32
          %swap3A_738 = arith.index_cast %add3A_737 : i32 to index
          %swap3A_739 = tpu.vector_load %arg8[%swap3A_738] {strides = array<i32>} : memref<51200xf32, #tpu.memory_space<vmem>>, vector<16xf32>,
          tpu.vector_store %arg8[%swap3A_738], %get3A_639 {strides = array<i32>} : memref<51200xf32, #tpu.memory_space<vmem>>, vector<16xf32>,
          %add3A_740 = arith.constant 80 : i32
          %add3A_741 = arith.addi %add3A_719, %add3A_740 : i32
          %swap3A_742 = arith.index_cast %add3A_741 : i32 to index
          %swap3A_743 = tpu.vector_load %arg8[%swap3A_742] {strides = array<i32>} : memref<51200xf32, #tpu.memory_space<vmem>>, vector<16xf32>,
          tpu.vector_store %arg8[%swap3A_742], %get3A_643 {strides = array<i32>} : memref<51200xf32, #tpu.memory_space<vmem>>, vector<16xf32>,
          %add3A_744 = arith.constant 96 : i32
          %add3A_745 = arith.addi %add3A_719, %add3A_744 : i32
          %swap3A_746 = arith.index_cast %add3A_745 : i32 to index
          %swap3A_747 = tpu.vector_load %arg8[%swap3A_746] {strides = array<i32>} : memref<51200xf32, #tpu.memory_space<vmem>>, vector<16xf32>,
          tpu.vector_store %arg8[%swap3A_746], %get3A_647 {strides = array<i32>} : memref<51200xf32, #tpu.memory_space<vmem>>, vector<16xf32>,
          %add3A_748 = arith.constant 112 : i32
          %add3A_749 = arith.addi %add3A_719, %add3A_748 : i32
          %swap3A_750 = arith.index_cast %add3A_749 : i32 to index
          %swap3A_751 = tpu.vector_load %arg8[%swap3A_750] {strides = array<i32>} : memref<51200xf32, #tpu.memory_space<vmem>>, vector<16xf32>,
          tpu.vector_store %arg8[%swap3A_750], %get3A_651 {strides = array<i32>} : memref<51200xf32, #tpu.memory_space<vmem>>, vector<16xf32>,
          %add3A_752 = arith.constant 0 : i32
          %add3A_753 = arith.addi %squeeze3A_112, %add3A_752 : i32
          %get3A_754 = arith.index_cast %add3A_753 : i32 to index
          %get3A_755 = tpu.vector_load %arg5[%get3A_754] {strides = array<i32>} : memref<16384xf32, #tpu.memory_space<vmem>>, vector<16xf32>,
          %add3A_756 = arith.constant 16 : i32
          %add3A_757 = arith.addi %squeeze3A_112, %add3A_756 : i32
          %get3A_758 = arith.index_cast %add3A_757 : i32 to index
          %get3A_759 = tpu.vector_load %arg5[%get3A_758] {strides = array<i32>} : memref<16384xf32, #tpu.memory_space<vmem>>, vector<16xf32>,
          %add3A_760 = arith.constant 32 : i32
          %add3A_761 = arith.addi %squeeze3A_112, %add3A_760 : i32
          %get3A_762 = arith.index_cast %add3A_761 : i32 to index
          %get3A_763 = tpu.vector_load %arg5[%get3A_762] {strides = array<i32>} : memref<16384xf32, #tpu.memory_space<vmem>>, vector<16xf32>,
          %add3A_764 = arith.constant 48 : i32
          %add3A_765 = arith.addi %squeeze3A_112, %add3A_764 : i32
          %get3A_766 = arith.index_cast %add3A_765 : i32 to index
          %get3A_767 = tpu.vector_load %arg5[%get3A_766] {strides = array<i32>} : memref<16384xf32, #tpu.memory_space<vmem>>, vector<16xf32>,
          %add3A_768 = arith.constant 64 : i32
          %add3A_769 = arith.addi %squeeze3A_112, %add3A_768 : i32
          %get3A_770 = arith.index_cast %add3A_769 : i32 to index
          %get3A_771 = tpu.vector_load %arg5[%get3A_770] {strides = array<i32>} : memref<16384xf32, #tpu.memory_space<vmem>>, vector<16xf32>,
          %add3A_772 = arith.constant 80 : i32
          %add3A_773 = arith.addi %squeeze3A_112, %add3A_772 : i32
          %get3A_774 = arith.index_cast %add3A_773 : i32 to index
          %get3A_775 = tpu.vector_load %arg5[%get3A_774] {strides = array<i32>} : memref<16384xf32, #tpu.memory_space<vmem>>, vector<16xf32>,
          %add3A_776 = arith.constant 96 : i32
          %add3A_777 = arith.addi %squeeze3A_112, %add3A_776 : i32
          %get3A_778 = arith.index_cast %add3A_777 : i32 to index
          %get3A_779 = tpu.vector_load %arg5[%get3A_778] {strides = array<i32>} : memref<16384xf32, #tpu.memory_space<vmem>>, vector<16xf32>,
          %add3A_780 = arith.constant 112 : i32
          %add3A_781 = arith.addi %squeeze3A_112, %add3A_780 : i32
          %get3A_782 = arith.index_cast %add3A_781 : i32 to index
          %get3A_783 = tpu.vector_load %arg5[%get3A_782] {strides = array<i32>} : memref<16384xf32, #tpu.memory_space<vmem>>, vector<16xf32>,
          %add3A_784 = arith.constant 1152 : i32
          %add3A_785 = arith.addi %mul3A_126, %add3A_784 : i32
          %add3A_786 = arith.constant 0 : i32
          %add3A_787 = arith.addi %add3A_785, %add3A_786 : i32
          %swap3A_788 = arith.index_cast %add3A_787 : i32 to index
          %swap3A_789 = tpu.vector_load %arg8[%swap3A_788] {strides = array<i32>} : memref<51200xf32, #tpu.memory_space<vmem>>, vector<16xf32>,
          tpu.vector_store %arg8[%swap3A_788], %get3A_689 {strides = array<i32>} : memref<51200xf32, #tpu.memory_space<vmem>>, vector<16xf32>,
          %add3A_790 = arith.constant 16 : i32
          %add3A_791 = arith.addi %add3A_785, %add3A_790 : i32
          %swap3A_792 = arith.index_cast %add3A_791 : i32 to index
          %swap3A_793 = tpu.vector_load %arg8[%swap3A_792] {strides = array<i32>} : memref<51200xf32, #tpu.memory_space<vmem>>, vector<16xf32>,
          tpu.vector_store %arg8[%swap3A_792], %get3A_693 {strides = array<i32>} : memref<51200xf32, #tpu.memory_space<vmem>>, vector<16xf32>,
          %add3A_794 = arith.constant 32 : i32
          %add3A_795 = arith.addi %add3A_785, %add3A_794 : i32
          %swap3A_796 = arith.index_cast %add3A_795 : i32 to index
          %swap3A_797 = tpu.vector_load %arg8[%swap3A_796] {strides = array<i32>} : memref<51200xf32, #tpu.memory_space<vmem>>, vector<16xf32>,
          tpu.vector_store %arg8[%swap3A_796], %get3A_697 {strides = array<i32>} : memref<51200xf32, #tpu.memory_space<vmem>>, vector<16xf32>,
          %add3A_798 = arith.constant 48 : i32
          %add3A_799 = arith.addi %add3A_785, %add3A_798 : i32
          %swap3A_800 = arith.index_cast %add3A_799 : i32 to index
          %swap3A_801 = tpu.vector_load %arg8[%swap3A_800] {strides = array<i32>} : memref<51200xf32, #tpu.memory_space<vmem>>, vector<16xf32>,
          tpu.vector_store %arg8[%swap3A_800], %get3A_701 {strides = array<i32>} : memref<51200xf32, #tpu.memory_space<vmem>>, vector<16xf32>,
          %add3A_802 = arith.constant 64 : i32
          %add3A_803 = arith.addi %add3A_785, %add3A_802 : i32
          %swap3A_804 = arith.index_cast %add3A_803 : i32 to index
          %swap3A_805 = tpu.vector_load %arg8[%swap3A_804] {strides = array<i32>} : memref<51200xf32, #tpu.memory_space<vmem>>, vector<16xf32>,
          tpu.vector_store %arg8[%swap3A_804], %get3A_705 {strides = array<i32>} : memref<51200xf32, #tpu.memory_space<vmem>>, vector<16xf32>,
          %add3A_806 = arith.constant 80 : i32
          %add3A_807 = arith.addi %add3A_785, %add3A_806 : i32
          %swap3A_808 = arith.index_cast %add3A_807 : i32 to index
          %swap3A_809 = tpu.vector_load %arg8[%swap3A_808] {strides = array<i32>} : memref<51200xf32, #tpu.memory_space<vmem>>, vector<16xf32>,
          tpu.vector_store %arg8[%swap3A_808], %get3A_709 {strides = array<i32>} : memref<51200xf32, #tpu.memory_space<vmem>>, vector<16xf32>,
          %add3A_810 = arith.constant 96 : i32
          %add3A_811 = arith.addi %add3A_785, %add3A_810 : i32
          %swap3A_812 = arith.index_cast %add3A_811 : i32 to index
          %swap3A_813 = tpu.vector_load %arg8[%swap3A_812] {strides = array<i32>} : memref<51200xf32, #tpu.memory_space<vmem>>, vector<16xf32>,
          tpu.vector_store %arg8[%swap3A_812], %get3A_713 {strides = array<i32>} : memref<51200xf32, #tpu.memory_space<vmem>>, vector<16xf32>,
          %add3A_814 = arith.constant 112 : i32
          %add3A_815 = arith.addi %add3A_785, %add3A_814 : i32
          %swap3A_816 = arith.index_cast %add3A_815 : i32 to index
          %swap3A_817 = tpu.vector_load %arg8[%swap3A_816] {strides = array<i32>} : memref<51200xf32, #tpu.memory_space<vmem>>, vector<16xf32>,
          tpu.vector_store %arg8[%swap3A_816], %get3A_717 {strides = array<i32>} : memref<51200xf32, #tpu.memory_space<vmem>>, vector<16xf32>,
          %add3A_818 = arith.constant 0 : i32
          %add3A_819 = arith.addi %squeeze3A_114, %add3A_818 : i32
          %get3A_820 = arith.index_cast %add3A_819 : i32 to index
          %get3A_821 = tpu.vector_load %arg5[%get3A_820] {strides = array<i32>} : memref<16384xf32, #tpu.memory_space<vmem>>, vector<16xf32>,
          %add3A_822 = arith.constant 16 : i32
          %add3A_823 = arith.addi %squeeze3A_114, %add3A_822 : i32
          %get3A_824 = arith.index_cast %add3A_823 : i32 to index
          %get3A_825 = tpu.vector_load %arg5[%get3A_824] {strides = array<i32>} : memref<16384xf32, #tpu.memory_space<vmem>>, vector<16xf32>,
          %add3A_826 = arith.constant 32 : i32
          %add3A_827 = arith.addi %squeeze3A_114, %add3A_826 : i32
          %get3A_828 = arith.index_cast %add3A_827 : i32 to index
          %get3A_829 = tpu.vector_load %arg5[%get3A_828] {strides = array<i32>} : memref<16384xf32, #tpu.memory_space<vmem>>, vector<16xf32>,
          %add3A_830 = arith.constant 48 : i32
          %add3A_831 = arith.addi %squeeze3A_114, %add3A_830 : i32
          %get3A_832 = arith.index_cast %add3A_831 : i32 to index
          %get3A_833 = tpu.vector_load %arg5[%get3A_832] {strides = array<i32>} : memref<16384xf32, #tpu.memory_space<vmem>>, vector<16xf32>,
          %add3A_834 = arith.constant 64 : i32
          %add3A_835 = arith.addi %squeeze3A_114, %add3A_834 : i32
          %get3A_836 = arith.index_cast %add3A_835 : i32 to index
          %get3A_837 = tpu.vector_load %arg5[%get3A_836] {strides = array<i32>} : memref<16384xf32, #tpu.memory_space<vmem>>, vector<16xf32>,
          %add3A_838 = arith.constant 80 : i32
          %add3A_839 = arith.addi %squeeze3A_114, %add3A_838 : i32
          %get3A_840 = arith.index_cast %add3A_839 : i32 to index
          %get3A_841 = tpu.vector_load %arg5[%get3A_840] {strides = array<i32>} : memref<16384xf32, #tpu.memory_space<vmem>>, vector<16xf32>,
          %add3A_842 = arith.constant 96 : i32
          %add3A_843 = arith.addi %squeeze3A_114, %add3A_842 : i32
          %get3A_844 = arith.index_cast %add3A_843 : i32 to index
          %get3A_845 = tpu.vector_load %arg5[%get3A_844] {strides = array<i32>} : memref<16384xf32, #tpu.memory_space<vmem>>, vector<16xf32>,
          %add3A_846 = arith.constant 112 : i32
          %add3A_847 = arith.addi %squeeze3A_114, %add3A_846 : i32
          %get3A_848 = arith.index_cast %add3A_847 : i32 to index
          %get3A_849 = tpu.vector_load %arg5[%get3A_848] {strides = array<i32>} : memref<16384xf32, #tpu.memory_space<vmem>>, vector<16xf32>,
          %add3A_850 = arith.constant 1280 : i32
          %add3A_851 = arith.addi %mul3A_126, %add3A_850 : i32
          %add3A_852 = arith.constant 0 : i32
          %add3A_853 = arith.addi %add3A_851, %add3A_852 : i32
          %swap3A_854 = arith.index_cast %add3A_853 : i32 to index
          %swap3A_855 = tpu.vector_load %arg8[%swap3A_854] {strides = array<i32>} : memref<51200xf32, #tpu.memory_space<vmem>>, vector<16xf32>,
          tpu.vector_store %arg8[%swap3A_854], %get3A_755 {strides = array<i32>} : memref<51200xf32, #tpu.memory_space<vmem>>, vector<16xf32>,
          %add3A_856 = arith.constant 16 : i32
          %add3A_857 = arith.addi %add3A_851, %add3A_856 : i32
          %swap3A_858 = arith.index_cast %add3A_857 : i32 to index
          %swap3A_859 = tpu.vector_load %arg8[%swap3A_858] {strides = array<i32>} : memref<51200xf32, #tpu.memory_space<vmem>>, vector<16xf32>,
          tpu.vector_store %arg8[%swap3A_858], %get3A_759 {strides = array<i32>} : memref<51200xf32, #tpu.memory_space<vmem>>, vector<16xf32>,
          %add3A_860 = arith.constant 32 : i32
          %add3A_861 = arith.addi %add3A_851, %add3A_860 : i32
          %swap3A_862 = arith.index_cast %add3A_861 : i32 to index
          %swap3A_863 = tpu.vector_load %arg8[%swap3A_862] {strides = array<i32>} : memref<51200xf32, #tpu.memory_space<vmem>>, vector<16xf32>,
          tpu.vector_store %arg8[%swap3A_862], %get3A_763 {strides = array<i32>} : memref<51200xf32, #tpu.memory_space<vmem>>, vector<16xf32>,
          %add3A_864 = arith.constant 48 : i32
          %add3A_865 = arith.addi %add3A_851, %add3A_864 : i32
          %swap3A_866 = arith.index_cast %add3A_865 : i32 to index
          %swap3A_867 = tpu.vector_load %arg8[%swap3A_866] {strides = array<i32>} : memref<51200xf32, #tpu.memory_space<vmem>>, vector<16xf32>,
          tpu.vector_store %arg8[%swap3A_866], %get3A_767 {strides = array<i32>} : memref<51200xf32, #tpu.memory_space<vmem>>, vector<16xf32>,
          %add3A_868 = arith.constant 64 : i32
          %add3A_869 = arith.addi %add3A_851, %add3A_868 : i32
          %swap3A_870 = arith.index_cast %add3A_869 : i32 to index
          %swap3A_871 = tpu.vector_load %arg8[%swap3A_870] {strides = array<i32>} : memref<51200xf32, #tpu.memory_space<vmem>>, vector<16xf32>,
          tpu.vector_store %arg8[%swap3A_870], %get3A_771 {strides = array<i32>} : memref<51200xf32, #tpu.memory_space<vmem>>, vector<16xf32>,
          %add3A_872 = arith.constant 80 : i32
          %add3A_873 = arith.addi %add3A_851, %add3A_872 : i32
          %swap3A_874 = arith.index_cast %add3A_873 : i32 to index
          %swap3A_875 = tpu.vector_load %arg8[%swap3A_874] {strides = array<i32>} : memref<51200xf32, #tpu.memory_space<vmem>>, vector<16xf32>,
          tpu.vector_store %arg8[%swap3A_874], %get3A_775 {strides = array<i32>} : memref<51200xf32, #tpu.memory_space<vmem>>, vector<16xf32>,
          %add3A_876 = arith.constant 96 : i32
          %add3A_877 = arith.addi %add3A_851, %add3A_876 : i32
          %swap3A_878 = arith.index_cast %add3A_877 : i32 to index
          %swap3A_879 = tpu.vector_load %arg8[%swap3A_878] {strides = array<i32>} : memref<51200xf32, #tpu.memory_space<vmem>>, vector<16xf32>,
          tpu.vector_store %arg8[%swap3A_878], %get3A_779 {strides = array<i32>} : memref<51200xf32, #tpu.memory_space<vmem>>, vector<16xf32>,
          %add3A_880 = arith.constant 112 : i32
          %add3A_881 = arith.addi %add3A_851, %add3A_880 : i32
          %swap3A_882 = arith.index_cast %add3A_881 : i32 to index
          %swap3A_883 = tpu.vector_load %arg8[%swap3A_882] {strides = array<i32>} : memref<51200xf32, #tpu.memory_space<vmem>>, vector<16xf32>,
          tpu.vector_store %arg8[%swap3A_882], %get3A_783 {strides = array<i32>} : memref<51200xf32, #tpu.memory_space<vmem>>, vector<16xf32>,
          %add3A_884 = arith.constant 0 : i32
          %add3A_885 = arith.addi %squeeze3A_116, %add3A_884 : i32
          %get3A_886 = arith.index_cast %add3A_885 : i32 to index
          %get3A_887 = tpu.vector_load %arg5[%get3A_886] {strides = array<i32>} : memref<16384xf32, #tpu.memory_space<vmem>>, vector<16xf32>,
          %add3A_888 = arith.constant 16 : i32
          %add3A_889 = arith.addi %squeeze3A_116, %add3A_888 : i32
          %get3A_890 = arith.index_cast %add3A_889 : i32 to index
          %get3A_891 = tpu.vector_load %arg5[%get3A_890] {strides = array<i32>} : memref<16384xf32, #tpu.memory_space<vmem>>, vector<16xf32>,
          %add3A_892 = arith.constant 32 : i32
          %add3A_893 = arith.addi %squeeze3A_116, %add3A_892 : i32
          %get3A_894 = arith.index_cast %add3A_893 : i32 to index
          %get3A_895 = tpu.vector_load %arg5[%get3A_894] {strides = array<i32>} : memref<16384xf32, #tpu.memory_space<vmem>>, vector<16xf32>,
          %add3A_896 = arith.constant 48 : i32
          %add3A_897 = arith.addi %squeeze3A_116, %add3A_896 : i32
          %get3A_898 = arith.index_cast %add3A_897 : i32 to index
          %get3A_899 = tpu.vector_load %arg5[%get3A_898] {strides = array<i32>} : memref<16384xf32, #tpu.memory_space<vmem>>, vector<16xf32>,
          %add3A_900 = arith.constant 64 : i32
          %add3A_901 = arith.addi %squeeze3A_116, %add3A_900 : i32
          %get3A_902 = arith.index_cast %add3A_901 : i32 to index
          %get3A_903 = tpu.vector_load %arg5[%get3A_902] {strides = array<i32>} : memref<16384xf32, #tpu.memory_space<vmem>>, vector<16xf32>,
          %add3A_904 = arith.constant 80 : i32
          %add3A_905 = arith.addi %squeeze3A_116, %add3A_904 : i32
          %get3A_906 = arith.index_cast %add3A_905 : i32 to index
          %get3A_907 = tpu.vector_load %arg5[%get3A_906] {strides = array<i32>} : memref<16384xf32, #tpu.memory_space<vmem>>, vector<16xf32>,
          %add3A_908 = arith.constant 96 : i32
          %add3A_909 = arith.addi %squeeze3A_116, %add3A_908 : i32
          %get3A_910 = arith.index_cast %add3A_909 : i32 to index
          %get3A_911 = tpu.vector_load %arg5[%get3A_910] {strides = array<i32>} : memref<16384xf32, #tpu.memory_space<vmem>>, vector<16xf32>,
          %add3A_912 = arith.constant 112 : i32
          %add3A_913 = arith.addi %squeeze3A_116, %add3A_912 : i32
          %get3A_914 = arith.index_cast %add3A_913 : i32 to index
          %get3A_915 = tpu.vector_load %arg5[%get3A_914] {strides = array<i32>} : memref<16384xf32, #tpu.memory_space<vmem>>, vector<16xf32>,
          %add3A_916 = arith.constant 1408 : i32
          %add3A_917 = arith.addi %mul3A_126, %add3A_916 : i32
          %add3A_918 = arith.constant 0 : i32
          %add3A_919 = arith.addi %add3A_917, %add3A_918 : i32
          %swap3A_920 = arith.index_cast %add3A_919 : i32 to index
          %swap3A_921 = tpu.vector_load %arg8[%swap3A_920] {strides = array<i32>} : memref<51200xf32, #tpu.memory_space<vmem>>, vector<16xf32>,
          tpu.vector_store %arg8[%swap3A_920], %get3A_821 {strides = array<i32>} : memref<51200xf32, #tpu.memory_space<vmem>>, vector<16xf32>,
          %add3A_922 = arith.constant 16 : i32
          %add3A_923 = arith.addi %add3A_917, %add3A_922 : i32
          %swap3A_924 = arith.index_cast %add3A_923 : i32 to index
          %swap3A_925 = tpu.vector_load %arg8[%swap3A_924] {strides = array<i32>} : memref<51200xf32, #tpu.memory_space<vmem>>, vector<16xf32>,
          tpu.vector_store %arg8[%swap3A_924], %get3A_825 {strides = array<i32>} : memref<51200xf32, #tpu.memory_space<vmem>>, vector<16xf32>,
          %add3A_926 = arith.constant 32 : i32
          %add3A_927 = arith.addi %add3A_917, %add3A_926 : i32
          %swap3A_928 = arith.index_cast %add3A_927 : i32 to index
          %swap3A_929 = tpu.vector_load %arg8[%swap3A_928] {strides = array<i32>} : memref<51200xf32, #tpu.memory_space<vmem>>, vector<16xf32>,
          tpu.vector_store %arg8[%swap3A_928], %get3A_829 {strides = array<i32>} : memref<51200xf32, #tpu.memory_space<vmem>>, vector<16xf32>,
          %add3A_930 = arith.constant 48 : i32
          %add3A_931 = arith.addi %add3A_917, %add3A_930 : i32
          %swap3A_932 = arith.index_cast %add3A_931 : i32 to index
          %swap3A_933 = tpu.vector_load %arg8[%swap3A_932] {strides = array<i32>} : memref<51200xf32, #tpu.memory_space<vmem>>, vector<16xf32>,
          tpu.vector_store %arg8[%swap3A_932], %get3A_833 {strides = array<i32>} : memref<51200xf32, #tpu.memory_space<vmem>>, vector<16xf32>,
          %add3A_934 = arith.constant 64 : i32
          %add3A_935 = arith.addi %add3A_917, %add3A_934 : i32
          %swap3A_936 = arith.index_cast %add3A_935 : i32 to index
          %swap3A_937 = tpu.vector_load %arg8[%swap3A_936] {strides = array<i32>} : memref<51200xf32, #tpu.memory_space<vmem>>, vector<16xf32>,
          tpu.vector_store %arg8[%swap3A_936], %get3A_837 {strides = array<i32>} : memref<51200xf32, #tpu.memory_space<vmem>>, vector<16xf32>,
          %add3A_938 = arith.constant 80 : i32
          %add3A_939 = arith.addi %add3A_917, %add3A_938 : i32
          %swap3A_940 = arith.index_cast %add3A_939 : i32 to index
          %swap3A_941 = tpu.vector_load %arg8[%swap3A_940] {strides = array<i32>} : memref<51200xf32, #tpu.memory_space<vmem>>, vector<16xf32>,
          tpu.vector_store %arg8[%swap3A_940], %get3A_841 {strides = array<i32>} : memref<51200xf32, #tpu.memory_space<vmem>>, vector<16xf32>,
          %add3A_942 = arith.constant 96 : i32
          %add3A_943 = arith.addi %add3A_917, %add3A_942 : i32
          %swap3A_944 = arith.index_cast %add3A_943 : i32 to index
          %swap3A_945 = tpu.vector_load %arg8[%swap3A_944] {strides = array<i32>} : memref<51200xf32, #tpu.memory_space<vmem>>, vector<16xf32>,
          tpu.vector_store %arg8[%swap3A_944], %get3A_845 {strides = array<i32>} : memref<51200xf32, #tpu.memory_space<vmem>>, vector<16xf32>,
          %add3A_946 = arith.constant 112 : i32
          %add3A_947 = arith.addi %add3A_917, %add3A_946 : i32
          %swap3A_948 = arith.index_cast %add3A_947 : i32 to index
          %swap3A_949 = tpu.vector_load %arg8[%swap3A_948] {strides = array<i32>} : memref<51200xf32, #tpu.memory_space<vmem>>, vector<16xf32>,
          tpu.vector_store %arg8[%swap3A_948], %get3A_849 {strides = array<i32>} : memref<51200xf32, #tpu.memory_space<vmem>>, vector<16xf32>,
          %add3A_950 = arith.constant 0 : i32
          %add3A_951 = arith.addi %squeeze3A_118, %add3A_950 : i32
          %get3A_952 = arith.index_cast %add3A_951 : i32 to index
          %get3A_953 = tpu.vector_load %arg5[%get3A_952] {strides = array<i32>} : memref<16384xf32, #tpu.memory_space<vmem>>, vector<16xf32>,
          %add3A_954 = arith.constant 16 : i32
          %add3A_955 = arith.addi %squeeze3A_118, %add3A_954 : i32
          %get3A_956 = arith.index_cast %add3A_955 : i32 to index
          %get3A_957 = tpu.vector_load %arg5[%get3A_956] {strides = array<i32>} : memref<16384xf32, #tpu.memory_space<vmem>>, vector<16xf32>,
          %add3A_958 = arith.constant 32 : i32
          %add3A_959 = arith.addi %squeeze3A_118, %add3A_958 : i32
          %get3A_960 = arith.index_cast %add3A_959 : i32 to index
          %get3A_961 = tpu.vector_load %arg5[%get3A_960] {strides = array<i32>} : memref<16384xf32, #tpu.memory_space<vmem>>, vector<16xf32>,
          %add3A_962 = arith.constant 48 : i32
          %add3A_963 = arith.addi %squeeze3A_118, %add3A_962 : i32
          %get3A_964 = arith.index_cast %add3A_963 : i32 to index
          %get3A_965 = tpu.vector_load %arg5[%get3A_964] {strides = array<i32>} : memref<16384xf32, #tpu.memory_space<vmem>>, vector<16xf32>,
          %add3A_966 = arith.constant 64 : i32
          %add3A_967 = arith.addi %squeeze3A_118, %add3A_966 : i32
          %get3A_968 = arith.index_cast %add3A_967 : i32 to index
          %get3A_969 = tpu.vector_load %arg5[%get3A_968] {strides = array<i32>} : memref<16384xf32, #tpu.memory_space<vmem>>, vector<16xf32>,
          %add3A_970 = arith.constant 80 : i32
          %add3A_971 = arith.addi %squeeze3A_118, %add3A_970 : i32
          %get3A_972 = arith.index_cast %add3A_971 : i32 to index
          %get3A_973 = tpu.vector_load %arg5[%get3A_972] {strides = array<i32>} : memref<16384xf32, #tpu.memory_space<vmem>>, vector<16xf32>,
          %add3A_974 = arith.constant 96 : i32
          %add3A_975 = arith.addi %squeeze3A_118, %add3A_974 : i32
          %get3A_976 = arith.index_cast %add3A_975 : i32 to index
          %get3A_977 = tpu.vector_load %arg5[%get3A_976] {strides = array<i32>} : memref<16384xf32, #tpu.memory_space<vmem>>, vector<16xf32>,
          %add3A_978 = arith.constant 112 : i32
          %add3A_979 = arith.addi %squeeze3A_118, %add3A_978 : i32
          %get3A_980 = arith.index_cast %add3A_979 : i32 to index
          %get3A_981 = tpu.vector_load %arg5[%get3A_980] {strides = array<i32>} : memref<16384xf32, #tpu.memory_space<vmem>>, vector<16xf32>,
          %add3A_982 = arith.constant 1536 : i32
          %add3A_983 = arith.addi %mul3A_126, %add3A_982 : i32
          %add3A_984 = arith.constant 0 : i32
          %add3A_985 = arith.addi %add3A_983, %add3A_984 : i32
          %swap3A_986 = arith.index_cast %add3A_985 : i32 to index
          %swap3A_987 = tpu.vector_load %arg8[%swap3A_986] {strides = array<i32>} : memref<51200xf32, #tpu.memory_space<vmem>>, vector<16xf32>,
          tpu.vector_store %arg8[%swap3A_986], %get3A_887 {strides = array<i32>} : memref<51200xf32, #tpu.memory_space<vmem>>, vector<16xf32>,
          %add3A_988 = arith.constant 16 : i32
          %add3A_989 = arith.addi %add3A_983, %add3A_988 : i32
          %swap3A_990 = arith.index_cast %add3A_989 : i32 to index
          %swap3A_991 = tpu.vector_load %arg8[%swap3A_990] {strides = array<i32>} : memref<51200xf32, #tpu.memory_space<vmem>>, vector<16xf32>,
          tpu.vector_store %arg8[%swap3A_990], %get3A_891 {strides = array<i32>} : memref<51200xf32, #tpu.memory_space<vmem>>, vector<16xf32>,
          %add3A_992 = arith.constant 32 : i32
          %add3A_993 = arith.addi %add3A_983, %add3A_992 : i32
          %swap3A_994 = arith.index_cast %add3A_993 : i32 to index
          %swap3A_995 = tpu.vector_load %arg8[%swap3A_994] {strides = array<i32>} : memref<51200xf32, #tpu.memory_space<vmem>>, vector<16xf32>,
          tpu.vector_store %arg8[%swap3A_994], %get3A_895 {strides = array<i32>} : memref<51200xf32, #tpu.memory_space<vmem>>, vector<16xf32>,
          %add3A_996 = arith.constant 48 : i32
          %add3A_997 = arith.addi %add3A_983, %add3A_996 : i32
          %swap3A_998 = arith.index_cast %add3A_997 : i32 to index
          %swap3A_999 = tpu.vector_load %arg8[%swap3A_998] {strides = array<i32>} : memref<51200xf32, #tpu.memory_space<vmem>>, vector<16xf32>,
          tpu.vector_store %arg8[%swap3A_998], %get3A_899 {strides = array<i32>} : memref<51200xf32, #tpu.memory_space<vmem>>, vector<16xf32>,
          %add3A_1000 = arith.constant 64 : i32
          %add3A_1001 = arith.addi %add3A_983, %add3A_1000 : i32
          %swap3A_1002 = arith.index_cast %add3A_1001 : i32 to index
          %swap3A_1003 = tpu.vector_load %arg8[%swap3A_1002] {strides = array<i32>} : memref<51200xf32, #tpu.memory_space<vmem>>, vector<16xf32>,
          tpu.vector_store %arg8[%swap3A_1002], %get3A_903 {strides = array<i32>} : memref<51200xf32, #tpu.memory_space<vmem>>, vector<16xf32>,
          %add3A_1004 = arith.constant 80 : i32
          %add3A_1005 = arith.addi %add3A_983, %add3A_1004 : i32
          %swap3A_1006 = arith.index_cast %add3A_1005 : i32 to index
          %swap3A_1007 = tpu.vector_load %arg8[%swap3A_1006] {strides = array<i32>} : memref<51200xf32, #tpu.memory_space<vmem>>, vector<16xf32>,
          tpu.vector_store %arg8[%swap3A_1006], %get3A_907 {strides = array<i32>} : memref<51200xf32, #tpu.memory_space<vmem>>, vector<16xf32>,
          %add3A_1008 = arith.constant 96 : i32
          %add3A_1009 = arith.addi %add3A_983, %add3A_1008 : i32
          %swap3A_1010 = arith.index_cast %add3A_1009 : i32 to index
          %swap3A_1011 = tpu.vector_load %arg8[%swap3A_1010] {strides = array<i32>} : memref<51200xf32, #tpu.memory_space<vmem>>, vector<16xf32>,
          tpu.vector_store %arg8[%swap3A_1010], %get3A_911 {strides = array<i32>} : memref<51200xf32, #tpu.memory_space<vmem>>, vector<16xf32>,
          %add3A_1012 = arith.constant 112 : i32
          %add3A_1013 = arith.addi %add3A_983, %add3A_1012 : i32
          %swap3A_1014 = arith.index_cast %add3A_1013 : i32 to index
          %swap3A_1015 = tpu.vector_load %arg8[%swap3A_1014] {strides = array<i32>} : memref<51200xf32, #tpu.memory_space<vmem>>, vector<16xf32>,
          tpu.vector_store %arg8[%swap3A_1014], %get3A_915 {strides = array<i32>} : memref<51200xf32, #tpu.memory_space<vmem>>, vector<16xf32>,
          %add3A_1016 = arith.constant 0 : i32
          %add3A_1017 = arith.addi %squeeze3A_120, %add3A_1016 : i32
          %get3A_1018 = arith.index_cast %add3A_1017 : i32 to index
          %get3A_1019 = tpu.vector_load %arg5[%get3A_1018] {strides = array<i32>} : memref<16384xf32, #tpu.memory_space<vmem>>, vector<16xf32>,
          %add3A_1020 = arith.constant 16 : i32
          %add3A_1021 = arith.addi %squeeze3A_120, %add3A_1020 : i32
          %get3A_1022 = arith.index_cast %add3A_1021 : i32 to index
          %get3A_1023 = tpu.vector_load %arg5[%get3A_1022] {strides = array<i32>} : memref<16384xf32, #tpu.memory_space<vmem>>, vector<16xf32>,
          %add3A_1024 = arith.constant 32 : i32
          %add3A_1025 = arith.addi %squeeze3A_120, %add3A_1024 : i32
          %get3A_1026 = arith.index_cast %add3A_1025 : i32 to index
          %get3A_1027 = tpu.vector_load %arg5[%get3A_1026] {strides = array<i32>} : memref<16384xf32, #tpu.memory_space<vmem>>, vector<16xf32>,
          %add3A_1028 = arith.constant 48 : i32
          %add3A_1029 = arith.addi %squeeze3A_120, %add3A_1028 : i32
          %get3A_1030 = arith.index_cast %add3A_1029 : i32 to index
          %get3A_1031 = tpu.vector_load %arg5[%get3A_1030] {strides = array<i32>} : memref<16384xf32, #tpu.memory_space<vmem>>, vector<16xf32>,
          %add3A_1032 = arith.constant 64 : i32
          %add3A_1033 = arith.addi %squeeze3A_120, %add3A_1032 : i32
          %get3A_1034 = arith.index_cast %add3A_1033 : i32 to index
          %get3A_1035 = tpu.vector_load %arg5[%get3A_1034] {strides = array<i32>} : memref<16384xf32, #tpu.memory_space<vmem>>, vector<16xf32>,
          %add3A_1036 = arith.constant 80 : i32
          %add3A_1037 = arith.addi %squeeze3A_120, %add3A_1036 : i32
          %get3A_1038 = arith.index_cast %add3A_1037 : i32 to index
          %get3A_1039 = tpu.vector_load %arg5[%get3A_1038] {strides = array<i32>} : memref<16384xf32, #tpu.memory_space<vmem>>, vector<16xf32>,
          %add3A_1040 = arith.constant 96 : i32
          %add3A_1041 = arith.addi %squeeze3A_120, %add3A_1040 : i32
          %get3A_1042 = arith.index_cast %add3A_1041 : i32 to index
          %get3A_1043 = tpu.vector_load %arg5[%get3A_1042] {strides = array<i32>} : memref<16384xf32, #tpu.memory_space<vmem>>, vector<16xf32>,
          %add3A_1044 = arith.constant 112 : i32
          %add3A_1045 = arith.addi %squeeze3A_120, %add3A_1044 : i32
          %get3A_1046 = arith.index_cast %add3A_1045 : i32 to index
          %get3A_1047 = tpu.vector_load %arg5[%get3A_1046] {strides = array<i32>} : memref<16384xf32, #tpu.memory_space<vmem>>, vector<16xf32>,
          %add3A_1048 = arith.constant 1664 : i32
          %add3A_1049 = arith.addi %mul3A_126, %add3A_1048 : i32
          %add3A_1050 = arith.constant 0 : i32
          %add3A_1051 = arith.addi %add3A_1049, %add3A_1050 : i32
          %swap3A_1052 = arith.index_cast %add3A_1051 : i32 to index
          %swap3A_1053 = tpu.vector_load %arg8[%swap3A_1052] {strides = array<i32>} : memref<51200xf32, #tpu.memory_space<vmem>>, vector<16xf32>,
          tpu.vector_store %arg8[%swap3A_1052], %get3A_953 {strides = array<i32>} : memref<51200xf32, #tpu.memory_space<vmem>>, vector<16xf32>,
          %add3A_1054 = arith.constant 16 : i32
          %add3A_1055 = arith.addi %add3A_1049, %add3A_1054 : i32
          %swap3A_1056 = arith.index_cast %add3A_1055 : i32 to index
          %swap3A_1057 = tpu.vector_load %arg8[%swap3A_1056] {strides = array<i32>} : memref<51200xf32, #tpu.memory_space<vmem>>, vector<16xf32>,
          tpu.vector_store %arg8[%swap3A_1056], %get3A_957 {strides = array<i32>} : memref<51200xf32, #tpu.memory_space<vmem>>, vector<16xf32>,
          %add3A_1058 = arith.constant 32 : i32
          %add3A_1059 = arith.addi %add3A_1049, %add3A_1058 : i32
          %swap3A_1060 = arith.index_cast %add3A_1059 : i32 to index
          %swap3A_1061 = tpu.vector_load %arg8[%swap3A_1060] {strides = array<i32>} : memref<51200xf32, #tpu.memory_space<vmem>>, vector<16xf32>,
          tpu.vector_store %arg8[%swap3A_1060], %get3A_961 {strides = array<i32>} : memref<51200xf32, #tpu.memory_space<vmem>>, vector<16xf32>,
          %add3A_1062 = arith.constant 48 : i32
          %add3A_1063 = arith.addi %add3A_1049, %add3A_1062 : i32
          %swap3A_1064 = arith.index_cast %add3A_1063 : i32 to index
          %swap3A_1065 = tpu.vector_load %arg8[%swap3A_1064] {strides = array<i32>} : memref<51200xf32, #tpu.memory_space<vmem>>, vector<16xf32>,
          tpu.vector_store %arg8[%swap3A_1064], %get3A_965 {strides = array<i32>} : memref<51200xf32, #tpu.memory_space<vmem>>, vector<16xf32>,
          %add3A_1066 = arith.constant 64 : i32
          %add3A_1067 = arith.addi %add3A_1049, %add3A_1066 : i32
          %swap3A_1068 = arith.index_cast %add3A_1067 : i32 to index
          %swap3A_1069 = tpu.vector_load %arg8[%swap3A_1068] {strides = array<i32>} : memref<51200xf32, #tpu.memory_space<vmem>>, vector<16xf32>,
          tpu.vector_store %arg8[%swap3A_1068], %get3A_969 {strides = array<i32>} : memref<51200xf32, #tpu.memory_space<vmem>>, vector<16xf32>,
          %add3A_1070 = arith.constant 80 : i32
          %add3A_1071 = arith.addi %add3A_1049, %add3A_1070 : i32
          %swap3A_1072 = arith.index_cast %add3A_1071 : i32 to index
          %swap3A_1073 = tpu.vector_load %arg8[%swap3A_1072] {strides = array<i32>} : memref<51200xf32, #tpu.memory_space<vmem>>, vector<16xf32>,
          tpu.vector_store %arg8[%swap3A_1072], %get3A_973 {strides = array<i32>} : memref<51200xf32, #tpu.memory_space<vmem>>, vector<16xf32>,
          %add3A_1074 = arith.constant 96 : i32
          %add3A_1075 = arith.addi %add3A_1049, %add3A_1074 : i32
          %swap3A_1076 = arith.index_cast %add3A_1075 : i32 to index
          %swap3A_1077 = tpu.vector_load %arg8[%swap3A_1076] {strides = array<i32>} : memref<51200xf32, #tpu.memory_space<vmem>>, vector<16xf32>,
          tpu.vector_store %arg8[%swap3A_1076], %get3A_977 {strides = array<i32>} : memref<51200xf32, #tpu.memory_space<vmem>>, vector<16xf32>,
          %add3A_1078 = arith.constant 112 : i32
          %add3A_1079 = arith.addi %add3A_1049, %add3A_1078 : i32
          %swap3A_1080 = arith.index_cast %add3A_1079 : i32 to index
          %swap3A_1081 = tpu.vector_load %arg8[%swap3A_1080] {strides = array<i32>} : memref<51200xf32, #tpu.memory_space<vmem>>, vector<16xf32>,
          tpu.vector_store %arg8[%swap3A_1080], %get3A_981 {strides = array<i32>} : memref<51200xf32, #tpu.memory_space<vmem>>, vector<16xf32>,
          %add3A_1082 = arith.constant 0 : i32
          %add3A_1083 = arith.addi %squeeze3A_122, %add3A_1082 : i32
          %get3A_1084 = arith.index_cast %add3A_1083 : i32 to index
          %get3A_1085 = tpu.vector_load %arg5[%get3A_1084] {strides = array<i32>} : memref<16384xf32, #tpu.memory_space<vmem>>, vector<16xf32>,
          %add3A_1086 = arith.constant 16 : i32
          %add3A_1087 = arith.addi %squeeze3A_122, %add3A_1086 : i32
          %get3A_1088 = arith.index_cast %add3A_1087 : i32 to index
          %get3A_1089 = tpu.vector_load %arg5[%get3A_1088] {strides = array<i32>} : memref<16384xf32, #tpu.memory_space<vmem>>, vector<16xf32>,
          %add3A_1090 = arith.constant 32 : i32
          %add3A_1091 = arith.addi %squeeze3A_122, %add3A_1090 : i32
          %get3A_1092 = arith.index_cast %add3A_1091 : i32 to index
          %get3A_1093 = tpu.vector_load %arg5[%get3A_1092] {strides = array<i32>} : memref<16384xf32, #tpu.memory_space<vmem>>, vector<16xf32>,
          %add3A_1094 = arith.constant 48 : i32
          %add3A_1095 = arith.addi %squeeze3A_122, %add3A_1094 : i32
          %get3A_1096 = arith.index_cast %add3A_1095 : i32 to index
          %get3A_1097 = tpu.vector_load %arg5[%get3A_1096] {strides = array<i32>} : memref<16384xf32, #tpu.memory_space<vmem>>, vector<16xf32>,
          %add3A_1098 = arith.constant 64 : i32
          %add3A_1099 = arith.addi %squeeze3A_122, %add3A_1098 : i32
          %get3A_1100 = arith.index_cast %add3A_1099 : i32 to index
          %get3A_1101 = tpu.vector_load %arg5[%get3A_1100] {strides = array<i32>} : memref<16384xf32, #tpu.memory_space<vmem>>, vector<16xf32>,
          %add3A_1102 = arith.constant 80 : i32
          %add3A_1103 = arith.addi %squeeze3A_122, %add3A_1102 : i32
          %get3A_1104 = arith.index_cast %add3A_1103 : i32 to index
          %get3A_1105 = tpu.vector_load %arg5[%get3A_1104] {strides = array<i32>} : memref<16384xf32, #tpu.memory_space<vmem>>, vector<16xf32>,
          %add3A_1106 = arith.constant 96 : i32
          %add3A_1107 = arith.addi %squeeze3A_122, %add3A_1106 : i32
          %get3A_1108 = arith.index_cast %add3A_1107 : i32 to index
          %get3A_1109 = tpu.vector_load %arg5[%get3A_1108] {strides = array<i32>} : memref<16384xf32, #tpu.memory_space<vmem>>, vector<16xf32>,
          %add3A_1110 = arith.constant 112 : i32
          %add3A_1111 = arith.addi %squeeze3A_122, %add3A_1110 : i32
          %get3A_1112 = arith.index_cast %add3A_1111 : i32 to index
          %get3A_1113 = tpu.vector_load %arg5[%get3A_1112] {strides = array<i32>} : memref<16384xf32, #tpu.memory_space<vmem>>, vector<16xf32>,
          %add3A_1114 = arith.constant 1792 : i32
          %add3A_1115 = arith.addi %mul3A_126, %add3A_1114 : i32
          %add3A_1116 = arith.constant 0 : i32
          %add3A_1117 = arith.addi %add3A_1115, %add3A_1116 : i32
          %swap3A_1118 = arith.index_cast %add3A_1117 : i32 to index
          %swap3A_1119 = tpu.vector_load %arg8[%swap3A_1118] {strides = array<i32>} : memref<51200xf32, #tpu.memory_space<vmem>>, vector<16xf32>,
          tpu.vector_store %arg8[%swap3A_1118], %get3A_1019 {strides = array<i32>} : memref<51200xf32, #tpu.memory_space<vmem>>, vector<16xf32>,
          %add3A_1120 = arith.constant 16 : i32
          %add3A_1121 = arith.addi %add3A_1115, %add3A_1120 : i32
          %swap3A_1122 = arith.index_cast %add3A_1121 : i32 to index
          %swap3A_1123 = tpu.vector_load %arg8[%swap3A_1122] {strides = array<i32>} : memref<51200xf32, #tpu.memory_space<vmem>>, vector<16xf32>,
          tpu.vector_store %arg8[%swap3A_1122], %get3A_1023 {strides = array<i32>} : memref<51200xf32, #tpu.memory_space<vmem>>, vector<16xf32>,
          %add3A_1124 = arith.constant 32 : i32
          %add3A_1125 = arith.addi %add3A_1115, %add3A_1124 : i32
          %swap3A_1126 = arith.index_cast %add3A_1125 : i32 to index
          %swap3A_1127 = tpu.vector_load %arg8[%swap3A_1126] {strides = array<i32>} : memref<51200xf32, #tpu.memory_space<vmem>>, vector<16xf32>,
          tpu.vector_store %arg8[%swap3A_1126], %get3A_1027 {strides = array<i32>} : memref<51200xf32, #tpu.memory_space<vmem>>, vector<16xf32>,
          %add3A_1128 = arith.constant 48 : i32
          %add3A_1129 = arith.addi %add3A_1115, %add3A_1128 : i32
          %swap3A_1130 = arith.index_cast %add3A_1129 : i32 to index
          %swap3A_1131 = tpu.vector_load %arg8[%swap3A_1130] {strides = array<i32>} : memref<51200xf32, #tpu.memory_space<vmem>>, vector<16xf32>,
          tpu.vector_store %arg8[%swap3A_1130], %get3A_1031 {strides = array<i32>} : memref<51200xf32, #tpu.memory_space<vmem>>, vector<16xf32>,
          %add3A_1132 = arith.constant 64 : i32
          %add3A_1133 = arith.addi %add3A_1115, %add3A_1132 : i32
          %swap3A_1134 = arith.index_cast %add3A_1133 : i32 to index
          %swap3A_1135 = tpu.vector_load %arg8[%swap3A_1134] {strides = array<i32>} : memref<51200xf32, #tpu.memory_space<vmem>>, vector<16xf32>,
          tpu.vector_store %arg8[%swap3A_1134], %get3A_1035 {strides = array<i32>} : memref<51200xf32, #tpu.memory_space<vmem>>, vector<16xf32>,
          %add3A_1136 = arith.constant 80 : i32
          %add3A_1137 = arith.addi %add3A_1115, %add3A_1136 : i32
          %swap3A_1138 = arith.index_cast %add3A_1137 : i32 to index
          %swap3A_1139 = tpu.vector_load %arg8[%swap3A_1138] {strides = array<i32>} : memref<51200xf32, #tpu.memory_space<vmem>>, vector<16xf32>,
          tpu.vector_store %arg8[%swap3A_1138], %get3A_1039 {strides = array<i32>} : memref<51200xf32, #tpu.memory_space<vmem>>, vector<16xf32>,
          %add3A_1140 = arith.constant 96 : i32
          %add3A_1141 = arith.addi %add3A_1115, %add3A_1140 : i32
          %swap3A_1142 = arith.index_cast %add3A_1141 : i32 to index
          %swap3A_1143 = tpu.vector_load %arg8[%swap3A_1142] {strides = array<i32>} : memref<51200xf32, #tpu.memory_space<vmem>>, vector<16xf32>,
          tpu.vector_store %arg8[%swap3A_1142], %get3A_1043 {strides = array<i32>} : memref<51200xf32, #tpu.memory_space<vmem>>, vector<16xf32>,
          %add3A_1144 = arith.constant 112 : i32
          %add3A_1145 = arith.addi %add3A_1115, %add3A_1144 : i32
          %swap3A_1146 = arith.index_cast %add3A_1145 : i32 to index
          %swap3A_1147 = tpu.vector_load %arg8[%swap3A_1146] {strides = array<i32>} : memref<51200xf32, #tpu.memory_space<vmem>>, vector<16xf32>,
          tpu.vector_store %arg8[%swap3A_1146], %get3A_1047 {strides = array<i32>} : memref<51200xf32, #tpu.memory_space<vmem>>, vector<16xf32>,
          %add3A_1148 = arith.constant 1920 : i32
          %add3A_1149 = arith.addi %mul3A_126, %add3A_1148 : i32
          %add3A_1150 = arith.constant 0 : i32
          %add3A_1151 = arith.addi %add3A_1149, %add3A_1150 : i32
          %swap3A_1152 = arith.index_cast %add3A_1151 : i32 to index
          %swap3A_1153 = tpu.vector_load %arg8[%swap3A_1152] {strides = array<i32>} : memref<51200xf32, #tpu.memory_space<vmem>>, vector<16xf32>,
          tpu.vector_store %arg8[%swap3A_1152], %get3A_1085 {strides = array<i32>} : memref<51200xf32, #tpu.memory_space<vmem>>, vector<16xf32>,
          %add3A_1154 = arith.constant 16 : i32
          %add3A_1155 = arith.addi %add3A_1149, %add3A_1154 : i32
          %swap3A_1156 = arith.index_cast %add3A_1155 : i32 to index
          %swap3A_1157 = tpu.vector_load %arg8[%swap3A_1156] {strides = array<i32>} : memref<51200xf32, #tpu.memory_space<vmem>>, vector<16xf32>,
          tpu.vector_store %arg8[%swap3A_1156], %get3A_1089 {strides = array<i32>} : memref<51200xf32, #tpu.memory_space<vmem>>, vector<16xf32>,
          %add3A_1158 = arith.constant 32 : i32
          %add3A_1159 = arith.addi %add3A_1149, %add3A_1158 : i32
          %swap3A_1160 = arith.index_cast %add3A_1159 : i32 to index
          %swap3A_1161 = tpu.vector_load %arg8[%swap3A_1160] {strides = array<i32>} : memref<51200xf32, #tpu.memory_space<vmem>>, vector<16xf32>,
          tpu.vector_store %arg8[%swap3A_1160], %get3A_1093 {strides = array<i32>} : memref<51200xf32, #tpu.memory_space<vmem>>, vector<16xf32>,
          %add3A_1162 = arith.constant 48 : i32
          %add3A_1163 = arith.addi %add3A_1149, %add3A_1162 : i32
          %swap3A_1164 = arith.index_cast %add3A_1163 : i32 to index
          %swap3A_1165 = tpu.vector_load %arg8[%swap3A_1164] {strides = array<i32>} : memref<51200xf32, #tpu.memory_space<vmem>>, vector<16xf32>,
          tpu.vector_store %arg8[%swap3A_1164], %get3A_1097 {strides = array<i32>} : memref<51200xf32, #tpu.memory_space<vmem>>, vector<16xf32>,
          %add3A_1166 = arith.constant 64 : i32
          %add3A_1167 = arith.addi %add3A_1149, %add3A_1166 : i32
          %swap3A_1168 = arith.index_cast %add3A_1167 : i32 to index
          %swap3A_1169 = tpu.vector_load %arg8[%swap3A_1168] {strides = array<i32>} : memref<51200xf32, #tpu.memory_space<vmem>>, vector<16xf32>,
          tpu.vector_store %arg8[%swap3A_1168], %get3A_1101 {strides = array<i32>} : memref<51200xf32, #tpu.memory_space<vmem>>, vector<16xf32>,
          %add3A_1170 = arith.constant 80 : i32
          %add3A_1171 = arith.addi %add3A_1149, %add3A_1170 : i32
          %swap3A_1172 = arith.index_cast %add3A_1171 : i32 to index
          %swap3A_1173 = tpu.vector_load %arg8[%swap3A_1172] {strides = array<i32>} : memref<51200xf32, #tpu.memory_space<vmem>>, vector<16xf32>,
          tpu.vector_store %arg8[%swap3A_1172], %get3A_1105 {strides = array<i32>} : memref<51200xf32, #tpu.memory_space<vmem>>, vector<16xf32>,
          %add3A_1174 = arith.constant 96 : i32
          %add3A_1175 = arith.addi %add3A_1149, %add3A_1174 : i32
          %swap3A_1176 = arith.index_cast %add3A_1175 : i32 to index
          %swap3A_1177 = tpu.vector_load %arg8[%swap3A_1176] {strides = array<i32>} : memref<51200xf32, #tpu.memory_space<vmem>>, vector<16xf32>,
          tpu.vector_store %arg8[%swap3A_1176], %get3A_1109 {strides = array<i32>} : memref<51200xf32, #tpu.memory_space<vmem>>, vector<16xf32>,
          %add3A_1178 = arith.constant 112 : i32
          %add3A_1179 = arith.addi %add3A_1149, %add3A_1178 : i32
          %swap3A_1180 = arith.index_cast %add3A_1179 : i32 to index
          %swap3A_1181 = tpu.vector_load %arg8[%swap3A_1180] {strides = array<i32>} : memref<51200xf32, #tpu.memory_space<vmem>>, vector<16xf32>,
          tpu.vector_store %arg8[%swap3A_1180], %get3A_1113 {strides = array<i32>} : memref<51200xf32, #tpu.memory_space<vmem>>, vector<16xf32>,
        }
        %scan3A_82 = arith.constant 25 : i32
      } else {
      }
      %mul3A_52 = arith.constant 2 : i32
      %mul3A_53 = arith.muli %mul3A_52, %scan3A_34 : i32
      %add3A_54 = arith.constant 1 : i32
      %add3A_55 = arith.addi %mul3A_53, %add3A_54 : i32
      %ge3A_56 = arith.constant 1 : i32
      %ge3A_57 = arith.cmpi sge, %add3A_55, %ge3A_56 : i32
      %convert_element_type3A_58 = arith.extui %ge3A_57 : i1 to i32
      %cond3A_59 = arith.constant 0 : i32
      %cond3A_60 = arith.cmpi ne, %convert_element_type3A_58, %cond3A_59 : i32
      scf.if %cond3A_60 {
        %sub3A = arith.constant 1 : i32
        %sub3A_75 = arith.subi %add3A_55, %sub3A : i32
        %mul3A_76 = arith.constant 10000 : i32
        %mul3A_77 = arith.muli %add3A, %mul3A_76 : i32
        %mul3A_78 = arith.constant 400 : i32
        %mul3A_79 = arith.muli %sub3A_75, %mul3A_78 : i32
        %add3A_80 = arith.addi %mul3A_77, %mul3A_79 : i32
        %mul3A_81 = arith.constant 128 : i32
        %mul3A_82 = arith.muli %add3A_80, %mul3A_81 : i32
        %dma_wait3A_83 = tpu.memref_slice %arg4[%mul3A_82] : memref<40960000xf32, #tpu.memory_space<hbm>> -> memref<51200xf32, #tpu.memory_space<hbm>>
        %dma_wait3A_84 = tpu.memref_slice %arg4[%mul3A_82] : memref<40960000xf32, #tpu.memory_space<hbm>> -> memref<51200xf32, #tpu.memory_space<hbm>>
        tpu.wait_dma2 semaphore(%arg9 : memref<!tpu.dma_semaphore, #tpu.memory_space<semaphore_mem>>) src(%arg7 : memref<51200xf32, #tpu.memory_space<vmem>>) dst(%dma_wait3A_84 : memref<51200xf32, #tpu.memory_space<hbm>>)
      } else {
      }
      %mul3A_61 = arith.constant 10000 : i32
      %mul3A_62 = arith.muli %add3A, %mul3A_61 : i32
      %mul3A_63 = arith.constant 400 : i32
      %mul3A_64 = arith.muli %add3A_55, %mul3A_63 : i32
      %add3A_65 = arith.addi %mul3A_62, %mul3A_64 : i32
      %mul3A_66 = arith.constant 128 : i32
      %mul3A_67 = arith.muli %add3A_65, %mul3A_66 : i32
      %dma_start3A_68 = tpu.memref_slice %arg4[%mul3A_67] : memref<40960000xf32, #tpu.memory_space<hbm>> -> memref<51200xf32, #tpu.memory_space<hbm>>
      %dma_start3A_69 = tpu.memref_slice %arg4[%mul3A_67] : memref<40960000xf32, #tpu.memory_space<hbm>> -> memref<51200xf32, #tpu.memory_space<hbm>>
      tpu.enqueue_dma source(%arg8 : memref<51200xf32, #tpu.memory_space<vmem>>) target(%dma_start3A_69 : memref<51200xf32, #tpu.memory_space<hbm>>) target_semaphore(%arg9 : memref<!tpu.dma_semaphore, #tpu.memory_space<semaphore_mem>>)
      %lt3A_70 = arith.constant 24 : i32
      %lt3A_71 = arith.cmpi slt, %add3A_55, %lt3A_70 : i32
      %convert_element_type3A_72 = arith.extui %lt3A_71 : i1 to i32
      %cond3A_73 = arith.constant 0 : i32
      %cond3A_74 = arith.cmpi ne, %convert_element_type3A_72, %cond3A_73 : i32
      scf.if %cond3A_74 {
        %add3A_75 = arith.constant 1 : i32
        %add3A_76 = arith.addi %add3A_55, %add3A_75 : i32
        %scan3A_77 = arith.constant 0 : i32
        %scan3A_78 = arith.constant 0 : i32
        %scan3A_79 = arith.constant 25 : i32
        %scan3A_80 = arith.addi %scan3A_78, %scan3A_79 : i32
        %scan3A_81 = arith.constant 1 : i32
        scf.for %scan3A_83 = %scan3A_78 to %scan3A_80 step %scan3A_81  : i32 {
          %mul3A_84 = arith.constant 400 : i32
          %mul3A_85 = arith.muli %add3A_76, %mul3A_84 : i32
          %mul3A_86 = arith.constant 16 : i32
          %mul3A_87 = arith.muli %scan3A_83, %mul3A_86 : i32
          %add3A_88 = arith.addi %mul3A_85, %mul3A_87 : i32
          %get3A = arith.index_cast %add3A_88 : i32 to index
          %get3A_89 = tpu.vector_load %arg6[%get3A] {strides = array<i32>} : memref<10000xi32, #tpu.memory_space<vmem>>, vector<16xi32>,
          %mul3A_90 = arith.constant 128 : i32
          %mul3A_91 = vector.broadcast %mul3A_90 : i32 to vector<16xi32>
          %mul3A_92 = arith.muli %get3A_89, %mul3A_91 : vector<16xi32>
          %slice3A = vector.extract_strided_slice %mul3A_92 {offsets = [0], sizes = [1], strides = [1]} : vector<16xi32> to vector<1xi32>
          %squeeze3A = vector.extract %slice3A[0] : i32 from vector<1xi32>
          %slice3A_93 = vector.extract_strided_slice %mul3A_92 {offsets = [1], sizes = [1], strides = [1]} : vector<16xi32> to vector<1xi32>
          %squeeze3A_94 = vector.extract %slice3A_93[0] : i32 from vector<1xi32>
          %slice3A_95 = vector.extract_strided_slice %mul3A_92 {offsets = [2], sizes = [1], strides = [1]} : vector<16xi32> to vector<1xi32>
          %squeeze3A_96 = vector.extract %slice3A_95[0] : i32 from vector<1xi32>
          %slice3A_97 = vector.extract_strided_slice %mul3A_92 {offsets = [3], sizes = [1], strides = [1]} : vector<16xi32> to vector<1xi32>
          %squeeze3A_98 = vector.extract %slice3A_97[0] : i32 from vector<1xi32>
          %slice3A_99 = vector.extract_strided_slice %mul3A_92 {offsets = [4], sizes = [1], strides = [1]} : vector<16xi32> to vector<1xi32>
          %squeeze3A_100 = vector.extract %slice3A_99[0] : i32 from vector<1xi32>
          %slice3A_101 = vector.extract_strided_slice %mul3A_92 {offsets = [5], sizes = [1], strides = [1]} : vector<16xi32> to vector<1xi32>
          %squeeze3A_102 = vector.extract %slice3A_101[0] : i32 from vector<1xi32>
          %slice3A_103 = vector.extract_strided_slice %mul3A_92 {offsets = [6], sizes = [1], strides = [1]} : vector<16xi32> to vector<1xi32>
          %squeeze3A_104 = vector.extract %slice3A_103[0] : i32 from vector<1xi32>
          %slice3A_105 = vector.extract_strided_slice %mul3A_92 {offsets = [7], sizes = [1], strides = [1]} : vector<16xi32> to vector<1xi32>
          %squeeze3A_106 = vector.extract %slice3A_105[0] : i32 from vector<1xi32>
          %slice3A_107 = vector.extract_strided_slice %mul3A_92 {offsets = [8], sizes = [1], strides = [1]} : vector<16xi32> to vector<1xi32>
          %squeeze3A_108 = vector.extract %slice3A_107[0] : i32 from vector<1xi32>
          %slice3A_109 = vector.extract_strided_slice %mul3A_92 {offsets = [9], sizes = [1], strides = [1]} : vector<16xi32> to vector<1xi32>
          %squeeze3A_110 = vector.extract %slice3A_109[0] : i32 from vector<1xi32>
          %slice3A_111 = vector.extract_strided_slice %mul3A_92 {offsets = [10], sizes = [1], strides = [1]} : vector<16xi32> to vector<1xi32>
          %squeeze3A_112 = vector.extract %slice3A_111[0] : i32 from vector<1xi32>
          %slice3A_113 = vector.extract_strided_slice %mul3A_92 {offsets = [11], sizes = [1], strides = [1]} : vector<16xi32> to vector<1xi32>
          %squeeze3A_114 = vector.extract %slice3A_113[0] : i32 from vector<1xi32>
          %slice3A_115 = vector.extract_strided_slice %mul3A_92 {offsets = [12], sizes = [1], strides = [1]} : vector<16xi32> to vector<1xi32>
          %squeeze3A_116 = vector.extract %slice3A_115[0] : i32 from vector<1xi32>
          %slice3A_117 = vector.extract_strided_slice %mul3A_92 {offsets = [13], sizes = [1], strides = [1]} : vector<16xi32> to vector<1xi32>
          %squeeze3A_118 = vector.extract %slice3A_117[0] : i32 from vector<1xi32>
          %slice3A_119 = vector.extract_strided_slice %mul3A_92 {offsets = [14], sizes = [1], strides = [1]} : vector<16xi32> to vector<1xi32>
          %squeeze3A_120 = vector.extract %slice3A_119[0] : i32 from vector<1xi32>
          %slice3A_121 = vector.extract_strided_slice %mul3A_92 {offsets = [15], sizes = [1], strides = [1]} : vector<16xi32> to vector<1xi32>
          %squeeze3A_122 = vector.extract %slice3A_121[0] : i32 from vector<1xi32>
          %mul3A_123 = arith.constant 16 : i32
          %mul3A_124 = arith.muli %scan3A_83, %mul3A_123 : i32
          %mul3A_125 = arith.constant 128 : i32
          %mul3A_126 = arith.muli %mul3A_124, %mul3A_125 : i32
          %add3A_127 = arith.constant 0 : i32
          %add3A_128 = arith.addi %squeeze3A, %add3A_127 : i32
          %get3A_129 = arith.index_cast %add3A_128 : i32 to index
          %get3A_130 = tpu.vector_load %arg5[%get3A_129] {strides = array<i32>} : memref<16384xf32, #tpu.memory_space<vmem>>, vector<16xf32>,
          %add3A_131 = arith.constant 16 : i32
          %add3A_132 = arith.addi %squeeze3A, %add3A_131 : i32
          %get3A_133 = arith.index_cast %add3A_132 : i32 to index
          %get3A_134 = tpu.vector_load %arg5[%get3A_133] {strides = array<i32>} : memref<16384xf32, #tpu.memory_space<vmem>>, vector<16xf32>,
          %add3A_135 = arith.constant 32 : i32
          %add3A_136 = arith.addi %squeeze3A, %add3A_135 : i32
          %get3A_137 = arith.index_cast %add3A_136 : i32 to index
          %get3A_138 = tpu.vector_load %arg5[%get3A_137] {strides = array<i32>} : memref<16384xf32, #tpu.memory_space<vmem>>, vector<16xf32>,
          %add3A_139 = arith.constant 48 : i32
          %add3A_140 = arith.addi %squeeze3A, %add3A_139 : i32
          %get3A_141 = arith.index_cast %add3A_140 : i32 to index
          %get3A_142 = tpu.vector_load %arg5[%get3A_141] {strides = array<i32>} : memref<16384xf32, #tpu.memory_space<vmem>>, vector<16xf32>,
          %add3A_143 = arith.constant 64 : i32
          %add3A_144 = arith.addi %squeeze3A, %add3A_143 : i32
          %get3A_145 = arith.index_cast %add3A_144 : i32 to index
          %get3A_146 = tpu.vector_load %arg5[%get3A_145] {strides = array<i32>} : memref<16384xf32, #tpu.memory_space<vmem>>, vector<16xf32>,
          %add3A_147 = arith.constant 80 : i32
          %add3A_148 = arith.addi %squeeze3A, %add3A_147 : i32
          %get3A_149 = arith.index_cast %add3A_148 : i32 to index
          %get3A_150 = tpu.vector_load %arg5[%get3A_149] {strides = array<i32>} : memref<16384xf32, #tpu.memory_space<vmem>>, vector<16xf32>,
          %add3A_151 = arith.constant 96 : i32
          %add3A_152 = arith.addi %squeeze3A, %add3A_151 : i32
          %get3A_153 = arith.index_cast %add3A_152 : i32 to index
          %get3A_154 = tpu.vector_load %arg5[%get3A_153] {strides = array<i32>} : memref<16384xf32, #tpu.memory_space<vmem>>, vector<16xf32>,
          %add3A_155 = arith.constant 112 : i32
          %add3A_156 = arith.addi %squeeze3A, %add3A_155 : i32
          %get3A_157 = arith.index_cast %add3A_156 : i32 to index
          %get3A_158 = tpu.vector_load %arg5[%get3A_157] {strides = array<i32>} : memref<16384xf32, #tpu.memory_space<vmem>>, vector<16xf32>,
          %add3A_159 = arith.constant 0 : i32
          %add3A_160 = arith.addi %squeeze3A_94, %add3A_159 : i32
          %get3A_161 = arith.index_cast %add3A_160 : i32 to index
          %get3A_162 = tpu.vector_load %arg5[%get3A_161] {strides = array<i32>} : memref<16384xf32, #tpu.memory_space<vmem>>, vector<16xf32>,
          %add3A_163 = arith.constant 16 : i32
          %add3A_164 = arith.addi %squeeze3A_94, %add3A_163 : i32
          %get3A_165 = arith.index_cast %add3A_164 : i32 to index
          %get3A_166 = tpu.vector_load %arg5[%get3A_165] {strides = array<i32>} : memref<16384xf32, #tpu.memory_space<vmem>>, vector<16xf32>,
          %add3A_167 = arith.constant 32 : i32
          %add3A_168 = arith.addi %squeeze3A_94, %add3A_167 : i32
          %get3A_169 = arith.index_cast %add3A_168 : i32 to index
          %get3A_170 = tpu.vector_load %arg5[%get3A_169] {strides = array<i32>} : memref<16384xf32, #tpu.memory_space<vmem>>, vector<16xf32>,
          %add3A_171 = arith.constant 48 : i32
          %add3A_172 = arith.addi %squeeze3A_94, %add3A_171 : i32
          %get3A_173 = arith.index_cast %add3A_172 : i32 to index
          %get3A_174 = tpu.vector_load %arg5[%get3A_173] {strides = array<i32>} : memref<16384xf32, #tpu.memory_space<vmem>>, vector<16xf32>,
          %add3A_175 = arith.constant 64 : i32
          %add3A_176 = arith.addi %squeeze3A_94, %add3A_175 : i32
          %get3A_177 = arith.index_cast %add3A_176 : i32 to index
          %get3A_178 = tpu.vector_load %arg5[%get3A_177] {strides = array<i32>} : memref<16384xf32, #tpu.memory_space<vmem>>, vector<16xf32>,
          %add3A_179 = arith.constant 80 : i32
          %add3A_180 = arith.addi %squeeze3A_94, %add3A_179 : i32
          %get3A_181 = arith.index_cast %add3A_180 : i32 to index
          %get3A_182 = tpu.vector_load %arg5[%get3A_181] {strides = array<i32>} : memref<16384xf32, #tpu.memory_space<vmem>>, vector<16xf32>,
          %add3A_183 = arith.constant 96 : i32
          %add3A_184 = arith.addi %squeeze3A_94, %add3A_183 : i32
          %get3A_185 = arith.index_cast %add3A_184 : i32 to index
          %get3A_186 = tpu.vector_load %arg5[%get3A_185] {strides = array<i32>} : memref<16384xf32, #tpu.memory_space<vmem>>, vector<16xf32>,
          %add3A_187 = arith.constant 112 : i32
          %add3A_188 = arith.addi %squeeze3A_94, %add3A_187 : i32
          %get3A_189 = arith.index_cast %add3A_188 : i32 to index
          %get3A_190 = tpu.vector_load %arg5[%get3A_189] {strides = array<i32>} : memref<16384xf32, #tpu.memory_space<vmem>>, vector<16xf32>,
          %add3A_191 = arith.constant 0 : i32
          %add3A_192 = arith.addi %mul3A_126, %add3A_191 : i32
          %add3A_193 = arith.constant 0 : i32
          %add3A_194 = arith.addi %add3A_192, %add3A_193 : i32
          %swap3A = arith.index_cast %add3A_194 : i32 to index
          %swap3A_195 = tpu.vector_load %arg7[%swap3A] {strides = array<i32>} : memref<51200xf32, #tpu.memory_space<vmem>>, vector<16xf32>,
          tpu.vector_store %arg7[%swap3A], %get3A_130 {strides = array<i32>} : memref<51200xf32, #tpu.memory_space<vmem>>, vector<16xf32>,
          %add3A_196 = arith.constant 16 : i32
          %add3A_197 = arith.addi %add3A_192, %add3A_196 : i32
          %swap3A_198 = arith.index_cast %add3A_197 : i32 to index
          %swap3A_199 = tpu.vector_load %arg7[%swap3A_198] {strides = array<i32>} : memref<51200xf32, #tpu.memory_space<vmem>>, vector<16xf32>,
          tpu.vector_store %arg7[%swap3A_198], %get3A_134 {strides = array<i32>} : memref<51200xf32, #tpu.memory_space<vmem>>, vector<16xf32>,
          %add3A_200 = arith.constant 32 : i32
          %add3A_201 = arith.addi %add3A_192, %add3A_200 : i32
          %swap3A_202 = arith.index_cast %add3A_201 : i32 to index
          %swap3A_203 = tpu.vector_load %arg7[%swap3A_202] {strides = array<i32>} : memref<51200xf32, #tpu.memory_space<vmem>>, vector<16xf32>,
          tpu.vector_store %arg7[%swap3A_202], %get3A_138 {strides = array<i32>} : memref<51200xf32, #tpu.memory_space<vmem>>, vector<16xf32>,
          %add3A_204 = arith.constant 48 : i32
          %add3A_205 = arith.addi %add3A_192, %add3A_204 : i32
          %swap3A_206 = arith.index_cast %add3A_205 : i32 to index
          %swap3A_207 = tpu.vector_load %arg7[%swap3A_206] {strides = array<i32>} : memref<51200xf32, #tpu.memory_space<vmem>>, vector<16xf32>,
          tpu.vector_store %arg7[%swap3A_206], %get3A_142 {strides = array<i32>} : memref<51200xf32, #tpu.memory_space<vmem>>, vector<16xf32>,
          %add3A_208 = arith.constant 64 : i32
          %add3A_209 = arith.addi %add3A_192, %add3A_208 : i32
          %swap3A_210 = arith.index_cast %add3A_209 : i32 to index
          %swap3A_211 = tpu.vector_load %arg7[%swap3A_210] {strides = array<i32>} : memref<51200xf32, #tpu.memory_space<vmem>>, vector<16xf32>,
          tpu.vector_store %arg7[%swap3A_210], %get3A_146 {strides = array<i32>} : memref<51200xf32, #tpu.memory_space<vmem>>, vector<16xf32>,
          %add3A_212 = arith.constant 80 : i32
          %add3A_213 = arith.addi %add3A_192, %add3A_212 : i32
          %swap3A_214 = arith.index_cast %add3A_213 : i32 to index
          %swap3A_215 = tpu.vector_load %arg7[%swap3A_214] {strides = array<i32>} : memref<51200xf32, #tpu.memory_space<vmem>>, vector<16xf32>,
          tpu.vector_store %arg7[%swap3A_214], %get3A_150 {strides = array<i32>} : memref<51200xf32, #tpu.memory_space<vmem>>, vector<16xf32>,
          %add3A_216 = arith.constant 96 : i32
          %add3A_217 = arith.addi %add3A_192, %add3A_216 : i32
          %swap3A_218 = arith.index_cast %add3A_217 : i32 to index
          %swap3A_219 = tpu.vector_load %arg7[%swap3A_218] {strides = array<i32>} : memref<51200xf32, #tpu.memory_space<vmem>>, vector<16xf32>,
          tpu.vector_store %arg7[%swap3A_218], %get3A_154 {strides = array<i32>} : memref<51200xf32, #tpu.memory_space<vmem>>, vector<16xf32>,
          %add3A_220 = arith.constant 112 : i32
          %add3A_221 = arith.addi %add3A_192, %add3A_220 : i32
          %swap3A_222 = arith.index_cast %add3A_221 : i32 to index
          %swap3A_223 = tpu.vector_load %arg7[%swap3A_222] {strides = array<i32>} : memref<51200xf32, #tpu.memory_space<vmem>>, vector<16xf32>,
          tpu.vector_store %arg7[%swap3A_222], %get3A_158 {strides = array<i32>} : memref<51200xf32, #tpu.memory_space<vmem>>, vector<16xf32>,
          %add3A_224 = arith.constant 0 : i32
          %add3A_225 = arith.addi %squeeze3A_96, %add3A_224 : i32
          %get3A_226 = arith.index_cast %add3A_225 : i32 to index
          %get3A_227 = tpu.vector_load %arg5[%get3A_226] {strides = array<i32>} : memref<16384xf32, #tpu.memory_space<vmem>>, vector<16xf32>,
          %add3A_228 = arith.constant 16 : i32
          %add3A_229 = arith.addi %squeeze3A_96, %add3A_228 : i32
          %get3A_230 = arith.index_cast %add3A_229 : i32 to index
          %get3A_231 = tpu.vector_load %arg5[%get3A_230] {strides = array<i32>} : memref<16384xf32, #tpu.memory_space<vmem>>, vector<16xf32>,
          %add3A_232 = arith.constant 32 : i32
          %add3A_233 = arith.addi %squeeze3A_96, %add3A_232 : i32
          %get3A_234 = arith.index_cast %add3A_233 : i32 to index
          %get3A_235 = tpu.vector_load %arg5[%get3A_234] {strides = array<i32>} : memref<16384xf32, #tpu.memory_space<vmem>>, vector<16xf32>,
          %add3A_236 = arith.constant 48 : i32
          %add3A_237 = arith.addi %squeeze3A_96, %add3A_236 : i32
          %get3A_238 = arith.index_cast %add3A_237 : i32 to index
          %get3A_239 = tpu.vector_load %arg5[%get3A_238] {strides = array<i32>} : memref<16384xf32, #tpu.memory_space<vmem>>, vector<16xf32>,
          %add3A_240 = arith.constant 64 : i32
          %add3A_241 = arith.addi %squeeze3A_96, %add3A_240 : i32
          %get3A_242 = arith.index_cast %add3A_241 : i32 to index
          %get3A_243 = tpu.vector_load %arg5[%get3A_242] {strides = array<i32>} : memref<16384xf32, #tpu.memory_space<vmem>>, vector<16xf32>,
          %add3A_244 = arith.constant 80 : i32
          %add3A_245 = arith.addi %squeeze3A_96, %add3A_244 : i32
          %get3A_246 = arith.index_cast %add3A_245 : i32 to index
          %get3A_247 = tpu.vector_load %arg5[%get3A_246] {strides = array<i32>} : memref<16384xf32, #tpu.memory_space<vmem>>, vector<16xf32>,
          %add3A_248 = arith.constant 96 : i32
          %add3A_249 = arith.addi %squeeze3A_96, %add3A_248 : i32
          %get3A_250 = arith.index_cast %add3A_249 : i32 to index
          %get3A_251 = tpu.vector_load %arg5[%get3A_250] {strides = array<i32>} : memref<16384xf32, #tpu.memory_space<vmem>>, vector<16xf32>,
          %add3A_252 = arith.constant 112 : i32
          %add3A_253 = arith.addi %squeeze3A_96, %add3A_252 : i32
          %get3A_254 = arith.index_cast %add3A_253 : i32 to index
          %get3A_255 = tpu.vector_load %arg5[%get3A_254] {strides = array<i32>} : memref<16384xf32, #tpu.memory_space<vmem>>, vector<16xf32>,
          %add3A_256 = arith.constant 128 : i32
          %add3A_257 = arith.addi %mul3A_126, %add3A_256 : i32
          %add3A_258 = arith.constant 0 : i32
          %add3A_259 = arith.addi %add3A_257, %add3A_258 : i32
          %swap3A_260 = arith.index_cast %add3A_259 : i32 to index
          %swap3A_261 = tpu.vector_load %arg7[%swap3A_260] {strides = array<i32>} : memref<51200xf32, #tpu.memory_space<vmem>>, vector<16xf32>,
          tpu.vector_store %arg7[%swap3A_260], %get3A_162 {strides = array<i32>} : memref<51200xf32, #tpu.memory_space<vmem>>, vector<16xf32>,
          %add3A_262 = arith.constant 16 : i32
          %add3A_263 = arith.addi %add3A_257, %add3A_262 : i32
          %swap3A_264 = arith.index_cast %add3A_263 : i32 to index
          %swap3A_265 = tpu.vector_load %arg7[%swap3A_264] {strides = array<i32>} : memref<51200xf32, #tpu.memory_space<vmem>>, vector<16xf32>,
          tpu.vector_store %arg7[%swap3A_264], %get3A_166 {strides = array<i32>} : memref<51200xf32, #tpu.memory_space<vmem>>, vector<16xf32>,
          %add3A_266 = arith.constant 32 : i32
          %add3A_267 = arith.addi %add3A_257, %add3A_266 : i32
          %swap3A_268 = arith.index_cast %add3A_267 : i32 to index
          %swap3A_269 = tpu.vector_load %arg7[%swap3A_268] {strides = array<i32>} : memref<51200xf32, #tpu.memory_space<vmem>>, vector<16xf32>,
          tpu.vector_store %arg7[%swap3A_268], %get3A_170 {strides = array<i32>} : memref<51200xf32, #tpu.memory_space<vmem>>, vector<16xf32>,
          %add3A_270 = arith.constant 48 : i32
          %add3A_271 = arith.addi %add3A_257, %add3A_270 : i32
          %swap3A_272 = arith.index_cast %add3A_271 : i32 to index
          %swap3A_273 = tpu.vector_load %arg7[%swap3A_272] {strides = array<i32>} : memref<51200xf32, #tpu.memory_space<vmem>>, vector<16xf32>,
          tpu.vector_store %arg7[%swap3A_272], %get3A_174 {strides = array<i32>} : memref<51200xf32, #tpu.memory_space<vmem>>, vector<16xf32>,
          %add3A_274 = arith.constant 64 : i32
          %add3A_275 = arith.addi %add3A_257, %add3A_274 : i32
          %swap3A_276 = arith.index_cast %add3A_275 : i32 to index
          %swap3A_277 = tpu.vector_load %arg7[%swap3A_276] {strides = array<i32>} : memref<51200xf32, #tpu.memory_space<vmem>>, vector<16xf32>,
          tpu.vector_store %arg7[%swap3A_276], %get3A_178 {strides = array<i32>} : memref<51200xf32, #tpu.memory_space<vmem>>, vector<16xf32>,
          %add3A_278 = arith.constant 80 : i32
          %add3A_279 = arith.addi %add3A_257, %add3A_278 : i32
          %swap3A_280 = arith.index_cast %add3A_279 : i32 to index
          %swap3A_281 = tpu.vector_load %arg7[%swap3A_280] {strides = array<i32>} : memref<51200xf32, #tpu.memory_space<vmem>>, vector<16xf32>,
          tpu.vector_store %arg7[%swap3A_280], %get3A_182 {strides = array<i32>} : memref<51200xf32, #tpu.memory_space<vmem>>, vector<16xf32>,
          %add3A_282 = arith.constant 96 : i32
          %add3A_283 = arith.addi %add3A_257, %add3A_282 : i32
          %swap3A_284 = arith.index_cast %add3A_283 : i32 to index
          %swap3A_285 = tpu.vector_load %arg7[%swap3A_284] {strides = array<i32>} : memref<51200xf32, #tpu.memory_space<vmem>>, vector<16xf32>,
          tpu.vector_store %arg7[%swap3A_284], %get3A_186 {strides = array<i32>} : memref<51200xf32, #tpu.memory_space<vmem>>, vector<16xf32>,
          %add3A_286 = arith.constant 112 : i32
          %add3A_287 = arith.addi %add3A_257, %add3A_286 : i32
          %swap3A_288 = arith.index_cast %add3A_287 : i32 to index
          %swap3A_289 = tpu.vector_load %arg7[%swap3A_288] {strides = array<i32>} : memref<51200xf32, #tpu.memory_space<vmem>>, vector<16xf32>,
          tpu.vector_store %arg7[%swap3A_288], %get3A_190 {strides = array<i32>} : memref<51200xf32, #tpu.memory_space<vmem>>, vector<16xf32>,
          %add3A_290 = arith.constant 0 : i32
          %add3A_291 = arith.addi %squeeze3A_98, %add3A_290 : i32
          %get3A_292 = arith.index_cast %add3A_291 : i32 to index
          %get3A_293 = tpu.vector_load %arg5[%get3A_292] {strides = array<i32>} : memref<16384xf32, #tpu.memory_space<vmem>>, vector<16xf32>,
          %add3A_294 = arith.constant 16 : i32
          %add3A_295 = arith.addi %squeeze3A_98, %add3A_294 : i32
          %get3A_296 = arith.index_cast %add3A_295 : i32 to index
          %get3A_297 = tpu.vector_load %arg5[%get3A_296] {strides = array<i32>} : memref<16384xf32, #tpu.memory_space<vmem>>, vector<16xf32>,
          %add3A_298 = arith.constant 32 : i32
          %add3A_299 = arith.addi %squeeze3A_98, %add3A_298 : i32
          %get3A_300 = arith.index_cast %add3A_299 : i32 to index
          %get3A_301 = tpu.vector_load %arg5[%get3A_300] {strides = array<i32>} : memref<16384xf32, #tpu.memory_space<vmem>>, vector<16xf32>,
          %add3A_302 = arith.constant 48 : i32
          %add3A_303 = arith.addi %squeeze3A_98, %add3A_302 : i32
          %get3A_304 = arith.index_cast %add3A_303 : i32 to index
          %get3A_305 = tpu.vector_load %arg5[%get3A_304] {strides = array<i32>} : memref<16384xf32, #tpu.memory_space<vmem>>, vector<16xf32>,
          %add3A_306 = arith.constant 64 : i32
          %add3A_307 = arith.addi %squeeze3A_98, %add3A_306 : i32
          %get3A_308 = arith.index_cast %add3A_307 : i32 to index
          %get3A_309 = tpu.vector_load %arg5[%get3A_308] {strides = array<i32>} : memref<16384xf32, #tpu.memory_space<vmem>>, vector<16xf32>,
          %add3A_310 = arith.constant 80 : i32
          %add3A_311 = arith.addi %squeeze3A_98, %add3A_310 : i32
          %get3A_312 = arith.index_cast %add3A_311 : i32 to index
          %get3A_313 = tpu.vector_load %arg5[%get3A_312] {strides = array<i32>} : memref<16384xf32, #tpu.memory_space<vmem>>, vector<16xf32>,
          %add3A_314 = arith.constant 96 : i32
          %add3A_315 = arith.addi %squeeze3A_98, %add3A_314 : i32
          %get3A_316 = arith.index_cast %add3A_315 : i32 to index
          %get3A_317 = tpu.vector_load %arg5[%get3A_316] {strides = array<i32>} : memref<16384xf32, #tpu.memory_space<vmem>>, vector<16xf32>,
          %add3A_318 = arith.constant 112 : i32
          %add3A_319 = arith.addi %squeeze3A_98, %add3A_318 : i32
          %get3A_320 = arith.index_cast %add3A_319 : i32 to index
          %get3A_321 = tpu.vector_load %arg5[%get3A_320] {strides = array<i32>} : memref<16384xf32, #tpu.memory_space<vmem>>, vector<16xf32>,
          %add3A_322 = arith.constant 256 : i32
          %add3A_323 = arith.addi %mul3A_126, %add3A_322 : i32
          %add3A_324 = arith.constant 0 : i32
          %add3A_325 = arith.addi %add3A_323, %add3A_324 : i32
          %swap3A_326 = arith.index_cast %add3A_325 : i32 to index
          %swap3A_327 = tpu.vector_load %arg7[%swap3A_326] {strides = array<i32>} : memref<51200xf32, #tpu.memory_space<vmem>>, vector<16xf32>,
          tpu.vector_store %arg7[%swap3A_326], %get3A_227 {strides = array<i32>} : memref<51200xf32, #tpu.memory_space<vmem>>, vector<16xf32>,
          %add3A_328 = arith.constant 16 : i32
          %add3A_329 = arith.addi %add3A_323, %add3A_328 : i32
          %swap3A_330 = arith.index_cast %add3A_329 : i32 to index
          %swap3A_331 = tpu.vector_load %arg7[%swap3A_330] {strides = array<i32>} : memref<51200xf32, #tpu.memory_space<vmem>>, vector<16xf32>,
          tpu.vector_store %arg7[%swap3A_330], %get3A_231 {strides = array<i32>} : memref<51200xf32, #tpu.memory_space<vmem>>, vector<16xf32>,
          %add3A_332 = arith.constant 32 : i32
          %add3A_333 = arith.addi %add3A_323, %add3A_332 : i32
          %swap3A_334 = arith.index_cast %add3A_333 : i32 to index
          %swap3A_335 = tpu.vector_load %arg7[%swap3A_334] {strides = array<i32>} : memref<51200xf32, #tpu.memory_space<vmem>>, vector<16xf32>,
          tpu.vector_store %arg7[%swap3A_334], %get3A_235 {strides = array<i32>} : memref<51200xf32, #tpu.memory_space<vmem>>, vector<16xf32>,
          %add3A_336 = arith.constant 48 : i32
          %add3A_337 = arith.addi %add3A_323, %add3A_336 : i32
          %swap3A_338 = arith.index_cast %add3A_337 : i32 to index
          %swap3A_339 = tpu.vector_load %arg7[%swap3A_338] {strides = array<i32>} : memref<51200xf32, #tpu.memory_space<vmem>>, vector<16xf32>,
          tpu.vector_store %arg7[%swap3A_338], %get3A_239 {strides = array<i32>} : memref<51200xf32, #tpu.memory_space<vmem>>, vector<16xf32>,
          %add3A_340 = arith.constant 64 : i32
          %add3A_341 = arith.addi %add3A_323, %add3A_340 : i32
          %swap3A_342 = arith.index_cast %add3A_341 : i32 to index
          %swap3A_343 = tpu.vector_load %arg7[%swap3A_342] {strides = array<i32>} : memref<51200xf32, #tpu.memory_space<vmem>>, vector<16xf32>,
          tpu.vector_store %arg7[%swap3A_342], %get3A_243 {strides = array<i32>} : memref<51200xf32, #tpu.memory_space<vmem>>, vector<16xf32>,
          %add3A_344 = arith.constant 80 : i32
          %add3A_345 = arith.addi %add3A_323, %add3A_344 : i32
          %swap3A_346 = arith.index_cast %add3A_345 : i32 to index
          %swap3A_347 = tpu.vector_load %arg7[%swap3A_346] {strides = array<i32>} : memref<51200xf32, #tpu.memory_space<vmem>>, vector<16xf32>,
          tpu.vector_store %arg7[%swap3A_346], %get3A_247 {strides = array<i32>} : memref<51200xf32, #tpu.memory_space<vmem>>, vector<16xf32>,
          %add3A_348 = arith.constant 96 : i32
          %add3A_349 = arith.addi %add3A_323, %add3A_348 : i32
          %swap3A_350 = arith.index_cast %add3A_349 : i32 to index
          %swap3A_351 = tpu.vector_load %arg7[%swap3A_350] {strides = array<i32>} : memref<51200xf32, #tpu.memory_space<vmem>>, vector<16xf32>,
          tpu.vector_store %arg7[%swap3A_350], %get3A_251 {strides = array<i32>} : memref<51200xf32, #tpu.memory_space<vmem>>, vector<16xf32>,
          %add3A_352 = arith.constant 112 : i32
          %add3A_353 = arith.addi %add3A_323, %add3A_352 : i32
          %swap3A_354 = arith.index_cast %add3A_353 : i32 to index
          %swap3A_355 = tpu.vector_load %arg7[%swap3A_354] {strides = array<i32>} : memref<51200xf32, #tpu.memory_space<vmem>>, vector<16xf32>,
          tpu.vector_store %arg7[%swap3A_354], %get3A_255 {strides = array<i32>} : memref<51200xf32, #tpu.memory_space<vmem>>, vector<16xf32>,
          %add3A_356 = arith.constant 0 : i32
          %add3A_357 = arith.addi %squeeze3A_100, %add3A_356 : i32
          %get3A_358 = arith.index_cast %add3A_357 : i32 to index
          %get3A_359 = tpu.vector_load %arg5[%get3A_358] {strides = array<i32>} : memref<16384xf32, #tpu.memory_space<vmem>>, vector<16xf32>,
          %add3A_360 = arith.constant 16 : i32
          %add3A_361 = arith.addi %squeeze3A_100, %add3A_360 : i32
          %get3A_362 = arith.index_cast %add3A_361 : i32 to index
          %get3A_363 = tpu.vector_load %arg5[%get3A_362] {strides = array<i32>} : memref<16384xf32, #tpu.memory_space<vmem>>, vector<16xf32>,
          %add3A_364 = arith.constant 32 : i32
          %add3A_365 = arith.addi %squeeze3A_100, %add3A_364 : i32
          %get3A_366 = arith.index_cast %add3A_365 : i32 to index
          %get3A_367 = tpu.vector_load %arg5[%get3A_366] {strides = array<i32>} : memref<16384xf32, #tpu.memory_space<vmem>>, vector<16xf32>,
          %add3A_368 = arith.constant 48 : i32
          %add3A_369 = arith.addi %squeeze3A_100, %add3A_368 : i32
          %get3A_370 = arith.index_cast %add3A_369 : i32 to index
          %get3A_371 = tpu.vector_load %arg5[%get3A_370] {strides = array<i32>} : memref<16384xf32, #tpu.memory_space<vmem>>, vector<16xf32>,
          %add3A_372 = arith.constant 64 : i32
          %add3A_373 = arith.addi %squeeze3A_100, %add3A_372 : i32
          %get3A_374 = arith.index_cast %add3A_373 : i32 to index
          %get3A_375 = tpu.vector_load %arg5[%get3A_374] {strides = array<i32>} : memref<16384xf32, #tpu.memory_space<vmem>>, vector<16xf32>,
          %add3A_376 = arith.constant 80 : i32
          %add3A_377 = arith.addi %squeeze3A_100, %add3A_376 : i32
          %get3A_378 = arith.index_cast %add3A_377 : i32 to index
          %get3A_379 = tpu.vector_load %arg5[%get3A_378] {strides = array<i32>} : memref<16384xf32, #tpu.memory_space<vmem>>, vector<16xf32>,
          %add3A_380 = arith.constant 96 : i32
          %add3A_381 = arith.addi %squeeze3A_100, %add3A_380 : i32
          %get3A_382 = arith.index_cast %add3A_381 : i32 to index
          %get3A_383 = tpu.vector_load %arg5[%get3A_382] {strides = array<i32>} : memref<16384xf32, #tpu.memory_space<vmem>>, vector<16xf32>,
          %add3A_384 = arith.constant 112 : i32
          %add3A_385 = arith.addi %squeeze3A_100, %add3A_384 : i32
          %get3A_386 = arith.index_cast %add3A_385 : i32 to index
          %get3A_387 = tpu.vector_load %arg5[%get3A_386] {strides = array<i32>} : memref<16384xf32, #tpu.memory_space<vmem>>, vector<16xf32>,
          %add3A_388 = arith.constant 384 : i32
          %add3A_389 = arith.addi %mul3A_126, %add3A_388 : i32
          %add3A_390 = arith.constant 0 : i32
          %add3A_391 = arith.addi %add3A_389, %add3A_390 : i32
          %swap3A_392 = arith.index_cast %add3A_391 : i32 to index
          %swap3A_393 = tpu.vector_load %arg7[%swap3A_392] {strides = array<i32>} : memref<51200xf32, #tpu.memory_space<vmem>>, vector<16xf32>,
          tpu.vector_store %arg7[%swap3A_392], %get3A_293 {strides = array<i32>} : memref<51200xf32, #tpu.memory_space<vmem>>, vector<16xf32>,
          %add3A_394 = arith.constant 16 : i32
          %add3A_395 = arith.addi %add3A_389, %add3A_394 : i32
          %swap3A_396 = arith.index_cast %add3A_395 : i32 to index
          %swap3A_397 = tpu.vector_load %arg7[%swap3A_396] {strides = array<i32>} : memref<51200xf32, #tpu.memory_space<vmem>>, vector<16xf32>,
          tpu.vector_store %arg7[%swap3A_396], %get3A_297 {strides = array<i32>} : memref<51200xf32, #tpu.memory_space<vmem>>, vector<16xf32>,
          %add3A_398 = arith.constant 32 : i32
          %add3A_399 = arith.addi %add3A_389, %add3A_398 : i32
          %swap3A_400 = arith.index_cast %add3A_399 : i32 to index
          %swap3A_401 = tpu.vector_load %arg7[%swap3A_400] {strides = array<i32>} : memref<51200xf32, #tpu.memory_space<vmem>>, vector<16xf32>,
          tpu.vector_store %arg7[%swap3A_400], %get3A_301 {strides = array<i32>} : memref<51200xf32, #tpu.memory_space<vmem>>, vector<16xf32>,
          %add3A_402 = arith.constant 48 : i32
          %add3A_403 = arith.addi %add3A_389, %add3A_402 : i32
          %swap3A_404 = arith.index_cast %add3A_403 : i32 to index
          %swap3A_405 = tpu.vector_load %arg7[%swap3A_404] {strides = array<i32>} : memref<51200xf32, #tpu.memory_space<vmem>>, vector<16xf32>,
          tpu.vector_store %arg7[%swap3A_404], %get3A_305 {strides = array<i32>} : memref<51200xf32, #tpu.memory_space<vmem>>, vector<16xf32>,
          %add3A_406 = arith.constant 64 : i32
          %add3A_407 = arith.addi %add3A_389, %add3A_406 : i32
          %swap3A_408 = arith.index_cast %add3A_407 : i32 to index
          %swap3A_409 = tpu.vector_load %arg7[%swap3A_408] {strides = array<i32>} : memref<51200xf32, #tpu.memory_space<vmem>>, vector<16xf32>,
          tpu.vector_store %arg7[%swap3A_408], %get3A_309 {strides = array<i32>} : memref<51200xf32, #tpu.memory_space<vmem>>, vector<16xf32>,
          %add3A_410 = arith.constant 80 : i32
          %add3A_411 = arith.addi %add3A_389, %add3A_410 : i32
          %swap3A_412 = arith.index_cast %add3A_411 : i32 to index
          %swap3A_413 = tpu.vector_load %arg7[%swap3A_412] {strides = array<i32>} : memref<51200xf32, #tpu.memory_space<vmem>>, vector<16xf32>,
          tpu.vector_store %arg7[%swap3A_412], %get3A_313 {strides = array<i32>} : memref<51200xf32, #tpu.memory_space<vmem>>, vector<16xf32>,
          %add3A_414 = arith.constant 96 : i32
          %add3A_415 = arith.addi %add3A_389, %add3A_414 : i32
          %swap3A_416 = arith.index_cast %add3A_415 : i32 to index
          %swap3A_417 = tpu.vector_load %arg7[%swap3A_416] {strides = array<i32>} : memref<51200xf32, #tpu.memory_space<vmem>>, vector<16xf32>,
          tpu.vector_store %arg7[%swap3A_416], %get3A_317 {strides = array<i32>} : memref<51200xf32, #tpu.memory_space<vmem>>, vector<16xf32>,
          %add3A_418 = arith.constant 112 : i32
          %add3A_419 = arith.addi %add3A_389, %add3A_418 : i32
          %swap3A_420 = arith.index_cast %add3A_419 : i32 to index
          %swap3A_421 = tpu.vector_load %arg7[%swap3A_420] {strides = array<i32>} : memref<51200xf32, #tpu.memory_space<vmem>>, vector<16xf32>,
          tpu.vector_store %arg7[%swap3A_420], %get3A_321 {strides = array<i32>} : memref<51200xf32, #tpu.memory_space<vmem>>, vector<16xf32>,
          %add3A_422 = arith.constant 0 : i32
          %add3A_423 = arith.addi %squeeze3A_102, %add3A_422 : i32
          %get3A_424 = arith.index_cast %add3A_423 : i32 to index
          %get3A_425 = tpu.vector_load %arg5[%get3A_424] {strides = array<i32>} : memref<16384xf32, #tpu.memory_space<vmem>>, vector<16xf32>,
          %add3A_426 = arith.constant 16 : i32
          %add3A_427 = arith.addi %squeeze3A_102, %add3A_426 : i32
          %get3A_428 = arith.index_cast %add3A_427 : i32 to index
          %get3A_429 = tpu.vector_load %arg5[%get3A_428] {strides = array<i32>} : memref<16384xf32, #tpu.memory_space<vmem>>, vector<16xf32>,
          %add3A_430 = arith.constant 32 : i32
          %add3A_431 = arith.addi %squeeze3A_102, %add3A_430 : i32
          %get3A_432 = arith.index_cast %add3A_431 : i32 to index
          %get3A_433 = tpu.vector_load %arg5[%get3A_432] {strides = array<i32>} : memref<16384xf32, #tpu.memory_space<vmem>>, vector<16xf32>,
          %add3A_434 = arith.constant 48 : i32
          %add3A_435 = arith.addi %squeeze3A_102, %add3A_434 : i32
          %get3A_436 = arith.index_cast %add3A_435 : i32 to index
          %get3A_437 = tpu.vector_load %arg5[%get3A_436] {strides = array<i32>} : memref<16384xf32, #tpu.memory_space<vmem>>, vector<16xf32>,
          %add3A_438 = arith.constant 64 : i32
          %add3A_439 = arith.addi %squeeze3A_102, %add3A_438 : i32
          %get3A_440 = arith.index_cast %add3A_439 : i32 to index
          %get3A_441 = tpu.vector_load %arg5[%get3A_440] {strides = array<i32>} : memref<16384xf32, #tpu.memory_space<vmem>>, vector<16xf32>,
          %add3A_442 = arith.constant 80 : i32
          %add3A_443 = arith.addi %squeeze3A_102, %add3A_442 : i32
          %get3A_444 = arith.index_cast %add3A_443 : i32 to index
          %get3A_445 = tpu.vector_load %arg5[%get3A_444] {strides = array<i32>} : memref<16384xf32, #tpu.memory_space<vmem>>, vector<16xf32>,
          %add3A_446 = arith.constant 96 : i32
          %add3A_447 = arith.addi %squeeze3A_102, %add3A_446 : i32
          %get3A_448 = arith.index_cast %add3A_447 : i32 to index
          %get3A_449 = tpu.vector_load %arg5[%get3A_448] {strides = array<i32>} : memref<16384xf32, #tpu.memory_space<vmem>>, vector<16xf32>,
          %add3A_450 = arith.constant 112 : i32
          %add3A_451 = arith.addi %squeeze3A_102, %add3A_450 : i32
          %get3A_452 = arith.index_cast %add3A_451 : i32 to index
          %get3A_453 = tpu.vector_load %arg5[%get3A_452] {strides = array<i32>} : memref<16384xf32, #tpu.memory_space<vmem>>, vector<16xf32>,
          %add3A_454 = arith.constant 512 : i32
          %add3A_455 = arith.addi %mul3A_126, %add3A_454 : i32
          %add3A_456 = arith.constant 0 : i32
          %add3A_457 = arith.addi %add3A_455, %add3A_456 : i32
          %swap3A_458 = arith.index_cast %add3A_457 : i32 to index
          %swap3A_459 = tpu.vector_load %arg7[%swap3A_458] {strides = array<i32>} : memref<51200xf32, #tpu.memory_space<vmem>>, vector<16xf32>,
          tpu.vector_store %arg7[%swap3A_458], %get3A_359 {strides = array<i32>} : memref<51200xf32, #tpu.memory_space<vmem>>, vector<16xf32>,
          %add3A_460 = arith.constant 16 : i32
          %add3A_461 = arith.addi %add3A_455, %add3A_460 : i32
          %swap3A_462 = arith.index_cast %add3A_461 : i32 to index
          %swap3A_463 = tpu.vector_load %arg7[%swap3A_462] {strides = array<i32>} : memref<51200xf32, #tpu.memory_space<vmem>>, vector<16xf32>,
          tpu.vector_store %arg7[%swap3A_462], %get3A_363 {strides = array<i32>} : memref<51200xf32, #tpu.memory_space<vmem>>, vector<16xf32>,
          %add3A_464 = arith.constant 32 : i32
          %add3A_465 = arith.addi %add3A_455, %add3A_464 : i32
          %swap3A_466 = arith.index_cast %add3A_465 : i32 to index
          %swap3A_467 = tpu.vector_load %arg7[%swap3A_466] {strides = array<i32>} : memref<51200xf32, #tpu.memory_space<vmem>>, vector<16xf32>,
          tpu.vector_store %arg7[%swap3A_466], %get3A_367 {strides = array<i32>} : memref<51200xf32, #tpu.memory_space<vmem>>, vector<16xf32>,
          %add3A_468 = arith.constant 48 : i32
          %add3A_469 = arith.addi %add3A_455, %add3A_468 : i32
          %swap3A_470 = arith.index_cast %add3A_469 : i32 to index
          %swap3A_471 = tpu.vector_load %arg7[%swap3A_470] {strides = array<i32>} : memref<51200xf32, #tpu.memory_space<vmem>>, vector<16xf32>,
          tpu.vector_store %arg7[%swap3A_470], %get3A_371 {strides = array<i32>} : memref<51200xf32, #tpu.memory_space<vmem>>, vector<16xf32>,
          %add3A_472 = arith.constant 64 : i32
          %add3A_473 = arith.addi %add3A_455, %add3A_472 : i32
          %swap3A_474 = arith.index_cast %add3A_473 : i32 to index
          %swap3A_475 = tpu.vector_load %arg7[%swap3A_474] {strides = array<i32>} : memref<51200xf32, #tpu.memory_space<vmem>>, vector<16xf32>,
          tpu.vector_store %arg7[%swap3A_474], %get3A_375 {strides = array<i32>} : memref<51200xf32, #tpu.memory_space<vmem>>, vector<16xf32>,
          %add3A_476 = arith.constant 80 : i32
          %add3A_477 = arith.addi %add3A_455, %add3A_476 : i32
          %swap3A_478 = arith.index_cast %add3A_477 : i32 to index
          %swap3A_479 = tpu.vector_load %arg7[%swap3A_478] {strides = array<i32>} : memref<51200xf32, #tpu.memory_space<vmem>>, vector<16xf32>,
          tpu.vector_store %arg7[%swap3A_478], %get3A_379 {strides = array<i32>} : memref<51200xf32, #tpu.memory_space<vmem>>, vector<16xf32>,
          %add3A_480 = arith.constant 96 : i32
          %add3A_481 = arith.addi %add3A_455, %add3A_480 : i32
          %swap3A_482 = arith.index_cast %add3A_481 : i32 to index
          %swap3A_483 = tpu.vector_load %arg7[%swap3A_482] {strides = array<i32>} : memref<51200xf32, #tpu.memory_space<vmem>>, vector<16xf32>,
          tpu.vector_store %arg7[%swap3A_482], %get3A_383 {strides = array<i32>} : memref<51200xf32, #tpu.memory_space<vmem>>, vector<16xf32>,
          %add3A_484 = arith.constant 112 : i32
          %add3A_485 = arith.addi %add3A_455, %add3A_484 : i32
          %swap3A_486 = arith.index_cast %add3A_485 : i32 to index
          %swap3A_487 = tpu.vector_load %arg7[%swap3A_486] {strides = array<i32>} : memref<51200xf32, #tpu.memory_space<vmem>>, vector<16xf32>,
          tpu.vector_store %arg7[%swap3A_486], %get3A_387 {strides = array<i32>} : memref<51200xf32, #tpu.memory_space<vmem>>, vector<16xf32>,
          %add3A_488 = arith.constant 0 : i32
          %add3A_489 = arith.addi %squeeze3A_104, %add3A_488 : i32
          %get3A_490 = arith.index_cast %add3A_489 : i32 to index
          %get3A_491 = tpu.vector_load %arg5[%get3A_490] {strides = array<i32>} : memref<16384xf32, #tpu.memory_space<vmem>>, vector<16xf32>,
          %add3A_492 = arith.constant 16 : i32
          %add3A_493 = arith.addi %squeeze3A_104, %add3A_492 : i32
          %get3A_494 = arith.index_cast %add3A_493 : i32 to index
          %get3A_495 = tpu.vector_load %arg5[%get3A_494] {strides = array<i32>} : memref<16384xf32, #tpu.memory_space<vmem>>, vector<16xf32>,
          %add3A_496 = arith.constant 32 : i32
          %add3A_497 = arith.addi %squeeze3A_104, %add3A_496 : i32
          %get3A_498 = arith.index_cast %add3A_497 : i32 to index
          %get3A_499 = tpu.vector_load %arg5[%get3A_498] {strides = array<i32>} : memref<16384xf32, #tpu.memory_space<vmem>>, vector<16xf32>,
          %add3A_500 = arith.constant 48 : i32
          %add3A_501 = arith.addi %squeeze3A_104, %add3A_500 : i32
          %get3A_502 = arith.index_cast %add3A_501 : i32 to index
          %get3A_503 = tpu.vector_load %arg5[%get3A_502] {strides = array<i32>} : memref<16384xf32, #tpu.memory_space<vmem>>, vector<16xf32>,
          %add3A_504 = arith.constant 64 : i32
          %add3A_505 = arith.addi %squeeze3A_104, %add3A_504 : i32
          %get3A_506 = arith.index_cast %add3A_505 : i32 to index
          %get3A_507 = tpu.vector_load %arg5[%get3A_506] {strides = array<i32>} : memref<16384xf32, #tpu.memory_space<vmem>>, vector<16xf32>,
          %add3A_508 = arith.constant 80 : i32
          %add3A_509 = arith.addi %squeeze3A_104, %add3A_508 : i32
          %get3A_510 = arith.index_cast %add3A_509 : i32 to index
          %get3A_511 = tpu.vector_load %arg5[%get3A_510] {strides = array<i32>} : memref<16384xf32, #tpu.memory_space<vmem>>, vector<16xf32>,
          %add3A_512 = arith.constant 96 : i32
          %add3A_513 = arith.addi %squeeze3A_104, %add3A_512 : i32
          %get3A_514 = arith.index_cast %add3A_513 : i32 to index
          %get3A_515 = tpu.vector_load %arg5[%get3A_514] {strides = array<i32>} : memref<16384xf32, #tpu.memory_space<vmem>>, vector<16xf32>,
          %add3A_516 = arith.constant 112 : i32
          %add3A_517 = arith.addi %squeeze3A_104, %add3A_516 : i32
          %get3A_518 = arith.index_cast %add3A_517 : i32 to index
          %get3A_519 = tpu.vector_load %arg5[%get3A_518] {strides = array<i32>} : memref<16384xf32, #tpu.memory_space<vmem>>, vector<16xf32>,
          %add3A_520 = arith.constant 640 : i32
          %add3A_521 = arith.addi %mul3A_126, %add3A_520 : i32
          %add3A_522 = arith.constant 0 : i32
          %add3A_523 = arith.addi %add3A_521, %add3A_522 : i32
          %swap3A_524 = arith.index_cast %add3A_523 : i32 to index
          %swap3A_525 = tpu.vector_load %arg7[%swap3A_524] {strides = array<i32>} : memref<51200xf32, #tpu.memory_space<vmem>>, vector<16xf32>,
          tpu.vector_store %arg7[%swap3A_524], %get3A_425 {strides = array<i32>} : memref<51200xf32, #tpu.memory_space<vmem>>, vector<16xf32>,
          %add3A_526 = arith.constant 16 : i32
          %add3A_527 = arith.addi %add3A_521, %add3A_526 : i32
          %swap3A_528 = arith.index_cast %add3A_527 : i32 to index
          %swap3A_529 = tpu.vector_load %arg7[%swap3A_528] {strides = array<i32>} : memref<51200xf32, #tpu.memory_space<vmem>>, vector<16xf32>,
          tpu.vector_store %arg7[%swap3A_528], %get3A_429 {strides = array<i32>} : memref<51200xf32, #tpu.memory_space<vmem>>, vector<16xf32>,
          %add3A_530 = arith.constant 32 : i32
          %add3A_531 = arith.addi %add3A_521, %add3A_530 : i32
          %swap3A_532 = arith.index_cast %add3A_531 : i32 to index
          %swap3A_533 = tpu.vector_load %arg7[%swap3A_532] {strides = array<i32>} : memref<51200xf32, #tpu.memory_space<vmem>>, vector<16xf32>,
          tpu.vector_store %arg7[%swap3A_532], %get3A_433 {strides = array<i32>} : memref<51200xf32, #tpu.memory_space<vmem>>, vector<16xf32>,
          %add3A_534 = arith.constant 48 : i32
          %add3A_535 = arith.addi %add3A_521, %add3A_534 : i32
          %swap3A_536 = arith.index_cast %add3A_535 : i32 to index
          %swap3A_537 = tpu.vector_load %arg7[%swap3A_536] {strides = array<i32>} : memref<51200xf32, #tpu.memory_space<vmem>>, vector<16xf32>,
          tpu.vector_store %arg7[%swap3A_536], %get3A_437 {strides = array<i32>} : memref<51200xf32, #tpu.memory_space<vmem>>, vector<16xf32>,
          %add3A_538 = arith.constant 64 : i32
          %add3A_539 = arith.addi %add3A_521, %add3A_538 : i32
          %swap3A_540 = arith.index_cast %add3A_539 : i32 to index
          %swap3A_541 = tpu.vector_load %arg7[%swap3A_540] {strides = array<i32>} : memref<51200xf32, #tpu.memory_space<vmem>>, vector<16xf32>,
          tpu.vector_store %arg7[%swap3A_540], %get3A_441 {strides = array<i32>} : memref<51200xf32, #tpu.memory_space<vmem>>, vector<16xf32>,
          %add3A_542 = arith.constant 80 : i32
          %add3A_543 = arith.addi %add3A_521, %add3A_542 : i32
          %swap3A_544 = arith.index_cast %add3A_543 : i32 to index
          %swap3A_545 = tpu.vector_load %arg7[%swap3A_544] {strides = array<i32>} : memref<51200xf32, #tpu.memory_space<vmem>>, vector<16xf32>,
          tpu.vector_store %arg7[%swap3A_544], %get3A_445 {strides = array<i32>} : memref<51200xf32, #tpu.memory_space<vmem>>, vector<16xf32>,
          %add3A_546 = arith.constant 96 : i32
          %add3A_547 = arith.addi %add3A_521, %add3A_546 : i32
          %swap3A_548 = arith.index_cast %add3A_547 : i32 to index
          %swap3A_549 = tpu.vector_load %arg7[%swap3A_548] {strides = array<i32>} : memref<51200xf32, #tpu.memory_space<vmem>>, vector<16xf32>,
          tpu.vector_store %arg7[%swap3A_548], %get3A_449 {strides = array<i32>} : memref<51200xf32, #tpu.memory_space<vmem>>, vector<16xf32>,
          %add3A_550 = arith.constant 112 : i32
          %add3A_551 = arith.addi %add3A_521, %add3A_550 : i32
          %swap3A_552 = arith.index_cast %add3A_551 : i32 to index
          %swap3A_553 = tpu.vector_load %arg7[%swap3A_552] {strides = array<i32>} : memref<51200xf32, #tpu.memory_space<vmem>>, vector<16xf32>,
          tpu.vector_store %arg7[%swap3A_552], %get3A_453 {strides = array<i32>} : memref<51200xf32, #tpu.memory_space<vmem>>, vector<16xf32>,
          %add3A_554 = arith.constant 0 : i32
          %add3A_555 = arith.addi %squeeze3A_106, %add3A_554 : i32
          %get3A_556 = arith.index_cast %add3A_555 : i32 to index
          %get3A_557 = tpu.vector_load %arg5[%get3A_556] {strides = array<i32>} : memref<16384xf32, #tpu.memory_space<vmem>>, vector<16xf32>,
          %add3A_558 = arith.constant 16 : i32
          %add3A_559 = arith.addi %squeeze3A_106, %add3A_558 : i32
          %get3A_560 = arith.index_cast %add3A_559 : i32 to index
          %get3A_561 = tpu.vector_load %arg5[%get3A_560] {strides = array<i32>} : memref<16384xf32, #tpu.memory_space<vmem>>, vector<16xf32>,
          %add3A_562 = arith.constant 32 : i32
          %add3A_563 = arith.addi %squeeze3A_106, %add3A_562 : i32
          %get3A_564 = arith.index_cast %add3A_563 : i32 to index
          %get3A_565 = tpu.vector_load %arg5[%get3A_564] {strides = array<i32>} : memref<16384xf32, #tpu.memory_space<vmem>>, vector<16xf32>,
          %add3A_566 = arith.constant 48 : i32
          %add3A_567 = arith.addi %squeeze3A_106, %add3A_566 : i32
          %get3A_568 = arith.index_cast %add3A_567 : i32 to index
          %get3A_569 = tpu.vector_load %arg5[%get3A_568] {strides = array<i32>} : memref<16384xf32, #tpu.memory_space<vmem>>, vector<16xf32>,
          %add3A_570 = arith.constant 64 : i32
          %add3A_571 = arith.addi %squeeze3A_106, %add3A_570 : i32
          %get3A_572 = arith.index_cast %add3A_571 : i32 to index
          %get3A_573 = tpu.vector_load %arg5[%get3A_572] {strides = array<i32>} : memref<16384xf32, #tpu.memory_space<vmem>>, vector<16xf32>,
          %add3A_574 = arith.constant 80 : i32
          %add3A_575 = arith.addi %squeeze3A_106, %add3A_574 : i32
          %get3A_576 = arith.index_cast %add3A_575 : i32 to index
          %get3A_577 = tpu.vector_load %arg5[%get3A_576] {strides = array<i32>} : memref<16384xf32, #tpu.memory_space<vmem>>, vector<16xf32>,
          %add3A_578 = arith.constant 96 : i32
          %add3A_579 = arith.addi %squeeze3A_106, %add3A_578 : i32
          %get3A_580 = arith.index_cast %add3A_579 : i32 to index
          %get3A_581 = tpu.vector_load %arg5[%get3A_580] {strides = array<i32>} : memref<16384xf32, #tpu.memory_space<vmem>>, vector<16xf32>,
          %add3A_582 = arith.constant 112 : i32
          %add3A_583 = arith.addi %squeeze3A_106, %add3A_582 : i32
          %get3A_584 = arith.index_cast %add3A_583 : i32 to index
          %get3A_585 = tpu.vector_load %arg5[%get3A_584] {strides = array<i32>} : memref<16384xf32, #tpu.memory_space<vmem>>, vector<16xf32>,
          %add3A_586 = arith.constant 768 : i32
          %add3A_587 = arith.addi %mul3A_126, %add3A_586 : i32
          %add3A_588 = arith.constant 0 : i32
          %add3A_589 = arith.addi %add3A_587, %add3A_588 : i32
          %swap3A_590 = arith.index_cast %add3A_589 : i32 to index
          %swap3A_591 = tpu.vector_load %arg7[%swap3A_590] {strides = array<i32>} : memref<51200xf32, #tpu.memory_space<vmem>>, vector<16xf32>,
          tpu.vector_store %arg7[%swap3A_590], %get3A_491 {strides = array<i32>} : memref<51200xf32, #tpu.memory_space<vmem>>, vector<16xf32>,
          %add3A_592 = arith.constant 16 : i32
          %add3A_593 = arith.addi %add3A_587, %add3A_592 : i32
          %swap3A_594 = arith.index_cast %add3A_593 : i32 to index
          %swap3A_595 = tpu.vector_load %arg7[%swap3A_594] {strides = array<i32>} : memref<51200xf32, #tpu.memory_space<vmem>>, vector<16xf32>,
          tpu.vector_store %arg7[%swap3A_594], %get3A_495 {strides = array<i32>} : memref<51200xf32, #tpu.memory_space<vmem>>, vector<16xf32>,
          %add3A_596 = arith.constant 32 : i32
          %add3A_597 = arith.addi %add3A_587, %add3A_596 : i32
          %swap3A_598 = arith.index_cast %add3A_597 : i32 to index
          %swap3A_599 = tpu.vector_load %arg7[%swap3A_598] {strides = array<i32>} : memref<51200xf32, #tpu.memory_space<vmem>>, vector<16xf32>,
          tpu.vector_store %arg7[%swap3A_598], %get3A_499 {strides = array<i32>} : memref<51200xf32, #tpu.memory_space<vmem>>, vector<16xf32>,
          %add3A_600 = arith.constant 48 : i32
          %add3A_601 = arith.addi %add3A_587, %add3A_600 : i32
          %swap3A_602 = arith.index_cast %add3A_601 : i32 to index
          %swap3A_603 = tpu.vector_load %arg7[%swap3A_602] {strides = array<i32>} : memref<51200xf32, #tpu.memory_space<vmem>>, vector<16xf32>,
          tpu.vector_store %arg7[%swap3A_602], %get3A_503 {strides = array<i32>} : memref<51200xf32, #tpu.memory_space<vmem>>, vector<16xf32>,
          %add3A_604 = arith.constant 64 : i32
          %add3A_605 = arith.addi %add3A_587, %add3A_604 : i32
          %swap3A_606 = arith.index_cast %add3A_605 : i32 to index
          %swap3A_607 = tpu.vector_load %arg7[%swap3A_606] {strides = array<i32>} : memref<51200xf32, #tpu.memory_space<vmem>>, vector<16xf32>,
          tpu.vector_store %arg7[%swap3A_606], %get3A_507 {strides = array<i32>} : memref<51200xf32, #tpu.memory_space<vmem>>, vector<16xf32>,
          %add3A_608 = arith.constant 80 : i32
          %add3A_609 = arith.addi %add3A_587, %add3A_608 : i32
          %swap3A_610 = arith.index_cast %add3A_609 : i32 to index
          %swap3A_611 = tpu.vector_load %arg7[%swap3A_610] {strides = array<i32>} : memref<51200xf32, #tpu.memory_space<vmem>>, vector<16xf32>,
          tpu.vector_store %arg7[%swap3A_610], %get3A_511 {strides = array<i32>} : memref<51200xf32, #tpu.memory_space<vmem>>, vector<16xf32>,
          %add3A_612 = arith.constant 96 : i32
          %add3A_613 = arith.addi %add3A_587, %add3A_612 : i32
          %swap3A_614 = arith.index_cast %add3A_613 : i32 to index
          %swap3A_615 = tpu.vector_load %arg7[%swap3A_614] {strides = array<i32>} : memref<51200xf32, #tpu.memory_space<vmem>>, vector<16xf32>,
          tpu.vector_store %arg7[%swap3A_614], %get3A_515 {strides = array<i32>} : memref<51200xf32, #tpu.memory_space<vmem>>, vector<16xf32>,
          %add3A_616 = arith.constant 112 : i32
          %add3A_617 = arith.addi %add3A_587, %add3A_616 : i32
          %swap3A_618 = arith.index_cast %add3A_617 : i32 to index
          %swap3A_619 = tpu.vector_load %arg7[%swap3A_618] {strides = array<i32>} : memref<51200xf32, #tpu.memory_space<vmem>>, vector<16xf32>,
          tpu.vector_store %arg7[%swap3A_618], %get3A_519 {strides = array<i32>} : memref<51200xf32, #tpu.memory_space<vmem>>, vector<16xf32>,
          %add3A_620 = arith.constant 0 : i32
          %add3A_621 = arith.addi %squeeze3A_108, %add3A_620 : i32
          %get3A_622 = arith.index_cast %add3A_621 : i32 to index
          %get3A_623 = tpu.vector_load %arg5[%get3A_622] {strides = array<i32>} : memref<16384xf32, #tpu.memory_space<vmem>>, vector<16xf32>,
          %add3A_624 = arith.constant 16 : i32
          %add3A_625 = arith.addi %squeeze3A_108, %add3A_624 : i32
          %get3A_626 = arith.index_cast %add3A_625 : i32 to index
          %get3A_627 = tpu.vector_load %arg5[%get3A_626] {strides = array<i32>} : memref<16384xf32, #tpu.memory_space<vmem>>, vector<16xf32>,
          %add3A_628 = arith.constant 32 : i32
          %add3A_629 = arith.addi %squeeze3A_108, %add3A_628 : i32
          %get3A_630 = arith.index_cast %add3A_629 : i32 to index
          %get3A_631 = tpu.vector_load %arg5[%get3A_630] {strides = array<i32>} : memref<16384xf32, #tpu.memory_space<vmem>>, vector<16xf32>,
          %add3A_632 = arith.constant 48 : i32
          %add3A_633 = arith.addi %squeeze3A_108, %add3A_632 : i32
          %get3A_634 = arith.index_cast %add3A_633 : i32 to index
          %get3A_635 = tpu.vector_load %arg5[%get3A_634] {strides = array<i32>} : memref<16384xf32, #tpu.memory_space<vmem>>, vector<16xf32>,
          %add3A_636 = arith.constant 64 : i32
          %add3A_637 = arith.addi %squeeze3A_108, %add3A_636 : i32
          %get3A_638 = arith.index_cast %add3A_637 : i32 to index
          %get3A_639 = tpu.vector_load %arg5[%get3A_638] {strides = array<i32>} : memref<16384xf32, #tpu.memory_space<vmem>>, vector<16xf32>,
          %add3A_640 = arith.constant 80 : i32
          %add3A_641 = arith.addi %squeeze3A_108, %add3A_640 : i32
          %get3A_642 = arith.index_cast %add3A_641 : i32 to index
          %get3A_643 = tpu.vector_load %arg5[%get3A_642] {strides = array<i32>} : memref<16384xf32, #tpu.memory_space<vmem>>, vector<16xf32>,
          %add3A_644 = arith.constant 96 : i32
          %add3A_645 = arith.addi %squeeze3A_108, %add3A_644 : i32
          %get3A_646 = arith.index_cast %add3A_645 : i32 to index
          %get3A_647 = tpu.vector_load %arg5[%get3A_646] {strides = array<i32>} : memref<16384xf32, #tpu.memory_space<vmem>>, vector<16xf32>,
          %add3A_648 = arith.constant 112 : i32
          %add3A_649 = arith.addi %squeeze3A_108, %add3A_648 : i32
          %get3A_650 = arith.index_cast %add3A_649 : i32 to index
          %get3A_651 = tpu.vector_load %arg5[%get3A_650] {strides = array<i32>} : memref<16384xf32, #tpu.memory_space<vmem>>, vector<16xf32>,
          %add3A_652 = arith.constant 896 : i32
          %add3A_653 = arith.addi %mul3A_126, %add3A_652 : i32
          %add3A_654 = arith.constant 0 : i32
          %add3A_655 = arith.addi %add3A_653, %add3A_654 : i32
          %swap3A_656 = arith.index_cast %add3A_655 : i32 to index
          %swap3A_657 = tpu.vector_load %arg7[%swap3A_656] {strides = array<i32>} : memref<51200xf32, #tpu.memory_space<vmem>>, vector<16xf32>,
          tpu.vector_store %arg7[%swap3A_656], %get3A_557 {strides = array<i32>} : memref<51200xf32, #tpu.memory_space<vmem>>, vector<16xf32>,
          %add3A_658 = arith.constant 16 : i32
          %add3A_659 = arith.addi %add3A_653, %add3A_658 : i32
          %swap3A_660 = arith.index_cast %add3A_659 : i32 to index
          %swap3A_661 = tpu.vector_load %arg7[%swap3A_660] {strides = array<i32>} : memref<51200xf32, #tpu.memory_space<vmem>>, vector<16xf32>,
          tpu.vector_store %arg7[%swap3A_660], %get3A_561 {strides = array<i32>} : memref<51200xf32, #tpu.memory_space<vmem>>, vector<16xf32>,
          %add3A_662 = arith.constant 32 : i32
          %add3A_663 = arith.addi %add3A_653, %add3A_662 : i32
          %swap3A_664 = arith.index_cast %add3A_663 : i32 to index
          %swap3A_665 = tpu.vector_load %arg7[%swap3A_664] {strides = array<i32>} : memref<51200xf32, #tpu.memory_space<vmem>>, vector<16xf32>,
          tpu.vector_store %arg7[%swap3A_664], %get3A_565 {strides = array<i32>} : memref<51200xf32, #tpu.memory_space<vmem>>, vector<16xf32>,
          %add3A_666 = arith.constant 48 : i32
          %add3A_667 = arith.addi %add3A_653, %add3A_666 : i32
          %swap3A_668 = arith.index_cast %add3A_667 : i32 to index
          %swap3A_669 = tpu.vector_load %arg7[%swap3A_668] {strides = array<i32>} : memref<51200xf32, #tpu.memory_space<vmem>>, vector<16xf32>,
          tpu.vector_store %arg7[%swap3A_668], %get3A_569 {strides = array<i32>} : memref<51200xf32, #tpu.memory_space<vmem>>, vector<16xf32>,
          %add3A_670 = arith.constant 64 : i32
          %add3A_671 = arith.addi %add3A_653, %add3A_670 : i32
          %swap3A_672 = arith.index_cast %add3A_671 : i32 to index
          %swap3A_673 = tpu.vector_load %arg7[%swap3A_672] {strides = array<i32>} : memref<51200xf32, #tpu.memory_space<vmem>>, vector<16xf32>,
          tpu.vector_store %arg7[%swap3A_672], %get3A_573 {strides = array<i32>} : memref<51200xf32, #tpu.memory_space<vmem>>, vector<16xf32>,
          %add3A_674 = arith.constant 80 : i32
          %add3A_675 = arith.addi %add3A_653, %add3A_674 : i32
          %swap3A_676 = arith.index_cast %add3A_675 : i32 to index
          %swap3A_677 = tpu.vector_load %arg7[%swap3A_676] {strides = array<i32>} : memref<51200xf32, #tpu.memory_space<vmem>>, vector<16xf32>,
          tpu.vector_store %arg7[%swap3A_676], %get3A_577 {strides = array<i32>} : memref<51200xf32, #tpu.memory_space<vmem>>, vector<16xf32>,
          %add3A_678 = arith.constant 96 : i32
          %add3A_679 = arith.addi %add3A_653, %add3A_678 : i32
          %swap3A_680 = arith.index_cast %add3A_679 : i32 to index
          %swap3A_681 = tpu.vector_load %arg7[%swap3A_680] {strides = array<i32>} : memref<51200xf32, #tpu.memory_space<vmem>>, vector<16xf32>,
          tpu.vector_store %arg7[%swap3A_680], %get3A_581 {strides = array<i32>} : memref<51200xf32, #tpu.memory_space<vmem>>, vector<16xf32>,
          %add3A_682 = arith.constant 112 : i32
          %add3A_683 = arith.addi %add3A_653, %add3A_682 : i32
          %swap3A_684 = arith.index_cast %add3A_683 : i32 to index
          %swap3A_685 = tpu.vector_load %arg7[%swap3A_684] {strides = array<i32>} : memref<51200xf32, #tpu.memory_space<vmem>>, vector<16xf32>,
          tpu.vector_store %arg7[%swap3A_684], %get3A_585 {strides = array<i32>} : memref<51200xf32, #tpu.memory_space<vmem>>, vector<16xf32>,
          %add3A_686 = arith.constant 0 : i32
          %add3A_687 = arith.addi %squeeze3A_110, %add3A_686 : i32
          %get3A_688 = arith.index_cast %add3A_687 : i32 to index
          %get3A_689 = tpu.vector_load %arg5[%get3A_688] {strides = array<i32>} : memref<16384xf32, #tpu.memory_space<vmem>>, vector<16xf32>,
          %add3A_690 = arith.constant 16 : i32
          %add3A_691 = arith.addi %squeeze3A_110, %add3A_690 : i32
          %get3A_692 = arith.index_cast %add3A_691 : i32 to index
          %get3A_693 = tpu.vector_load %arg5[%get3A_692] {strides = array<i32>} : memref<16384xf32, #tpu.memory_space<vmem>>, vector<16xf32>,
          %add3A_694 = arith.constant 32 : i32
          %add3A_695 = arith.addi %squeeze3A_110, %add3A_694 : i32
          %get3A_696 = arith.index_cast %add3A_695 : i32 to index
          %get3A_697 = tpu.vector_load %arg5[%get3A_696] {strides = array<i32>} : memref<16384xf32, #tpu.memory_space<vmem>>, vector<16xf32>,
          %add3A_698 = arith.constant 48 : i32
          %add3A_699 = arith.addi %squeeze3A_110, %add3A_698 : i32
          %get3A_700 = arith.index_cast %add3A_699 : i32 to index
          %get3A_701 = tpu.vector_load %arg5[%get3A_700] {strides = array<i32>} : memref<16384xf32, #tpu.memory_space<vmem>>, vector<16xf32>,
          %add3A_702 = arith.constant 64 : i32
          %add3A_703 = arith.addi %squeeze3A_110, %add3A_702 : i32
          %get3A_704 = arith.index_cast %add3A_703 : i32 to index
          %get3A_705 = tpu.vector_load %arg5[%get3A_704] {strides = array<i32>} : memref<16384xf32, #tpu.memory_space<vmem>>, vector<16xf32>,
          %add3A_706 = arith.constant 80 : i32
          %add3A_707 = arith.addi %squeeze3A_110, %add3A_706 : i32
          %get3A_708 = arith.index_cast %add3A_707 : i32 to index
          %get3A_709 = tpu.vector_load %arg5[%get3A_708] {strides = array<i32>} : memref<16384xf32, #tpu.memory_space<vmem>>, vector<16xf32>,
          %add3A_710 = arith.constant 96 : i32
          %add3A_711 = arith.addi %squeeze3A_110, %add3A_710 : i32
          %get3A_712 = arith.index_cast %add3A_711 : i32 to index
          %get3A_713 = tpu.vector_load %arg5[%get3A_712] {strides = array<i32>} : memref<16384xf32, #tpu.memory_space<vmem>>, vector<16xf32>,
          %add3A_714 = arith.constant 112 : i32
          %add3A_715 = arith.addi %squeeze3A_110, %add3A_714 : i32
          %get3A_716 = arith.index_cast %add3A_715 : i32 to index
          %get3A_717 = tpu.vector_load %arg5[%get3A_716] {strides = array<i32>} : memref<16384xf32, #tpu.memory_space<vmem>>, vector<16xf32>,
          %add3A_718 = arith.constant 1024 : i32
          %add3A_719 = arith.addi %mul3A_126, %add3A_718 : i32
          %add3A_720 = arith.constant 0 : i32
          %add3A_721 = arith.addi %add3A_719, %add3A_720 : i32
          %swap3A_722 = arith.index_cast %add3A_721 : i32 to index
          %swap3A_723 = tpu.vector_load %arg7[%swap3A_722] {strides = array<i32>} : memref<51200xf32, #tpu.memory_space<vmem>>, vector<16xf32>,
          tpu.vector_store %arg7[%swap3A_722], %get3A_623 {strides = array<i32>} : memref<51200xf32, #tpu.memory_space<vmem>>, vector<16xf32>,
          %add3A_724 = arith.constant 16 : i32
          %add3A_725 = arith.addi %add3A_719, %add3A_724 : i32
          %swap3A_726 = arith.index_cast %add3A_725 : i32 to index
          %swap3A_727 = tpu.vector_load %arg7[%swap3A_726] {strides = array<i32>} : memref<51200xf32, #tpu.memory_space<vmem>>, vector<16xf32>,
          tpu.vector_store %arg7[%swap3A_726], %get3A_627 {strides = array<i32>} : memref<51200xf32, #tpu.memory_space<vmem>>, vector<16xf32>,
          %add3A_728 = arith.constant 32 : i32
          %add3A_729 = arith.addi %add3A_719, %add3A_728 : i32
          %swap3A_730 = arith.index_cast %add3A_729 : i32 to index
          %swap3A_731 = tpu.vector_load %arg7[%swap3A_730] {strides = array<i32>} : memref<51200xf32, #tpu.memory_space<vmem>>, vector<16xf32>,
          tpu.vector_store %arg7[%swap3A_730], %get3A_631 {strides = array<i32>} : memref<51200xf32, #tpu.memory_space<vmem>>, vector<16xf32>,
          %add3A_732 = arith.constant 48 : i32
          %add3A_733 = arith.addi %add3A_719, %add3A_732 : i32
          %swap3A_734 = arith.index_cast %add3A_733 : i32 to index
          %swap3A_735 = tpu.vector_load %arg7[%swap3A_734] {strides = array<i32>} : memref<51200xf32, #tpu.memory_space<vmem>>, vector<16xf32>,
          tpu.vector_store %arg7[%swap3A_734], %get3A_635 {strides = array<i32>} : memref<51200xf32, #tpu.memory_space<vmem>>, vector<16xf32>,
          %add3A_736 = arith.constant 64 : i32
          %add3A_737 = arith.addi %add3A_719, %add3A_736 : i32
          %swap3A_738 = arith.index_cast %add3A_737 : i32 to index
          %swap3A_739 = tpu.vector_load %arg7[%swap3A_738] {strides = array<i32>} : memref<51200xf32, #tpu.memory_space<vmem>>, vector<16xf32>,
          tpu.vector_store %arg7[%swap3A_738], %get3A_639 {strides = array<i32>} : memref<51200xf32, #tpu.memory_space<vmem>>, vector<16xf32>,
          %add3A_740 = arith.constant 80 : i32
          %add3A_741 = arith.addi %add3A_719, %add3A_740 : i32
          %swap3A_742 = arith.index_cast %add3A_741 : i32 to index
          %swap3A_743 = tpu.vector_load %arg7[%swap3A_742] {strides = array<i32>} : memref<51200xf32, #tpu.memory_space<vmem>>, vector<16xf32>,
          tpu.vector_store %arg7[%swap3A_742], %get3A_643 {strides = array<i32>} : memref<51200xf32, #tpu.memory_space<vmem>>, vector<16xf32>,
          %add3A_744 = arith.constant 96 : i32
          %add3A_745 = arith.addi %add3A_719, %add3A_744 : i32
          %swap3A_746 = arith.index_cast %add3A_745 : i32 to index
          %swap3A_747 = tpu.vector_load %arg7[%swap3A_746] {strides = array<i32>} : memref<51200xf32, #tpu.memory_space<vmem>>, vector<16xf32>,
          tpu.vector_store %arg7[%swap3A_746], %get3A_647 {strides = array<i32>} : memref<51200xf32, #tpu.memory_space<vmem>>, vector<16xf32>,
          %add3A_748 = arith.constant 112 : i32
          %add3A_749 = arith.addi %add3A_719, %add3A_748 : i32
          %swap3A_750 = arith.index_cast %add3A_749 : i32 to index
          %swap3A_751 = tpu.vector_load %arg7[%swap3A_750] {strides = array<i32>} : memref<51200xf32, #tpu.memory_space<vmem>>, vector<16xf32>,
          tpu.vector_store %arg7[%swap3A_750], %get3A_651 {strides = array<i32>} : memref<51200xf32, #tpu.memory_space<vmem>>, vector<16xf32>,
          %add3A_752 = arith.constant 0 : i32
          %add3A_753 = arith.addi %squeeze3A_112, %add3A_752 : i32
          %get3A_754 = arith.index_cast %add3A_753 : i32 to index
          %get3A_755 = tpu.vector_load %arg5[%get3A_754] {strides = array<i32>} : memref<16384xf32, #tpu.memory_space<vmem>>, vector<16xf32>,
          %add3A_756 = arith.constant 16 : i32
          %add3A_757 = arith.addi %squeeze3A_112, %add3A_756 : i32
          %get3A_758 = arith.index_cast %add3A_757 : i32 to index
          %get3A_759 = tpu.vector_load %arg5[%get3A_758] {strides = array<i32>} : memref<16384xf32, #tpu.memory_space<vmem>>, vector<16xf32>,
          %add3A_760 = arith.constant 32 : i32
          %add3A_761 = arith.addi %squeeze3A_112, %add3A_760 : i32
          %get3A_762 = arith.index_cast %add3A_761 : i32 to index
          %get3A_763 = tpu.vector_load %arg5[%get3A_762] {strides = array<i32>} : memref<16384xf32, #tpu.memory_space<vmem>>, vector<16xf32>,
          %add3A_764 = arith.constant 48 : i32
          %add3A_765 = arith.addi %squeeze3A_112, %add3A_764 : i32
          %get3A_766 = arith.index_cast %add3A_765 : i32 to index
          %get3A_767 = tpu.vector_load %arg5[%get3A_766] {strides = array<i32>} : memref<16384xf32, #tpu.memory_space<vmem>>, vector<16xf32>,
          %add3A_768 = arith.constant 64 : i32
          %add3A_769 = arith.addi %squeeze3A_112, %add3A_768 : i32
          %get3A_770 = arith.index_cast %add3A_769 : i32 to index
          %get3A_771 = tpu.vector_load %arg5[%get3A_770] {strides = array<i32>} : memref<16384xf32, #tpu.memory_space<vmem>>, vector<16xf32>,
          %add3A_772 = arith.constant 80 : i32
          %add3A_773 = arith.addi %squeeze3A_112, %add3A_772 : i32
          %get3A_774 = arith.index_cast %add3A_773 : i32 to index
          %get3A_775 = tpu.vector_load %arg5[%get3A_774] {strides = array<i32>} : memref<16384xf32, #tpu.memory_space<vmem>>, vector<16xf32>,
          %add3A_776 = arith.constant 96 : i32
          %add3A_777 = arith.addi %squeeze3A_112, %add3A_776 : i32
          %get3A_778 = arith.index_cast %add3A_777 : i32 to index
          %get3A_779 = tpu.vector_load %arg5[%get3A_778] {strides = array<i32>} : memref<16384xf32, #tpu.memory_space<vmem>>, vector<16xf32>,
          %add3A_780 = arith.constant 112 : i32
          %add3A_781 = arith.addi %squeeze3A_112, %add3A_780 : i32
          %get3A_782 = arith.index_cast %add3A_781 : i32 to index
          %get3A_783 = tpu.vector_load %arg5[%get3A_782] {strides = array<i32>} : memref<16384xf32, #tpu.memory_space<vmem>>, vector<16xf32>,
          %add3A_784 = arith.constant 1152 : i32
          %add3A_785 = arith.addi %mul3A_126, %add3A_784 : i32
          %add3A_786 = arith.constant 0 : i32
          %add3A_787 = arith.addi %add3A_785, %add3A_786 : i32
          %swap3A_788 = arith.index_cast %add3A_787 : i32 to index
          %swap3A_789 = tpu.vector_load %arg7[%swap3A_788] {strides = array<i32>} : memref<51200xf32, #tpu.memory_space<vmem>>, vector<16xf32>,
          tpu.vector_store %arg7[%swap3A_788], %get3A_689 {strides = array<i32>} : memref<51200xf32, #tpu.memory_space<vmem>>, vector<16xf32>,
          %add3A_790 = arith.constant 16 : i32
          %add3A_791 = arith.addi %add3A_785, %add3A_790 : i32
          %swap3A_792 = arith.index_cast %add3A_791 : i32 to index
          %swap3A_793 = tpu.vector_load %arg7[%swap3A_792] {strides = array<i32>} : memref<51200xf32, #tpu.memory_space<vmem>>, vector<16xf32>,
          tpu.vector_store %arg7[%swap3A_792], %get3A_693 {strides = array<i32>} : memref<51200xf32, #tpu.memory_space<vmem>>, vector<16xf32>,
          %add3A_794 = arith.constant 32 : i32
          %add3A_795 = arith.addi %add3A_785, %add3A_794 : i32
          %swap3A_796 = arith.index_cast %add3A_795 : i32 to index
          %swap3A_797 = tpu.vector_load %arg7[%swap3A_796] {strides = array<i32>} : memref<51200xf32, #tpu.memory_space<vmem>>, vector<16xf32>,
          tpu.vector_store %arg7[%swap3A_796], %get3A_697 {strides = array<i32>} : memref<51200xf32, #tpu.memory_space<vmem>>, vector<16xf32>,
          %add3A_798 = arith.constant 48 : i32
          %add3A_799 = arith.addi %add3A_785, %add3A_798 : i32
          %swap3A_800 = arith.index_cast %add3A_799 : i32 to index
          %swap3A_801 = tpu.vector_load %arg7[%swap3A_800] {strides = array<i32>} : memref<51200xf32, #tpu.memory_space<vmem>>, vector<16xf32>,
          tpu.vector_store %arg7[%swap3A_800], %get3A_701 {strides = array<i32>} : memref<51200xf32, #tpu.memory_space<vmem>>, vector<16xf32>,
          %add3A_802 = arith.constant 64 : i32
          %add3A_803 = arith.addi %add3A_785, %add3A_802 : i32
          %swap3A_804 = arith.index_cast %add3A_803 : i32 to index
          %swap3A_805 = tpu.vector_load %arg7[%swap3A_804] {strides = array<i32>} : memref<51200xf32, #tpu.memory_space<vmem>>, vector<16xf32>,
          tpu.vector_store %arg7[%swap3A_804], %get3A_705 {strides = array<i32>} : memref<51200xf32, #tpu.memory_space<vmem>>, vector<16xf32>,
          %add3A_806 = arith.constant 80 : i32
          %add3A_807 = arith.addi %add3A_785, %add3A_806 : i32
          %swap3A_808 = arith.index_cast %add3A_807 : i32 to index
          %swap3A_809 = tpu.vector_load %arg7[%swap3A_808] {strides = array<i32>} : memref<51200xf32, #tpu.memory_space<vmem>>, vector<16xf32>,
          tpu.vector_store %arg7[%swap3A_808], %get3A_709 {strides = array<i32>} : memref<51200xf32, #tpu.memory_space<vmem>>, vector<16xf32>,
          %add3A_810 = arith.constant 96 : i32
          %add3A_811 = arith.addi %add3A_785, %add3A_810 : i32
          %swap3A_812 = arith.index_cast %add3A_811 : i32 to index
          %swap3A_813 = tpu.vector_load %arg7[%swap3A_812] {strides = array<i32>} : memref<51200xf32, #tpu.memory_space<vmem>>, vector<16xf32>,
          tpu.vector_store %arg7[%swap3A_812], %get3A_713 {strides = array<i32>} : memref<51200xf32, #tpu.memory_space<vmem>>, vector<16xf32>,
          %add3A_814 = arith.constant 112 : i32
          %add3A_815 = arith.addi %add3A_785, %add3A_814 : i32
          %swap3A_816 = arith.index_cast %add3A_815 : i32 to index
          %swap3A_817 = tpu.vector_load %arg7[%swap3A_816] {strides = array<i32>} : memref<51200xf32, #tpu.memory_space<vmem>>, vector<16xf32>,
          tpu.vector_store %arg7[%swap3A_816], %get3A_717 {strides = array<i32>} : memref<51200xf32, #tpu.memory_space<vmem>>, vector<16xf32>,
          %add3A_818 = arith.constant 0 : i32
          %add3A_819 = arith.addi %squeeze3A_114, %add3A_818 : i32
          %get3A_820 = arith.index_cast %add3A_819 : i32 to index
          %get3A_821 = tpu.vector_load %arg5[%get3A_820] {strides = array<i32>} : memref<16384xf32, #tpu.memory_space<vmem>>, vector<16xf32>,
          %add3A_822 = arith.constant 16 : i32
          %add3A_823 = arith.addi %squeeze3A_114, %add3A_822 : i32
          %get3A_824 = arith.index_cast %add3A_823 : i32 to index
          %get3A_825 = tpu.vector_load %arg5[%get3A_824] {strides = array<i32>} : memref<16384xf32, #tpu.memory_space<vmem>>, vector<16xf32>,
          %add3A_826 = arith.constant 32 : i32
          %add3A_827 = arith.addi %squeeze3A_114, %add3A_826 : i32
          %get3A_828 = arith.index_cast %add3A_827 : i32 to index
          %get3A_829 = tpu.vector_load %arg5[%get3A_828] {strides = array<i32>} : memref<16384xf32, #tpu.memory_space<vmem>>, vector<16xf32>,
          %add3A_830 = arith.constant 48 : i32
          %add3A_831 = arith.addi %squeeze3A_114, %add3A_830 : i32
          %get3A_832 = arith.index_cast %add3A_831 : i32 to index
          %get3A_833 = tpu.vector_load %arg5[%get3A_832] {strides = array<i32>} : memref<16384xf32, #tpu.memory_space<vmem>>, vector<16xf32>,
          %add3A_834 = arith.constant 64 : i32
          %add3A_835 = arith.addi %squeeze3A_114, %add3A_834 : i32
          %get3A_836 = arith.index_cast %add3A_835 : i32 to index
          %get3A_837 = tpu.vector_load %arg5[%get3A_836] {strides = array<i32>} : memref<16384xf32, #tpu.memory_space<vmem>>, vector<16xf32>,
          %add3A_838 = arith.constant 80 : i32
          %add3A_839 = arith.addi %squeeze3A_114, %add3A_838 : i32
          %get3A_840 = arith.index_cast %add3A_839 : i32 to index
          %get3A_841 = tpu.vector_load %arg5[%get3A_840] {strides = array<i32>} : memref<16384xf32, #tpu.memory_space<vmem>>, vector<16xf32>,
          %add3A_842 = arith.constant 96 : i32
          %add3A_843 = arith.addi %squeeze3A_114, %add3A_842 : i32
          %get3A_844 = arith.index_cast %add3A_843 : i32 to index
          %get3A_845 = tpu.vector_load %arg5[%get3A_844] {strides = array<i32>} : memref<16384xf32, #tpu.memory_space<vmem>>, vector<16xf32>,
          %add3A_846 = arith.constant 112 : i32
          %add3A_847 = arith.addi %squeeze3A_114, %add3A_846 : i32
          %get3A_848 = arith.index_cast %add3A_847 : i32 to index
          %get3A_849 = tpu.vector_load %arg5[%get3A_848] {strides = array<i32>} : memref<16384xf32, #tpu.memory_space<vmem>>, vector<16xf32>,
          %add3A_850 = arith.constant 1280 : i32
          %add3A_851 = arith.addi %mul3A_126, %add3A_850 : i32
          %add3A_852 = arith.constant 0 : i32
          %add3A_853 = arith.addi %add3A_851, %add3A_852 : i32
          %swap3A_854 = arith.index_cast %add3A_853 : i32 to index
          %swap3A_855 = tpu.vector_load %arg7[%swap3A_854] {strides = array<i32>} : memref<51200xf32, #tpu.memory_space<vmem>>, vector<16xf32>,
          tpu.vector_store %arg7[%swap3A_854], %get3A_755 {strides = array<i32>} : memref<51200xf32, #tpu.memory_space<vmem>>, vector<16xf32>,
          %add3A_856 = arith.constant 16 : i32
          %add3A_857 = arith.addi %add3A_851, %add3A_856 : i32
          %swap3A_858 = arith.index_cast %add3A_857 : i32 to index
          %swap3A_859 = tpu.vector_load %arg7[%swap3A_858] {strides = array<i32>} : memref<51200xf32, #tpu.memory_space<vmem>>, vector<16xf32>,
          tpu.vector_store %arg7[%swap3A_858], %get3A_759 {strides = array<i32>} : memref<51200xf32, #tpu.memory_space<vmem>>, vector<16xf32>,
          %add3A_860 = arith.constant 32 : i32
          %add3A_861 = arith.addi %add3A_851, %add3A_860 : i32
          %swap3A_862 = arith.index_cast %add3A_861 : i32 to index
          %swap3A_863 = tpu.vector_load %arg7[%swap3A_862] {strides = array<i32>} : memref<51200xf32, #tpu.memory_space<vmem>>, vector<16xf32>,
          tpu.vector_store %arg7[%swap3A_862], %get3A_763 {strides = array<i32>} : memref<51200xf32, #tpu.memory_space<vmem>>, vector<16xf32>,
          %add3A_864 = arith.constant 48 : i32
          %add3A_865 = arith.addi %add3A_851, %add3A_864 : i32
          %swap3A_866 = arith.index_cast %add3A_865 : i32 to index
          %swap3A_867 = tpu.vector_load %arg7[%swap3A_866] {strides = array<i32>} : memref<51200xf32, #tpu.memory_space<vmem>>, vector<16xf32>,
          tpu.vector_store %arg7[%swap3A_866], %get3A_767 {strides = array<i32>} : memref<51200xf32, #tpu.memory_space<vmem>>, vector<16xf32>,
          %add3A_868 = arith.constant 64 : i32
          %add3A_869 = arith.addi %add3A_851, %add3A_868 : i32
          %swap3A_870 = arith.index_cast %add3A_869 : i32 to index
          %swap3A_871 = tpu.vector_load %arg7[%swap3A_870] {strides = array<i32>} : memref<51200xf32, #tpu.memory_space<vmem>>, vector<16xf32>,
          tpu.vector_store %arg7[%swap3A_870], %get3A_771 {strides = array<i32>} : memref<51200xf32, #tpu.memory_space<vmem>>, vector<16xf32>,
          %add3A_872 = arith.constant 80 : i32
          %add3A_873 = arith.addi %add3A_851, %add3A_872 : i32
          %swap3A_874 = arith.index_cast %add3A_873 : i32 to index
          %swap3A_875 = tpu.vector_load %arg7[%swap3A_874] {strides = array<i32>} : memref<51200xf32, #tpu.memory_space<vmem>>, vector<16xf32>,
          tpu.vector_store %arg7[%swap3A_874], %get3A_775 {strides = array<i32>} : memref<51200xf32, #tpu.memory_space<vmem>>, vector<16xf32>,
          %add3A_876 = arith.constant 96 : i32
          %add3A_877 = arith.addi %add3A_851, %add3A_876 : i32
          %swap3A_878 = arith.index_cast %add3A_877 : i32 to index
          %swap3A_879 = tpu.vector_load %arg7[%swap3A_878] {strides = array<i32>} : memref<51200xf32, #tpu.memory_space<vmem>>, vector<16xf32>,
          tpu.vector_store %arg7[%swap3A_878], %get3A_779 {strides = array<i32>} : memref<51200xf32, #tpu.memory_space<vmem>>, vector<16xf32>,
          %add3A_880 = arith.constant 112 : i32
          %add3A_881 = arith.addi %add3A_851, %add3A_880 : i32
          %swap3A_882 = arith.index_cast %add3A_881 : i32 to index
          %swap3A_883 = tpu.vector_load %arg7[%swap3A_882] {strides = array<i32>} : memref<51200xf32, #tpu.memory_space<vmem>>, vector<16xf32>,
          tpu.vector_store %arg7[%swap3A_882], %get3A_783 {strides = array<i32>} : memref<51200xf32, #tpu.memory_space<vmem>>, vector<16xf32>,
          %add3A_884 = arith.constant 0 : i32
          %add3A_885 = arith.addi %squeeze3A_116, %add3A_884 : i32
          %get3A_886 = arith.index_cast %add3A_885 : i32 to index
          %get3A_887 = tpu.vector_load %arg5[%get3A_886] {strides = array<i32>} : memref<16384xf32, #tpu.memory_space<vmem>>, vector<16xf32>,
          %add3A_888 = arith.constant 16 : i32
          %add3A_889 = arith.addi %squeeze3A_116, %add3A_888 : i32
          %get3A_890 = arith.index_cast %add3A_889 : i32 to index
          %get3A_891 = tpu.vector_load %arg5[%get3A_890] {strides = array<i32>} : memref<16384xf32, #tpu.memory_space<vmem>>, vector<16xf32>,
          %add3A_892 = arith.constant 32 : i32
          %add3A_893 = arith.addi %squeeze3A_116, %add3A_892 : i32
          %get3A_894 = arith.index_cast %add3A_893 : i32 to index
          %get3A_895 = tpu.vector_load %arg5[%get3A_894] {strides = array<i32>} : memref<16384xf32, #tpu.memory_space<vmem>>, vector<16xf32>,
          %add3A_896 = arith.constant 48 : i32
          %add3A_897 = arith.addi %squeeze3A_116, %add3A_896 : i32
          %get3A_898 = arith.index_cast %add3A_897 : i32 to index
          %get3A_899 = tpu.vector_load %arg5[%get3A_898] {strides = array<i32>} : memref<16384xf32, #tpu.memory_space<vmem>>, vector<16xf32>,
          %add3A_900 = arith.constant 64 : i32
          %add3A_901 = arith.addi %squeeze3A_116, %add3A_900 : i32
          %get3A_902 = arith.index_cast %add3A_901 : i32 to index
          %get3A_903 = tpu.vector_load %arg5[%get3A_902] {strides = array<i32>} : memref<16384xf32, #tpu.memory_space<vmem>>, vector<16xf32>,
          %add3A_904 = arith.constant 80 : i32
          %add3A_905 = arith.addi %squeeze3A_116, %add3A_904 : i32
          %get3A_906 = arith.index_cast %add3A_905 : i32 to index
          %get3A_907 = tpu.vector_load %arg5[%get3A_906] {strides = array<i32>} : memref<16384xf32, #tpu.memory_space<vmem>>, vector<16xf32>,
          %add3A_908 = arith.constant 96 : i32
          %add3A_909 = arith.addi %squeeze3A_116, %add3A_908 : i32
          %get3A_910 = arith.index_cast %add3A_909 : i32 to index
          %get3A_911 = tpu.vector_load %arg5[%get3A_910] {strides = array<i32>} : memref<16384xf32, #tpu.memory_space<vmem>>, vector<16xf32>,
          %add3A_912 = arith.constant 112 : i32
          %add3A_913 = arith.addi %squeeze3A_116, %add3A_912 : i32
          %get3A_914 = arith.index_cast %add3A_913 : i32 to index
          %get3A_915 = tpu.vector_load %arg5[%get3A_914] {strides = array<i32>} : memref<16384xf32, #tpu.memory_space<vmem>>, vector<16xf32>,
          %add3A_916 = arith.constant 1408 : i32
          %add3A_917 = arith.addi %mul3A_126, %add3A_916 : i32
          %add3A_918 = arith.constant 0 : i32
          %add3A_919 = arith.addi %add3A_917, %add3A_918 : i32
          %swap3A_920 = arith.index_cast %add3A_919 : i32 to index
          %swap3A_921 = tpu.vector_load %arg7[%swap3A_920] {strides = array<i32>} : memref<51200xf32, #tpu.memory_space<vmem>>, vector<16xf32>,
          tpu.vector_store %arg7[%swap3A_920], %get3A_821 {strides = array<i32>} : memref<51200xf32, #tpu.memory_space<vmem>>, vector<16xf32>,
          %add3A_922 = arith.constant 16 : i32
          %add3A_923 = arith.addi %add3A_917, %add3A_922 : i32
          %swap3A_924 = arith.index_cast %add3A_923 : i32 to index
          %swap3A_925 = tpu.vector_load %arg7[%swap3A_924] {strides = array<i32>} : memref<51200xf32, #tpu.memory_space<vmem>>, vector<16xf32>,
          tpu.vector_store %arg7[%swap3A_924], %get3A_825 {strides = array<i32>} : memref<51200xf32, #tpu.memory_space<vmem>>, vector<16xf32>,
          %add3A_926 = arith.constant 32 : i32
          %add3A_927 = arith.addi %add3A_917, %add3A_926 : i32
          %swap3A_928 = arith.index_cast %add3A_927 : i32 to index
          %swap3A_929 = tpu.vector_load %arg7[%swap3A_928] {strides = array<i32>} : memref<51200xf32, #tpu.memory_space<vmem>>, vector<16xf32>,
          tpu.vector_store %arg7[%swap3A_928], %get3A_829 {strides = array<i32>} : memref<51200xf32, #tpu.memory_space<vmem>>, vector<16xf32>,
          %add3A_930 = arith.constant 48 : i32
          %add3A_931 = arith.addi %add3A_917, %add3A_930 : i32
          %swap3A_932 = arith.index_cast %add3A_931 : i32 to index
          %swap3A_933 = tpu.vector_load %arg7[%swap3A_932] {strides = array<i32>} : memref<51200xf32, #tpu.memory_space<vmem>>, vector<16xf32>,
          tpu.vector_store %arg7[%swap3A_932], %get3A_833 {strides = array<i32>} : memref<51200xf32, #tpu.memory_space<vmem>>, vector<16xf32>,
          %add3A_934 = arith.constant 64 : i32
          %add3A_935 = arith.addi %add3A_917, %add3A_934 : i32
          %swap3A_936 = arith.index_cast %add3A_935 : i32 to index
          %swap3A_937 = tpu.vector_load %arg7[%swap3A_936] {strides = array<i32>} : memref<51200xf32, #tpu.memory_space<vmem>>, vector<16xf32>,
          tpu.vector_store %arg7[%swap3A_936], %get3A_837 {strides = array<i32>} : memref<51200xf32, #tpu.memory_space<vmem>>, vector<16xf32>,
          %add3A_938 = arith.constant 80 : i32
          %add3A_939 = arith.addi %add3A_917, %add3A_938 : i32
          %swap3A_940 = arith.index_cast %add3A_939 : i32 to index
          %swap3A_941 = tpu.vector_load %arg7[%swap3A_940] {strides = array<i32>} : memref<51200xf32, #tpu.memory_space<vmem>>, vector<16xf32>,
          tpu.vector_store %arg7[%swap3A_940], %get3A_841 {strides = array<i32>} : memref<51200xf32, #tpu.memory_space<vmem>>, vector<16xf32>,
          %add3A_942 = arith.constant 96 : i32
          %add3A_943 = arith.addi %add3A_917, %add3A_942 : i32
          %swap3A_944 = arith.index_cast %add3A_943 : i32 to index
          %swap3A_945 = tpu.vector_load %arg7[%swap3A_944] {strides = array<i32>} : memref<51200xf32, #tpu.memory_space<vmem>>, vector<16xf32>,
          tpu.vector_store %arg7[%swap3A_944], %get3A_845 {strides = array<i32>} : memref<51200xf32, #tpu.memory_space<vmem>>, vector<16xf32>,
          %add3A_946 = arith.constant 112 : i32
          %add3A_947 = arith.addi %add3A_917, %add3A_946 : i32
          %swap3A_948 = arith.index_cast %add3A_947 : i32 to index
          %swap3A_949 = tpu.vector_load %arg7[%swap3A_948] {strides = array<i32>} : memref<51200xf32, #tpu.memory_space<vmem>>, vector<16xf32>,
          tpu.vector_store %arg7[%swap3A_948], %get3A_849 {strides = array<i32>} : memref<51200xf32, #tpu.memory_space<vmem>>, vector<16xf32>,
          %add3A_950 = arith.constant 0 : i32
          %add3A_951 = arith.addi %squeeze3A_118, %add3A_950 : i32
          %get3A_952 = arith.index_cast %add3A_951 : i32 to index
          %get3A_953 = tpu.vector_load %arg5[%get3A_952] {strides = array<i32>} : memref<16384xf32, #tpu.memory_space<vmem>>, vector<16xf32>,
          %add3A_954 = arith.constant 16 : i32
          %add3A_955 = arith.addi %squeeze3A_118, %add3A_954 : i32
          %get3A_956 = arith.index_cast %add3A_955 : i32 to index
          %get3A_957 = tpu.vector_load %arg5[%get3A_956] {strides = array<i32>} : memref<16384xf32, #tpu.memory_space<vmem>>, vector<16xf32>,
          %add3A_958 = arith.constant 32 : i32
          %add3A_959 = arith.addi %squeeze3A_118, %add3A_958 : i32
          %get3A_960 = arith.index_cast %add3A_959 : i32 to index
          %get3A_961 = tpu.vector_load %arg5[%get3A_960] {strides = array<i32>} : memref<16384xf32, #tpu.memory_space<vmem>>, vector<16xf32>,
          %add3A_962 = arith.constant 48 : i32
          %add3A_963 = arith.addi %squeeze3A_118, %add3A_962 : i32
          %get3A_964 = arith.index_cast %add3A_963 : i32 to index
          %get3A_965 = tpu.vector_load %arg5[%get3A_964] {strides = array<i32>} : memref<16384xf32, #tpu.memory_space<vmem>>, vector<16xf32>,
          %add3A_966 = arith.constant 64 : i32
          %add3A_967 = arith.addi %squeeze3A_118, %add3A_966 : i32
          %get3A_968 = arith.index_cast %add3A_967 : i32 to index
          %get3A_969 = tpu.vector_load %arg5[%get3A_968] {strides = array<i32>} : memref<16384xf32, #tpu.memory_space<vmem>>, vector<16xf32>,
          %add3A_970 = arith.constant 80 : i32
          %add3A_971 = arith.addi %squeeze3A_118, %add3A_970 : i32
          %get3A_972 = arith.index_cast %add3A_971 : i32 to index
          %get3A_973 = tpu.vector_load %arg5[%get3A_972] {strides = array<i32>} : memref<16384xf32, #tpu.memory_space<vmem>>, vector<16xf32>,
          %add3A_974 = arith.constant 96 : i32
          %add3A_975 = arith.addi %squeeze3A_118, %add3A_974 : i32
          %get3A_976 = arith.index_cast %add3A_975 : i32 to index
          %get3A_977 = tpu.vector_load %arg5[%get3A_976] {strides = array<i32>} : memref<16384xf32, #tpu.memory_space<vmem>>, vector<16xf32>,
          %add3A_978 = arith.constant 112 : i32
          %add3A_979 = arith.addi %squeeze3A_118, %add3A_978 : i32
          %get3A_980 = arith.index_cast %add3A_979 : i32 to index
          %get3A_981 = tpu.vector_load %arg5[%get3A_980] {strides = array<i32>} : memref<16384xf32, #tpu.memory_space<vmem>>, vector<16xf32>,
          %add3A_982 = arith.constant 1536 : i32
          %add3A_983 = arith.addi %mul3A_126, %add3A_982 : i32
          %add3A_984 = arith.constant 0 : i32
          %add3A_985 = arith.addi %add3A_983, %add3A_984 : i32
          %swap3A_986 = arith.index_cast %add3A_985 : i32 to index
          %swap3A_987 = tpu.vector_load %arg7[%swap3A_986] {strides = array<i32>} : memref<51200xf32, #tpu.memory_space<vmem>>, vector<16xf32>,
          tpu.vector_store %arg7[%swap3A_986], %get3A_887 {strides = array<i32>} : memref<51200xf32, #tpu.memory_space<vmem>>, vector<16xf32>,
          %add3A_988 = arith.constant 16 : i32
          %add3A_989 = arith.addi %add3A_983, %add3A_988 : i32
          %swap3A_990 = arith.index_cast %add3A_989 : i32 to index
          %swap3A_991 = tpu.vector_load %arg7[%swap3A_990] {strides = array<i32>} : memref<51200xf32, #tpu.memory_space<vmem>>, vector<16xf32>,
          tpu.vector_store %arg7[%swap3A_990], %get3A_891 {strides = array<i32>} : memref<51200xf32, #tpu.memory_space<vmem>>, vector<16xf32>,
          %add3A_992 = arith.constant 32 : i32
          %add3A_993 = arith.addi %add3A_983, %add3A_992 : i32
          %swap3A_994 = arith.index_cast %add3A_993 : i32 to index
          %swap3A_995 = tpu.vector_load %arg7[%swap3A_994] {strides = array<i32>} : memref<51200xf32, #tpu.memory_space<vmem>>, vector<16xf32>,
          tpu.vector_store %arg7[%swap3A_994], %get3A_895 {strides = array<i32>} : memref<51200xf32, #tpu.memory_space<vmem>>, vector<16xf32>,
          %add3A_996 = arith.constant 48 : i32
          %add3A_997 = arith.addi %add3A_983, %add3A_996 : i32
          %swap3A_998 = arith.index_cast %add3A_997 : i32 to index
          %swap3A_999 = tpu.vector_load %arg7[%swap3A_998] {strides = array<i32>} : memref<51200xf32, #tpu.memory_space<vmem>>, vector<16xf32>,
          tpu.vector_store %arg7[%swap3A_998], %get3A_899 {strides = array<i32>} : memref<51200xf32, #tpu.memory_space<vmem>>, vector<16xf32>,
          %add3A_1000 = arith.constant 64 : i32
          %add3A_1001 = arith.addi %add3A_983, %add3A_1000 : i32
          %swap3A_1002 = arith.index_cast %add3A_1001 : i32 to index
          %swap3A_1003 = tpu.vector_load %arg7[%swap3A_1002] {strides = array<i32>} : memref<51200xf32, #tpu.memory_space<vmem>>, vector<16xf32>,
          tpu.vector_store %arg7[%swap3A_1002], %get3A_903 {strides = array<i32>} : memref<51200xf32, #tpu.memory_space<vmem>>, vector<16xf32>,
          %add3A_1004 = arith.constant 80 : i32
          %add3A_1005 = arith.addi %add3A_983, %add3A_1004 : i32
          %swap3A_1006 = arith.index_cast %add3A_1005 : i32 to index
          %swap3A_1007 = tpu.vector_load %arg7[%swap3A_1006] {strides = array<i32>} : memref<51200xf32, #tpu.memory_space<vmem>>, vector<16xf32>,
          tpu.vector_store %arg7[%swap3A_1006], %get3A_907 {strides = array<i32>} : memref<51200xf32, #tpu.memory_space<vmem>>, vector<16xf32>,
          %add3A_1008 = arith.constant 96 : i32
          %add3A_1009 = arith.addi %add3A_983, %add3A_1008 : i32
          %swap3A_1010 = arith.index_cast %add3A_1009 : i32 to index
          %swap3A_1011 = tpu.vector_load %arg7[%swap3A_1010] {strides = array<i32>} : memref<51200xf32, #tpu.memory_space<vmem>>, vector<16xf32>,
          tpu.vector_store %arg7[%swap3A_1010], %get3A_911 {strides = array<i32>} : memref<51200xf32, #tpu.memory_space<vmem>>, vector<16xf32>,
          %add3A_1012 = arith.constant 112 : i32
          %add3A_1013 = arith.addi %add3A_983, %add3A_1012 : i32
          %swap3A_1014 = arith.index_cast %add3A_1013 : i32 to index
          %swap3A_1015 = tpu.vector_load %arg7[%swap3A_1014] {strides = array<i32>} : memref<51200xf32, #tpu.memory_space<vmem>>, vector<16xf32>,
          tpu.vector_store %arg7[%swap3A_1014], %get3A_915 {strides = array<i32>} : memref<51200xf32, #tpu.memory_space<vmem>>, vector<16xf32>,
          %add3A_1016 = arith.constant 0 : i32
          %add3A_1017 = arith.addi %squeeze3A_120, %add3A_1016 : i32
          %get3A_1018 = arith.index_cast %add3A_1017 : i32 to index
          %get3A_1019 = tpu.vector_load %arg5[%get3A_1018] {strides = array<i32>} : memref<16384xf32, #tpu.memory_space<vmem>>, vector<16xf32>,
          %add3A_1020 = arith.constant 16 : i32
          %add3A_1021 = arith.addi %squeeze3A_120, %add3A_1020 : i32
          %get3A_1022 = arith.index_cast %add3A_1021 : i32 to index
          %get3A_1023 = tpu.vector_load %arg5[%get3A_1022] {strides = array<i32>} : memref<16384xf32, #tpu.memory_space<vmem>>, vector<16xf32>,
          %add3A_1024 = arith.constant 32 : i32
          %add3A_1025 = arith.addi %squeeze3A_120, %add3A_1024 : i32
          %get3A_1026 = arith.index_cast %add3A_1025 : i32 to index
          %get3A_1027 = tpu.vector_load %arg5[%get3A_1026] {strides = array<i32>} : memref<16384xf32, #tpu.memory_space<vmem>>, vector<16xf32>,
          %add3A_1028 = arith.constant 48 : i32
          %add3A_1029 = arith.addi %squeeze3A_120, %add3A_1028 : i32
          %get3A_1030 = arith.index_cast %add3A_1029 : i32 to index
          %get3A_1031 = tpu.vector_load %arg5[%get3A_1030] {strides = array<i32>} : memref<16384xf32, #tpu.memory_space<vmem>>, vector<16xf32>,
          %add3A_1032 = arith.constant 64 : i32
          %add3A_1033 = arith.addi %squeeze3A_120, %add3A_1032 : i32
          %get3A_1034 = arith.index_cast %add3A_1033 : i32 to index
          %get3A_1035 = tpu.vector_load %arg5[%get3A_1034] {strides = array<i32>} : memref<16384xf32, #tpu.memory_space<vmem>>, vector<16xf32>,
          %add3A_1036 = arith.constant 80 : i32
          %add3A_1037 = arith.addi %squeeze3A_120, %add3A_1036 : i32
          %get3A_1038 = arith.index_cast %add3A_1037 : i32 to index
          %get3A_1039 = tpu.vector_load %arg5[%get3A_1038] {strides = array<i32>} : memref<16384xf32, #tpu.memory_space<vmem>>, vector<16xf32>,
          %add3A_1040 = arith.constant 96 : i32
          %add3A_1041 = arith.addi %squeeze3A_120, %add3A_1040 : i32
          %get3A_1042 = arith.index_cast %add3A_1041 : i32 to index
          %get3A_1043 = tpu.vector_load %arg5[%get3A_1042] {strides = array<i32>} : memref<16384xf32, #tpu.memory_space<vmem>>, vector<16xf32>,
          %add3A_1044 = arith.constant 112 : i32
          %add3A_1045 = arith.addi %squeeze3A_120, %add3A_1044 : i32
          %get3A_1046 = arith.index_cast %add3A_1045 : i32 to index
          %get3A_1047 = tpu.vector_load %arg5[%get3A_1046] {strides = array<i32>} : memref<16384xf32, #tpu.memory_space<vmem>>, vector<16xf32>,
          %add3A_1048 = arith.constant 1664 : i32
          %add3A_1049 = arith.addi %mul3A_126, %add3A_1048 : i32
          %add3A_1050 = arith.constant 0 : i32
          %add3A_1051 = arith.addi %add3A_1049, %add3A_1050 : i32
          %swap3A_1052 = arith.index_cast %add3A_1051 : i32 to index
          %swap3A_1053 = tpu.vector_load %arg7[%swap3A_1052] {strides = array<i32>} : memref<51200xf32, #tpu.memory_space<vmem>>, vector<16xf32>,
          tpu.vector_store %arg7[%swap3A_1052], %get3A_953 {strides = array<i32>} : memref<51200xf32, #tpu.memory_space<vmem>>, vector<16xf32>,
          %add3A_1054 = arith.constant 16 : i32
          %add3A_1055 = arith.addi %add3A_1049, %add3A_1054 : i32
          %swap3A_1056 = arith.index_cast %add3A_1055 : i32 to index
          %swap3A_1057 = tpu.vector_load %arg7[%swap3A_1056] {strides = array<i32>} : memref<51200xf32, #tpu.memory_space<vmem>>, vector<16xf32>,
          tpu.vector_store %arg7[%swap3A_1056], %get3A_957 {strides = array<i32>} : memref<51200xf32, #tpu.memory_space<vmem>>, vector<16xf32>,
          %add3A_1058 = arith.constant 32 : i32
          %add3A_1059 = arith.addi %add3A_1049, %add3A_1058 : i32
          %swap3A_1060 = arith.index_cast %add3A_1059 : i32 to index
          %swap3A_1061 = tpu.vector_load %arg7[%swap3A_1060] {strides = array<i32>} : memref<51200xf32, #tpu.memory_space<vmem>>, vector<16xf32>,
          tpu.vector_store %arg7[%swap3A_1060], %get3A_961 {strides = array<i32>} : memref<51200xf32, #tpu.memory_space<vmem>>, vector<16xf32>,
          %add3A_1062 = arith.constant 48 : i32
          %add3A_1063 = arith.addi %add3A_1049, %add3A_1062 : i32
          %swap3A_1064 = arith.index_cast %add3A_1063 : i32 to index
          %swap3A_1065 = tpu.vector_load %arg7[%swap3A_1064] {strides = array<i32>} : memref<51200xf32, #tpu.memory_space<vmem>>, vector<16xf32>,
          tpu.vector_store %arg7[%swap3A_1064], %get3A_965 {strides = array<i32>} : memref<51200xf32, #tpu.memory_space<vmem>>, vector<16xf32>,
          %add3A_1066 = arith.constant 64 : i32
          %add3A_1067 = arith.addi %add3A_1049, %add3A_1066 : i32
          %swap3A_1068 = arith.index_cast %add3A_1067 : i32 to index
          %swap3A_1069 = tpu.vector_load %arg7[%swap3A_1068] {strides = array<i32>} : memref<51200xf32, #tpu.memory_space<vmem>>, vector<16xf32>,
          tpu.vector_store %arg7[%swap3A_1068], %get3A_969 {strides = array<i32>} : memref<51200xf32, #tpu.memory_space<vmem>>, vector<16xf32>,
          %add3A_1070 = arith.constant 80 : i32
          %add3A_1071 = arith.addi %add3A_1049, %add3A_1070 : i32
          %swap3A_1072 = arith.index_cast %add3A_1071 : i32 to index
          %swap3A_1073 = tpu.vector_load %arg7[%swap3A_1072] {strides = array<i32>} : memref<51200xf32, #tpu.memory_space<vmem>>, vector<16xf32>,
          tpu.vector_store %arg7[%swap3A_1072], %get3A_973 {strides = array<i32>} : memref<51200xf32, #tpu.memory_space<vmem>>, vector<16xf32>,
          %add3A_1074 = arith.constant 96 : i32
          %add3A_1075 = arith.addi %add3A_1049, %add3A_1074 : i32
          %swap3A_1076 = arith.index_cast %add3A_1075 : i32 to index
          %swap3A_1077 = tpu.vector_load %arg7[%swap3A_1076] {strides = array<i32>} : memref<51200xf32, #tpu.memory_space<vmem>>, vector<16xf32>,
          tpu.vector_store %arg7[%swap3A_1076], %get3A_977 {strides = array<i32>} : memref<51200xf32, #tpu.memory_space<vmem>>, vector<16xf32>,
          %add3A_1078 = arith.constant 112 : i32
          %add3A_1079 = arith.addi %add3A_1049, %add3A_1078 : i32
          %swap3A_1080 = arith.index_cast %add3A_1079 : i32 to index
          %swap3A_1081 = tpu.vector_load %arg7[%swap3A_1080] {strides = array<i32>} : memref<51200xf32, #tpu.memory_space<vmem>>, vector<16xf32>,
          tpu.vector_store %arg7[%swap3A_1080], %get3A_981 {strides = array<i32>} : memref<51200xf32, #tpu.memory_space<vmem>>, vector<16xf32>,
          %add3A_1082 = arith.constant 0 : i32
          %add3A_1083 = arith.addi %squeeze3A_122, %add3A_1082 : i32
          %get3A_1084 = arith.index_cast %add3A_1083 : i32 to index
          %get3A_1085 = tpu.vector_load %arg5[%get3A_1084] {strides = array<i32>} : memref<16384xf32, #tpu.memory_space<vmem>>, vector<16xf32>,
          %add3A_1086 = arith.constant 16 : i32
          %add3A_1087 = arith.addi %squeeze3A_122, %add3A_1086 : i32
          %get3A_1088 = arith.index_cast %add3A_1087 : i32 to index
          %get3A_1089 = tpu.vector_load %arg5[%get3A_1088] {strides = array<i32>} : memref<16384xf32, #tpu.memory_space<vmem>>, vector<16xf32>,
          %add3A_1090 = arith.constant 32 : i32
          %add3A_1091 = arith.addi %squeeze3A_122, %add3A_1090 : i32
          %get3A_1092 = arith.index_cast %add3A_1091 : i32 to index
          %get3A_1093 = tpu.vector_load %arg5[%get3A_1092] {strides = array<i32>} : memref<16384xf32, #tpu.memory_space<vmem>>, vector<16xf32>,
          %add3A_1094 = arith.constant 48 : i32
          %add3A_1095 = arith.addi %squeeze3A_122, %add3A_1094 : i32
          %get3A_1096 = arith.index_cast %add3A_1095 : i32 to index
          %get3A_1097 = tpu.vector_load %arg5[%get3A_1096] {strides = array<i32>} : memref<16384xf32, #tpu.memory_space<vmem>>, vector<16xf32>,
          %add3A_1098 = arith.constant 64 : i32
          %add3A_1099 = arith.addi %squeeze3A_122, %add3A_1098 : i32
          %get3A_1100 = arith.index_cast %add3A_1099 : i32 to index
          %get3A_1101 = tpu.vector_load %arg5[%get3A_1100] {strides = array<i32>} : memref<16384xf32, #tpu.memory_space<vmem>>, vector<16xf32>,
          %add3A_1102 = arith.constant 80 : i32
          %add3A_1103 = arith.addi %squeeze3A_122, %add3A_1102 : i32
          %get3A_1104 = arith.index_cast %add3A_1103 : i32 to index
          %get3A_1105 = tpu.vector_load %arg5[%get3A_1104] {strides = array<i32>} : memref<16384xf32, #tpu.memory_space<vmem>>, vector<16xf32>,
          %add3A_1106 = arith.constant 96 : i32
          %add3A_1107 = arith.addi %squeeze3A_122, %add3A_1106 : i32
          %get3A_1108 = arith.index_cast %add3A_1107 : i32 to index
          %get3A_1109 = tpu.vector_load %arg5[%get3A_1108] {strides = array<i32>} : memref<16384xf32, #tpu.memory_space<vmem>>, vector<16xf32>,
          %add3A_1110 = arith.constant 112 : i32
          %add3A_1111 = arith.addi %squeeze3A_122, %add3A_1110 : i32
          %get3A_1112 = arith.index_cast %add3A_1111 : i32 to index
          %get3A_1113 = tpu.vector_load %arg5[%get3A_1112] {strides = array<i32>} : memref<16384xf32, #tpu.memory_space<vmem>>, vector<16xf32>,
          %add3A_1114 = arith.constant 1792 : i32
          %add3A_1115 = arith.addi %mul3A_126, %add3A_1114 : i32
          %add3A_1116 = arith.constant 0 : i32
          %add3A_1117 = arith.addi %add3A_1115, %add3A_1116 : i32
          %swap3A_1118 = arith.index_cast %add3A_1117 : i32 to index
          %swap3A_1119 = tpu.vector_load %arg7[%swap3A_1118] {strides = array<i32>} : memref<51200xf32, #tpu.memory_space<vmem>>, vector<16xf32>,
          tpu.vector_store %arg7[%swap3A_1118], %get3A_1019 {strides = array<i32>} : memref<51200xf32, #tpu.memory_space<vmem>>, vector<16xf32>,
          %add3A_1120 = arith.constant 16 : i32
          %add3A_1121 = arith.addi %add3A_1115, %add3A_1120 : i32
          %swap3A_1122 = arith.index_cast %add3A_1121 : i32 to index
          %swap3A_1123 = tpu.vector_load %arg7[%swap3A_1122] {strides = array<i32>} : memref<51200xf32, #tpu.memory_space<vmem>>, vector<16xf32>,
          tpu.vector_store %arg7[%swap3A_1122], %get3A_1023 {strides = array<i32>} : memref<51200xf32, #tpu.memory_space<vmem>>, vector<16xf32>,
          %add3A_1124 = arith.constant 32 : i32
          %add3A_1125 = arith.addi %add3A_1115, %add3A_1124 : i32
          %swap3A_1126 = arith.index_cast %add3A_1125 : i32 to index
          %swap3A_1127 = tpu.vector_load %arg7[%swap3A_1126] {strides = array<i32>} : memref<51200xf32, #tpu.memory_space<vmem>>, vector<16xf32>,
          tpu.vector_store %arg7[%swap3A_1126], %get3A_1027 {strides = array<i32>} : memref<51200xf32, #tpu.memory_space<vmem>>, vector<16xf32>,
          %add3A_1128 = arith.constant 48 : i32
          %add3A_1129 = arith.addi %add3A_1115, %add3A_1128 : i32
          %swap3A_1130 = arith.index_cast %add3A_1129 : i32 to index
          %swap3A_1131 = tpu.vector_load %arg7[%swap3A_1130] {strides = array<i32>} : memref<51200xf32, #tpu.memory_space<vmem>>, vector<16xf32>,
          tpu.vector_store %arg7[%swap3A_1130], %get3A_1031 {strides = array<i32>} : memref<51200xf32, #tpu.memory_space<vmem>>, vector<16xf32>,
          %add3A_1132 = arith.constant 64 : i32
          %add3A_1133 = arith.addi %add3A_1115, %add3A_1132 : i32
          %swap3A_1134 = arith.index_cast %add3A_1133 : i32 to index
          %swap3A_1135 = tpu.vector_load %arg7[%swap3A_1134] {strides = array<i32>} : memref<51200xf32, #tpu.memory_space<vmem>>, vector<16xf32>,
          tpu.vector_store %arg7[%swap3A_1134], %get3A_1035 {strides = array<i32>} : memref<51200xf32, #tpu.memory_space<vmem>>, vector<16xf32>,
          %add3A_1136 = arith.constant 80 : i32
          %add3A_1137 = arith.addi %add3A_1115, %add3A_1136 : i32
          %swap3A_1138 = arith.index_cast %add3A_1137 : i32 to index
          %swap3A_1139 = tpu.vector_load %arg7[%swap3A_1138] {strides = array<i32>} : memref<51200xf32, #tpu.memory_space<vmem>>, vector<16xf32>,
          tpu.vector_store %arg7[%swap3A_1138], %get3A_1039 {strides = array<i32>} : memref<51200xf32, #tpu.memory_space<vmem>>, vector<16xf32>,
          %add3A_1140 = arith.constant 96 : i32
          %add3A_1141 = arith.addi %add3A_1115, %add3A_1140 : i32
          %swap3A_1142 = arith.index_cast %add3A_1141 : i32 to index
          %swap3A_1143 = tpu.vector_load %arg7[%swap3A_1142] {strides = array<i32>} : memref<51200xf32, #tpu.memory_space<vmem>>, vector<16xf32>,
          tpu.vector_store %arg7[%swap3A_1142], %get3A_1043 {strides = array<i32>} : memref<51200xf32, #tpu.memory_space<vmem>>, vector<16xf32>,
          %add3A_1144 = arith.constant 112 : i32
          %add3A_1145 = arith.addi %add3A_1115, %add3A_1144 : i32
          %swap3A_1146 = arith.index_cast %add3A_1145 : i32 to index
          %swap3A_1147 = tpu.vector_load %arg7[%swap3A_1146] {strides = array<i32>} : memref<51200xf32, #tpu.memory_space<vmem>>, vector<16xf32>,
          tpu.vector_store %arg7[%swap3A_1146], %get3A_1047 {strides = array<i32>} : memref<51200xf32, #tpu.memory_space<vmem>>, vector<16xf32>,
          %add3A_1148 = arith.constant 1920 : i32
          %add3A_1149 = arith.addi %mul3A_126, %add3A_1148 : i32
          %add3A_1150 = arith.constant 0 : i32
          %add3A_1151 = arith.addi %add3A_1149, %add3A_1150 : i32
          %swap3A_1152 = arith.index_cast %add3A_1151 : i32 to index
          %swap3A_1153 = tpu.vector_load %arg7[%swap3A_1152] {strides = array<i32>} : memref<51200xf32, #tpu.memory_space<vmem>>, vector<16xf32>,
          tpu.vector_store %arg7[%swap3A_1152], %get3A_1085 {strides = array<i32>} : memref<51200xf32, #tpu.memory_space<vmem>>, vector<16xf32>,
          %add3A_1154 = arith.constant 16 : i32
          %add3A_1155 = arith.addi %add3A_1149, %add3A_1154 : i32
          %swap3A_1156 = arith.index_cast %add3A_1155 : i32 to index
          %swap3A_1157 = tpu.vector_load %arg7[%swap3A_1156] {strides = array<i32>} : memref<51200xf32, #tpu.memory_space<vmem>>, vector<16xf32>,
          tpu.vector_store %arg7[%swap3A_1156], %get3A_1089 {strides = array<i32>} : memref<51200xf32, #tpu.memory_space<vmem>>, vector<16xf32>,
          %add3A_1158 = arith.constant 32 : i32
          %add3A_1159 = arith.addi %add3A_1149, %add3A_1158 : i32
          %swap3A_1160 = arith.index_cast %add3A_1159 : i32 to index
          %swap3A_1161 = tpu.vector_load %arg7[%swap3A_1160] {strides = array<i32>} : memref<51200xf32, #tpu.memory_space<vmem>>, vector<16xf32>,
          tpu.vector_store %arg7[%swap3A_1160], %get3A_1093 {strides = array<i32>} : memref<51200xf32, #tpu.memory_space<vmem>>, vector<16xf32>,
          %add3A_1162 = arith.constant 48 : i32
          %add3A_1163 = arith.addi %add3A_1149, %add3A_1162 : i32
          %swap3A_1164 = arith.index_cast %add3A_1163 : i32 to index
          %swap3A_1165 = tpu.vector_load %arg7[%swap3A_1164] {strides = array<i32>} : memref<51200xf32, #tpu.memory_space<vmem>>, vector<16xf32>,
          tpu.vector_store %arg7[%swap3A_1164], %get3A_1097 {strides = array<i32>} : memref<51200xf32, #tpu.memory_space<vmem>>, vector<16xf32>,
          %add3A_1166 = arith.constant 64 : i32
          %add3A_1167 = arith.addi %add3A_1149, %add3A_1166 : i32
          %swap3A_1168 = arith.index_cast %add3A_1167 : i32 to index
          %swap3A_1169 = tpu.vector_load %arg7[%swap3A_1168] {strides = array<i32>} : memref<51200xf32, #tpu.memory_space<vmem>>, vector<16xf32>,
          tpu.vector_store %arg7[%swap3A_1168], %get3A_1101 {strides = array<i32>} : memref<51200xf32, #tpu.memory_space<vmem>>, vector<16xf32>,
          %add3A_1170 = arith.constant 80 : i32
          %add3A_1171 = arith.addi %add3A_1149, %add3A_1170 : i32
          %swap3A_1172 = arith.index_cast %add3A_1171 : i32 to index
          %swap3A_1173 = tpu.vector_load %arg7[%swap3A_1172] {strides = array<i32>} : memref<51200xf32, #tpu.memory_space<vmem>>, vector<16xf32>,
          tpu.vector_store %arg7[%swap3A_1172], %get3A_1105 {strides = array<i32>} : memref<51200xf32, #tpu.memory_space<vmem>>, vector<16xf32>,
          %add3A_1174 = arith.constant 96 : i32
          %add3A_1175 = arith.addi %add3A_1149, %add3A_1174 : i32
          %swap3A_1176 = arith.index_cast %add3A_1175 : i32 to index
          %swap3A_1177 = tpu.vector_load %arg7[%swap3A_1176] {strides = array<i32>} : memref<51200xf32, #tpu.memory_space<vmem>>, vector<16xf32>,
          tpu.vector_store %arg7[%swap3A_1176], %get3A_1109 {strides = array<i32>} : memref<51200xf32, #tpu.memory_space<vmem>>, vector<16xf32>,
          %add3A_1178 = arith.constant 112 : i32
          %add3A_1179 = arith.addi %add3A_1149, %add3A_1178 : i32
          %swap3A_1180 = arith.index_cast %add3A_1179 : i32 to index
          %swap3A_1181 = tpu.vector_load %arg7[%swap3A_1180] {strides = array<i32>} : memref<51200xf32, #tpu.memory_space<vmem>>, vector<16xf32>,
          tpu.vector_store %arg7[%swap3A_1180], %get3A_1113 {strides = array<i32>} : memref<51200xf32, #tpu.memory_space<vmem>>, vector<16xf32>,
        }
        %scan3A_82 = arith.constant 25 : i32
      } else {
      }
    }
    %scan3A_11 = arith.constant 12 : i32
    %mul3A_12 = arith.constant 10000 : i32
    %mul3A_13 = arith.muli %add3A, %mul3A_12 : i32
    %add3A_14 = arith.constant 9200 : i32
    %add3A_15 = arith.addi %mul3A_13, %add3A_14 : i32
    %mul3A_16 = arith.constant 128 : i32
    %mul3A_17 = arith.muli %add3A_15, %mul3A_16 : i32
    %dma_wait3A = tpu.memref_slice %arg4[%mul3A_17] : memref<40960000xf32, #tpu.memory_space<hbm>> -> memref<51200xf32, #tpu.memory_space<hbm>>
    %dma_wait3A_18 = tpu.memref_slice %arg4[%mul3A_17] : memref<40960000xf32, #tpu.memory_space<hbm>> -> memref<51200xf32, #tpu.memory_space<hbm>>
    tpu.wait_dma2 semaphore(%arg9 : memref<!tpu.dma_semaphore, #tpu.memory_space<semaphore_mem>>) src(%arg8 : memref<51200xf32, #tpu.memory_space<vmem>>) dst(%dma_wait3A_18 : memref<51200xf32, #tpu.memory_space<hbm>>)
    %mul3A_19 = arith.constant 10000 : i32
    %mul3A_20 = arith.muli %add3A, %mul3A_19 : i32
    %add3A_21 = arith.constant 9600 : i32
    %add3A_22 = arith.addi %mul3A_20, %add3A_21 : i32
    %mul3A_23 = arith.constant 128 : i32
    %mul3A_24 = arith.muli %add3A_22, %mul3A_23 : i32
    %dma_start3A = tpu.memref_slice %arg4[%mul3A_24] : memref<40960000xf32, #tpu.memory_space<hbm>> -> memref<51200xf32, #tpu.memory_space<hbm>>
    %dma_start3A_25 = tpu.memref_slice %arg4[%mul3A_24] : memref<40960000xf32, #tpu.memory_space<hbm>> -> memref<51200xf32, #tpu.memory_space<hbm>>
    tpu.enqueue_dma source(%arg7 : memref<51200xf32, #tpu.memory_space<vmem>>) target(%dma_start3A_25 : memref<51200xf32, #tpu.memory_space<hbm>>) target_semaphore(%arg9 : memref<!tpu.dma_semaphore, #tpu.memory_space<semaphore_mem>>)
    %mul3A_26 = arith.constant 10000 : i32
    %mul3A_27 = arith.muli %add3A, %mul3A_26 : i32
    %add3A_28 = arith.constant 9600 : i32
    %add3A_29 = arith.addi %mul3A_27, %add3A_28 : i32
    %mul3A_30 = arith.constant 128 : i32
    %mul3A_31 = arith.muli %add3A_29, %mul3A_30 : i32
    %dma_wait3A_32 = tpu.memref_slice %arg4[%mul3A_31] : memref<40960000xf32, #tpu.memory_space<hbm>> -> memref<51200xf32, #tpu.memory_space<hbm>>
    %dma_wait3A_33 = tpu.memref_slice %arg4[%mul3A_31] : memref<40960000xf32, #tpu.memory_space<hbm>> -> memref<51200xf32, #tpu.memory_space<hbm>>
    tpu.wait_dma2 semaphore(%arg9 : memref<!tpu.dma_semaphore, #tpu.memory_space<semaphore_mem>>) src(%arg7 : memref<51200xf32, #tpu.memory_space<vmem>>) dst(%dma_wait3A_33 : memref<51200xf32, #tpu.memory_space<hbm>>)
    return
  }
}

module attributes {stable_mosaic.version = 14 : i64} {
  func.func @_prep_body(%arg0: memref<3x2500x128xi32, #tpu.memory_space<vmem>>, %arg1: memref<6x128xf32, #tpu.memory_space<vmem>>, %arg2: memref<7x128xf32, #tpu.memory_space<vmem>>, %arg3: memref<3x128xf32, #tpu.memory_space<vmem>>, %arg4: memref<2500x128xi32, #tpu.memory_space<vmem>>, %arg5: memref<128x128xf32, #tpu.memory_space<vmem>>) attributes {dimension_semantics = [], scalar_prefetch = 0 : i64, scratch_operands = 0 : i64, tpu.core_type = #tpu.core_type<tc>} {
    %get3A = arith.constant 0 : index
    %get3A_0 = arith.constant 0 : index
    %get3A_1 = arith.constant 0 : index
    %get3A_2 = vector.load %arg0[%get3A, %get3A_0, %get3A_1] : memref<3x2500x128xi32, #tpu.memory_space<vmem>>, vector<1x2500x128xi32>
    %get3A_3 = vector.shape_cast %get3A_2 : vector<1x2500x128xi32> to vector<2500x128xi32>
    %mul3A = arith.constant 21 : i32
    %mul3A_4 = vector.broadcast %mul3A : i32 to vector<2500x128xi32>
    %mul3A_5 = arith.muli %get3A_3, %mul3A_4 : vector<2500x128xi32>
    %get3A_6 = arith.constant 1 : index
    %get3A_7 = arith.constant 0 : index
    %get3A_8 = arith.constant 0 : index
    %get3A_9 = vector.load %arg0[%get3A_6, %get3A_7, %get3A_8] : memref<3x2500x128xi32, #tpu.memory_space<vmem>>, vector<1x2500x128xi32>
    %get3A_10 = vector.shape_cast %get3A_9 : vector<1x2500x128xi32> to vector<2500x128xi32>
    %mul3A_11 = arith.constant 3 : i32
    %mul3A_12 = vector.broadcast %mul3A_11 : i32 to vector<2500x128xi32>
    %mul3A_13 = arith.muli %get3A_10, %mul3A_12 : vector<2500x128xi32>
    %add3A = arith.addi %mul3A_5, %mul3A_13 : vector<2500x128xi32>
    %get3A_14 = arith.constant 2 : index
    %get3A_15 = arith.constant 0 : index
    %get3A_16 = arith.constant 0 : index
    %get3A_17 = vector.load %arg0[%get3A_14, %get3A_15, %get3A_16] : memref<3x2500x128xi32, #tpu.memory_space<vmem>>, vector<1x2500x128xi32>
    %get3A_18 = vector.shape_cast %get3A_17 : vector<1x2500x128xi32> to vector<2500x128xi32>
    %add3A_19 = arith.addi %add3A, %get3A_18 : vector<2500x128xi32>
    %swap3A = arith.constant 0 : index
    %swap3A_20 = arith.constant 0 : index
    %swap3A_21 = vector.load %arg4[%swap3A, %swap3A_20] : memref<2500x128xi32, #tpu.memory_space<vmem>>, vector<2500x128xi32>
    tpu.vector_store %arg4[%swap3A, %swap3A_20], %add3A_19 {strides = array<i32>} : memref<2500x128xi32, #tpu.memory_space<vmem>>, vector<2500x128xi32>,
    %iota3A = tpu.iota {dimensions = array<i32: 0>} : vector<128x1xi32>
    %jit3A = arith.constant 21 : i32
    %div3A = vector.broadcast %jit3A : i32 to vector<128x1xi32>
    %div3A_22 = arith.divsi %iota3A, %div3A : vector<128x1xi32>
    %sign3A = arith.constant 0 : i32
    %sign3A_23 = vector.broadcast %sign3A : i32 to vector<128x1xi32>
    %sign3A_24 = arith.cmpi sgt, %iota3A, %sign3A_23 : vector<128x1xi32>
    %sign3A_25 = arith.extui %sign3A_24 : vector<128x1xi1> to vector<128x1xi32>
    %sign3A_26 = arith.constant 0 : i32
    %sign3A_27 = vector.broadcast %sign3A_26 : i32 to vector<128x1xi32>
    %sign3A_28 = arith.cmpi slt, %iota3A, %sign3A_27 : vector<128x1xi32>
    %sign3A_29 = arith.extui %sign3A_28 : vector<128x1xi1> to vector<128x1xi32>
    %sign3A_30 = arith.subi %sign3A_25, %sign3A_29 : vector<128x1xi32>
    %sign3A_31 = arith.constant 0 : i32
    %sign3A_32 = arith.cmpi sgt, %jit3A, %sign3A_31 : i32
    %sign3A_33 = arith.extui %sign3A_32 : i1 to i32
    %sign3A_34 = arith.constant 0 : i32
    %sign3A_35 = arith.cmpi slt, %jit3A, %sign3A_34 : i32
    %sign3A_36 = arith.extui %sign3A_35 : i1 to i32
    %sign3A_37 = arith.subi %sign3A_33, %sign3A_36 : i32
    %ne3A = vector.broadcast %sign3A_37 : i32 to vector<128x1xi32>
    %ne3A_38 = arith.cmpi ne, %sign3A_30, %ne3A : vector<128x1xi32>
    %rem3A = vector.broadcast %jit3A : i32 to vector<128x1xi32>
    %rem3A_39 = arith.remsi %iota3A, %rem3A : vector<128x1xi32>
    %ne3A_40 = arith.constant 0 : i32
    %ne3A_41 = vector.broadcast %ne3A_40 : i32 to vector<128x1xi32>
    %ne3A_42 = arith.cmpi ne, %rem3A_39, %ne3A_41 : vector<128x1xi32>
    %and3A = arith.andi %ne3A_38, %ne3A_42 : vector<128x1xi1>
    %sub3A = arith.constant 1 : i32
    %sub3A_43 = vector.broadcast %sub3A : i32 to vector<128x1xi32>
    %sub3A_44 = arith.subi %div3A_22, %sub3A_43 : vector<128x1xi32>
    %select_n3A = arith.select %and3A, %sub3A_44, %div3A_22 : vector<128x1xi1>, vector<128x1xi32>
    %jit3A_45 = arith.constant 21 : i32
    %eq3A = arith.constant 0 : i32
    %eq3A_46 = arith.cmpi eq, %jit3A_45, %eq3A : i32
    %jit3A_47 = arith.constant 1 : i32
    %select_n3A_48 = arith.select %eq3A_46, %jit3A_47, %jit3A_45 : i32
    %rem3A_49 = vector.broadcast %select_n3A_48 : i32 to vector<128x1xi32>
    %rem3A_50 = arith.remsi %iota3A, %rem3A_49 : vector<128x1xi32>
    %ne3A_51 = arith.constant 0 : i32
    %ne3A_52 = vector.broadcast %ne3A_51 : i32 to vector<128x1xi32>
    %ne3A_53 = arith.cmpi ne, %rem3A_50, %ne3A_52 : vector<128x1xi32>
    %lt3A = arith.constant 0 : i32
    %lt3A_54 = vector.broadcast %lt3A : i32 to vector<128x1xi32>
    %lt3A_55 = arith.cmpi slt, %rem3A_50, %lt3A_54 : vector<128x1xi32>
    %lt3A_56 = arith.constant 0 : i32
    %lt3A_57 = arith.cmpi slt, %select_n3A_48, %lt3A_56 : i32
    %ne3A_58 = vector.broadcast %lt3A_57 : i1 to vector<128x1xi1>
    %ne3A_59 = vector.broadcast %ne3A_58 : vector<128x1xi1> to vector<128x1xi1>
    %ne3A_60 = arith.xori %lt3A_55, %ne3A_59 : vector<128x1xi1>
    %and3A_61 = arith.andi %ne3A_60, %ne3A_53 : vector<128x1xi1>
    %add3A_62 = vector.broadcast %select_n3A_48 : i32 to vector<128x1xi32>
    %add3A_63 = arith.addi %rem3A_50, %add3A_62 : vector<128x1xi32>
    %select_n3A_64 = arith.select %and3A_61, %add3A_63, %rem3A_50 : vector<128x1xi1>, vector<128x1xi32>
    %jit3A_65 = arith.constant 3 : i32
    %div3A_66 = vector.broadcast %jit3A_65 : i32 to vector<128x1xi32>
    %div3A_67 = arith.divsi %select_n3A_64, %div3A_66 : vector<128x1xi32>
    %sign3A_68 = arith.constant 0 : i32
    %sign3A_69 = vector.broadcast %sign3A_68 : i32 to vector<128x1xi32>
    %sign3A_70 = arith.cmpi sgt, %select_n3A_64, %sign3A_69 : vector<128x1xi32>
    %sign3A_71 = arith.extui %sign3A_70 : vector<128x1xi1> to vector<128x1xi32>
    %sign3A_72 = arith.constant 0 : i32
    %sign3A_73 = vector.broadcast %sign3A_72 : i32 to vector<128x1xi32>
    %sign3A_74 = arith.cmpi slt, %select_n3A_64, %sign3A_73 : vector<128x1xi32>
    %sign3A_75 = arith.extui %sign3A_74 : vector<128x1xi1> to vector<128x1xi32>
    %sign3A_76 = arith.subi %sign3A_71, %sign3A_75 : vector<128x1xi32>
    %sign3A_77 = arith.constant 0 : i32
    %sign3A_78 = arith.cmpi sgt, %jit3A_65, %sign3A_77 : i32
    %sign3A_79 = arith.extui %sign3A_78 : i1 to i32
    %sign3A_80 = arith.constant 0 : i32
    %sign3A_81 = arith.cmpi slt, %jit3A_65, %sign3A_80 : i32
    %sign3A_82 = arith.extui %sign3A_81 : i1 to i32
    %sign3A_83 = arith.subi %sign3A_79, %sign3A_82 : i32
    %ne3A_84 = vector.broadcast %sign3A_83 : i32 to vector<128x1xi32>
    %ne3A_85 = arith.cmpi ne, %sign3A_76, %ne3A_84 : vector<128x1xi32>
    %rem3A_86 = vector.broadcast %jit3A_65 : i32 to vector<128x1xi32>
    %rem3A_87 = arith.remsi %select_n3A_64, %rem3A_86 : vector<128x1xi32>
    %ne3A_88 = arith.constant 0 : i32
    %ne3A_89 = vector.broadcast %ne3A_88 : i32 to vector<128x1xi32>
    %ne3A_90 = arith.cmpi ne, %rem3A_87, %ne3A_89 : vector<128x1xi32>
    %and3A_91 = arith.andi %ne3A_85, %ne3A_90 : vector<128x1xi1>
    %sub3A_92 = arith.constant 1 : i32
    %sub3A_93 = vector.broadcast %sub3A_92 : i32 to vector<128x1xi32>
    %sub3A_94 = arith.subi %div3A_67, %sub3A_93 : vector<128x1xi32>
    %select_n3A_95 = arith.select %and3A_91, %sub3A_94, %div3A_67 : vector<128x1xi1>, vector<128x1xi32>
    %jit3A_96 = arith.constant 3 : i32
    %eq3A_97 = arith.constant 0 : i32
    %eq3A_98 = arith.cmpi eq, %jit3A_96, %eq3A_97 : i32
    %jit3A_99 = arith.constant 1 : i32
    %select_n3A_100 = arith.select %eq3A_98, %jit3A_99, %jit3A_96 : i32
    %rem3A_101 = vector.broadcast %select_n3A_100 : i32 to vector<128x1xi32>
    %rem3A_102 = arith.remsi %iota3A, %rem3A_101 : vector<128x1xi32>
    %ne3A_103 = arith.constant 0 : i32
    %ne3A_104 = vector.broadcast %ne3A_103 : i32 to vector<128x1xi32>
    %ne3A_105 = arith.cmpi ne, %rem3A_102, %ne3A_104 : vector<128x1xi32>
    %lt3A_106 = arith.constant 0 : i32
    %lt3A_107 = vector.broadcast %lt3A_106 : i32 to vector<128x1xi32>
    %lt3A_108 = arith.cmpi slt, %rem3A_102, %lt3A_107 : vector<128x1xi32>
    %lt3A_109 = arith.constant 0 : i32
    %lt3A_110 = arith.cmpi slt, %select_n3A_100, %lt3A_109 : i32
    %ne3A_111 = vector.broadcast %lt3A_110 : i1 to vector<128x1xi1>
    %ne3A_112 = vector.broadcast %ne3A_111 : vector<128x1xi1> to vector<128x1xi1>
    %ne3A_113 = arith.xori %lt3A_108, %ne3A_112 : vector<128x1xi1>
    %and3A_114 = arith.andi %ne3A_113, %ne3A_105 : vector<128x1xi1>
    %add3A_115 = vector.broadcast %select_n3A_100 : i32 to vector<128x1xi32>
    %add3A_116 = arith.addi %rem3A_102, %add3A_115 : vector<128x1xi32>
    %select_n3A_117 = arith.select %and3A_114, %add3A_116, %rem3A_102 : vector<128x1xi1>, vector<128x1xi32>
    %iota3A_118 = tpu.iota {dimensions = array<i32: 1>} : vector<128x6xi32>
    %eq3A_119 = vector.broadcast %select_n3A : vector<128x1xi32> to vector<128x6xi32>
    %eq3A_120 = arith.cmpi eq, %eq3A_119, %iota3A_118 : vector<128x6xi32>
    %convert_element_type3A = arith.extui %eq3A_120 : vector<128x6xi1> to vector<128x6xi32>
    %convert_element_type3A_121 = arith.sitofp %convert_element_type3A : vector<128x6xi32> to vector<128x6xf32>
    %iota3A_122 = tpu.iota {dimensions = array<i32: 1>} : vector<128x7xi32>
    %eq3A_123 = vector.broadcast %select_n3A_95 : vector<128x1xi32> to vector<128x7xi32>
    %eq3A_124 = arith.cmpi eq, %eq3A_123, %iota3A_122 : vector<128x7xi32>
    %convert_element_type3A_125 = arith.extui %eq3A_124 : vector<128x7xi1> to vector<128x7xi32>
    %convert_element_type3A_126 = arith.sitofp %convert_element_type3A_125 : vector<128x7xi32> to vector<128x7xf32>
    %iota3A_127 = tpu.iota {dimensions = array<i32: 1>} : vector<128x3xi32>
    %eq3A_128 = vector.broadcast %select_n3A_117 : vector<128x1xi32> to vector<128x3xi32>
    %eq3A_129 = arith.cmpi eq, %eq3A_128, %iota3A_127 : vector<128x3xi32>
    %convert_element_type3A_130 = arith.extui %eq3A_129 : vector<128x3xi1> to vector<128x3xi32>
    %convert_element_type3A_131 = arith.sitofp %convert_element_type3A_130 : vector<128x3xi32> to vector<128x3xf32>
    %get3A_132 = arith.constant 0 : index
    %get3A_133 = arith.constant 0 : index
    %get3A_134 = vector.load %arg1[%get3A_132, %get3A_133] : memref<6x128xf32, #tpu.memory_space<vmem>>, vector<6x128xf32>
    %dot_general3A = arith.constant dense<0.000000e+00> : vector<128x128xf32>
    %dot_general3A_135 = tpu.matmul %convert_element_type3A_121, %get3A_134, %dot_general3A {dimension_numbers = #tpu.dot_dimension_numbers<[1], [0], [0], [1], [0, 0, 1, 1], [], []>, transpose_lhs_hint = false} : vector<128x6xf32>, vector<6x128xf32>, vector<128x128xf32> -> vector<128x128xf32>
    %get3A_136 = arith.constant 0 : index
    %get3A_137 = arith.constant 0 : index
    %get3A_138 = vector.load %arg2[%get3A_136, %get3A_137] : memref<7x128xf32, #tpu.memory_space<vmem>>, vector<7x128xf32>
    %dot_general3A_139 = arith.constant dense<0.000000e+00> : vector<128x128xf32>
    %dot_general3A_140 = tpu.matmul %convert_element_type3A_126, %get3A_138, %dot_general3A_139 {dimension_numbers = #tpu.dot_dimension_numbers<[1], [0], [0], [1], [0, 0, 1, 1], [], []>, transpose_lhs_hint = false} : vector<128x7xf32>, vector<7x128xf32>, vector<128x128xf32> -> vector<128x128xf32>
    %add3A_141 = arith.addf %dot_general3A_135, %dot_general3A_140 : vector<128x128xf32>
    %get3A_142 = arith.constant 0 : index
    %get3A_143 = arith.constant 0 : index
    %get3A_144 = vector.load %arg3[%get3A_142, %get3A_143] : memref<3x128xf32, #tpu.memory_space<vmem>>, vector<3x128xf32>
    %dot_general3A_145 = arith.constant dense<0.000000e+00> : vector<128x128xf32>
    %dot_general3A_146 = tpu.matmul %convert_element_type3A_131, %get3A_144, %dot_general3A_145 {dimension_numbers = #tpu.dot_dimension_numbers<[1], [0], [0], [1], [0, 0, 1, 1], [], []>, transpose_lhs_hint = false} : vector<128x3xf32>, vector<3x128xf32>, vector<128x128xf32> -> vector<128x128xf32>
    %add3A_147 = arith.addf %add3A_141, %dot_general3A_146 : vector<128x128xf32>
    %swap3A_148 = arith.constant 0 : index
    %swap3A_149 = arith.constant 0 : index
    %swap3A_150 = vector.load %arg5[%swap3A_148, %swap3A_149] : memref<128x128xf32, #tpu.memory_space<vmem>>, vector<128x128xf32>
    tpu.vector_store %arg5[%swap3A_148, %swap3A_149], %add3A_147 {strides = array<i32>} : memref<128x128xf32, #tpu.memory_space<vmem>>, vector<128x128xf32>,
    return
  }
}

</mosaic_0001>

<sc_bundles>
// kernel: _run.4.cloned.1.call-start
scs
__scs_entry_jumppad:
0x0: {  	(pc) =	sbr.rel $0x88, $3  }
0x1: {  	(tag) =	ssettag $0x0;
	lr =	simm.s32 $0x1  }
0x2: {  	[smem:$0x3F9D] =	sst lr;
	_ =	strace $0xD0000000  }
0x3: {  	_ = 	snop  }
0x4: {  	_ = 	snop  }
0x5: {  	_ = 	snop  }
0x6: {  	_ = 	snop  }
0x7: {  	_ = 	snop  }
__scs_overlays_trampoline_lowered:
0x8: {  	[smem:$0x3FAC] =	sst s0  }
0x9: {  	[smem:$0x3FAD] =	sst s1  }
0xa: {  	[smem:$0x3FAE] =	sst s2  }
0xb: {  	[smem:$0x3FAF] =	sst s3  }
0xc: {  	[smem:$0x3FB0] =	sst s4  }
0xd: {  	[smem:$0x3FB1] =	sst s5  }
0xe: {  	[smem:$0x3FB2] =	sst s6  }
0xf: {  	[smem:$0x3FB3] =	sst s7  }
0x10: {  	[smem:$0x3FB4] =	sst s8  }
0x11: {  	[smem:$0x3FB5] =	sst s9;
	s0 =	simm.s32 @!p0 $0x0  }
0x12: {  	s1 =	sld [smem:$0x3F9B];
	s0 =	simm.s32 @p0 $0x1  }
0x13: {  	[smem:$0x3FB6] =	sst s0;
	s0 =	simm.s32 @!p1 $0x0  }
0x14: {  	s2 =	sld [smem:$0x3F9A];
	s0 =	simm.s32 @p1 $0x1  }
0x15: {  	[smem:$0x3FB7] =	sst s0;
	s0 =	simm.s32 @!p2 $0x0  }
0x16: {  	s3 =	sld [smem:$0x3FDB];
	s0 =	simm.s32 @p2 $0x1  }
0x17: {  	s4 =	simm.s32 $0x1BF5;
	[smem:$0x3FB9] =	sst s0  }
0x18: {  	s0 =	sld [smem:$0x3F9C];
	_ =	swait.ge [sflag:s4], $0x0  }
0x19: {  	s7 =	sld [smem:$0x3F9D]  }
0x1a: {  	s8 =	sadd.s32 $0xFFFFE003, lr  }
0x1b: {  	s9 =	sadd.s32 $0xFFFFFEF7, lr;
	s5 =	simm.s32 $0xFFFFFFFF;
	p2 =	slt.u32 s8, $0xFFFFF086  }
0x1c: {  	p1 =	slt.u32 s9, $0xF7A;
	s5 =	simm.s32 @!p2 $0x0  }
0x1d: {  	s5 =	simm.s32 @p1 $0x1;
	p0 =	seq.s32 s7, s2  }
0x1e: {  	s7 =	smul.u32 @!p0 $0xF7A, s2;
	p2 =	seq.s32 @!p0 s5, $0x0  }
0x1f: {  	s9 =	smul.u32 $0xF7A, s1;
	s8 =	simm.s32 @!p0 $0x1BF5;
	p2 =	por !p2, p0  }
0x20: {  	[sflag:s8] =	ssyncset.s32 @!p0 $0xFFFFF086;
	s6 =	sadd.s32 @!p0 s3, s7;
	s7 =	simm.s32 @!p0 $0x108  }
0x21: {  	s3 =	sadd.s32 s3, s9;
	s6 =	sadd.s32 @!p0 $0x88, s6;
	s7 =	simm.s32 @p2 $0x1082  }
0x22: {  	[simem:s7], [sflag:s8] =	dma.local @!p0 [hbm:s6], $0xF7A  }
0x23: {  	s9 =	sor.u32 $0xD0000000, s2;
	s6 =	simm.s32 $0x108;
	_ =	swait.ge @!p0 [sflag:s8], $0x0  }
0x24: {  	s3 =	sadd.s32 $0x88, s3;
	s6 =	simm.s32 @!p1 $0x1082;
	[sflag:s4] =	ssyncset.s32 $0xFFFFF086  }
0x25: {  	[simem:s6], [sflag:s4] =	dma.local [hbm:s3], $0xF7A  }
0x26: {  	[smem:$0x3F9D] =	sst s1;
	(tag) =	ssettag s2;
	_ =	strace s9  }
0x27: {  	s1 =	sld [smem:$0x3FAD]  }
0x28: {  	s2 =	sld [smem:$0x3FAE]  }
0x29: {  	s4 =	sld [smem:$0x3FB0]  }
0x2a: {  	p0 =	seq.s32 s5, $0x0;
	s5 =	sld [smem:$0x3FB1]  }
0x2b: {  	s6 =	sld [smem:$0x3FB2]  }
0x2c: {  	s7 =	sld [smem:$0x3FB3]  }
0x2d: {  	s3 =	simm.s32 $0x108;
	s8 =	sld [smem:$0x3FB4]  }
0x2e: {  	s3 =	simm.s32 @!p0 $0x1082;
	s9 =	sld [smem:$0x3FB5]  }
0x2f: {  	lr =	sadd.s32 s0, s3;
	s0 =	sld [smem:$0x3FAC]  }
0x30: {  	s3 =	sld [smem:$0x3FAF]  }
0x31: {  	[smem:$0x3FB8] =	sst s10  }
0x32: {  	s10 =	sld [smem:$0x3FB6];
	_ =	sdelay $0x3  }
0x33: {  	p0 =	seq.s32 s10, $0x1;
	s10 =	sld [smem:$0x3FB8];
	_ =	sdelay $0x3  }
0x34: {  	[smem:$0x3FB8] =	sst s10  }
0x35: {  	s10 =	sld [smem:$0x3FB7];
	_ =	sdelay $0x3  }
0x36: {  	p1 =	seq.s32 s10, $0x1;
	s10 =	sld [smem:$0x3FB8];
	_ =	sdelay $0x3  }
0x37: {  	[smem:$0x3FB8] =	sst s10  }
0x38: {  	s10 =	sld [smem:$0x3FB9]  }
0x39: {  	_ = 	snop;
	(pc) =	sbr.ind lr, $3  }
0x3a: {  	_ = 	snop  }
0x3b: {  	_ = 	snop  }
0x3c: {  	p2 =	seq.s32 s10, $0x1;
	s10 =	sld [smem:$0x3FB8]  }
0x3d: {  	_ =	shalt  }
0x3e: {  	_ =	shalt  }
0x3f: {  	_ =	shalt  }
0x40: {  	_ =	shalt  }
0x41: {  	_ =	shalt  }
0x42: {  	_ =	shalt  }
0x43: {  	_ =	shalt  }
0x44: {  	_ =	shalt  }
0x45: {  	_ =	shalt  }
0x46: {  	_ =	shalt  }
0x47: {  	_ =	shalt  }
0x48: {  	_ =	shalt  }
0x49: {  	_ =	shalt  }
0x4a: {  	_ =	shalt  }
0x4b: {  	_ =	shalt  }
0x4c: {  	_ =	shalt  }
0x4d: {  	_ =	shalt  }
0x4e: {  	_ =	shalt  }
0x4f: {  	_ =	shalt  }
0x50: {  	_ =	shalt  }
0x51: {  	_ =	shalt  }
0x52: {  	_ =	shalt  }
0x53: {  	_ =	shalt  }
0x54: {  	_ =	shalt  }
0x55: {  	_ =	shalt  }
0x56: {  	_ =	shalt  }
0x57: {  	_ =	shalt  }
0x58: {  	_ =	shalt  }
0x59: {  	_ =	shalt  }
0x5a: {  	_ =	shalt  }
0x5b: {  	_ =	shalt  }
0x5c: {  	_ =	shalt  }
0x5d: {  	_ =	shalt  }
0x5e: {  	_ =	shalt  }
0x5f: {  	_ =	shalt  }
0x60: {  	_ =	shalt  }
0x61: {  	_ =	shalt  }
0x62: {  	_ =	shalt  }
0x63: {  	_ =	shalt  }
0x64: {  	_ =	shalt  }
0x65: {  	_ =	shalt  }
0x66: {  	_ =	shalt  }
0x67: {  	_ =	shalt  }
0x68: {  	_ =	shalt  }
0x69: {  	_ =	shalt  }
0x6a: {  	_ =	shalt  }
0x6b: {  	_ =	shalt  }
0x6c: {  	_ =	shalt  }
0x6d: {  	_ =	shalt  }
0x6e: {  	_ =	shalt  }
0x6f: {  	_ =	shalt  }
0x70: {  	_ =	shalt  }
0x71: {  	_ =	shalt  }
0x72: {  	_ =	shalt  }
0x73: {  	_ =	shalt  }
0x74: {  	_ =	shalt  }
0x75: {  	_ =	shalt  }
0x76: {  	_ =	shalt  }
0x77: {  	_ =	shalt  }
0x78: {  	_ =	shalt  }
0x79: {  	_ =	shalt  }
0x7a: {  	_ =	shalt  }
0x7b: {  	_ =	shalt  }
0x7c: {  	_ =	shalt  }
0x7d: {  	_ =	shalt  }
0x7e: {  	_ =	shalt  }
0x7f: {  	_ =	shalt  }
0x80: {  	_ =	shalt  }
0x81: {  	_ =	shalt  }
0x82: {  	_ =	shalt  }
0x83: {  	_ =	shalt  }
0x84: {  	_ =	shalt  }
0x85: {  	_ =	shalt  }
0x86: {  	_ =	shalt  }
0x87: {  	_ =	shalt  }
.Lfunc_end0:
.L_simem_size_0:
called_computation_lowered:
.L_overlay_start_0:
0x88: {  	s2 =	sld [smem:$0x3FD9]  }
0x89: {  	s3 =	sld [smem:$0x3FFE];
	_ =	sdelay $0x1  }
0x8a: {  	s1 =	srdreg.scid  }
0x8b: {  	s0 =	sand.u32 $0x1, s1  }
0x8c: {  	s17 =	sshll.u32 s0, $0xA;
	s2 =	sadd.s32 s3, s2  }
0x8d: {  	s2 =	sadd.s32 s2, s17  }
0x8e: {  	[smem:$0x3FC4] =	sst s2  }
0x8f: {  	_ = 	snop  }
0x90: {  	s2 =	sld [smem:$0x3FD0];
	(tm) =	ssettm $0x1  }
0x91: {  	s18 =	sld [smem:$0x3FFB];
	_ =	sdelay $0x3  }
0x92: {  	_ =	strace s18  }
0x93: {  	s3 =	sld [smem:$0x3FFC];
	_ =	sdelay $0x3  }
0x94: {  	_ =	strace s3  }
0x95: {  	s3 =	sld [smem:$0x3FFD];
	_ =	sdelay $0x3  }
0x96: {  	_ =	strace s3  }
0x97: {  	_ =	strace $0x8FFFFFFF  }
0x98: {  	s19 =	sld [smem:$0x3FDB];
	_ =	sdelay $0x1  }
0x99: {  	s4 =	simm.s32 $_scs_section_size  }
0x9a: {  	s5 =	simm.s32 $_size__tile_overlayer_lowered;
	s6 =	simm.s32 $_tile_overlayer_lowered  }
0x9b: {  	s22 =	simm.s32 $0x1BFF;
	s21 =	sshll.u32 s6, $0x1;
	s3 =	sadd.s32 s4, s19  }
0x9c: {  	s7 =	simm.s32 $0x0;
	s20 =	sshll.u32 s5, $0x1;
	s5 =	sadd.s32 s21, s3  }
0x9d: {  	[timem:s7], [sflag:s22] =	dma.local [hbm:s5], s20  }
0x9e: {  	_ =	swait.ge [sflag:s22], s20  }
0x9f: {  	s4 =	ssub.s32 $0x0, s20;
	[sflag:s22] =	ssyncset.done $0x0  }
0xa0: {  	[sflag:s22] =	ssyncadd.s32 s4;
	_ =	sdelay $0x1  }
0xa1: {  	s23 =	simm.s32 $0x1B8B  }
0xa2: {  	_ =	swait.ge [sflag:s23], $0x1  }
0xa3: {  	[sflag:s23] =	ssyncset.done $0x0  }
0xa4: {  	s25 =	simm.s32 $0x1B8E;
	s24 =	sld [smem:$0x3FFE];
	[sflag:s23] =	ssyncadd.s32 $0xFFFFFFFF  }
0xa5: {  	s26 =	simm.s32 $execute0_lowered;
	[smem:$0x3FD2] =	sst s25  }
0xa6: {  	s5 =	sshll.u32 s26, $0x1;
	_ =	strace $0x80000046;
	[dreg:$0x1] =	wrdreg $0xFFFFFFFF  }
0xa7: {  	s28 =	simm.s32 $_size_execute0_lowered;
	s3 =	sadd.s32 s3, s5;
	[dreg:$0x0] =	wrdreg $0x0  }
0xa8: {  	s5 =	sshll.u32 s28, $0x1;
	[dreg:$0x2] =	wrdreg s3  }
0xa9: {  	[dreg:$0x3] =	wrdreg s5  }
0xaa: {  	[dreg:$0x4] =	wrdreg $0xC0  }
0xab: {  	_ =	task [dreg:s7], $0x5FFFF  }
0xac: {  	[dreg:$0x1] =	wrdreg $0xFFFFFFFF  }
0xad: {  	[dreg:$0x0] =	wrdreg $0x60  }
0xae: {  	[dreg:$0x2] =	wrdreg s24  }
0xaf: {  	[dreg:$0x3] =	wrdreg s2  }
0xb0: {  	[dreg:$0x4] =	wrdreg $0x9  }
0xb1: {  	_ =	task.clear_ibuf [dreg:s7], $0x5FFFF;
	_ =	strace $0x90000046  }
0xb2: {  	s29 =	simm.s32 $0x9;
	_ =	strace $0x80000048  }
0xb3: {  	_ =	swait.ge [sflag:s29], $0x1  }
0xb4: {  	[sflag:s29] =	ssyncadd.s32 $0xFFFFFFFF  }
0xb5: {  	_ =	strace $0x90000048  }
0xb6: {  	_ =	sfence  }
0xb7: {  	s30 =	sld [smem:$0x0];
	_ =	sdelay $0x2  }
0xb8: {  	s31 =	sshll.u32 s1, $0xD;
	s1 =	sshrl.u32 s1, $0x2  }
0xb9: {  	s3 =	sand.u32 $0x4000, s31;
	s1 =	sadd.s32 s1, s30  }
0xba: {  	s0 =	sor.u32 s3, s0;
	s1 =	sshll.u32 s1, $0x11  }
0xbb: {  	s0 =	sor.u32 s1, s0  }
0xbc: {  	s0 =	sadd.s32 $0x8F2B, s0  }
0xbd: {  	[sflag:s0] =	ssyncadd.remote.s32 $0x1  }
0xbe: {  	_ =	sfence.sel $0xFFFF  }
0xbf: {  	[dreg:$0x0] =	wrdreg $0xFFFFFFFF;
	(pc) =	sbr.abs _section_cstart, $3  }
0xc0: {  	[dreg:$0x1] =	wrdreg $0xFFFFFFFF  }
0xc1: {  	_ =	task.clear_ibuf [dreg:s7], $0x2FFFF;
	_ =	strace $0x9FFFFFFF  }
0xc2: {  	(tm) =	ssettm $0x7FFFFFFF  }
0xc3: {  	_ =	shalt  }
tec
execute0_lowered:
.L_overlay_start_1:
0x0: {  	(tag) =	ssettag $0x1  }
0x1: {  	s6 =	rddreg [dreg:$0x0];
	s1 =	srdreg.scid  }
0x2: {  	s0 =	stileid.u32;
	s2 =	rddreg [dreg:$0x1];
	s12 =	simm.s32 $0x400  }
0x3: {  	s13 =	simm.s32 $0x4000;
	s14 =	simm.s32 $0x6780;
	s15 =	simm.s32 $0x1  }
0x4: {  	s16 =	simm.s32 $0x12F80;
	s17 =	simm.s32 $0x0;
	s5 =	sand.u32 $0x1, s1  }
0x5: {  	s3 =	sshll.u32 s0, $0x1;
	s1 =	rddreg [dreg:$0x2];
	s4 =	sshrl.u32 s0, $0x2  }
0x6: {  	s7 =	sor.u32 s5, s3;
	s3 =	simm.s32 $0x0;
	s4 =	smul.u32 $0x13C00, s4  }
0x7: {  	s10 =	ssub.s32 $0x2, s5;
	s8 =	sshll.u32 s7, $0x7;
	s9 =	smul.u32 $0x138800, s7  }
0x8: {  	[smem:$0x7FF] =	sst s3;
	s11 =	sshrl.u32 s10, $0x1;
	s5 =	smul.u32 $0x2710, s7  }
0x9: {  	s8 =	sand.u32 $0x380, s8;
	_ =	strace $0x80000047;
	s30 =	ssub.s32 s10, s11  }
0xa: {  	s10 =	simm.s32 $0x2;
	s11 =	simm.s32 $0x80;
	s8 =	sor.u32 s4, s8  }
0xb: {  	s4 =	sadd.s32 $0x1000, s6;
	s29 =	sshrl.u32 s9, $0x3;
	s8 =	sshrl.u32 s8, $0x3  }
0xc: {  	s7 =	sadd.s32 $0x190, s5;
	s31 =	sadd.s32 s2, s29;
	s6 =	sadd.s32 s8, s6  }
0xd: {  	s9 =	smax.u32 s30, $0x1;
	s8 =	sadd.s32 $0x25800, s31;
	s6 =	sadd.s32 $0x1800, s6  }
.LBB2_1:
0xe: {  	[tilespmem:s3], [sflag:$0x2] =	stream.linear.gather [hbm4b:s4+s3], $0x4000, $0x38;
	[tilespmem:$0x1F780] =	vst v63  }
0xf: {  	_ =	swait.ge [sflag:s10], $0x4000  }
0x10: {  	[sflag:s10] =	ssyncset.done $0x0  }
0x11: {  	[sflag:s10] =	ssyncadd.s32 $0xFFFFC000  }
0x12: {  	[tilespmem:s13], [sflag:$0x2] =	stream.strided.gather [hbm4b:s6+s11], $0x2780, s12, s11, $0x38;
	[tilespmem:$0x1F780] =	vst v63  }
0x13: {  	_ =	swait.ge [sflag:s10], $0x2780  }
0x14: {  	[sflag:s10] =	ssyncset.done $0x0  }
0x15: {  	s18 =	simm.s32 $0x6B80;
	s19 =	simm.s32 $0x0;
	[sflag:s10] =	ssyncadd.s32 $0xFFFFD880  }
.LBB2_2:
0x16: {  	s20 =	sshra.s32 s19, $0x2  }
0x17: {  	v0 =	vld [tilespmem:s20+$0x4000];
	_ =	sdelay $0x4  }
0x18: {  	v0 =	vshll.u32 v0, $0x7  }
0x19: {  	(v2sf) =	vpush v0, $0x0;
	_ =	sdelay $0x7  }
0x1a: {  	(v2sf) =	vpush v0, $0x1;
	_ =	sdelay $0x6  }
0x1b: {  	s26 =	spop (v2sf)  }
0x1c: {  	v1 =	vld [tilespmem:s26+$0x0]  }
0x1d: {  	v2 =	vld [tilespmem:s26+$0x10]  }
0x1e: {  	v3 =	vld [tilespmem:s26+$0x20]  }
0x1f: {  	v4 =	vld [tilespmem:s26+$0x30]  }
0x20: {  	v5 =	vld [tilespmem:s26+$0x40]  }
0x21: {  	v6 =	vld [tilespmem:s26+$0x50]  }
0x22: {  	v7 =	vld [tilespmem:s26+$0x60]  }
0x23: {  	(v2sf) =	vpush v0, $0x2;
	s21 =	spop (v2sf);
	v8 =	vld [tilespmem:s26+$0x70]  }
0x24: {  	v9 =	vld [tilespmem:s21+$0x0]  }
0x25: {  	v10 =	vld [tilespmem:s21+$0x10]  }
0x26: {  	v11 =	vld [tilespmem:s21+$0x20]  }
0x27: {  	v12 =	vld [tilespmem:s21+$0x30]  }
0x28: {  	v13 =	vld [tilespmem:s21+$0x40]  }
0x29: {  	v14 =	vld [tilespmem:s21+$0x50]  }
0x2a: {  	v15 =	vld [tilespmem:s21+$0x60]  }
0x2b: {  	v16 =	vld [tilespmem:s21+$0x70];
	[tilespmem:s18+$0xFFFFFC00] =	vst v1  }
0x2c: {  	[tilespmem:s18+$0xFFFFFC10] =	vst v2  }
0x2d: {  	[tilespmem:s18+$0xFFFFFC20] =	vst v3  }
0x2e: {  	[tilespmem:s18+$0xFFFFFC30] =	vst v4  }
0x2f: {  	[tilespmem:s18+$0xFFFFFC40] =	vst v5  }
0x30: {  	[tilespmem:s18+$0xFFFFFC50] =	vst v6  }
0x31: {  	[tilespmem:s18+$0xFFFFFC60] =	vst v7  }
0x32: {  	[tilespmem:s18+$0xFFFFFC70] =	vst v8;
	s28 =	spop (v2sf);
	(v2sf) =	vpush v0, $0x3  }
0x33: {  	v1 =	vld [tilespmem:s28+$0x0]  }
0x34: {  	v2 =	vld [tilespmem:s28+$0x10]  }
0x35: {  	v3 =	vld [tilespmem:s28+$0x20]  }
0x36: {  	v4 =	vld [tilespmem:s28+$0x30]  }
0x37: {  	v5 =	vld [tilespmem:s28+$0x40]  }
0x38: {  	v6 =	vld [tilespmem:s28+$0x50]  }
0x39: {  	v7 =	vld [tilespmem:s28+$0x60]  }
0x3a: {  	v8 =	vld [tilespmem:s28+$0x70];
	[tilespmem:s18+$0xFFFFFC80] =	vst v9  }
0x3b: {  	[tilespmem:s18+$0xFFFFFC90] =	vst v10  }
0x3c: {  	[tilespmem:s18+$0xFFFFFCA0] =	vst v11  }
0x3d: {  	[tilespmem:s18+$0xFFFFFCB0] =	vst v12  }
0x3e: {  	[tilespmem:s18+$0xFFFFFCC0] =	vst v13  }
0x3f: {  	[tilespmem:s18+$0xFFFFFCD0] =	vst v14  }
0x40: {  	[tilespmem:s18+$0xFFFFFCE0] =	vst v15  }
0x41: {  	[tilespmem:s18+$0xFFFFFCF0] =	vst v16;
	s29 =	spop (v2sf);
	(v2sf) =	vpush v0, $0x4  }
0x42: {  	v9 =	vld [tilespmem:s29+$0x0]  }
0x43: {  	v10 =	vld [tilespmem:s29+$0x10]  }
0x44: {  	v11 =	vld [tilespmem:s29+$0x20]  }
0x45: {  	v12 =	vld [tilespmem:s29+$0x30]  }
0x46: {  	v13 =	vld [tilespmem:s29+$0x40]  }
0x47: {  	v14 =	vld [tilespmem:s29+$0x50]  }
0x48: {  	v15 =	vld [tilespmem:s29+$0x60]  }
0x49: {  	v16 =	vld [tilespmem:s29+$0x70];
	[tilespmem:s18+$0xFFFFFD00] =	vst v1  }
0x4a: {  	[tilespmem:s18+$0xFFFFFD10] =	vst v2  }
0x4b: {  	[tilespmem:s18+$0xFFFFFD20] =	vst v3  }
0x4c: {  	[tilespmem:s18+$0xFFFFFD30] =	vst v4  }
0x4d: {  	[tilespmem:s18+$0xFFFFFD40] =	vst v5  }
0x4e: {  	[tilespmem:s18+$0xFFFFFD50] =	vst v6  }
0x4f: {  	[tilespmem:s18+$0xFFFFFD60] =	vst v7  }
0x50: {  	[tilespmem:s18+$0xFFFFFD70] =	vst v8;
	s30 =	spop (v2sf);
	(v2sf) =	vpush v0, $0x5  }
0x51: {  	v1 =	vld [tilespmem:s30+$0x0]  }
0x52: {  	v2 =	vld [tilespmem:s30+$0x10]  }
0x53: {  	v3 =	vld [tilespmem:s30+$0x20]  }
0x54: {  	v4 =	vld [tilespmem:s30+$0x30]  }
0x55: {  	v5 =	vld [tilespmem:s30+$0x40]  }
0x56: {  	v6 =	vld [tilespmem:s30+$0x50]  }
0x57: {  	v7 =	vld [tilespmem:s30+$0x60]  }
0x58: {  	v8 =	vld [tilespmem:s30+$0x70];
	[tilespmem:s18+$0xFFFFFD80] =	vst v9  }
0x59: {  	[tilespmem:s18+$0xFFFFFD90] =	vst v10  }
0x5a: {  	[tilespmem:s18+$0xFFFFFDA0] =	vst v11  }
0x5b: {  	[tilespmem:s18+$0xFFFFFDB0] =	vst v12  }
0x5c: {  	[tilespmem:s18+$0xFFFFFDC0] =	vst v13  }
0x5d: {  	[tilespmem:s18+$0xFFFFFDD0] =	vst v14  }
0x5e: {  	[tilespmem:s18+$0xFFFFFDE0] =	vst v15  }
0x5f: {  	[tilespmem:s18+$0xFFFFFDF0] =	vst v16;
	s31 =	spop (v2sf);
	(v2sf) =	vpush v0, $0x6  }
0x60: {  	v9 =	vld [tilespmem:s31+$0x0]  }
0x61: {  	v10 =	vld [tilespmem:s31+$0x10]  }
0x62: {  	v11 =	vld [tilespmem:s31+$0x20]  }
0x63: {  	v12 =	vld [tilespmem:s31+$0x30]  }
0x64: {  	v13 =	vld [tilespmem:s31+$0x40]  }
0x65: {  	v14 =	vld [tilespmem:s31+$0x50]  }
0x66: {  	v15 =	vld [tilespmem:s31+$0x60]  }
0x67: {  	v16 =	vld [tilespmem:s31+$0x70];
	[tilespmem:s18+$0xFFFFFE00] =	vst v1  }
0x68: {  	[tilespmem:s18+$0xFFFFFE10] =	vst v2  }
0x69: {  	[tilespmem:s18+$0xFFFFFE20] =	vst v3  }
0x6a: {  	[tilespmem:s18+$0xFFFFFE30] =	vst v4  }
0x6b: {  	[tilespmem:s18+$0xFFFFFE40] =	vst v5  }
0x6c: {  	[tilespmem:s18+$0xFFFFFE50] =	vst v6  }
0x6d: {  	[tilespmem:s18+$0xFFFFFE60] =	vst v7  }
0x6e: {  	[tilespmem:s18+$0xFFFFFE70] =	vst v8;
	s21 =	spop (v2sf);
	(v2sf) =	vpush v0, $0x7  }
0x6f: {  	v1 =	vld [tilespmem:s21+$0x0]  }
0x70: {  	v2 =	vld [tilespmem:s21+$0x10]  }
0x71: {  	v3 =	vld [tilespmem:s21+$0x20]  }
0x72: {  	v4 =	vld [tilespmem:s21+$0x30]  }
0x73: {  	v5 =	vld [tilespmem:s21+$0x40]  }
0x74: {  	v6 =	vld [tilespmem:s21+$0x50]  }
0x75: {  	v7 =	vld [tilespmem:s21+$0x60]  }
0x76: {  	v8 =	vld [tilespmem:s21+$0x70];
	[tilespmem:s18+$0xFFFFFE80] =	vst v9  }
0x77: {  	[tilespmem:s18+$0xFFFFFE90] =	vst v10  }
0x78: {  	[tilespmem:s18+$0xFFFFFEA0] =	vst v11  }
0x79: {  	[tilespmem:s18+$0xFFFFFEB0] =	vst v12  }
0x7a: {  	[tilespmem:s18+$0xFFFFFEC0] =	vst v13  }
0x7b: {  	[tilespmem:s18+$0xFFFFFED0] =	vst v14  }
0x7c: {  	[tilespmem:s18+$0xFFFFFEE0] =	vst v15  }
0x7d: {  	[tilespmem:s18+$0xFFFFFEF0] =	vst v16;
	s22 =	spop (v2sf);
	(v2sf) =	vpush v0, $0x8  }
0x7e: {  	v9 =	vld [tilespmem:s22+$0x0]  }
0x7f: {  	v10 =	vld [tilespmem:s22+$0x10]  }
0x80: {  	v11 =	vld [tilespmem:s22+$0x20]  }
0x81: {  	v12 =	vld [tilespmem:s22+$0x30]  }
0x82: {  	v13 =	vld [tilespmem:s22+$0x40]  }
0x83: {  	v14 =	vld [tilespmem:s22+$0x50]  }
0x84: {  	v15 =	vld [tilespmem:s22+$0x60]  }
0x85: {  	v16 =	vld [tilespmem:s22+$0x70];
	[tilespmem:s18+$0xFFFFFF00] =	vst v1  }
0x86: {  	[tilespmem:s18+$0xFFFFFF10] =	vst v2  }
0x87: {  	[tilespmem:s18+$0xFFFFFF20] =	vst v3  }
0x88: {  	[tilespmem:s18+$0xFFFFFF30] =	vst v4  }
0x89: {  	[tilespmem:s18+$0xFFFFFF40] =	vst v5  }
0x8a: {  	[tilespmem:s18+$0xFFFFFF50] =	vst v6  }
0x8b: {  	[tilespmem:s18+$0xFFFFFF60] =	vst v7  }
0x8c: {  	[tilespmem:s18+$0xFFFFFF70] =	vst v8;
	s23 =	spop (v2sf);
	(v2sf) =	vpush v0, $0x9  }
0x8d: {  	v1 =	vld [tilespmem:s23+$0x0]  }
0x8e: {  	v2 =	vld [tilespmem:s23+$0x10]  }
0x8f: {  	v3 =	vld [tilespmem:s23+$0x20]  }
0x90: {  	v4 =	vld [tilespmem:s23+$0x30]  }
0x91: {  	v5 =	vld [tilespmem:s23+$0x40]  }
0x92: {  	v6 =	vld [tilespmem:s23+$0x50]  }
0x93: {  	v7 =	vld [tilespmem:s23+$0x60]  }
0x94: {  	v8 =	vld [tilespmem:s23+$0x70];
	[tilespmem:s18+$0xFFFFFF80] =	vst v9  }
0x95: {  	[tilespmem:s18+$0xFFFFFF90] =	vst v10  }
0x96: {  	[tilespmem:s18+$0xFFFFFFA0] =	vst v11  }
0x97: {  	[tilespmem:s18+$0xFFFFFFB0] =	vst v12  }
0x98: {  	[tilespmem:s18+$0xFFFFFFC0] =	vst v13  }
0x99: {  	[tilespmem:s18+$0xFFFFFFD0] =	vst v14  }
0x9a: {  	[tilespmem:s18+$0xFFFFFFE0] =	vst v15  }
0x9b: {  	[tilespmem:s18+$0xFFFFFFF0] =	vst v16;
	s24 =	spop (v2sf);
	(v2sf) =	vpush v0, $0xA  }
0x9c: {  	v9 =	vld [tilespmem:s24+$0x0]  }
0x9d: {  	v10 =	vld [tilespmem:s24+$0x10]  }
0x9e: {  	v11 =	vld [tilespmem:s24+$0x20]  }
0x9f: {  	v12 =	vld [tilespmem:s24+$0x30]  }
0xa0: {  	v13 =	vld [tilespmem:s24+$0x40]  }
0xa1: {  	v14 =	vld [tilespmem:s24+$0x50]  }
0xa2: {  	v15 =	vld [tilespmem:s24+$0x60]  }
0xa3: {  	v16 =	vld [tilespmem:s24+$0x70];
	[tilespmem:s18+$0x0] =	vst v1  }
0xa4: {  	[tilespmem:s18+$0x10] =	vst v2  }
0xa5: {  	[tilespmem:s18+$0x20] =	vst v3  }
0xa6: {  	[tilespmem:s18+$0x30] =	vst v4  }
0xa7: {  	[tilespmem:s18+$0x40] =	vst v5  }
0xa8: {  	[tilespmem:s18+$0x50] =	vst v6  }
0xa9: {  	[tilespmem:s18+$0x60] =	vst v7  }
0xaa: {  	[tilespmem:s18+$0x70] =	vst v8;
	s25 =	spop (v2sf);
	(v2sf) =	vpush v0, $0xB  }
0xab: {  	v1 =	vld [tilespmem:s25+$0x0]  }
0xac: {  	v2 =	vld [tilespmem:s25+$0x10]  }
0xad: {  	v3 =	vld [tilespmem:s25+$0x20]  }
0xae: {  	v4 =	vld [tilespmem:s25+$0x30]  }
0xaf: {  	v5 =	vld [tilespmem:s25+$0x40]  }
0xb0: {  	v6 =	vld [tilespmem:s25+$0x50]  }
0xb1: {  	v7 =	vld [tilespmem:s25+$0x60]  }
0xb2: {  	v8 =	vld [tilespmem:s25+$0x70];
	[tilespmem:s18+$0x80] =	vst v9  }
0xb3: {  	[tilespmem:s18+$0x90] =	vst v10  }
0xb4: {  	[tilespmem:s18+$0xA0] =	vst v11  }
0xb5: {  	[tilespmem:s18+$0xB0] =	vst v12  }
0xb6: {  	[tilespmem:s18+$0xC0] =	vst v13  }
0xb7: {  	[tilespmem:s18+$0xD0] =	vst v14  }
0xb8: {  	[tilespmem:s18+$0xE0] =	vst v15  }
0xb9: {  	[tilespmem:s18+$0xF0] =	vst v16;
	s26 =	spop (v2sf);
	(v2sf) =	vpush v0, $0xC  }
0xba: {  	v9 =	vld [tilespmem:s26+$0x0]  }
0xbb: {  	v10 =	vld [tilespmem:s26+$0x10]  }
0xbc: {  	v11 =	vld [tilespmem:s26+$0x20]  }
0xbd: {  	v12 =	vld [tilespmem:s26+$0x30]  }
0xbe: {  	v13 =	vld [tilespmem:s26+$0x40]  }
0xbf: {  	v14 =	vld [tilespmem:s26+$0x50]  }
0xc0: {  	v15 =	vld [tilespmem:s26+$0x60]  }
0xc1: {  	v16 =	vld [tilespmem:s26+$0x70];
	[tilespmem:s18+$0x100] =	vst v1  }
0xc2: {  	[tilespmem:s18+$0x110] =	vst v2  }
0xc3: {  	[tilespmem:s18+$0x120] =	vst v3  }
0xc4: {  	[tilespmem:s18+$0x130] =	vst v4  }
0xc5: {  	[tilespmem:s18+$0x140] =	vst v5  }
0xc6: {  	[tilespmem:s18+$0x150] =	vst v6  }
0xc7: {  	[tilespmem:s18+$0x160] =	vst v7  }
0xc8: {  	[tilespmem:s18+$0x170] =	vst v8;
	s28 =	spop (v2sf);
	(v2sf) =	vpush v0, $0xD  }
0xc9: {  	v1 =	vld [tilespmem:s28+$0x0]  }
0xca: {  	v2 =	vld [tilespmem:s28+$0x10]  }
0xcb: {  	v3 =	vld [tilespmem:s28+$0x20]  }
0xcc: {  	v4 =	vld [tilespmem:s28+$0x30]  }
0xcd: {  	v5 =	vld [tilespmem:s28+$0x40]  }
0xce: {  	v6 =	vld [tilespmem:s28+$0x50]  }
0xcf: {  	v7 =	vld [tilespmem:s28+$0x60]  }
0xd0: {  	v8 =	vld [tilespmem:s28+$0x70];
	[tilespmem:s18+$0x180] =	vst v9  }
0xd1: {  	[tilespmem:s18+$0x190] =	vst v10  }
0xd2: {  	[tilespmem:s18+$0x1A0] =	vst v11  }
0xd3: {  	[tilespmem:s18+$0x1B0] =	vst v12  }
0xd4: {  	[tilespmem:s18+$0x1C0] =	vst v13  }
0xd5: {  	[tilespmem:s18+$0x1D0] =	vst v14  }
0xd6: {  	[tilespmem:s18+$0x1E0] =	vst v15  }
0xd7: {  	[tilespmem:s18+$0x1F0] =	vst v16;
	s29 =	spop (v2sf);
	(v2sf) =	vpush v0, $0xE  }
0xd8: {  	v9 =	vld [tilespmem:s29+$0x0]  }
0xd9: {  	v10 =	vld [tilespmem:s29+$0x10]  }
0xda: {  	v11 =	vld [tilespmem:s29+$0x20]  }
0xdb: {  	v12 =	vld [tilespmem:s29+$0x30]  }
0xdc: {  	v13 =	vld [tilespmem:s29+$0x40]  }
0xdd: {  	v14 =	vld [tilespmem:s29+$0x50]  }
0xde: {  	v15 =	vld [tilespmem:s29+$0x60]  }
0xdf: {  	v16 =	vld [tilespmem:s29+$0x70];
	[tilespmem:s18+$0x200] =	vst v1  }
0xe0: {  	[tilespmem:s18+$0x210] =	vst v2  }
0xe1: {  	[tilespmem:s18+$0x220] =	vst v3  }
0xe2: {  	[tilespmem:s18+$0x230] =	vst v4  }
0xe3: {  	[tilespmem:s18+$0x240] =	vst v5  }
0xe4: {  	[tilespmem:s18+$0x250] =	vst v6  }
0xe5: {  	[tilespmem:s18+$0x260] =	vst v7  }
0xe6: {  	[tilespmem:s18+$0x270] =	vst v8;
	s30 =	spop (v2sf);
	(v2sf) =	vpush v0, $0xF  }
0xe7: {  	v63 =	vld [tilespmem:s30+$0x0]  }
0xe8: {  	v1 =	vld [tilespmem:s30+$0x10]  }
0xe9: {  	v2 =	vld [tilespmem:s30+$0x20]  }
0xea: {  	v3 =	vld [tilespmem:s30+$0x30]  }
0xeb: {  	v4 =	vld [tilespmem:s30+$0x40]  }
0xec: {  	v5 =	vld [tilespmem:s30+$0x50]  }
0xed: {  	v6 =	vld [tilespmem:s30+$0x60]  }
0xee: {  	v7 =	vld [tilespmem:s30+$0x70];
	[tilespmem:s18+$0x280] =	vst v9  }
0xef: {  	[tilespmem:s18+$0x290] =	vst v10  }
0xf0: {  	[tilespmem:s18+$0x2A0] =	vst v11  }
0xf1: {  	[tilespmem:s18+$0x2B0] =	vst v12  }
0xf2: {  	[tilespmem:s18+$0x2C0] =	vst v13  }
0xf3: {  	[tilespmem:s18+$0x2D0] =	vst v14  }
0xf4: {  	[tilespmem:s18+$0x2E0] =	vst v15  }
0xf5: {  	[tilespmem:s18+$0x2F0] =	vst v16;
	s31 =	spop (v2sf)  }
0xf6: {  	v8 =	vld [tilespmem:s31+$0x0]  }
0xf7: {  	v9 =	vld [tilespmem:s31+$0x10]  }
0xf8: {  	v10 =	vld [tilespmem:s31+$0x20]  }
0xf9: {  	v11 =	vld [tilespmem:s31+$0x30]  }
0xfa: {  	v12 =	vld [tilespmem:s31+$0x40]  }
0xfb: {  	v13 =	vld [tilespmem:s31+$0x50]  }
0xfc: {  	v14 =	vld [tilespmem:s31+$0x60]  }
0xfd: {  	v15 =	vld [tilespmem:s31+$0x70];
	[tilespmem:s18+$0x300] =	vst v63  }
0xfe: {  	[tilespmem:s18+$0x310] =	vst v1  }
0xff: {  	[tilespmem:s18+$0x320] =	vst v2  }
0x100: {  	[tilespmem:s18+$0x330] =	vst v3  }
0x101: {  	[tilespmem:s18+$0x340] =	vst v4  }
0x102: {  	[tilespmem:s18+$0x350] =	vst v5  }
0x103: {  	[tilespmem:s18+$0x360] =	vst v6  }
0x104: {  	[tilespmem:s18+$0x370] =	vst v7  }
0x105: {  	[tilespmem:s18+$0x380] =	vst v8  }
0x106: {  	[tilespmem:s18+$0x390] =	vst v9  }
0x107: {  	p0 =	sne.s32 s19, $0x600;
	[tilespmem:s18+$0x3A0] =	vst v10  }
.Ltmp0:
0x108: {  	[tilespmem:s18+$0x3B0] =	vst v11;
	(pc) =	sbr.rel @p0 .LBB2_2-.Ltmp0, $4  }
0x109: {  	[tilespmem:s18+$0x3C0] =	vst v12  }
0x10a: {  	[tilespmem:s18+$0x3D0] =	vst v13  }
0x10b: {  	[tilespmem:s18+$0x3E0] =	vst v14  }
0x10c: {  	s19 =	sadd.s32 $0x40, s19;
	[tilespmem:s18+$0x3F0] =	vst v15;
	s18 =	sadd.s32 $0x800, s18  }
0x10d: {  	s18 =	simm.s32 $0x0  }
0x10e: {  	s19 =	simm.s32 $0x4190;
	s20 =	simm.s32 $0x4320;
	s21 =	simm.s32 $0x0  }
.LBB2_4:
0x10f: {  	p0 =	seq.s32 s21, $0x0  }
0x110: {  	s22 =	smul.u32 $0x320, s21;
	s23 =	simm.s32 @!p0 $0x1  }
0x111: {  	_ =	swait.ge @!p0 [sflag:s23], $0xC800  }
0x112: {  	v0 =	vmov s19;
	s24 =	sadd.s32 s5, s22;
	[sflag:s23] =	ssyncset.done @!p0 $0x0  }
0x113: {  	s24 =	sshll.u32 s24, $0x4;
	[sflag:s23] =	ssyncadd.s32 @!p0 $0xFFFF3800  }
0x114: {  	s31 =	sadd.s32 s2, s24;
	s23 =	simm.s32 $0x13380;
	s24 =	simm.s32 $0x0  }
0x115: {  	[hbm4b:s31+s18] =	stream.linear.scatter [tilespmem:s14], [sflag:$0x1], $0xC800, $0x38;
	[tilespmem:$0x1F780] =	vst v63  }
.LBB2_5:
0x116: {  	s25 =	sshra.s32 s24, $0x2  }
0x117: {  	v1 =	vld.idx.msk [tilespmem:v0+s25+$0x0 ss:$0x1], $0xffff;
	_ =	sdelay $0x4  }
0x118: {  	v1 =	vshll.u32 v1, $0x7  }
0x119: {  	(v2sf) =	vpush v1, $0x0;
	_ =	sdelay $0x7  }
0x11a: {  	(v2sf) =	vpush v1, $0x1;
	_ =	sdelay $0x6  }
0x11b: {  	s31 =	spop (v2sf)  }
0x11c: {  	v2 =	vld [tilespmem:s31+$0x0]  }
0x11d: {  	v3 =	vld [tilespmem:s31+$0x10]  }
0x11e: {  	v4 =	vld [tilespmem:s31+$0x20]  }
0x11f: {  	v5 =	vld [tilespmem:s31+$0x30]  }
0x120: {  	v6 =	vld [tilespmem:s31+$0x40]  }
0x121: {  	v7 =	vld [tilespmem:s31+$0x50]  }
0x122: {  	v8 =	vld [tilespmem:s31+$0x60]  }
0x123: {  	(v2sf) =	vpush v1, $0x2;
	s26 =	spop (v2sf);
	v9 =	vld [tilespmem:s31+$0x70]  }
0x124: {  	v10 =	vld [tilespmem:s26+$0x0]  }
0x125: {  	v11 =	vld [tilespmem:s26+$0x10]  }
0x126: {  	v12 =	vld [tilespmem:s26+$0x20]  }
0x127: {  	v13 =	vld [tilespmem:s26+$0x30]  }
0x128: {  	v14 =	vld [tilespmem:s26+$0x40]  }
0x129: {  	v15 =	vld [tilespmem:s26+$0x50]  }
0x12a: {  	v16 =	vld [tilespmem:s26+$0x60]  }
0x12b: {  	v17 =	vld [tilespmem:s26+$0x70];
	[tilespmem:s23+$0xFFFFFC00] =	vst v2  }
0x12c: {  	[tilespmem:s23+$0xFFFFFC10] =	vst v3  }
0x12d: {  	[tilespmem:s23+$0xFFFFFC20] =	vst v4  }
0x12e: {  	[tilespmem:s23+$0xFFFFFC30] =	vst v5  }
0x12f: {  	[tilespmem:s23+$0xFFFFFC40] =	vst v6  }
0x130: {  	[tilespmem:s23+$0xFFFFFC50] =	vst v7  }
0x131: {  	[tilespmem:s23+$0xFFFFFC60] =	vst v8  }
0x132: {  	[tilespmem:s23+$0xFFFFFC70] =	vst v9;
	s28 =	spop (v2sf);
	(v2sf) =	vpush v1, $0x3  }
0x133: {  	v2 =	vld [tilespmem:s28+$0x0]  }
0x134: {  	v3 =	vld [tilespmem:s28+$0x10]  }
0x135: {  	v4 =	vld [tilespmem:s28+$0x20]  }
0x136: {  	v5 =	vld [tilespmem:s28+$0x30]  }
0x137: {  	v6 =	vld [tilespmem:s28+$0x40]  }
0x138: {  	v7 =	vld [tilespmem:s28+$0x50]  }
0x139: {  	v8 =	vld [tilespmem:s28+$0x60]  }
0x13a: {  	v9 =	vld [tilespmem:s28+$0x70];
	[tilespmem:s23+$0xFFFFFC80] =	vst v10  }
0x13b: {  	[tilespmem:s23+$0xFFFFFC90] =	vst v11  }
0x13c: {  	[tilespmem:s23+$0xFFFFFCA0] =	vst v12  }
0x13d: {  	[tilespmem:s23+$0xFFFFFCB0] =	vst v13  }
0x13e: {  	[tilespmem:s23+$0xFFFFFCC0] =	vst v14  }
0x13f: {  	[tilespmem:s23+$0xFFFFFCD0] =	vst v15  }
0x140: {  	[tilespmem:s23+$0xFFFFFCE0] =	vst v16  }
0x141: {  	[tilespmem:s23+$0xFFFFFCF0] =	vst v17;
	s29 =	spop (v2sf);
	(v2sf) =	vpush v1, $0x4  }
0x142: {  	v10 =	vld [tilespmem:s29+$0x0]  }
0x143: {  	v11 =	vld [tilespmem:s29+$0x10]  }
0x144: {  	v12 =	vld [tilespmem:s29+$0x20]  }
0x145: {  	v13 =	vld [tilespmem:s29+$0x30]  }
0x146: {  	v14 =	vld [tilespmem:s29+$0x40]  }
0x147: {  	v15 =	vld [tilespmem:s29+$0x50]  }
0x148: {  	v16 =	vld [tilespmem:s29+$0x60]  }
0x149: {  	v17 =	vld [tilespmem:s29+$0x70];
	[tilespmem:s23+$0xFFFFFD00] =	vst v2  }
0x14a: {  	[tilespmem:s23+$0xFFFFFD10] =	vst v3  }
0x14b: {  	[tilespmem:s23+$0xFFFFFD20] =	vst v4  }
0x14c: {  	[tilespmem:s23+$0xFFFFFD30] =	vst v5  }
0x14d: {  	[tilespmem:s23+$0xFFFFFD40] =	vst v6  }
0x14e: {  	[tilespmem:s23+$0xFFFFFD50] =	vst v7  }
0x14f: {  	[tilespmem:s23+$0xFFFFFD60] =	vst v8  }
0x150: {  	[tilespmem:s23+$0xFFFFFD70] =	vst v9;
	s30 =	spop (v2sf);
	(v2sf) =	vpush v1, $0x5  }
0x151: {  	v2 =	vld [tilespmem:s30+$0x0]  }
0x152: {  	v3 =	vld [tilespmem:s30+$0x10]  }
0x153: {  	v4 =	vld [tilespmem:s30+$0x20]  }
0x154: {  	v5 =	vld [tilespmem:s30+$0x30]  }
0x155: {  	v6 =	vld [tilespmem:s30+$0x40]  }
0x156: {  	v7 =	vld [tilespmem:s30+$0x50]  }
0x157: {  	v8 =	vld [tilespmem:s30+$0x60]  }
0x158: {  	v9 =	vld [tilespmem:s30+$0x70];
	[tilespmem:s23+$0xFFFFFD80] =	vst v10  }
0x159: {  	[tilespmem:s23+$0xFFFFFD90] =	vst v11  }
0x15a: {  	[tilespmem:s23+$0xFFFFFDA0] =	vst v12  }
0x15b: {  	[tilespmem:s23+$0xFFFFFDB0] =	vst v13  }
0x15c: {  	[tilespmem:s23+$0xFFFFFDC0] =	vst v14  }
0x15d: {  	[tilespmem:s23+$0xFFFFFDD0] =	vst v15  }
0x15e: {  	[tilespmem:s23+$0xFFFFFDE0] =	vst v16  }
0x15f: {  	[tilespmem:s23+$0xFFFFFDF0] =	vst v17;
	s31 =	spop (v2sf);
	(v2sf) =	vpush v1, $0x6  }
0x160: {  	v10 =	vld [tilespmem:s31+$0x0]  }
0x161: {  	v11 =	vld [tilespmem:s31+$0x10]  }
0x162: {  	v12 =	vld [tilespmem:s31+$0x20]  }
0x163: {  	v13 =	vld [tilespmem:s31+$0x30]  }
0x164: {  	v14 =	vld [tilespmem:s31+$0x40]  }
0x165: {  	v15 =	vld [tilespmem:s31+$0x50]  }
0x166: {  	v16 =	vld [tilespmem:s31+$0x60]  }
0x167: {  	v17 =	vld [tilespmem:s31+$0x70];
	[tilespmem:s23+$0xFFFFFE00] =	vst v2  }
0x168: {  	[tilespmem:s23+$0xFFFFFE10] =	vst v3  }
0x169: {  	[tilespmem:s23+$0xFFFFFE20] =	vst v4  }
0x16a: {  	[tilespmem:s23+$0xFFFFFE30] =	vst v5  }
0x16b: {  	[tilespmem:s23+$0xFFFFFE40] =	vst v6  }
0x16c: {  	[tilespmem:s23+$0xFFFFFE50] =	vst v7  }
0x16d: {  	[tilespmem:s23+$0xFFFFFE60] =	vst v8  }
0x16e: {  	[tilespmem:s23+$0xFFFFFE70] =	vst v9;
	s26 =	spop (v2sf);
	(v2sf) =	vpush v1, $0x7  }
0x16f: {  	v2 =	vld [tilespmem:s26+$0x0]  }
0x170: {  	v3 =	vld [tilespmem:s26+$0x10]  }
0x171: {  	v4 =	vld [tilespmem:s26+$0x20]  }
0x172: {  	v5 =	vld [tilespmem:s26+$0x30]  }
0x173: {  	v6 =	vld [tilespmem:s26+$0x40]  }
0x174: {  	v7 =	vld [tilespmem:s26+$0x50]  }
0x175: {  	v8 =	vld [tilespmem:s26+$0x60]  }
0x176: {  	v9 =	vld [tilespmem:s26+$0x70];
	[tilespmem:s23+$0xFFFFFE80] =	vst v10  }
0x177: {  	[tilespmem:s23+$0xFFFFFE90] =	vst v11  }
0x178: {  	[tilespmem:s23+$0xFFFFFEA0] =	vst v12  }
0x179: {  	[tilespmem:s23+$0xFFFFFEB0] =	vst v13  }
0x17a: {  	[tilespmem:s23+$0xFFFFFEC0] =	vst v14  }
0x17b: {  	[tilespmem:s23+$0xFFFFFED0] =	vst v15  }
0x17c: {  	[tilespmem:s23+$0xFFFFFEE0] =	vst v16  }
0x17d: {  	[tilespmem:s23+$0xFFFFFEF0] =	vst v17;
	s28 =	spop (v2sf);
	(v2sf) =	vpush v1, $0x8  }
0x17e: {  	v10 =	vld [tilespmem:s28+$0x0]  }
0x17f: {  	v11 =	vld [tilespmem:s28+$0x10]  }
0x180: {  	v12 =	vld [tilespmem:s28+$0x20]  }
0x181: {  	v13 =	vld [tilespmem:s28+$0x30]  }
0x182: {  	v14 =	vld [tilespmem:s28+$0x40]  }
0x183: {  	v15 =	vld [tilespmem:s28+$0x50]  }
0x184: {  	v16 =	vld [tilespmem:s28+$0x60]  }
0x185: {  	v17 =	vld [tilespmem:s28+$0x70];
	[tilespmem:s23+$0xFFFFFF00] =	vst v2  }
0x186: {  	[tilespmem:s23+$0xFFFFFF10] =	vst v3  }
0x187: {  	[tilespmem:s23+$0xFFFFFF20] =	vst v4  }
0x188: {  	[tilespmem:s23+$0xFFFFFF30] =	vst v5  }
0x189: {  	[tilespmem:s23+$0xFFFFFF40] =	vst v6  }
0x18a: {  	[tilespmem:s23+$0xFFFFFF50] =	vst v7  }
0x18b: {  	[tilespmem:s23+$0xFFFFFF60] =	vst v8  }
0x18c: {  	[tilespmem:s23+$0xFFFFFF70] =	vst v9;
	s29 =	spop (v2sf);
	(v2sf) =	vpush v1, $0x9  }
0x18d: {  	v2 =	vld [tilespmem:s29+$0x0]  }
0x18e: {  	v3 =	vld [tilespmem:s29+$0x10]  }
0x18f: {  	v4 =	vld [tilespmem:s29+$0x20]  }
0x190: {  	v5 =	vld [tilespmem:s29+$0x30]  }
0x191: {  	v6 =	vld [tilespmem:s29+$0x40]  }
0x192: {  	v7 =	vld [tilespmem:s29+$0x50]  }
0x193: {  	v8 =	vld [tilespmem:s29+$0x60]  }
0x194: {  	v9 =	vld [tilespmem:s29+$0x70];
	[tilespmem:s23+$0xFFFFFF80] =	vst v10  }
0x195: {  	[tilespmem:s23+$0xFFFFFF90] =	vst v11  }
0x196: {  	[tilespmem:s23+$0xFFFFFFA0] =	vst v12  }
0x197: {  	[tilespmem:s23+$0xFFFFFFB0] =	vst v13  }
0x198: {  	[tilespmem:s23+$0xFFFFFFC0] =	vst v14  }
0x199: {  	[tilespmem:s23+$0xFFFFFFD0] =	vst v15  }
0x19a: {  	[tilespmem:s23+$0xFFFFFFE0] =	vst v16  }
0x19b: {  	[tilespmem:s23+$0xFFFFFFF0] =	vst v17;
	s30 =	spop (v2sf);
	(v2sf) =	vpush v1, $0xA  }
0x19c: {  	v10 =	vld [tilespmem:s30+$0x0]  }
0x19d: {  	v11 =	vld [tilespmem:s30+$0x10]  }
0x19e: {  	v12 =	vld [tilespmem:s30+$0x20]  }
0x19f: {  	v13 =	vld [tilespmem:s30+$0x30]  }
0x1a0: {  	v14 =	vld [tilespmem:s30+$0x40]  }
0x1a1: {  	v15 =	vld [tilespmem:s30+$0x50]  }
0x1a2: {  	v16 =	vld [tilespmem:s30+$0x60]  }
0x1a3: {  	v17 =	vld [tilespmem:s30+$0x70];
	[tilespmem:s23+$0x0] =	vst v2  }
0x1a4: {  	[tilespmem:s23+$0x10] =	vst v3  }
0x1a5: {  	[tilespmem:s23+$0x20] =	vst v4  }
0x1a6: {  	[tilespmem:s23+$0x30] =	vst v5  }
0x1a7: {  	[tilespmem:s23+$0x40] =	vst v6  }
0x1a8: {  	[tilespmem:s23+$0x50] =	vst v7  }
0x1a9: {  	[tilespmem:s23+$0x60] =	vst v8  }
0x1aa: {  	[tilespmem:s23+$0x70] =	vst v9;
	s31 =	spop (v2sf);
	(v2sf) =	vpush v1, $0xB  }
0x1ab: {  	v2 =	vld [tilespmem:s31+$0x0]  }
0x1ac: {  	v3 =	vld [tilespmem:s31+$0x10]  }
0x1ad: {  	v4 =	vld [tilespmem:s31+$0x20]  }
0x1ae: {  	v5 =	vld [tilespmem:s31+$0x30]  }
0x1af: {  	v6 =	vld [tilespmem:s31+$0x40]  }
0x1b0: {  	v7 =	vld [tilespmem:s31+$0x50]  }
0x1b1: {  	v8 =	vld [tilespmem:s31+$0x60]  }
0x1b2: {  	v9 =	vld [tilespmem:s31+$0x70];
	[tilespmem:s23+$0x80] =	vst v10  }
0x1b3: {  	[tilespmem:s23+$0x90] =	vst v11  }
0x1b4: {  	[tilespmem:s23+$0xA0] =	vst v12  }
0x1b5: {  	[tilespmem:s23+$0xB0] =	vst v13  }
0x1b6: {  	[tilespmem:s23+$0xC0] =	vst v14  }
0x1b7: {  	[tilespmem:s23+$0xD0] =	vst v15  }
0x1b8: {  	[tilespmem:s23+$0xE0] =	vst v16  }
0x1b9: {  	[tilespmem:s23+$0xF0] =	vst v17;
	s26 =	spop (v2sf);
	(v2sf) =	vpush v1, $0xC  }
0x1ba: {  	v10 =	vld [tilespmem:s26+$0x0]  }
0x1bb: {  	v11 =	vld [tilespmem:s26+$0x10]  }
0x1bc: {  	v12 =	vld [tilespmem:s26+$0x20]  }
0x1bd: {  	v13 =	vld [tilespmem:s26+$0x30]  }
0x1be: {  	v14 =	vld [tilespmem:s26+$0x40]  }
0x1bf: {  	v15 =	vld [tilespmem:s26+$0x50]  }
0x1c0: {  	v16 =	vld [tilespmem:s26+$0x60]  }
0x1c1: {  	v17 =	vld [tilespmem:s26+$0x70];
	[tilespmem:s23+$0x100] =	vst v2  }
0x1c2: {  	[tilespmem:s23+$0x110] =	vst v3  }
0x1c3: {  	[tilespmem:s23+$0x120] =	vst v4  }
0x1c4: {  	[tilespmem:s23+$0x130] =	vst v5  }
0x1c5: {  	[tilespmem:s23+$0x140] =	vst v6  }
0x1c6: {  	[tilespmem:s23+$0x150] =	vst v7  }
0x1c7: {  	[tilespmem:s23+$0x160] =	vst v8  }
0x1c8: {  	[tilespmem:s23+$0x170] =	vst v9;
	s28 =	spop (v2sf);
	(v2sf) =	vpush v1, $0xD  }
0x1c9: {  	v2 =	vld [tilespmem:s28+$0x0]  }
0x1ca: {  	v3 =	vld [tilespmem:s28+$0x10]  }
0x1cb: {  	v4 =	vld [tilespmem:s28+$0x20]  }
0x1cc: {  	v5 =	vld [tilespmem:s28+$0x30]  }
0x1cd: {  	v6 =	vld [tilespmem:s28+$0x40]  }
0x1ce: {  	v7 =	vld [tilespmem:s28+$0x50]  }
0x1cf: {  	v8 =	vld [tilespmem:s28+$0x60]  }
0x1d0: {  	v9 =	vld [tilespmem:s28+$0x70];
	[tilespmem:s23+$0x180] =	vst v10  }
0x1d1: {  	[tilespmem:s23+$0x190] =	vst v11  }
0x1d2: {  	[tilespmem:s23+$0x1A0] =	vst v12  }
0x1d3: {  	[tilespmem:s23+$0x1B0] =	vst v13  }
0x1d4: {  	[tilespmem:s23+$0x1C0] =	vst v14  }
0x1d5: {  	[tilespmem:s23+$0x1D0] =	vst v15  }
0x1d6: {  	[tilespmem:s23+$0x1E0] =	vst v16  }
0x1d7: {  	[tilespmem:s23+$0x1F0] =	vst v17;
	s29 =	spop (v2sf);
	(v2sf) =	vpush v1, $0xE  }
0x1d8: {  	v10 =	vld [tilespmem:s29+$0x0]  }
0x1d9: {  	v11 =	vld [tilespmem:s29+$0x10]  }
0x1da: {  	v12 =	vld [tilespmem:s29+$0x20]  }
0x1db: {  	v13 =	vld [tilespmem:s29+$0x30]  }
0x1dc: {  	v14 =	vld [tilespmem:s29+$0x40]  }
0x1dd: {  	v15 =	vld [tilespmem:s29+$0x50]  }
0x1de: {  	v16 =	vld [tilespmem:s29+$0x60]  }
0x1df: {  	v17 =	vld [tilespmem:s29+$0x70];
	[tilespmem:s23+$0x200] =	vst v2  }
0x1e0: {  	[tilespmem:s23+$0x210] =	vst v3  }
0x1e1: {  	[tilespmem:s23+$0x220] =	vst v4  }
0x1e2: {  	[tilespmem:s23+$0x230] =	vst v5  }
0x1e3: {  	[tilespmem:s23+$0x240] =	vst v6  }
0x1e4: {  	[tilespmem:s23+$0x250] =	vst v7  }
0x1e5: {  	[tilespmem:s23+$0x260] =	vst v8  }
0x1e6: {  	[tilespmem:s23+$0x270] =	vst v9;
	s30 =	spop (v2sf);
	(v2sf) =	vpush v1, $0xF  }
0x1e7: {  	v1 =	vld [tilespmem:s30+$0x0]  }
0x1e8: {  	v2 =	vld [tilespmem:s30+$0x10]  }
0x1e9: {  	v3 =	vld [tilespmem:s30+$0x20]  }
0x1ea: {  	v4 =	vld [tilespmem:s30+$0x30]  }
0x1eb: {  	v5 =	vld [tilespmem:s30+$0x40]  }
0x1ec: {  	v6 =	vld [tilespmem:s30+$0x50]  }
0x1ed: {  	v7 =	vld [tilespmem:s30+$0x60]  }
0x1ee: {  	v8 =	vld [tilespmem:s30+$0x70];
	[tilespmem:s23+$0x280] =	vst v10  }
0x1ef: {  	[tilespmem:s23+$0x290] =	vst v11  }
0x1f0: {  	[tilespmem:s23+$0x2A0] =	vst v12  }
0x1f1: {  	[tilespmem:s23+$0x2B0] =	vst v13  }
0x1f2: {  	[tilespmem:s23+$0x2C0] =	vst v14  }
0x1f3: {  	[tilespmem:s23+$0x2D0] =	vst v15  }
0x1f4: {  	[tilespmem:s23+$0x2E0] =	vst v16  }
0x1f5: {  	[tilespmem:s23+$0x2F0] =	vst v17;
	s31 =	spop (v2sf)  }
0x1f6: {  	v9 =	vld [tilespmem:s31+$0x0]  }
0x1f7: {  	v10 =	vld [tilespmem:s31+$0x10]  }
0x1f8: {  	v11 =	vld [tilespmem:s31+$0x20]  }
0x1f9: {  	v12 =	vld [tilespmem:s31+$0x30]  }
0x1fa: {  	v13 =	vld [tilespmem:s31+$0x40]  }
0x1fb: {  	v14 =	vld [tilespmem:s31+$0x50]  }
0x1fc: {  	v15 =	vld [tilespmem:s31+$0x60]  }
0x1fd: {  	v16 =	vld [tilespmem:s31+$0x70];
	[tilespmem:s23+$0x300] =	vst v1  }
0x1fe: {  	[tilespmem:s23+$0x310] =	vst v2  }
0x1ff: {  	[tilespmem:s23+$0x320] =	vst v3  }
0x200: {  	[tilespmem:s23+$0x330] =	vst v4  }
0x201: {  	[tilespmem:s23+$0x340] =	vst v5  }
0x202: {  	[tilespmem:s23+$0x350] =	vst v6  }
0x203: {  	[tilespmem:s23+$0x360] =	vst v7  }
0x204: {  	[tilespmem:s23+$0x370] =	vst v8  }
0x205: {  	[tilespmem:s23+$0x380] =	vst v9  }
0x206: {  	[tilespmem:s23+$0x390] =	vst v10  }
0x207: {  	p0 =	sne.s32 s24, $0x600;
	[tilespmem:s23+$0x3A0] =	vst v11  }
.Ltmp1:
0x208: {  	[tilespmem:s23+$0x3B0] =	vst v12;
	(pc) =	sbr.rel @p0 .LBB2_5-.Ltmp1, $4  }
0x209: {  	[tilespmem:s23+$0x3C0] =	vst v13  }
0x20a: {  	[tilespmem:s23+$0x3D0] =	vst v14  }
0x20b: {  	[tilespmem:s23+$0x3E0] =	vst v15  }
0x20c: {  	s24 =	sadd.s32 $0x40, s24;
	[tilespmem:s23+$0x3F0] =	vst v16;
	s23 =	sadd.s32 $0x800, s23  }
0x20d: {  	s22 =	sadd.s32 s7, s22  }
0x20e: {  	_ =	swait.ge [sflag:s15], $0xC800;
	s22 =	sshll.u32 s22, $0x4  }
0x20f: {  	v0 =	vmov s20;
	[sflag:s15] =	ssyncset.done $0x0;
	s22 =	sand.u32 $0x1FFFFF00, s22  }
0x210: {  	[sflag:s15] =	ssyncadd.s32 $0xFFFF3800;
	s23 =	sadd.s32 s2, s22;
	s22 =	simm.s32 $0x0  }
0x211: {  	[hbm4b:s23+s22] =	stream.linear.scatter [tilespmem:s16], [sflag:$0x1], $0xC800, $0x38;
	[tilespmem:$0x1F780] =	vst v63  }
0x212: {  	s23 =	simm.s32 $0x6B80  }
.LBB2_7:
0x213: {  	s24 =	sshra.s32 s22, $0x2  }
0x214: {  	v1 =	vld.idx.msk [tilespmem:v0+s24+$0x0 ss:$0x1], $0xffff;
	_ =	sdelay $0x4  }
0x215: {  	v1 =	vshll.u32 v1, $0x7  }
0x216: {  	(v2sf) =	vpush v1, $0x0;
	_ =	sdelay $0x7  }
0x217: {  	(v2sf) =	vpush v1, $0x1;
	_ =	sdelay $0x6  }
0x218: {  	s29 =	spop (v2sf)  }
0x219: {  	v2 =	vld [tilespmem:s29+$0x0]  }
0x21a: {  	v3 =	vld [tilespmem:s29+$0x10]  }
0x21b: {  	v4 =	vld [tilespmem:s29+$0x20]  }
0x21c: {  	v5 =	vld [tilespmem:s29+$0x30]  }
0x21d: {  	v6 =	vld [tilespmem:s29+$0x40]  }
0x21e: {  	v7 =	vld [tilespmem:s29+$0x50]  }
0x21f: {  	v8 =	vld [tilespmem:s29+$0x60]  }
0x220: {  	(v2sf) =	vpush v1, $0x2;
	s25 =	spop (v2sf);
	v9 =	vld [tilespmem:s29+$0x70]  }
0x221: {  	v10 =	vld [tilespmem:s25+$0x0]  }
0x222: {  	v11 =	vld [tilespmem:s25+$0x10]  }
0x223: {  	v12 =	vld [tilespmem:s25+$0x20]  }
0x224: {  	v13 =	vld [tilespmem:s25+$0x30]  }
0x225: {  	v14 =	vld [tilespmem:s25+$0x40]  }
0x226: {  	v15 =	vld [tilespmem:s25+$0x50]  }
0x227: {  	v16 =	vld [tilespmem:s25+$0x60]  }
0x228: {  	v17 =	vld [tilespmem:s25+$0x70];
	[tilespmem:s23+$0xFFFFFC00] =	vst v2  }
0x229: {  	[tilespmem:s23+$0xFFFFFC10] =	vst v3  }
0x22a: {  	[tilespmem:s23+$0xFFFFFC20] =	vst v4  }
0x22b: {  	[tilespmem:s23+$0xFFFFFC30] =	vst v5  }
0x22c: {  	[tilespmem:s23+$0xFFFFFC40] =	vst v6  }
0x22d: {  	[tilespmem:s23+$0xFFFFFC50] =	vst v7  }
0x22e: {  	[tilespmem:s23+$0xFFFFFC60] =	vst v8  }
0x22f: {  	[tilespmem:s23+$0xFFFFFC70] =	vst v9;
	s30 =	spop (v2sf);
	(v2sf) =	vpush v1, $0x3  }
0x230: {  	v2 =	vld [tilespmem:s30+$0x0]  }
0x231: {  	v3 =	vld [tilespmem:s30+$0x10]  }
0x232: {  	v4 =	vld [tilespmem:s30+$0x20]  }
0x233: {  	v5 =	vld [tilespmem:s30+$0x30]  }
0x234: {  	v6 =	vld [tilespmem:s30+$0x40]  }
0x235: {  	v7 =	vld [tilespmem:s30+$0x50]  }
0x236: {  	v8 =	vld [tilespmem:s30+$0x60]  }
0x237: {  	v9 =	vld [tilespmem:s30+$0x70];
	[tilespmem:s23+$0xFFFFFC80] =	vst v10  }
0x238: {  	[tilespmem:s23+$0xFFFFFC90] =	vst v11  }
0x239: {  	[tilespmem:s23+$0xFFFFFCA0] =	vst v12  }
0x23a: {  	[tilespmem:s23+$0xFFFFFCB0] =	vst v13  }
0x23b: {  	[tilespmem:s23+$0xFFFFFCC0] =	vst v14  }
0x23c: {  	[tilespmem:s23+$0xFFFFFCD0] =	vst v15  }
0x23d: {  	[tilespmem:s23+$0xFFFFFCE0] =	vst v16  }
0x23e: {  	[tilespmem:s23+$0xFFFFFCF0] =	vst v17;
	s31 =	spop (v2sf);
	(v2sf) =	vpush v1, $0x4  }
0x23f: {  	v10 =	vld [tilespmem:s31+$0x0]  }
0x240: {  	v11 =	vld [tilespmem:s31+$0x10]  }
0x241: {  	v12 =	vld [tilespmem:s31+$0x20]  }
0x242: {  	v13 =	vld [tilespmem:s31+$0x30]  }
0x243: {  	v14 =	vld [tilespmem:s31+$0x40]  }
0x244: {  	v15 =	vld [tilespmem:s31+$0x50]  }
0x245: {  	v16 =	vld [tilespmem:s31+$0x60]  }
0x246: {  	v17 =	vld [tilespmem:s31+$0x70];
	[tilespmem:s23+$0xFFFFFD00] =	vst v2  }
0x247: {  	[tilespmem:s23+$0xFFFFFD10] =	vst v3  }
0x248: {  	[tilespmem:s23+$0xFFFFFD20] =	vst v4  }
0x249: {  	[tilespmem:s23+$0xFFFFFD30] =	vst v5  }
0x24a: {  	[tilespmem:s23+$0xFFFFFD40] =	vst v6  }
0x24b: {  	[tilespmem:s23+$0xFFFFFD50] =	vst v7  }
0x24c: {  	[tilespmem:s23+$0xFFFFFD60] =	vst v8  }
0x24d: {  	[tilespmem:s23+$0xFFFFFD70] =	vst v9;
	s25 =	spop (v2sf);
	(v2sf) =	vpush v1, $0x5  }
0x24e: {  	v2 =	vld [tilespmem:s25+$0x0]  }
0x24f: {  	v3 =	vld [tilespmem:s25+$0x10]  }
0x250: {  	v4 =	vld [tilespmem:s25+$0x20]  }
0x251: {  	v5 =	vld [tilespmem:s25+$0x30]  }
0x252: {  	v6 =	vld [tilespmem:s25+$0x40]  }
0x253: {  	v7 =	vld [tilespmem:s25+$0x50]  }
0x254: {  	v8 =	vld [tilespmem:s25+$0x60]  }
0x255: {  	v9 =	vld [tilespmem:s25+$0x70];
	[tilespmem:s23+$0xFFFFFD80] =	vst v10  }
0x256: {  	[tilespmem:s23+$0xFFFFFD90] =	vst v11  }
0x257: {  	[tilespmem:s23+$0xFFFFFDA0] =	vst v12  }
0x258: {  	[tilespmem:s23+$0xFFFFFDB0] =	vst v13  }
0x259: {  	[tilespmem:s23+$0xFFFFFDC0] =	vst v14  }
0x25a: {  	[tilespmem:s23+$0xFFFFFDD0] =	vst v15  }
0x25b: {  	[tilespmem:s23+$0xFFFFFDE0] =	vst v16  }
0x25c: {  	[tilespmem:s23+$0xFFFFFDF0] =	vst v17;
	s26 =	spop (v2sf);
	(v2sf) =	vpush v1, $0x6  }
0x25d: {  	v10 =	vld [tilespmem:s26+$0x0]  }
0x25e: {  	v11 =	vld [tilespmem:s26+$0x10]  }
0x25f: {  	v12 =	vld [tilespmem:s26+$0x20]  }
0x260: {  	v13 =	vld [tilespmem:s26+$0x30]  }
0x261: {  	v14 =	vld [tilespmem:s26+$0x40]  }
0x262: {  	v15 =	vld [tilespmem:s26+$0x50]  }
0x263: {  	v16 =	vld [tilespmem:s26+$0x60]  }
0x264: {  	v17 =	vld [tilespmem:s26+$0x70];
	[tilespmem:s23+$0xFFFFFE00] =	vst v2  }
0x265: {  	[tilespmem:s23+$0xFFFFFE10] =	vst v3  }
0x266: {  	[tilespmem:s23+$0xFFFFFE20] =	vst v4  }
0x267: {  	[tilespmem:s23+$0xFFFFFE30] =	vst v5  }
0x268: {  	[tilespmem:s23+$0xFFFFFE40] =	vst v6  }
0x269: {  	[tilespmem:s23+$0xFFFFFE50] =	vst v7  }
0x26a: {  	[tilespmem:s23+$0xFFFFFE60] =	vst v8  }
0x26b: {  	[tilespmem:s23+$0xFFFFFE70] =	vst v9;
	s28 =	spop (v2sf);
	(v2sf) =	vpush v1, $0x7  }
0x26c: {  	v2 =	vld [tilespmem:s28+$0x0]  }
0x26d: {  	v3 =	vld [tilespmem:s28+$0x10]  }
0x26e: {  	v4 =	vld [tilespmem:s28+$0x20]  }
0x26f: {  	v5 =	vld [tilespmem:s28+$0x30]  }
0x270: {  	v6 =	vld [tilespmem:s28+$0x40]  }
0x271: {  	v7 =	vld [tilespmem:s28+$0x50]  }
0x272: {  	v8 =	vld [tilespmem:s28+$0x60]  }
0x273: {  	v9 =	vld [tilespmem:s28+$0x70];
	[tilespmem:s23+$0xFFFFFE80] =	vst v10  }
0x274: {  	[tilespmem:s23+$0xFFFFFE90] =	vst v11  }
0x275: {  	[tilespmem:s23+$0xFFFFFEA0] =	vst v12  }
0x276: {  	[tilespmem:s23+$0xFFFFFEB0] =	vst v13  }
0x277: {  	[tilespmem:s23+$0xFFFFFEC0] =	vst v14  }
0x278: {  	[tilespmem:s23+$0xFFFFFED0] =	vst v15  }
0x279: {  	[tilespmem:s23+$0xFFFFFEE0] =	vst v16  }
0x27a: {  	[tilespmem:s23+$0xFFFFFEF0] =	vst v17;
	s29 =	spop (v2sf);
	(v2sf) =	vpush v1, $0x8  }
0x27b: {  	v10 =	vld [tilespmem:s29+$0x0]  }
0x27c: {  	v11 =	vld [tilespmem:s29+$0x10]  }
0x27d: {  	v12 =	vld [tilespmem:s29+$0x20]  }
0x27e: {  	v13 =	vld [tilespmem:s29+$0x30]  }
0x27f: {  	v14 =	vld [tilespmem:s29+$0x40]  }
0x280: {  	v15 =	vld [tilespmem:s29+$0x50]  }
0x281: {  	v16 =	vld [tilespmem:s29+$0x60]  }
0x282: {  	v17 =	vld [tilespmem:s29+$0x70];
	[tilespmem:s23+$0xFFFFFF00] =	vst v2  }
0x283: {  	[tilespmem:s23+$0xFFFFFF10] =	vst v3  }
0x284: {  	[tilespmem:s23+$0xFFFFFF20] =	vst v4  }
0x285: {  	[tilespmem:s23+$0xFFFFFF30] =	vst v5  }
0x286: {  	[tilespmem:s23+$0xFFFFFF40] =	vst v6  }
0x287: {  	[tilespmem:s23+$0xFFFFFF50] =	vst v7  }
0x288: {  	[tilespmem:s23+$0xFFFFFF60] =	vst v8  }
0x289: {  	[tilespmem:s23+$0xFFFFFF70] =	vst v9;
	s30 =	spop (v2sf);
	(v2sf) =	vpush v1, $0x9  }
0x28a: {  	v2 =	vld [tilespmem:s30+$0x0]  }
0x28b: {  	v3 =	vld [tilespmem:s30+$0x10]  }
0x28c: {  	v4 =	vld [tilespmem:s30+$0x20]  }
0x28d: {  	v5 =	vld [tilespmem:s30+$0x30]  }
0x28e: {  	v6 =	vld [tilespmem:s30+$0x40]  }
0x28f: {  	v7 =	vld [tilespmem:s30+$0x50]  }
0x290: {  	v8 =	vld [tilespmem:s30+$0x60]  }
0x291: {  	v9 =	vld [tilespmem:s30+$0x70];
	[tilespmem:s23+$0xFFFFFF80] =	vst v10  }
0x292: {  	[tilespmem:s23+$0xFFFFFF90] =	vst v11  }
0x293: {  	[tilespmem:s23+$0xFFFFFFA0] =	vst v12  }
0x294: {  	[tilespmem:s23+$0xFFFFFFB0] =	vst v13  }
0x295: {  	[tilespmem:s23+$0xFFFFFFC0] =	vst v14  }
0x296: {  	[tilespmem:s23+$0xFFFFFFD0] =	vst v15  }
0x297: {  	[tilespmem:s23+$0xFFFFFFE0] =	vst v16  }
0x298: {  	[tilespmem:s23+$0xFFFFFFF0] =	vst v17;
	s31 =	spop (v2sf);
	(v2sf) =	vpush v1, $0xA  }
0x299: {  	v10 =	vld [tilespmem:s31+$0x0]  }
0x29a: {  	v11 =	vld [tilespmem:s31+$0x10]  }
0x29b: {  	v12 =	vld [tilespmem:s31+$0x20]  }
0x29c: {  	v13 =	vld [tilespmem:s31+$0x30]  }
0x29d: {  	v14 =	vld [tilespmem:s31+$0x40]  }
0x29e: {  	v15 =	vld [tilespmem:s31+$0x50]  }
0x29f: {  	v16 =	vld [tilespmem:s31+$0x60]  }
0x2a0: {  	v17 =	vld [tilespmem:s31+$0x70];
	[tilespmem:s23+$0x0] =	vst v2  }
0x2a1: {  	[tilespmem:s23+$0x10] =	vst v3  }
0x2a2: {  	[tilespmem:s23+$0x20] =	vst v4  }
0x2a3: {  	[tilespmem:s23+$0x30] =	vst v5  }
0x2a4: {  	[tilespmem:s23+$0x40] =	vst v6  }
0x2a5: {  	[tilespmem:s23+$0x50] =	vst v7  }
0x2a6: {  	[tilespmem:s23+$0x60] =	vst v8  }
0x2a7: {  	[tilespmem:s23+$0x70] =	vst v9;
	s25 =	spop (v2sf);
	(v2sf) =	vpush v1, $0xB  }
0x2a8: {  	v2 =	vld [tilespmem:s25+$0x0]  }
0x2a9: {  	v3 =	vld [tilespmem:s25+$0x10]  }
0x2aa: {  	v4 =	vld [tilespmem:s25+$0x20]  }
0x2ab: {  	v5 =	vld [tilespmem:s25+$0x30]  }
0x2ac: {  	v6 =	vld [tilespmem:s25+$0x40]  }
0x2ad: {  	v7 =	vld [tilespmem:s25+$0x50]  }
0x2ae: {  	v8 =	vld [tilespmem:s25+$0x60]  }
0x2af: {  	v9 =	vld [tilespmem:s25+$0x70];
	[tilespmem:s23+$0x80] =	vst v10  }
0x2b0: {  	[tilespmem:s23+$0x90] =	vst v11  }
0x2b1: {  	[tilespmem:s23+$0xA0] =	vst v12  }
0x2b2: {  	[tilespmem:s23+$0xB0] =	vst v13  }
0x2b3: {  	[tilespmem:s23+$0xC0] =	vst v14  }
0x2b4: {  	[tilespmem:s23+$0xD0] =	vst v15  }
0x2b5: {  	[tilespmem:s23+$0xE0] =	vst v16  }
0x2b6: {  	[tilespmem:s23+$0xF0] =	vst v17;
	s26 =	spop (v2sf);
	(v2sf) =	vpush v1, $0xC  }
0x2b7: {  	v10 =	vld [tilespmem:s26+$0x0]  }
0x2b8: {  	v11 =	vld [tilespmem:s26+$0x10]  }
0x2b9: {  	v12 =	vld [tilespmem:s26+$0x20]  }
0x2ba: {  	v13 =	vld [tilespmem:s26+$0x30]  }
0x2bb: {  	v14 =	vld [tilespmem:s26+$0x40]  }
0x2bc: {  	v15 =	vld [tilespmem:s26+$0x50]  }
0x2bd: {  	v16 =	vld [tilespmem:s26+$0x60]  }
0x2be: {  	v17 =	vld [tilespmem:s26+$0x70];
	[tilespmem:s23+$0x100] =	vst v2  }
0x2bf: {  	[tilespmem:s23+$0x110] =	vst v3  }
0x2c0: {  	[tilespmem:s23+$0x120] =	vst v4  }
0x2c1: {  	[tilespmem:s23+$0x130] =	vst v5  }
0x2c2: {  	[tilespmem:s23+$0x140] =	vst v6  }
0x2c3: {  	[tilespmem:s23+$0x150] =	vst v7  }
0x2c4: {  	[tilespmem:s23+$0x160] =	vst v8  }
0x2c5: {  	[tilespmem:s23+$0x170] =	vst v9;
	s28 =	spop (v2sf);
	(v2sf) =	vpush v1, $0xD  }
0x2c6: {  	v2 =	vld [tilespmem:s28+$0x0]  }
0x2c7: {  	v3 =	vld [tilespmem:s28+$0x10]  }
0x2c8: {  	v4 =	vld [tilespmem:s28+$0x20]  }
0x2c9: {  	v5 =	vld [tilespmem:s28+$0x30]  }
0x2ca: {  	v6 =	vld [tilespmem:s28+$0x40]  }
0x2cb: {  	v7 =	vld [tilespmem:s28+$0x50]  }
0x2cc: {  	v8 =	vld [tilespmem:s28+$0x60]  }
0x2cd: {  	v9 =	vld [tilespmem:s28+$0x70];
	[tilespmem:s23+$0x180] =	vst v10  }
0x2ce: {  	[tilespmem:s23+$0x190] =	vst v11  }
0x2cf: {  	[tilespmem:s23+$0x1A0] =	vst v12  }
0x2d0: {  	[tilespmem:s23+$0x1B0] =	vst v13  }
0x2d1: {  	[tilespmem:s23+$0x1C0] =	vst v14  }
0x2d2: {  	[tilespmem:s23+$0x1D0] =	vst v15  }
0x2d3: {  	[tilespmem:s23+$0x1E0] =	vst v16  }
0x2d4: {  	[tilespmem:s23+$0x1F0] =	vst v17;
	s29 =	spop (v2sf);
	(v2sf) =	vpush v1, $0xE  }
0x2d5: {  	v10 =	vld [tilespmem:s29+$0x0]  }
0x2d6: {  	v11 =	vld [tilespmem:s29+$0x10]  }
0x2d7: {  	v12 =	vld [tilespmem:s29+$0x20]  }
0x2d8: {  	v13 =	vld [tilespmem:s29+$0x30]  }
0x2d9: {  	v14 =	vld [tilespmem:s29+$0x40]  }
0x2da: {  	v15 =	vld [tilespmem:s29+$0x50]  }
0x2db: {  	v16 =	vld [tilespmem:s29+$0x60]  }
0x2dc: {  	v17 =	vld [tilespmem:s29+$0x70];
	[tilespmem:s23+$0x200] =	vst v2  }
0x2dd: {  	[tilespmem:s23+$0x210] =	vst v3  }
0x2de: {  	[tilespmem:s23+$0x220] =	vst v4  }
0x2df: {  	[tilespmem:s23+$0x230] =	vst v5  }
0x2e0: {  	[tilespmem:s23+$0x240] =	vst v6  }
0x2e1: {  	[tilespmem:s23+$0x250] =	vst v7  }
0x2e2: {  	[tilespmem:s23+$0x260] =	vst v8  }
0x2e3: {  	[tilespmem:s23+$0x270] =	vst v9;
	s30 =	spop (v2sf);
	(v2sf) =	vpush v1, $0xF  }
0x2e4: {  	v1 =	vld [tilespmem:s30+$0x0]  }
0x2e5: {  	v2 =	vld [tilespmem:s30+$0x10]  }
0x2e6: {  	v3 =	vld [tilespmem:s30+$0x20]  }
0x2e7: {  	v4 =	vld [tilespmem:s30+$0x30]  }
0x2e8: {  	v5 =	vld [tilespmem:s30+$0x40]  }
0x2e9: {  	v6 =	vld [tilespmem:s30+$0x50]  }
0x2ea: {  	v7 =	vld [tilespmem:s30+$0x60]  }
0x2eb: {  	v8 =	vld [tilespmem:s30+$0x70];
	[tilespmem:s23+$0x280] =	vst v10  }
0x2ec: {  	[tilespmem:s23+$0x290] =	vst v11  }
0x2ed: {  	[tilespmem:s23+$0x2A0] =	vst v12  }
0x2ee: {  	[tilespmem:s23+$0x2B0] =	vst v13  }
0x2ef: {  	[tilespmem:s23+$0x2C0] =	vst v14  }
0x2f0: {  	[tilespmem:s23+$0x2D0] =	vst v15  }
0x2f1: {  	[tilespmem:s23+$0x2E0] =	vst v16  }
0x2f2: {  	[tilespmem:s23+$0x2F0] =	vst v17;
	s31 =	spop (v2sf)  }
0x2f3: {  	v9 =	vld [tilespmem:s31+$0x0]  }
0x2f4: {  	v10 =	vld [tilespmem:s31+$0x10]  }
0x2f5: {  	v11 =	vld [tilespmem:s31+$0x20]  }
0x2f6: {  	v12 =	vld [tilespmem:s31+$0x30]  }
0x2f7: {  	v13 =	vld [tilespmem:s31+$0x40]  }
0x2f8: {  	v14 =	vld [tilespmem:s31+$0x50]  }
0x2f9: {  	v15 =	vld [tilespmem:s31+$0x60]  }
0x2fa: {  	v16 =	vld [tilespmem:s31+$0x70];
	[tilespmem:s23+$0x300] =	vst v1  }
0x2fb: {  	[tilespmem:s23+$0x310] =	vst v2  }
0x2fc: {  	[tilespmem:s23+$0x320] =	vst v3  }
0x2fd: {  	[tilespmem:s23+$0x330] =	vst v4  }
0x2fe: {  	[tilespmem:s23+$0x340] =	vst v5  }
0x2ff: {  	[tilespmem:s23+$0x350] =	vst v6  }
0x300: {  	[tilespmem:s23+$0x360] =	vst v7  }
0x301: {  	[tilespmem:s23+$0x370] =	vst v8  }
0x302: {  	[tilespmem:s23+$0x380] =	vst v9  }
0x303: {  	[tilespmem:s23+$0x390] =	vst v10  }
0x304: {  	p0 =	sne.s32 s22, $0x600;
	[tilespmem:s23+$0x3A0] =	vst v11  }
.Ltmp2:
0x305: {  	[tilespmem:s23+$0x3B0] =	vst v12;
	(pc) =	sbr.rel @p0 .LBB2_7-.Ltmp2, $4  }
0x306: {  	[tilespmem:s23+$0x3C0] =	vst v13  }
0x307: {  	[tilespmem:s23+$0x3D0] =	vst v14  }
0x308: {  	[tilespmem:s23+$0x3E0] =	vst v15  }
0x309: {  	s22 =	sadd.s32 $0x40, s22;
	[tilespmem:s23+$0x3F0] =	vst v16;
	s23 =	sadd.s32 $0x800, s23  }
0x30a: {  	s21 =	sadd.s32 $0x1, s21  }
0x30b: {  	p0 =	sne.s32 s21, $0xC  }
.Ltmp3:
0x30c: {  	_ = 	snop;
	(pc) =	sbr.rel @p0 .LBB2_4-.Ltmp3, $2  }
0x30d: {  	_ =	sdelay $0x2  }
0x30e: {  	s19 =	sadd.s32 $0x320, s19;
	s20 =	sadd.s32 $0x320, s20  }
0x30f: {  	_ =	swait.ge [sflag:s15], $0xC800;
	s17 =	sadd.s32 $0x1, s17  }
0x310: {  	[sflag:s15] =	ssyncset.done $0x0;
	p0 =	sne.s32 s17, s9  }
.Ltmp4:
0x311: {  	[sflag:s15] =	ssyncadd.s32 $0xFFFF3800;
	(pc) =	sbr.rel @p0 .LBB2_1-.Ltmp4, $4  }
0x312: {  	[hbm4b:s8+s3] =	stream.linear.scatter [tilespmem:s14], [sflag:$0x1], $0xC800, $0x38;
	[tilespmem:$0x1F780] =	vst v63  }
0x313: {  	_ =	swait.ge [sflag:s15], $0xC800  }
0x314: {  	[sflag:s15] =	ssyncset.done $0x0  }
0x315: {  	[sflag:s15] =	ssyncadd.s32 $0xFFFF3800  }
0x316: {  	_ =	sfence.sel $0x180000  }
0x317: {  	[bflag:$0x0] =	sbarrier.arrive $0xFFFF  }
0x318: {  	p0 =	sne.s32 s0, $0x0;
	_ =	strace $0x90000047  }
0x319: {  	s0 =	sadd.s32 @!p0 $0x100000, s1;
	[bflag:$0x2] =	sbarrier.arrive $0xFFFF  }
0x31a: {  	[sflag:s0] =	ssyncadd.tile.s32 @!p0 $0x1;
	_ =	shalt  }
.Lfunc_end2:
_tile_overlayer_lowered:
.L_overlay_start_2:
0x31b: {  	(tag) =	ssettag $0x2  }
0x31c: {  	s0 =	rddreg [dreg:$0x0];
	s2 =	stileid.u32  }
0x31d: {  	s1 =	rddreg [dreg:$0x1];
	p0 =	sne.s32 s2, $0x0  }
0x31e: {  	s3 =	rddreg [dreg:$0x2];
	[bflag:$0x3] =	sbarrier.arrive $0xFFFF;
	s2 =	simm.s32 @!p0 $0x1C02  }
0x31f: {  	[timem:s3], [sflag:s2] =	dma.local @!p0 [hbm:s0], s1  }
0x320: {  	s0 =	simm.s32 @!p0 $0x2  }
0x321: {  	_ =	swait.ge @!p0 [sflag:s0], s1  }
0x322: {  	s1 =	ssub.s32 @!p0 $0x0, s1;
	[sflag:s0] =	ssyncset.done @!p0 $0x0  }
0x323: {  	[sflag:s0] =	ssyncadd.s32 @!p0 s1  }
0x324: {  	[bflag:$0x3] =	sbarrier.arrive $0xFFFF  }
0x325: {  	_ =	shalt  }

</sc_bundles>
